<compile_context>
chip_gen: v7x
topology: tpu7x:2x2x1
jax: 0.10.2.dev20260603
libtpu: 0.0.44.dev20260713+nightly
codegen_flags: <defaults>
</compile_context>

<pallas_src>
import functools

import jax
import jax.numpy as jnp
from jax import lax
from jax.experimental import pallas as pl
from jax.experimental.pallas import tpu as pltpu
from jax.experimental.pallas import tpu_sc as plsc

B, C, H, W = 4, 19, 512, 512
N = B * H * W
SUB, LN = 8, 2048
PB = SUB * LN
JB = (H * W) // PB
NT = 16
CHUNK = N // NT
LANES = 16
HIST = 2048
LEVELS = ((20, 11), (10, 10), (0, 10))
UNROLL = 8

OHEM_T = 0.7


HB = 64


def _stats_body(pred_ref, tgt_ref, p_ref, nll_ref):
    x = pred_ref[0]
    tgt = tgt_ref[0]
    cls = lax.broadcasted_iota(jnp.int32, (C, HB, W), 0)
    onehot = cls == tgt[None]
    x_t = jnp.sum(jnp.where(onehot, x, 0.0), axis=0)
    m = jnp.max(x, axis=0)
    s = jnp.sum(jnp.exp(x - m[None]), axis=0)
    p_ref[0] = jnp.exp(x_t - m) / s
    nll_ref[0] = (m + jnp.log(s)) - x_t


def _stats(predict, target):
    p, nll = pl.pallas_call(
        _stats_body,
        grid=(B, H // HB),
        in_specs=[
            pl.BlockSpec((1, C, HB, W), lambda b, h: (b, 0, h, 0)),
            pl.BlockSpec((1, HB, W), lambda b, h: (b, h, 0)),
        ],
        out_specs=[
            pl.BlockSpec((1, HB, W), lambda b, h: (b, h, 0)),
            pl.BlockSpec((1, HB, W), lambda b, h: (b, h, 0)),
        ],
        out_shape=[
            jax.ShapeDtypeStruct((B, H, W), jnp.float32),
            jax.ShapeDtypeStruct((B, H, W), jnp.float32),
        ],
    )(predict, target)
    return p.reshape(N), nll.reshape(N)


NBLK = 4
BLK = CHUNK // NBLK
KC = 4


@functools.cache
def _get_select_kernel():
    mesh = plsc.VectorSubcoreMesh(
        core_axis_name="c", subcore_axis_name="s", num_cores=1)
    return functools.partial(
        pl.kernel,
        mesh=mesh,
        out_type=[
            jax.ShapeDtypeStruct((NT, LANES), jnp.float32),
            jax.ShapeDtypeStruct((NT, LANES), jnp.float32),
        ],
        compiler_params=pltpu.CompilerParams(needs_layout_passes=False),
        scratch_types=[
            pltpu.VMEM((CHUNK,), jnp.float32),
            pltpu.VMEM((KC * HIST,), jnp.int32),
            pltpu.VMEM((NT, HIST), jnp.int32),
            pltpu.VMEM((LANES,), jnp.int32),
            pltpu.VMEM((LANES,), jnp.float32),
            pltpu.VMEM((BLK,), jnp.float32),
            pltpu.VMEM((LANES,), jnp.float32),
            pltpu.VMEM((LANES,), jnp.float32),
            pltpu.VMEM_SHARED((NT, HIST), jnp.int32),
        ],
    )(_select_body)


BITS_07 = 0x3F333333


def _select_body(p_hbm, nll_hbm, k_hbm, sum_hbm, cnt_hbm,
                 p_v, hist_v, mrg_v, k_v, thr_v, nll_v, sum_v, cnt_v, shared):
    sid = lax.axis_index("s")
    pltpu.sync_copy(p_hbm.at[pl.ds(sid * CHUNK, CHUNK)], p_v)
    pltpu.sync_copy(k_hbm, k_v)
    k0 = jnp.max(k_v[...])
    ones = jnp.ones((LANES,), jnp.int32)
    zeros = jnp.zeros((LANES,), jnp.int32)
    lane = lax.iota(jnp.int32, LANES)
    fzero = jnp.zeros((LANES,), jnp.float32)

    def masked_pass(thr):
        s_accs = [fzero] * UNROLL
        c_accs = [zeros] * UNROLL
        for blk in range(NBLK):
            pltpu.sync_copy(
                nll_hbm.at[pl.ds(sid * CHUNK + blk * BLK, BLK)], nll_v)

            def red_body(i, carry, blk=blk):
                ss, cs = carry
                ss, cs = list(ss), list(cs)
                for u_ in range(UNROLL):
                    off = (i * UNROLL + u_) * LANES
                    pv = p_v[pl.ds(blk * BLK + off, LANES)]
                    nv = nll_v[pl.ds(off, LANES)]
                    m = pv < thr
                    ss[u_] = ss[u_] + jnp.where(m, nv, 0.0)
                    cs[u_] = cs[u_] + jnp.where(m, ones, zeros)
                return (tuple(ss), tuple(cs))

            s_accs, c_accs = lax.fori_loop(
                0, BLK // (LANES * UNROLL), red_body,
                (tuple(s_accs), tuple(c_accs)))

        s_acc = functools.reduce(lambda a, b: a + b, s_accs)
        c_acc = functools.reduce(lambda a, b: a + b, c_accs)
        return s_acc, c_acc

    def run_level(level, shift, width, k_rem, pref):
        top = shift + width

        def zero_body(i, _):
            hist_v[pl.ds(i * LANES, LANES)] = zeros
            return 0

        lax.fori_loop(0, KC * HIST // LANES, zero_body, 0)

        def scan_body(i, _):
            for u_ in range(UNROLL):
                off = (i * UNROLL + u_) * LANES
                u = plsc.bitcast(p_v[pl.ds(off, LANES)], jnp.int32)
                idx = lax.shift_right_logical(u, shift) & ((1 << (top - shift)) - 1)
                idx = idx + (u_ % KC) * HIST
                if level == 0:
                    plsc.addupdate_scatter(hist_v, [idx], ones)
                else:
                    msk = lax.shift_right_logical(u, top) == pref
                    plsc.addupdate_scatter(hist_v, [idx], ones, mask=msk)
            return 0

        lax.fori_loop(0, CHUNK // (LANES * UNROLL), scan_body, 0)

        def fold_body(i, _):
            acc = hist_v[pl.ds(i * LANES, LANES)]
            for kc in range(1, KC):
                acc = acc + hist_v[pl.ds(kc * HIST + i * LANES, LANES)]
            hist_v[pl.ds(i * LANES, LANES)] = acc
            return 0

        lax.fori_loop(0, HIST // LANES, fold_body, 0)

        pltpu.sync_copy(hist_v.at[pl.ds(0, HIST)], shared.at[sid])
        plsc.subcore_barrier()
        pltpu.sync_copy(shared, mrg_v)
        plsc.subcore_barrier()

        def merge_body(i, _):
            acc = zeros
            for t in range(NT):
                acc = acc + mrg_v[t, pl.ds(i * LANES, LANES)]
            hist_v[pl.ds(i * LANES, LANES)] = acc
            return 0

        lax.fori_loop(0, HIST // LANES, merge_body, 0)

        def find_body(i, carry):
            total, b_sel, pre_sel = carry
            v = hist_v[pl.ds(i * LANES, LANES)]
            cum = plsc.cumsum(v)
            pre = (total + cum) - v
            hit = (pre <= k_rem) & (k_rem < pre + v)
            b_sel = jnp.maximum(b_sel, jnp.max(jnp.where(hit, lane + i * LANES, -1)))
            pre_sel = jnp.maximum(pre_sel, jnp.max(jnp.where(hit, pre, 0)))
            return (total + jnp.max(cum), b_sel, pre_sel)

        _, b_sel, pre_sel = lax.fori_loop(
            0, HIST // LANES, find_body,
            (jnp.int32(0), jnp.int32(-1), jnp.int32(0)))
        return b_sel, pre_sel

    thr07 = jnp.float32(OHEM_T)

    def cnt_body(i, carry):
        cs = list(carry)
        for u_ in range(UNROLL):
            off = (i * UNROLL + u_) * LANES
            pv = p_v[pl.ds(off, LANES)]
            cs[u_] = cs[u_] + jnp.where(pv < thr07, ones, zeros)
        return tuple(cs)

    c_accs = lax.fori_loop(0, CHUNK // (LANES * UNROLL), cnt_body,
                           (zeros,) * UNROLL)
    c07 = functools.reduce(lambda a, b: a + b, c_accs)

    hist_v[pl.ds(0, LANES)] = c07
    pltpu.sync_copy(hist_v.at[pl.ds(0, HIST)], shared.at[sid])
    plsc.subcore_barrier()
    pltpu.sync_copy(shared, mrg_v)
    plsc.subcore_barrier()
    tot = zeros
    for t in range(NT):
        tot = tot + mrg_v[t, pl.ds(0, LANES)]
    c07_global = jnp.max(plsc.cumsum(tot))
    need_exact = c07_global <= k0

    @pl.when(jnp.logical_not(need_exact))
    def _():
        thr_v[...] = jnp.full((LANES,), OHEM_T, jnp.float32)

    @pl.when(need_exact)
    def _():
        k_rem = k0
        pref = jnp.int32(0)
        for level, (shift, width) in enumerate(LEVELS):
            b_sel, pre_sel = run_level(level, shift, width, k_rem, pref)
            k_rem = k_rem - pre_sel
            pref = (pref << width) | b_sel
        thr_vec = plsc.bitcast(jnp.full((LANES,), pref, jnp.int32), jnp.float32)
        thr_v[...] = jnp.maximum(thr_vec, jnp.float32(OHEM_T))

    s_acc, c_acc = masked_pass(jnp.max(thr_v[...]))
    sum_v[...] = s_acc
    cnt_v[...] = c_acc.astype(jnp.float32)
    pltpu.sync_copy(sum_v, sum_hbm.at[sid])
    pltpu.sync_copy(cnt_v, cnt_hbm.at[sid])


def kernel(predict, target, min_kept):
    p, nll = _stats(predict, target)
    k = jnp.minimum(jnp.asarray(min_kept, jnp.int32), N - 1)
    s, c = _get_select_kernel()(p, nll, jnp.full((LANES,), k, jnp.int32))
    return jnp.sum(s) / jnp.sum(c)

# --- scband reference (transcript-rebuilt; emitter-appended) ---
"""Pipeline reference for scband-weighted-fsohem-celoss-6708738916951 (READ-ONLY COPY).

The authoritative reference and input builder live on the scoring server;
editing this copy changes nothing except your own understanding.
"""

import jax, jax.numpy as jnp
import numpy as np

OHEM_THRESH = 0.7
IGNORE_INDEX = -1


def setup_inputs(seed: int = 0) -> dict:
    key = jax.random.key(seed)
    k1, k2 = jax.random.split(key)
    predict = jax.random.normal(k1, (4, 19, 512, 512), dtype=jnp.float32)
    target = jax.random.randint(k2, (4, 512, 512), 0, 19, dtype=jnp.int32)
    return {"predict": predict, "target": target, "min_kept": 50000}


def reference(predict, target, min_kept=50000):
    ignore_index = IGNORE_INDEX
    # prob_out = softmax(predict, dim=1)
    prob_out = jax.nn.softmax(predict, axis=1)
    tmp_target = jnp.where(target == ignore_index, 0, target)
    # prob = prob_out.gather(1, tmp_target.unsqueeze(1))
    prob = jnp.take_along_axis(prob_out, tmp_target[:, None, :, :], axis=1)
    flat_prob = prob.reshape(-1)
    flat_target = target.reshape(-1)
    mask = flat_target != ignore_index
    keyed_prob = jnp.where(mask, flat_prob, jnp.inf)
    # sort_prob, sort_indices = masked_prob.sort()
    sort_indices = jnp.argsort(keyed_prob)
    sort_prob = keyed_prob[sort_indices]
    num_valid = jnp.sum(mask.astype(jnp.int32))
    k = jnp.minimum(min_kept, num_valid - 1)
    min_threshold = sort_prob[k]
    threshold = jnp.maximum(min_threshold, OHEM_THRESH)
    # per-pixel cross entropy (reduction='none', weight=None, ignore -> 0)
    logz = jax.scipy.special.logsumexp(predict, axis=1, keepdims=True)
    log_probs = predict - logz
    nll = -jnp.take_along_axis(log_probs, tmp_target[:, None, :, :], axis=1).reshape(-1)
    loss_matrix = jnp.where(flat_target == ignore_index, 0.0, nll)
    sort_loss_matrix = loss_matrix[sort_indices]
    # select = sort_loss_matrix[sort_prob < threshold]; return select.mean()
    sel = (sort_prob < threshold).astype(jnp.float32)
    return jnp.sum(sort_loss_matrix * sel) / jnp.sum(sel)

if __name__ == "__main__":
    import jax
    _d = setup_inputs()
    print(jax.jit(kernel)(*tuple(_d.values())))

</pallas_src>

<mosaic_0001>
#map = affine_map<(d0, d1) -> (0)>
#map1 = affine_map<(d0, d1) -> (0, 0)>
module attributes {stable_mosaic.version = 14 : i64} {
  func.func @_select_body(%arg0: i32, %arg1: i32, %arg2: memref<1048576xf32, #tpu.memory_space<hbm>>, %arg3: memref<1048576xf32, #tpu.memory_space<hbm>>, %arg4: memref<16xi32, #tpu.memory_space<hbm>>, %arg5: memref<16x16xf32, #tpu.memory_space<hbm>>, %arg6: memref<16x16xf32, #tpu.memory_space<hbm>>, %arg7: memref<65536xf32, #tpu.memory_space<vmem>>, %arg8: memref<8192xi32, #tpu.memory_space<vmem>>, %arg9: memref<16x2048xi32, #tpu.memory_space<vmem>>, %arg10: memref<16xi32, #tpu.memory_space<vmem>>, %arg11: memref<16xf32, #tpu.memory_space<vmem>>, %arg12: memref<16384xf32, #tpu.memory_space<vmem>>, %arg13: memref<16xf32, #tpu.memory_space<vmem>>, %arg14: memref<16xf32, #tpu.memory_space<vmem>>, %arg15: memref<16x2048xi32, #tpu.memory_space<vmem_shared>>) attributes {dimension_semantics = [#tpu.dimension_semantics<core_parallel>, #tpu.dimension_semantics<subcore_parallel>], iteration_bounds = array<i64: 1, 16>, scalar_prefetch = 0 : i64, scratch_operands = 9 : i64, tpu.core_type = #tpu.core_type<sc_vector_subcore>, window_params = [{transform_indices = #map}, {transform_indices = #map}, {transform_indices = #map}, {transform_indices = #map1}, {transform_indices = #map1}]} {
    %mul3A = arith.constant 65536 : i32
    %mul3A_0 = arith.muli %arg1, %mul3A : i32
    "tpu.region"() ({
      %run_scoped3A = tpu.sem_alloc : memref<!tpu.dma_semaphore, #tpu.memory_space<semaphore_mem>>
      %dma_start3A = tpu.memref_slice %arg2[%mul3A_0] : memref<1048576xf32, #tpu.memory_space<hbm>> -> memref<65536xf32, #tpu.memory_space<hbm>>
      %dma_start3A_188 = tpu.memref_slice %arg2[%mul3A_0] : memref<1048576xf32, #tpu.memory_space<hbm>> -> memref<65536xf32, #tpu.memory_space<hbm>>
      tpu.enqueue_dma source(%dma_start3A_188 : memref<65536xf32, #tpu.memory_space<hbm>>) target(%arg7 : memref<65536xf32, #tpu.memory_space<vmem>>) target_semaphore(%run_scoped3A : memref<!tpu.dma_semaphore, #tpu.memory_space<semaphore_mem>>)
      %dma_wait3A = tpu.memref_slice %arg2[%mul3A_0] : memref<1048576xf32, #tpu.memory_space<hbm>> -> memref<65536xf32, #tpu.memory_space<hbm>>
      %dma_wait3A_189 = tpu.memref_slice %arg2[%mul3A_0] : memref<1048576xf32, #tpu.memory_space<hbm>> -> memref<65536xf32, #tpu.memory_space<hbm>>
      tpu.wait_dma2 semaphore(%run_scoped3A : memref<!tpu.dma_semaphore, #tpu.memory_space<semaphore_mem>>) src(%dma_wait3A_189 : memref<65536xf32, #tpu.memory_space<hbm>>) dst(%arg7 : memref<65536xf32, #tpu.memory_space<vmem>>)
      tpu.yield
    }) : () -> ()
    "tpu.region"() ({
      %run_scoped3A = tpu.sem_alloc : memref<!tpu.dma_semaphore, #tpu.memory_space<semaphore_mem>>
      tpu.enqueue_dma source(%arg4 : memref<16xi32, #tpu.memory_space<hbm>>) target(%arg10 : memref<16xi32, #tpu.memory_space<vmem>>) target_semaphore(%run_scoped3A : memref<!tpu.dma_semaphore, #tpu.memory_space<semaphore_mem>>)
      tpu.wait_dma2 semaphore(%run_scoped3A : memref<!tpu.dma_semaphore, #tpu.memory_space<semaphore_mem>>) src(%arg4 : memref<16xi32, #tpu.memory_space<hbm>>) dst(%arg10 : memref<16xi32, #tpu.memory_space<vmem>>)
      tpu.yield
    }) : () -> ()
    %get3A = arith.constant 0 : index
    %get3A_1 = tpu.vector_load %arg10[%get3A] {strides = array<i32>} : memref<16xi32, #tpu.memory_space<vmem>>, vector<16xi32>,
    %reduce_max3A = arith.constant true
    %reduce_max3A_2 = vector.broadcast %reduce_max3A : i1 to vector<16xi1>
    %reduce_max3A_3 = arith.constant -2147483648 : i32
    %reduce_max3A_4 = vector.broadcast %reduce_max3A_3 : i32 to vector<16xi32>
    %reduce_max3A_5 = arith.xori %get3A_1, %reduce_max3A_4 : vector<16xi32>
    %reduce_max3A_6 = tpu.scan <max>, %reduce_max3A_5 masked %reduce_max3A_2 : vector<16xi32>, vector<16xi1> -> vector<16xi32>
    %reduce_max3A_7 = arith.xori %reduce_max3A_6, %reduce_max3A_4 : vector<16xi32>
    %reduce_max3A_8 = vector.extract %reduce_max3A_7[15] : i32 from vector<16xi32>
    %broadcast_in_dim3A = arith.constant 1 : i32
    %broadcast_in_dim3A_9 = vector.broadcast %broadcast_in_dim3A : i32 to vector<16xi32>
    %broadcast_in_dim3A_10 = arith.constant 0 : i32
    %broadcast_in_dim3A_11 = vector.broadcast %broadcast_in_dim3A_10 : i32 to vector<16xi32>
    %iota3A = tpu.iota {dimensions = array<i32: 0>} : vector<16xi32>
    %broadcast_in_dim3A_12 = arith.constant 0.000000e+00 : f32
    %broadcast_in_dim3A_13 = vector.broadcast %broadcast_in_dim3A_12 : f32 to vector<16xf32>
    %scan3A = arith.constant 0.699999988 : f32
    %scan3A_14 = arith.constant 0 : i32
    %scan3A_15 = arith.constant 512 : i32
    %scan3A_16 = arith.addi %scan3A_14, %scan3A_15 : i32
    %scan3A_17 = arith.constant 1 : i32
    %scan3A_18:8 = scf.for %scan3A_188 = %scan3A_14 to %scan3A_16 step %scan3A_17 iter_args(%scan3A_189 = %broadcast_in_dim3A_11, %scan3A_190 = %broadcast_in_dim3A_11, %scan3A_191 = %broadcast_in_dim3A_11, %scan3A_192 = %broadcast_in_dim3A_11, %scan3A_193 = %broadcast_in_dim3A_11, %scan3A_194 = %broadcast_in_dim3A_11, %scan3A_195 = %broadcast_in_dim3A_11, %scan3A_196 = %broadcast_in_dim3A_11) -> (vector<16xi32>, vector<16xi32>, vector<16xi32>, vector<16xi32>, vector<16xi32>, vector<16xi32>, vector<16xi32>, vector<16xi32>)  : i32 {
      %mul3A_197 = arith.constant 8 : i32
      %mul3A_198 = arith.muli %scan3A_188, %mul3A_197 : i32
      %add3A_199 = arith.constant 0 : i32
      %add3A_200 = arith.addi %mul3A_198, %add3A_199 : i32
      %mul3A_201 = arith.constant 16 : i32
      %mul3A_202 = arith.muli %add3A_200, %mul3A_201 : i32
      %get3A_203 = arith.index_cast %mul3A_202 : i32 to index
      %get3A_204 = tpu.vector_load %arg7[%get3A_203] {strides = array<i32>} : memref<65536xf32, #tpu.memory_space<vmem>>, vector<16xf32>,
      %lt3A = vector.broadcast %scan3A : f32 to vector<16xf32>
      %lt3A_205 = arith.cmpf olt, %get3A_204, %lt3A : vector<16xf32>
      %select_n3A = arith.select %lt3A_205, %broadcast_in_dim3A_9, %broadcast_in_dim3A_11 : vector<16xi1>, vector<16xi32>
      %add3A_206 = arith.addi %scan3A_189, %select_n3A : vector<16xi32>
      %mul3A_207 = arith.constant 8 : i32
      %mul3A_208 = arith.muli %scan3A_188, %mul3A_207 : i32
      %add3A_209 = arith.constant 1 : i32
      %add3A_210 = arith.addi %mul3A_208, %add3A_209 : i32
      %mul3A_211 = arith.constant 16 : i32
      %mul3A_212 = arith.muli %add3A_210, %mul3A_211 : i32
      %get3A_213 = arith.index_cast %mul3A_212 : i32 to index
      %get3A_214 = tpu.vector_load %arg7[%get3A_213] {strides = array<i32>} : memref<65536xf32, #tpu.memory_space<vmem>>, vector<16xf32>,
      %lt3A_215 = vector.broadcast %scan3A : f32 to vector<16xf32>
      %lt3A_216 = arith.cmpf olt, %get3A_214, %lt3A_215 : vector<16xf32>
      %select_n3A_217 = arith.select %lt3A_216, %broadcast_in_dim3A_9, %broadcast_in_dim3A_11 : vector<16xi1>, vector<16xi32>
      %add3A_218 = arith.addi %scan3A_190, %select_n3A_217 : vector<16xi32>
      %mul3A_219 = arith.constant 8 : i32
      %mul3A_220 = arith.muli %scan3A_188, %mul3A_219 : i32
      %add3A_221 = arith.constant 2 : i32
      %add3A_222 = arith.addi %mul3A_220, %add3A_221 : i32
      %mul3A_223 = arith.constant 16 : i32
      %mul3A_224 = arith.muli %add3A_222, %mul3A_223 : i32
      %get3A_225 = arith.index_cast %mul3A_224 : i32 to index
      %get3A_226 = tpu.vector_load %arg7[%get3A_225] {strides = array<i32>} : memref<65536xf32, #tpu.memory_space<vmem>>, vector<16xf32>,
      %lt3A_227 = vector.broadcast %scan3A : f32 to vector<16xf32>
      %lt3A_228 = arith.cmpf olt, %get3A_226, %lt3A_227 : vector<16xf32>
      %select_n3A_229 = arith.select %lt3A_228, %broadcast_in_dim3A_9, %broadcast_in_dim3A_11 : vector<16xi1>, vector<16xi32>
      %add3A_230 = arith.addi %scan3A_191, %select_n3A_229 : vector<16xi32>
      %mul3A_231 = arith.constant 8 : i32
      %mul3A_232 = arith.muli %scan3A_188, %mul3A_231 : i32
      %add3A_233 = arith.constant 3 : i32
      %add3A_234 = arith.addi %mul3A_232, %add3A_233 : i32
      %mul3A_235 = arith.constant 16 : i32
      %mul3A_236 = arith.muli %add3A_234, %mul3A_235 : i32
      %get3A_237 = arith.index_cast %mul3A_236 : i32 to index
      %get3A_238 = tpu.vector_load %arg7[%get3A_237] {strides = array<i32>} : memref<65536xf32, #tpu.memory_space<vmem>>, vector<16xf32>,
      %lt3A_239 = vector.broadcast %scan3A : f32 to vector<16xf32>
      %lt3A_240 = arith.cmpf olt, %get3A_238, %lt3A_239 : vector<16xf32>
      %select_n3A_241 = arith.select %lt3A_240, %broadcast_in_dim3A_9, %broadcast_in_dim3A_11 : vector<16xi1>, vector<16xi32>
      %add3A_242 = arith.addi %scan3A_192, %select_n3A_241 : vector<16xi32>
      %mul3A_243 = arith.constant 8 : i32
      %mul3A_244 = arith.muli %scan3A_188, %mul3A_243 : i32
      %add3A_245 = arith.constant 4 : i32
      %add3A_246 = arith.addi %mul3A_244, %add3A_245 : i32
      %mul3A_247 = arith.constant 16 : i32
      %mul3A_248 = arith.muli %add3A_246, %mul3A_247 : i32
      %get3A_249 = arith.index_cast %mul3A_248 : i32 to index
      %get3A_250 = tpu.vector_load %arg7[%get3A_249] {strides = array<i32>} : memref<65536xf32, #tpu.memory_space<vmem>>, vector<16xf32>,
      %lt3A_251 = vector.broadcast %scan3A : f32 to vector<16xf32>
      %lt3A_252 = arith.cmpf olt, %get3A_250, %lt3A_251 : vector<16xf32>
      %select_n3A_253 = arith.select %lt3A_252, %broadcast_in_dim3A_9, %broadcast_in_dim3A_11 : vector<16xi1>, vector<16xi32>
      %add3A_254 = arith.addi %scan3A_193, %select_n3A_253 : vector<16xi32>
      %mul3A_255 = arith.constant 8 : i32
      %mul3A_256 = arith.muli %scan3A_188, %mul3A_255 : i32
      %add3A_257 = arith.constant 5 : i32
      %add3A_258 = arith.addi %mul3A_256, %add3A_257 : i32
      %mul3A_259 = arith.constant 16 : i32
      %mul3A_260 = arith.muli %add3A_258, %mul3A_259 : i32
      %get3A_261 = arith.index_cast %mul3A_260 : i32 to index
      %get3A_262 = tpu.vector_load %arg7[%get3A_261] {strides = array<i32>} : memref<65536xf32, #tpu.memory_space<vmem>>, vector<16xf32>,
      %lt3A_263 = vector.broadcast %scan3A : f32 to vector<16xf32>
      %lt3A_264 = arith.cmpf olt, %get3A_262, %lt3A_263 : vector<16xf32>
      %select_n3A_265 = arith.select %lt3A_264, %broadcast_in_dim3A_9, %broadcast_in_dim3A_11 : vector<16xi1>, vector<16xi32>
      %add3A_266 = arith.addi %scan3A_194, %select_n3A_265 : vector<16xi32>
      %mul3A_267 = arith.constant 8 : i32
      %mul3A_268 = arith.muli %scan3A_188, %mul3A_267 : i32
      %add3A_269 = arith.constant 6 : i32
      %add3A_270 = arith.addi %mul3A_268, %add3A_269 : i32
      %mul3A_271 = arith.constant 16 : i32
      %mul3A_272 = arith.muli %add3A_270, %mul3A_271 : i32
      %get3A_273 = arith.index_cast %mul3A_272 : i32 to index
      %get3A_274 = tpu.vector_load %arg7[%get3A_273] {strides = array<i32>} : memref<65536xf32, #tpu.memory_space<vmem>>, vector<16xf32>,
      %lt3A_275 = vector.broadcast %scan3A : f32 to vector<16xf32>
      %lt3A_276 = arith.cmpf olt, %get3A_274, %lt3A_275 : vector<16xf32>
      %select_n3A_277 = arith.select %lt3A_276, %broadcast_in_dim3A_9, %broadcast_in_dim3A_11 : vector<16xi1>, vector<16xi32>
      %add3A_278 = arith.addi %scan3A_195, %select_n3A_277 : vector<16xi32>
      %mul3A_279 = arith.constant 8 : i32
      %mul3A_280 = arith.muli %scan3A_188, %mul3A_279 : i32
      %add3A_281 = arith.constant 7 : i32
      %add3A_282 = arith.addi %mul3A_280, %add3A_281 : i32
      %mul3A_283 = arith.constant 16 : i32
      %mul3A_284 = arith.muli %add3A_282, %mul3A_283 : i32
      %get3A_285 = arith.index_cast %mul3A_284 : i32 to index
      %get3A_286 = tpu.vector_load %arg7[%get3A_285] {strides = array<i32>} : memref<65536xf32, #tpu.memory_space<vmem>>, vector<16xf32>,
      %lt3A_287 = vector.broadcast %scan3A : f32 to vector<16xf32>
      %lt3A_288 = arith.cmpf olt, %get3A_286, %lt3A_287 : vector<16xf32>
      %select_n3A_289 = arith.select %lt3A_288, %broadcast_in_dim3A_9, %broadcast_in_dim3A_11 : vector<16xi1>, vector<16xi32>
      %add3A_290 = arith.addi %scan3A_196, %select_n3A_289 : vector<16xi32>
      scf.yield %add3A_206, %add3A_218, %add3A_230, %add3A_242, %add3A_254, %add3A_266, %add3A_278, %add3A_290 : vector<16xi32>, vector<16xi32>, vector<16xi32>, vector<16xi32>, vector<16xi32>, vector<16xi32>, vector<16xi32>, vector<16xi32>
    }
    %scan3A_19 = arith.constant 512 : i32
    %add3A = arith.addi %scan3A_18#0, %scan3A_18#1 : vector<16xi32>
    %add3A_20 = arith.addi %add3A, %scan3A_18#2 : vector<16xi32>
    %add3A_21 = arith.addi %add3A_20, %scan3A_18#3 : vector<16xi32>
    %add3A_22 = arith.addi %add3A_21, %scan3A_18#4 : vector<16xi32>
    %add3A_23 = arith.addi %add3A_22, %scan3A_18#5 : vector<16xi32>
    %add3A_24 = arith.addi %add3A_23, %scan3A_18#6 : vector<16xi32>
    %add3A_25 = arith.addi %add3A_24, %scan3A_18#7 : vector<16xi32>
    %swap3A = arith.constant 0 : index
    %swap3A_26 = tpu.vector_load %arg8[%swap3A] {strides = array<i32>} : memref<8192xi32, #tpu.memory_space<vmem>>, vector<16xi32>,
    tpu.vector_store %arg8[%swap3A], %add3A_25 {strides = array<i32>} : memref<8192xi32, #tpu.memory_space<vmem>>, vector<16xi32>,
    "tpu.region"() ({
      %run_scoped3A = tpu.sem_alloc : memref<!tpu.dma_semaphore, #tpu.memory_space<semaphore_mem>>
      %dma_start3A = arith.constant 0 : i32
      %dma_start3A_188 = tpu.memref_slice %arg8[%dma_start3A] : memref<8192xi32, #tpu.memory_space<vmem>> -> memref<2048xi32, #tpu.memory_space<vmem>>
      %dma_start3A_189 = arith.constant 0 : i32
      %dma_start3A_190 = tpu.memref_slice %arg15[%arg1, %dma_start3A_189] : memref<16x2048xi32, #tpu.memory_space<vmem_shared>> -> memref<1x2048xi32, #tpu.memory_space<vmem_shared>>
      %dma_start3A_191 = tpu.memref_squeeze %dma_start3A_190 : memref<1x2048xi32, #tpu.memory_space<vmem_shared>> -> memref<2048xi32, #tpu.memory_space<vmem_shared>>
      %dma_start3A_192 = arith.constant 0 : i32
      %dma_start3A_193 = tpu.memref_slice %arg15[%arg1, %dma_start3A_192] : memref<16x2048xi32, #tpu.memory_space<vmem_shared>> -> memref<1x2048xi32, #tpu.memory_space<vmem_shared>>
      %dma_start3A_194 = tpu.memref_squeeze %dma_start3A_193 : memref<1x2048xi32, #tpu.memory_space<vmem_shared>> -> memref<2048xi32, #tpu.memory_space<vmem_shared>>
      %dma_start3A_195 = arith.constant 0 : i32
      %dma_start3A_196 = tpu.memref_slice %arg8[%dma_start3A_195] : memref<8192xi32, #tpu.memory_space<vmem>> -> memref<2048xi32, #tpu.memory_space<vmem>>
      tpu.enqueue_dma source(%dma_start3A_196 : memref<2048xi32, #tpu.memory_space<vmem>>) target(%dma_start3A_194 : memref<2048xi32, #tpu.memory_space<vmem_shared>>) target_semaphore(%run_scoped3A : memref<!tpu.dma_semaphore, #tpu.memory_space<semaphore_mem>>)
      %dma_wait3A = arith.constant 0 : i32
      %dma_wait3A_197 = tpu.memref_slice %arg8[%dma_wait3A] : memref<8192xi32, #tpu.memory_space<vmem>> -> memref<2048xi32, #tpu.memory_space<vmem>>
      %dma_wait3A_198 = arith.constant 0 : i32
      %dma_wait3A_199 = tpu.memref_slice %arg15[%arg1, %dma_wait3A_198] : memref<16x2048xi32, #tpu.memory_space<vmem_shared>> -> memref<1x2048xi32, #tpu.memory_space<vmem_shared>>
      %dma_wait3A_200 = tpu.memref_squeeze %dma_wait3A_199 : memref<1x2048xi32, #tpu.memory_space<vmem_shared>> -> memref<2048xi32, #tpu.memory_space<vmem_shared>>
      %dma_wait3A_201 = arith.constant 0 : i32
      %dma_wait3A_202 = tpu.memref_slice %arg15[%arg1, %dma_wait3A_201] : memref<16x2048xi32, #tpu.memory_space<vmem_shared>> -> memref<1x2048xi32, #tpu.memory_space<vmem_shared>>
      %dma_wait3A_203 = tpu.memref_squeeze %dma_wait3A_202 : memref<1x2048xi32, #tpu.memory_space<vmem_shared>> -> memref<2048xi32, #tpu.memory_space<vmem_shared>>
      %dma_wait3A_204 = arith.constant 0 : i32
      %dma_wait3A_205 = tpu.memref_slice %arg8[%dma_wait3A_204] : memref<8192xi32, #tpu.memory_space<vmem>> -> memref<2048xi32, #tpu.memory_space<vmem>>
      tpu.wait_dma2 semaphore(%run_scoped3A : memref<!tpu.dma_semaphore, #tpu.memory_space<semaphore_mem>>) src(%dma_wait3A_205 : memref<2048xi32, #tpu.memory_space<vmem>>) dst(%dma_wait3A_203 : memref<2048xi32, #tpu.memory_space<vmem_shared>>)
      tpu.yield
    }) : () -> ()
    %barrier3A = arith.constant 0 : index
    tpu.barrier barrier_id(%barrier3A)
    "tpu.region"() ({
      %run_scoped3A = tpu.sem_alloc : memref<!tpu.dma_semaphore, #tpu.memory_space<semaphore_mem>>
      tpu.enqueue_dma source(%arg15 : memref<16x2048xi32, #tpu.memory_space<vmem_shared>>) target(%arg9 : memref<16x2048xi32, #tpu.memory_space<vmem>>) target_semaphore(%run_scoped3A : memref<!tpu.dma_semaphore, #tpu.memory_space<semaphore_mem>>)
      tpu.wait_dma2 semaphore(%run_scoped3A : memref<!tpu.dma_semaphore, #tpu.memory_space<semaphore_mem>>) src(%arg15 : memref<16x2048xi32, #tpu.memory_space<vmem_shared>>) dst(%arg9 : memref<16x2048xi32, #tpu.memory_space<vmem>>)
      tpu.yield
    }) : () -> ()
    %barrier3A_27 = arith.constant 0 : index
    tpu.barrier barrier_id(%barrier3A_27)
    %get3A_28 = arith.constant 0 : i32
    %get3A_29 = arith.index_cast %get3A_28 : i32 to index
    %get3A_30 = arith.constant 0 : index
    %get3A_31 = tpu.vector_load %arg9[%get3A_29, %get3A_30] {strides = array<i32>} : memref<16x2048xi32, #tpu.memory_space<vmem>>, vector<16xi32>,
    %add3A_32 = arith.addi %broadcast_in_dim3A_11, %get3A_31 : vector<16xi32>
    %get3A_33 = arith.constant 1 : i32
    %get3A_34 = arith.index_cast %get3A_33 : i32 to index
    %get3A_35 = arith.constant 0 : index
    %get3A_36 = tpu.vector_load %arg9[%get3A_34, %get3A_35] {strides = array<i32>} : memref<16x2048xi32, #tpu.memory_space<vmem>>, vector<16xi32>,
    %add3A_37 = arith.addi %add3A_32, %get3A_36 : vector<16xi32>
    %get3A_38 = arith.constant 2 : i32
    %get3A_39 = arith.index_cast %get3A_38 : i32 to index
    %get3A_40 = arith.constant 0 : index
    %get3A_41 = tpu.vector_load %arg9[%get3A_39, %get3A_40] {strides = array<i32>} : memref<16x2048xi32, #tpu.memory_space<vmem>>, vector<16xi32>,
    %add3A_42 = arith.addi %add3A_37, %get3A_41 : vector<16xi32>
    %get3A_43 = arith.constant 3 : i32
    %get3A_44 = arith.index_cast %get3A_43 : i32 to index
    %get3A_45 = arith.constant 0 : index
    %get3A_46 = tpu.vector_load %arg9[%get3A_44, %get3A_45] {strides = array<i32>} : memref<16x2048xi32, #tpu.memory_space<vmem>>, vector<16xi32>,
    %add3A_47 = arith.addi %add3A_42, %get3A_46 : vector<16xi32>
    %get3A_48 = arith.constant 4 : i32
    %get3A_49 = arith.index_cast %get3A_48 : i32 to index
    %get3A_50 = arith.constant 0 : index
    %get3A_51 = tpu.vector_load %arg9[%get3A_49, %get3A_50] {strides = array<i32>} : memref<16x2048xi32, #tpu.memory_space<vmem>>, vector<16xi32>,
    %add3A_52 = arith.addi %add3A_47, %get3A_51 : vector<16xi32>
    %get3A_53 = arith.constant 5 : i32
    %get3A_54 = arith.index_cast %get3A_53 : i32 to index
    %get3A_55 = arith.constant 0 : index
    %get3A_56 = tpu.vector_load %arg9[%get3A_54, %get3A_55] {strides = array<i32>} : memref<16x2048xi32, #tpu.memory_space<vmem>>, vector<16xi32>,
    %add3A_57 = arith.addi %add3A_52, %get3A_56 : vector<16xi32>
    %get3A_58 = arith.constant 6 : i32
    %get3A_59 = arith.index_cast %get3A_58 : i32 to index
    %get3A_60 = arith.constant 0 : index
    %get3A_61 = tpu.vector_load %arg9[%get3A_59, %get3A_60] {strides = array<i32>} : memref<16x2048xi32, #tpu.memory_space<vmem>>, vector<16xi32>,
    %add3A_62 = arith.addi %add3A_57, %get3A_61 : vector<16xi32>
    %get3A_63 = arith.constant 7 : i32
    %get3A_64 = arith.index_cast %get3A_63 : i32 to index
    %get3A_65 = arith.constant 0 : index
    %get3A_66 = tpu.vector_load %arg9[%get3A_64, %get3A_65] {strides = array<i32>} : memref<16x2048xi32, #tpu.memory_space<vmem>>, vector<16xi32>,
    %add3A_67 = arith.addi %add3A_62, %get3A_66 : vector<16xi32>
    %get3A_68 = arith.constant 8 : i32
    %get3A_69 = arith.index_cast %get3A_68 : i32 to index
    %get3A_70 = arith.constant 0 : index
    %get3A_71 = tpu.vector_load %arg9[%get3A_69, %get3A_70] {strides = array<i32>} : memref<16x2048xi32, #tpu.memory_space<vmem>>, vector<16xi32>,
    %add3A_72 = arith.addi %add3A_67, %get3A_71 : vector<16xi32>
    %get3A_73 = arith.constant 9 : i32
    %get3A_74 = arith.index_cast %get3A_73 : i32 to index
    %get3A_75 = arith.constant 0 : index
    %get3A_76 = tpu.vector_load %arg9[%get3A_74, %get3A_75] {strides = array<i32>} : memref<16x2048xi32, #tpu.memory_space<vmem>>, vector<16xi32>,
    %add3A_77 = arith.addi %add3A_72, %get3A_76 : vector<16xi32>
    %get3A_78 = arith.constant 10 : i32
    %get3A_79 = arith.index_cast %get3A_78 : i32 to index
    %get3A_80 = arith.constant 0 : index
    %get3A_81 = tpu.vector_load %arg9[%get3A_79, %get3A_80] {strides = array<i32>} : memref<16x2048xi32, #tpu.memory_space<vmem>>, vector<16xi32>,
    %add3A_82 = arith.addi %add3A_77, %get3A_81 : vector<16xi32>
    %get3A_83 = arith.constant 11 : i32
    %get3A_84 = arith.index_cast %get3A_83 : i32 to index
    %get3A_85 = arith.constant 0 : index
    %get3A_86 = tpu.vector_load %arg9[%get3A_84, %get3A_85] {strides = array<i32>} : memref<16x2048xi32, #tpu.memory_space<vmem>>, vector<16xi32>,
    %add3A_87 = arith.addi %add3A_82, %get3A_86 : vector<16xi32>
    %get3A_88 = arith.constant 12 : i32
    %get3A_89 = arith.index_cast %get3A_88 : i32 to index
    %get3A_90 = arith.constant 0 : index
    %get3A_91 = tpu.vector_load %arg9[%get3A_89, %get3A_90] {strides = array<i32>} : memref<16x2048xi32, #tpu.memory_space<vmem>>, vector<16xi32>,
    %add3A_92 = arith.addi %add3A_87, %get3A_91 : vector<16xi32>
    %get3A_93 = arith.constant 13 : i32
    %get3A_94 = arith.index_cast %get3A_93 : i32 to index
    %get3A_95 = arith.constant 0 : index
    %get3A_96 = tpu.vector_load %arg9[%get3A_94, %get3A_95] {strides = array<i32>} : memref<16x2048xi32, #tpu.memory_space<vmem>>, vector<16xi32>,
    %add3A_97 = arith.addi %add3A_92, %get3A_96 : vector<16xi32>
    %get3A_98 = arith.constant 14 : i32
    %get3A_99 = arith.index_cast %get3A_98 : i32 to index
    %get3A_100 = arith.constant 0 : index
    %get3A_101 = tpu.vector_load %arg9[%get3A_99, %get3A_100] {strides = array<i32>} : memref<16x2048xi32, #tpu.memory_space<vmem>>, vector<16xi32>,
    %add3A_102 = arith.addi %add3A_97, %get3A_101 : vector<16xi32>
    %get3A_103 = arith.constant 15 : i32
    %get3A_104 = arith.index_cast %get3A_103 : i32 to index
    %get3A_105 = arith.constant 0 : index
    %get3A_106 = tpu.vector_load %arg9[%get3A_104, %get3A_105] {strides = array<i32>} : memref<16x2048xi32, #tpu.memory_space<vmem>>, vector<16xi32>,
    %add3A_107 = arith.addi %add3A_102, %get3A_106 : vector<16xi32>
    %broadcast_in_dim3A_108 = arith.constant true
    %broadcast_in_dim3A_109 = vector.broadcast %broadcast_in_dim3A_108 : i1 to vector<16xi1>
    %masked_cumsum3A = tpu.scan <sum>, %add3A_107 masked %broadcast_in_dim3A_109 : vector<16xi32>, vector<16xi1> -> vector<16xi32>
    %reduce_max3A_110 = arith.constant true
    %reduce_max3A_111 = vector.broadcast %reduce_max3A_110 : i1 to vector<16xi1>
    %reduce_max3A_112 = arith.constant -2147483648 : i32
    %reduce_max3A_113 = vector.broadcast %reduce_max3A_112 : i32 to vector<16xi32>
    %reduce_max3A_114 = arith.xori %masked_cumsum3A, %reduce_max3A_113 : vector<16xi32>
    %reduce_max3A_115 = tpu.scan <max>, %reduce_max3A_114 masked %reduce_max3A_111 : vector<16xi32>, vector<16xi1> -> vector<16xi32>
    %reduce_max3A_116 = arith.xori %reduce_max3A_115, %reduce_max3A_113 : vector<16xi32>
    %reduce_max3A_117 = vector.extract %reduce_max3A_116[15] : i32 from vector<16xi32>
    %le3A = arith.cmpi sle, %reduce_max3A_117, %reduce_max3A_8 : i32
    %not3A = arith.constant true
    %not3A_118 = arith.xori %le3A, %not3A : i1
    %convert_element_type3A = arith.extui %not3A_118 : i1 to i32
    %cond3A = arith.constant 0 : i32
    %cond3A_119 = arith.cmpi ne, %convert_element_type3A, %cond3A : i32
    scf.if %cond3A_119 {
      %broadcast_in_dim3A_188 = arith.constant 0.699999988 : f32
      %broadcast_in_dim3A_189 = vector.broadcast %broadcast_in_dim3A_188 : f32 to vector<16xf32>
      %swap3A_190 = arith.constant 0 : index
      %swap3A_191 = tpu.vector_load %arg11[%swap3A_190] {strides = array<i32>} : memref<16xf32, #tpu.memory_space<vmem>>, vector<16xf32>,
      tpu.vector_store %arg11[%swap3A_190], %broadcast_in_dim3A_189 {strides = array<i32>} : memref<16xf32, #tpu.memory_space<vmem>>, vector<16xf32>,
    } else {
    }
    %convert_element_type3A_120 = arith.extui %le3A : i1 to i32
    %cond3A_121 = arith.constant 0 : i32
    %cond3A_122 = arith.cmpi ne, %convert_element_type3A_120, %cond3A_121 : i32
    scf.if %cond3A_122 {
      %scan3A_188 = arith.constant 0 : i32
      %scan3A_189 = arith.constant 0 : i32
      %scan3A_190 = arith.constant 512 : i32
      %scan3A_191 = arith.addi %scan3A_189, %scan3A_190 : i32
      %scan3A_192 = arith.constant 1 : i32
      %scan3A_193 = scf.for %scan3A_320 = %scan3A_189 to %scan3A_191 step %scan3A_192 iter_args(%scan3A_321 = %scan3A_188) -> (i32)  : i32 {
        %mul3A_322 = arith.constant 16 : i32
        %mul3A_323 = arith.muli %scan3A_320, %mul3A_322 : i32
        %swap3A_324 = arith.index_cast %mul3A_323 : i32 to index
        %swap3A_325 = tpu.vector_load %arg8[%swap3A_324] {strides = array<i32>} : memref<8192xi32, #tpu.memory_space<vmem>>, vector<16xi32>,
        tpu.vector_store %arg8[%swap3A_324], %broadcast_in_dim3A_11 {strides = array<i32>} : memref<8192xi32, #tpu.memory_space<vmem>>, vector<16xi32>,
        %scan3A_326 = arith.constant 0 : i32
        scf.yield %scan3A_326 : i32
      }
      %scan3A_194 = arith.constant 512 : i32
      %scan3A_195 = arith.constant 0 : i32
      %scan3A_196 = arith.constant 0 : i32
      %scan3A_197 = arith.constant 512 : i32
      %scan3A_198 = arith.addi %scan3A_196, %scan3A_197 : i32
      %scan3A_199 = arith.constant 1 : i32
      %scan3A_200 = scf.for %scan3A_320 = %scan3A_196 to %scan3A_198 step %scan3A_199 iter_args(%scan3A_321 = %scan3A_195) -> (i32)  : i32 {
        %mul3A_322 = arith.constant 8 : i32
        %mul3A_323 = arith.muli %scan3A_320, %mul3A_322 : i32
        %add3A_324 = arith.constant 0 : i32
        %add3A_325 = arith.addi %mul3A_323, %add3A_324 : i32
        %mul3A_326 = arith.constant 16 : i32
        %mul3A_327 = arith.muli %add3A_325, %mul3A_326 : i32
        %get3A_328 = arith.index_cast %mul3A_327 : i32 to index
        %get3A_329 = tpu.vector_load %arg7[%get3A_328] {strides = array<i32>} : memref<65536xf32, #tpu.memory_space<vmem>>, vector<16xf32>,
        %bitcast3A_330 = vector.bitcast %get3A_329 : vector<16xf32> to vector<16xi32>
        %shift_right_logical3A = arith.constant 20 : i32
        %shift_right_logical3A_331 = vector.broadcast %shift_right_logical3A : i32 to vector<16xi32>
        %shift_right_logical3A_332 = arith.shrui %bitcast3A_330, %shift_right_logical3A_331 : vector<16xi32>
        %and3A = arith.constant 2047 : i32
        %and3A_333 = vector.broadcast %and3A : i32 to vector<16xi32>
        %and3A_334 = arith.andi %shift_right_logical3A_332, %and3A_333 : vector<16xi32>
        %add3A_335 = arith.constant 0 : i32
        %add3A_336 = vector.broadcast %add3A_335 : i32 to vector<16xi32>
        %add3A_337 = arith.addi %and3A_334, %add3A_336 : vector<16xi32>
        tpu.vector_store_idx %arg8[%add3A_337], %broadcast_in_dim3A_9 {add = true} : memref<8192xi32, #tpu.memory_space<vmem>>[vector<16xi32>], vector<16xi32>,
        %mul3A_338 = arith.constant 8 : i32
        %mul3A_339 = arith.muli %scan3A_320, %mul3A_338 : i32
        %add3A_340 = arith.constant 1 : i32
        %add3A_341 = arith.addi %mul3A_339, %add3A_340 : i32
        %mul3A_342 = arith.constant 16 : i32
        %mul3A_343 = arith.muli %add3A_341, %mul3A_342 : i32
        %get3A_344 = arith.index_cast %mul3A_343 : i32 to index
        %get3A_345 = tpu.vector_load %arg7[%get3A_344] {strides = array<i32>} : memref<65536xf32, #tpu.memory_space<vmem>>, vector<16xf32>,
        %bitcast3A_346 = vector.bitcast %get3A_345 : vector<16xf32> to vector<16xi32>
        %shift_right_logical3A_347 = arith.constant 20 : i32
        %shift_right_logical3A_348 = vector.broadcast %shift_right_logical3A_347 : i32 to vector<16xi32>
        %shift_right_logical3A_349 = arith.shrui %bitcast3A_346, %shift_right_logical3A_348 : vector<16xi32>
        %and3A_350 = arith.constant 2047 : i32
        %and3A_351 = vector.broadcast %and3A_350 : i32 to vector<16xi32>
        %and3A_352 = arith.andi %shift_right_logical3A_349, %and3A_351 : vector<16xi32>
        %add3A_353 = arith.constant 2048 : i32
        %add3A_354 = vector.broadcast %add3A_353 : i32 to vector<16xi32>
        %add3A_355 = arith.addi %and3A_352, %add3A_354 : vector<16xi32>
        tpu.vector_store_idx %arg8[%add3A_355], %broadcast_in_dim3A_9 {add = true} : memref<8192xi32, #tpu.memory_space<vmem>>[vector<16xi32>], vector<16xi32>,
        %mul3A_356 = arith.constant 8 : i32
        %mul3A_357 = arith.muli %scan3A_320, %mul3A_356 : i32
        %add3A_358 = arith.constant 2 : i32
        %add3A_359 = arith.addi %mul3A_357, %add3A_358 : i32
        %mul3A_360 = arith.constant 16 : i32
        %mul3A_361 = arith.muli %add3A_359, %mul3A_360 : i32
        %get3A_362 = arith.index_cast %mul3A_361 : i32 to index
        %get3A_363 = tpu.vector_load %arg7[%get3A_362] {strides = array<i32>} : memref<65536xf32, #tpu.memory_space<vmem>>, vector<16xf32>,
        %bitcast3A_364 = vector.bitcast %get3A_363 : vector<16xf32> to vector<16xi32>
        %shift_right_logical3A_365 = arith.constant 20 : i32
        %shift_right_logical3A_366 = vector.broadcast %shift_right_logical3A_365 : i32 to vector<16xi32>
        %shift_right_logical3A_367 = arith.shrui %bitcast3A_364, %shift_right_logical3A_366 : vector<16xi32>
        %and3A_368 = arith.constant 2047 : i32
        %and3A_369 = vector.broadcast %and3A_368 : i32 to vector<16xi32>
        %and3A_370 = arith.andi %shift_right_logical3A_367, %and3A_369 : vector<16xi32>
        %add3A_371 = arith.constant 4096 : i32
        %add3A_372 = vector.broadcast %add3A_371 : i32 to vector<16xi32>
        %add3A_373 = arith.addi %and3A_370, %add3A_372 : vector<16xi32>
        tpu.vector_store_idx %arg8[%add3A_373], %broadcast_in_dim3A_9 {add = true} : memref<8192xi32, #tpu.memory_space<vmem>>[vector<16xi32>], vector<16xi32>,
        %mul3A_374 = arith.constant 8 : i32
        %mul3A_375 = arith.muli %scan3A_320, %mul3A_374 : i32
        %add3A_376 = arith.constant 3 : i32
        %add3A_377 = arith.addi %mul3A_375, %add3A_376 : i32
        %mul3A_378 = arith.constant 16 : i32
        %mul3A_379 = arith.muli %add3A_377, %mul3A_378 : i32
        %get3A_380 = arith.index_cast %mul3A_379 : i32 to index
        %get3A_381 = tpu.vector_load %arg7[%get3A_380] {strides = array<i32>} : memref<65536xf32, #tpu.memory_space<vmem>>, vector<16xf32>,
        %bitcast3A_382 = vector.bitcast %get3A_381 : vector<16xf32> to vector<16xi32>
        %shift_right_logical3A_383 = arith.constant 20 : i32
        %shift_right_logical3A_384 = vector.broadcast %shift_right_logical3A_383 : i32 to vector<16xi32>
        %shift_right_logical3A_385 = arith.shrui %bitcast3A_382, %shift_right_logical3A_384 : vector<16xi32>
        %and3A_386 = arith.constant 2047 : i32
        %and3A_387 = vector.broadcast %and3A_386 : i32 to vector<16xi32>
        %and3A_388 = arith.andi %shift_right_logical3A_385, %and3A_387 : vector<16xi32>
        %add3A_389 = arith.constant 6144 : i32
        %add3A_390 = vector.broadcast %add3A_389 : i32 to vector<16xi32>
        %add3A_391 = arith.addi %and3A_388, %add3A_390 : vector<16xi32>
        tpu.vector_store_idx %arg8[%add3A_391], %broadcast_in_dim3A_9 {add = true} : memref<8192xi32, #tpu.memory_space<vmem>>[vector<16xi32>], vector<16xi32>,
        %mul3A_392 = arith.constant 8 : i32
        %mul3A_393 = arith.muli %scan3A_320, %mul3A_392 : i32
        %add3A_394 = arith.constant 4 : i32
        %add3A_395 = arith.addi %mul3A_393, %add3A_394 : i32
        %mul3A_396 = arith.constant 16 : i32
        %mul3A_397 = arith.muli %add3A_395, %mul3A_396 : i32
        %get3A_398 = arith.index_cast %mul3A_397 : i32 to index
        %get3A_399 = tpu.vector_load %arg7[%get3A_398] {strides = array<i32>} : memref<65536xf32, #tpu.memory_space<vmem>>, vector<16xf32>,
        %bitcast3A_400 = vector.bitcast %get3A_399 : vector<16xf32> to vector<16xi32>
        %shift_right_logical3A_401 = arith.constant 20 : i32
        %shift_right_logical3A_402 = vector.broadcast %shift_right_logical3A_401 : i32 to vector<16xi32>
        %shift_right_logical3A_403 = arith.shrui %bitcast3A_400, %shift_right_logical3A_402 : vector<16xi32>
        %and3A_404 = arith.constant 2047 : i32
        %and3A_405 = vector.broadcast %and3A_404 : i32 to vector<16xi32>
        %and3A_406 = arith.andi %shift_right_logical3A_403, %and3A_405 : vector<16xi32>
        %add3A_407 = arith.constant 0 : i32
        %add3A_408 = vector.broadcast %add3A_407 : i32 to vector<16xi32>
        %add3A_409 = arith.addi %and3A_406, %add3A_408 : vector<16xi32>
        tpu.vector_store_idx %arg8[%add3A_409], %broadcast_in_dim3A_9 {add = true} : memref<8192xi32, #tpu.memory_space<vmem>>[vector<16xi32>], vector<16xi32>,
        %mul3A_410 = arith.constant 8 : i32
        %mul3A_411 = arith.muli %scan3A_320, %mul3A_410 : i32
        %add3A_412 = arith.constant 5 : i32
        %add3A_413 = arith.addi %mul3A_411, %add3A_412 : i32
        %mul3A_414 = arith.constant 16 : i32
        %mul3A_415 = arith.muli %add3A_413, %mul3A_414 : i32
        %get3A_416 = arith.index_cast %mul3A_415 : i32 to index
        %get3A_417 = tpu.vector_load %arg7[%get3A_416] {strides = array<i32>} : memref<65536xf32, #tpu.memory_space<vmem>>, vector<16xf32>,
        %bitcast3A_418 = vector.bitcast %get3A_417 : vector<16xf32> to vector<16xi32>
        %shift_right_logical3A_419 = arith.constant 20 : i32
        %shift_right_logical3A_420 = vector.broadcast %shift_right_logical3A_419 : i32 to vector<16xi32>
        %shift_right_logical3A_421 = arith.shrui %bitcast3A_418, %shift_right_logical3A_420 : vector<16xi32>
        %and3A_422 = arith.constant 2047 : i32
        %and3A_423 = vector.broadcast %and3A_422 : i32 to vector<16xi32>
        %and3A_424 = arith.andi %shift_right_logical3A_421, %and3A_423 : vector<16xi32>
        %add3A_425 = arith.constant 2048 : i32
        %add3A_426 = vector.broadcast %add3A_425 : i32 to vector<16xi32>
        %add3A_427 = arith.addi %and3A_424, %add3A_426 : vector<16xi32>
        tpu.vector_store_idx %arg8[%add3A_427], %broadcast_in_dim3A_9 {add = true} : memref<8192xi32, #tpu.memory_space<vmem>>[vector<16xi32>], vector<16xi32>,
        %mul3A_428 = arith.constant 8 : i32
        %mul3A_429 = arith.muli %scan3A_320, %mul3A_428 : i32
        %add3A_430 = arith.constant 6 : i32
        %add3A_431 = arith.addi %mul3A_429, %add3A_430 : i32
        %mul3A_432 = arith.constant 16 : i32
        %mul3A_433 = arith.muli %add3A_431, %mul3A_432 : i32
        %get3A_434 = arith.index_cast %mul3A_433 : i32 to index
        %get3A_435 = tpu.vector_load %arg7[%get3A_434] {strides = array<i32>} : memref<65536xf32, #tpu.memory_space<vmem>>, vector<16xf32>,
        %bitcast3A_436 = vector.bitcast %get3A_435 : vector<16xf32> to vector<16xi32>
        %shift_right_logical3A_437 = arith.constant 20 : i32
        %shift_right_logical3A_438 = vector.broadcast %shift_right_logical3A_437 : i32 to vector<16xi32>
        %shift_right_logical3A_439 = arith.shrui %bitcast3A_436, %shift_right_logical3A_438 : vector<16xi32>
        %and3A_440 = arith.constant 2047 : i32
        %and3A_441 = vector.broadcast %and3A_440 : i32 to vector<16xi32>
        %and3A_442 = arith.andi %shift_right_logical3A_439, %and3A_441 : vector<16xi32>
        %add3A_443 = arith.constant 4096 : i32
        %add3A_444 = vector.broadcast %add3A_443 : i32 to vector<16xi32>
        %add3A_445 = arith.addi %and3A_442, %add3A_444 : vector<16xi32>
        tpu.vector_store_idx %arg8[%add3A_445], %broadcast_in_dim3A_9 {add = true} : memref<8192xi32, #tpu.memory_space<vmem>>[vector<16xi32>], vector<16xi32>,
        %mul3A_446 = arith.constant 8 : i32
        %mul3A_447 = arith.muli %scan3A_320, %mul3A_446 : i32
        %add3A_448 = arith.constant 7 : i32
        %add3A_449 = arith.addi %mul3A_447, %add3A_448 : i32
        %mul3A_450 = arith.constant 16 : i32
        %mul3A_451 = arith.muli %add3A_449, %mul3A_450 : i32
        %get3A_452 = arith.index_cast %mul3A_451 : i32 to index
        %get3A_453 = tpu.vector_load %arg7[%get3A_452] {strides = array<i32>} : memref<65536xf32, #tpu.memory_space<vmem>>, vector<16xf32>,
        %bitcast3A_454 = vector.bitcast %get3A_453 : vector<16xf32> to vector<16xi32>
        %shift_right_logical3A_455 = arith.constant 20 : i32
        %shift_right_logical3A_456 = vector.broadcast %shift_right_logical3A_455 : i32 to vector<16xi32>
        %shift_right_logical3A_457 = arith.shrui %bitcast3A_454, %shift_right_logical3A_456 : vector<16xi32>
        %and3A_458 = arith.constant 2047 : i32
        %and3A_459 = vector.broadcast %and3A_458 : i32 to vector<16xi32>
        %and3A_460 = arith.andi %shift_right_logical3A_457, %and3A_459 : vector<16xi32>
        %add3A_461 = arith.constant 6144 : i32
        %add3A_462 = vector.broadcast %add3A_461 : i32 to vector<16xi32>
        %add3A_463 = arith.addi %and3A_460, %add3A_462 : vector<16xi32>
        tpu.vector_store_idx %arg8[%add3A_463], %broadcast_in_dim3A_9 {add = true} : memref<8192xi32, #tpu.memory_space<vmem>>[vector<16xi32>], vector<16xi32>,
        %scan3A_464 = arith.constant 0 : i32
        scf.yield %scan3A_464 : i32
      }
      %scan3A_201 = arith.constant 512 : i32
      %scan3A_202 = arith.constant 0 : i32
      %scan3A_203 = arith.constant 0 : i32
      %scan3A_204 = arith.constant 128 : i32
      %scan3A_205 = arith.addi %scan3A_203, %scan3A_204 : i32
      %scan3A_206 = arith.constant 1 : i32
      %scan3A_207 = scf.for %scan3A_320 = %scan3A_203 to %scan3A_205 step %scan3A_206 iter_args(%scan3A_321 = %scan3A_202) -> (i32)  : i32 {
        %mul3A_322 = arith.constant 16 : i32
        %mul3A_323 = arith.muli %scan3A_320, %mul3A_322 : i32
        %get3A_324 = arith.index_cast %mul3A_323 : i32 to index
        %get3A_325 = tpu.vector_load %arg8[%get3A_324] {strides = array<i32>} : memref<8192xi32, #tpu.memory_space<vmem>>, vector<16xi32>,
        %mul3A_326 = arith.constant 16 : i32
        %mul3A_327 = arith.muli %scan3A_320, %mul3A_326 : i32
        %add3A_328 = arith.constant 2048 : i32
        %add3A_329 = arith.addi %add3A_328, %mul3A_327 : i32
        %get3A_330 = arith.index_cast %add3A_329 : i32 to index
        %get3A_331 = tpu.vector_load %arg8[%get3A_330] {strides = array<i32>} : memref<8192xi32, #tpu.memory_space<vmem>>, vector<16xi32>,
        %add3A_332 = arith.addi %get3A_325, %get3A_331 : vector<16xi32>
        %mul3A_333 = arith.constant 16 : i32
        %mul3A_334 = arith.muli %scan3A_320, %mul3A_333 : i32
        %add3A_335 = arith.constant 4096 : i32
        %add3A_336 = arith.addi %add3A_335, %mul3A_334 : i32
        %get3A_337 = arith.index_cast %add3A_336 : i32 to index
        %get3A_338 = tpu.vector_load %arg8[%get3A_337] {strides = array<i32>} : memref<8192xi32, #tpu.memory_space<vmem>>, vector<16xi32>,
        %add3A_339 = arith.addi %add3A_332, %get3A_338 : vector<16xi32>
        %mul3A_340 = arith.constant 16 : i32
        %mul3A_341 = arith.muli %scan3A_320, %mul3A_340 : i32
        %add3A_342 = arith.constant 6144 : i32
        %add3A_343 = arith.addi %add3A_342, %mul3A_341 : i32
        %get3A_344 = arith.index_cast %add3A_343 : i32 to index
        %get3A_345 = tpu.vector_load %arg8[%get3A_344] {strides = array<i32>} : memref<8192xi32, #tpu.memory_space<vmem>>, vector<16xi32>,
        %add3A_346 = arith.addi %add3A_339, %get3A_345 : vector<16xi32>
        %mul3A_347 = arith.constant 16 : i32
        %mul3A_348 = arith.muli %scan3A_320, %mul3A_347 : i32
        %swap3A_349 = arith.index_cast %mul3A_348 : i32 to index
        %swap3A_350 = tpu.vector_load %arg8[%swap3A_349] {strides = array<i32>} : memref<8192xi32, #tpu.memory_space<vmem>>, vector<16xi32>,
        tpu.vector_store %arg8[%swap3A_349], %add3A_346 {strides = array<i32>} : memref<8192xi32, #tpu.memory_space<vmem>>, vector<16xi32>,
        %scan3A_351 = arith.constant 0 : i32
        scf.yield %scan3A_351 : i32
      }
      %scan3A_208 = arith.constant 128 : i32
      "tpu.region"() ({
        %run_scoped3A = tpu.sem_alloc : memref<!tpu.dma_semaphore, #tpu.memory_space<semaphore_mem>>
        %dma_start3A = arith.constant 0 : i32
        %dma_start3A_320 = tpu.memref_slice %arg8[%dma_start3A] : memref<8192xi32, #tpu.memory_space<vmem>> -> memref<2048xi32, #tpu.memory_space<vmem>>
        %dma_start3A_321 = arith.constant 0 : i32
        %dma_start3A_322 = tpu.memref_slice %arg15[%arg1, %dma_start3A_321] : memref<16x2048xi32, #tpu.memory_space<vmem_shared>> -> memref<1x2048xi32, #tpu.memory_space<vmem_shared>>
        %dma_start3A_323 = tpu.memref_squeeze %dma_start3A_322 : memref<1x2048xi32, #tpu.memory_space<vmem_shared>> -> memref<2048xi32, #tpu.memory_space<vmem_shared>>
        %dma_start3A_324 = arith.constant 0 : i32
        %dma_start3A_325 = tpu.memref_slice %arg15[%arg1, %dma_start3A_324] : memref<16x2048xi32, #tpu.memory_space<vmem_shared>> -> memref<1x2048xi32, #tpu.memory_space<vmem_shared>>
        %dma_start3A_326 = tpu.memref_squeeze %dma_start3A_325 : memref<1x2048xi32, #tpu.memory_space<vmem_shared>> -> memref<2048xi32, #tpu.memory_space<vmem_shared>>
        %dma_start3A_327 = arith.constant 0 : i32
        %dma_start3A_328 = tpu.memref_slice %arg8[%dma_start3A_327] : memref<8192xi32, #tpu.memory_space<vmem>> -> memref<2048xi32, #tpu.memory_space<vmem>>
        tpu.enqueue_dma source(%dma_start3A_328 : memref<2048xi32, #tpu.memory_space<vmem>>) target(%dma_start3A_326 : memref<2048xi32, #tpu.memory_space<vmem_shared>>) target_semaphore(%run_scoped3A : memref<!tpu.dma_semaphore, #tpu.memory_space<semaphore_mem>>)
        %dma_wait3A = arith.constant 0 : i32
        %dma_wait3A_329 = tpu.memref_slice %arg8[%dma_wait3A] : memref<8192xi32, #tpu.memory_space<vmem>> -> memref<2048xi32, #tpu.memory_space<vmem>>
        %dma_wait3A_330 = arith.constant 0 : i32
        %dma_wait3A_331 = tpu.memref_slice %arg15[%arg1, %dma_wait3A_330] : memref<16x2048xi32, #tpu.memory_space<vmem_shared>> -> memref<1x2048xi32, #tpu.memory_space<vmem_shared>>
        %dma_wait3A_332 = tpu.memref_squeeze %dma_wait3A_331 : memref<1x2048xi32, #tpu.memory_space<vmem_shared>> -> memref<2048xi32, #tpu.memory_space<vmem_shared>>
        %dma_wait3A_333 = arith.constant 0 : i32
        %dma_wait3A_334 = tpu.memref_slice %arg15[%arg1, %dma_wait3A_333] : memref<16x2048xi32, #tpu.memory_space<vmem_shared>> -> memref<1x2048xi32, #tpu.memory_space<vmem_shared>>
        %dma_wait3A_335 = tpu.memref_squeeze %dma_wait3A_334 : memref<1x2048xi32, #tpu.memory_space<vmem_shared>> -> memref<2048xi32, #tpu.memory_space<vmem_shared>>
        %dma_wait3A_336 = arith.constant 0 : i32
        %dma_wait3A_337 = tpu.memref_slice %arg8[%dma_wait3A_336] : memref<8192xi32, #tpu.memory_space<vmem>> -> memref<2048xi32, #tpu.memory_space<vmem>>
        tpu.wait_dma2 semaphore(%run_scoped3A : memref<!tpu.dma_semaphore, #tpu.memory_space<semaphore_mem>>) src(%dma_wait3A_337 : memref<2048xi32, #tpu.memory_space<vmem>>) dst(%dma_wait3A_335 : memref<2048xi32, #tpu.memory_space<vmem_shared>>)
        tpu.yield
      }) : () -> ()
      %barrier3A_209 = arith.constant 0 : index
      tpu.barrier barrier_id(%barrier3A_209)
      "tpu.region"() ({
        %run_scoped3A = tpu.sem_alloc : memref<!tpu.dma_semaphore, #tpu.memory_space<semaphore_mem>>
        tpu.enqueue_dma source(%arg15 : memref<16x2048xi32, #tpu.memory_space<vmem_shared>>) target(%arg9 : memref<16x2048xi32, #tpu.memory_space<vmem>>) target_semaphore(%run_scoped3A : memref<!tpu.dma_semaphore, #tpu.memory_space<semaphore_mem>>)
        tpu.wait_dma2 semaphore(%run_scoped3A : memref<!tpu.dma_semaphore, #tpu.memory_space<semaphore_mem>>) src(%arg15 : memref<16x2048xi32, #tpu.memory_space<vmem_shared>>) dst(%arg9 : memref<16x2048xi32, #tpu.memory_space<vmem>>)
        tpu.yield
      }) : () -> ()
      %barrier3A_210 = arith.constant 0 : index
      tpu.barrier barrier_id(%barrier3A_210)
      %scan3A_211 = arith.constant 0 : i32
      %scan3A_212 = arith.constant 0 : i32
      %scan3A_213 = arith.constant 128 : i32
      %scan3A_214 = arith.addi %scan3A_212, %scan3A_213 : i32
      %scan3A_215 = arith.constant 1 : i32
      %scan3A_216 = scf.for %scan3A_320 = %scan3A_212 to %scan3A_214 step %scan3A_215 iter_args(%scan3A_321 = %scan3A_211) -> (i32)  : i32 {
        %mul3A_322 = arith.constant 16 : i32
        %mul3A_323 = arith.muli %scan3A_320, %mul3A_322 : i32
        %get3A_324 = arith.constant 0 : i32
        %get3A_325 = arith.index_cast %get3A_324 : i32 to index
        %get3A_326 = arith.index_cast %mul3A_323 : i32 to index
        %get3A_327 = tpu.vector_load %arg9[%get3A_325, %get3A_326] {strides = array<i32>} : memref<16x2048xi32, #tpu.memory_space<vmem>>, vector<16xi32>,
        %add3A_328 = arith.addi %broadcast_in_dim3A_11, %get3A_327 : vector<16xi32>
        %mul3A_329 = arith.constant 16 : i32
        %mul3A_330 = arith.muli %scan3A_320, %mul3A_329 : i32
        %get3A_331 = arith.constant 1 : i32
        %get3A_332 = arith.index_cast %get3A_331 : i32 to index
        %get3A_333 = arith.index_cast %mul3A_330 : i32 to index
        %get3A_334 = tpu.vector_load %arg9[%get3A_332, %get3A_333] {strides = array<i32>} : memref<16x2048xi32, #tpu.memory_space<vmem>>, vector<16xi32>,
        %add3A_335 = arith.addi %add3A_328, %get3A_334 : vector<16xi32>
        %mul3A_336 = arith.constant 16 : i32
        %mul3A_337 = arith.muli %scan3A_320, %mul3A_336 : i32
        %get3A_338 = arith.constant 2 : i32
        %get3A_339 = arith.index_cast %get3A_338 : i32 to index
        %get3A_340 = arith.index_cast %mul3A_337 : i32 to index
        %get3A_341 = tpu.vector_load %arg9[%get3A_339, %get3A_340] {strides = array<i32>} : memref<16x2048xi32, #tpu.memory_space<vmem>>, vector<16xi32>,
        %add3A_342 = arith.addi %add3A_335, %get3A_341 : vector<16xi32>
        %mul3A_343 = arith.constant 16 : i32
        %mul3A_344 = arith.muli %scan3A_320, %mul3A_343 : i32
        %get3A_345 = arith.constant 3 : i32
        %get3A_346 = arith.index_cast %get3A_345 : i32 to index
        %get3A_347 = arith.index_cast %mul3A_344 : i32 to index
        %get3A_348 = tpu.vector_load %arg9[%get3A_346, %get3A_347] {strides = array<i32>} : memref<16x2048xi32, #tpu.memory_space<vmem>>, vector<16xi32>,
        %add3A_349 = arith.addi %add3A_342, %get3A_348 : vector<16xi32>
        %mul3A_350 = arith.constant 16 : i32
        %mul3A_351 = arith.muli %scan3A_320, %mul3A_350 : i32
        %get3A_352 = arith.constant 4 : i32
        %get3A_353 = arith.index_cast %get3A_352 : i32 to index
        %get3A_354 = arith.index_cast %mul3A_351 : i32 to index
        %get3A_355 = tpu.vector_load %arg9[%get3A_353, %get3A_354] {strides = array<i32>} : memref<16x2048xi32, #tpu.memory_space<vmem>>, vector<16xi32>,
        %add3A_356 = arith.addi %add3A_349, %get3A_355 : vector<16xi32>
        %mul3A_357 = arith.constant 16 : i32
        %mul3A_358 = arith.muli %scan3A_320, %mul3A_357 : i32
        %get3A_359 = arith.constant 5 : i32
        %get3A_360 = arith.index_cast %get3A_359 : i32 to index
        %get3A_361 = arith.index_cast %mul3A_358 : i32 to index
        %get3A_362 = tpu.vector_load %arg9[%get3A_360, %get3A_361] {strides = array<i32>} : memref<16x2048xi32, #tpu.memory_space<vmem>>, vector<16xi32>,
        %add3A_363 = arith.addi %add3A_356, %get3A_362 : vector<16xi32>
        %mul3A_364 = arith.constant 16 : i32
        %mul3A_365 = arith.muli %scan3A_320, %mul3A_364 : i32
        %get3A_366 = arith.constant 6 : i32
        %get3A_367 = arith.index_cast %get3A_366 : i32 to index
        %get3A_368 = arith.index_cast %mul3A_365 : i32 to index
        %get3A_369 = tpu.vector_load %arg9[%get3A_367, %get3A_368] {strides = array<i32>} : memref<16x2048xi32, #tpu.memory_space<vmem>>, vector<16xi32>,
        %add3A_370 = arith.addi %add3A_363, %get3A_369 : vector<16xi32>
        %mul3A_371 = arith.constant 16 : i32
        %mul3A_372 = arith.muli %scan3A_320, %mul3A_371 : i32
        %get3A_373 = arith.constant 7 : i32
        %get3A_374 = arith.index_cast %get3A_373 : i32 to index
        %get3A_375 = arith.index_cast %mul3A_372 : i32 to index
        %get3A_376 = tpu.vector_load %arg9[%get3A_374, %get3A_375] {strides = array<i32>} : memref<16x2048xi32, #tpu.memory_space<vmem>>, vector<16xi32>,
        %add3A_377 = arith.addi %add3A_370, %get3A_376 : vector<16xi32>
        %mul3A_378 = arith.constant 16 : i32
        %mul3A_379 = arith.muli %scan3A_320, %mul3A_378 : i32
        %get3A_380 = arith.constant 8 : i32
        %get3A_381 = arith.index_cast %get3A_380 : i32 to index
        %get3A_382 = arith.index_cast %mul3A_379 : i32 to index
        %get3A_383 = tpu.vector_load %arg9[%get3A_381, %get3A_382] {strides = array<i32>} : memref<16x2048xi32, #tpu.memory_space<vmem>>, vector<16xi32>,
        %add3A_384 = arith.addi %add3A_377, %get3A_383 : vector<16xi32>
        %mul3A_385 = arith.constant 16 : i32
        %mul3A_386 = arith.muli %scan3A_320, %mul3A_385 : i32
        %get3A_387 = arith.constant 9 : i32
        %get3A_388 = arith.index_cast %get3A_387 : i32 to index
        %get3A_389 = arith.index_cast %mul3A_386 : i32 to index
        %get3A_390 = tpu.vector_load %arg9[%get3A_388, %get3A_389] {strides = array<i32>} : memref<16x2048xi32, #tpu.memory_space<vmem>>, vector<16xi32>,
        %add3A_391 = arith.addi %add3A_384, %get3A_390 : vector<16xi32>
        %mul3A_392 = arith.constant 16 : i32
        %mul3A_393 = arith.muli %scan3A_320, %mul3A_392 : i32
        %get3A_394 = arith.constant 10 : i32
        %get3A_395 = arith.index_cast %get3A_394 : i32 to index
        %get3A_396 = arith.index_cast %mul3A_393 : i32 to index
        %get3A_397 = tpu.vector_load %arg9[%get3A_395, %get3A_396] {strides = array<i32>} : memref<16x2048xi32, #tpu.memory_space<vmem>>, vector<16xi32>,
        %add3A_398 = arith.addi %add3A_391, %get3A_397 : vector<16xi32>
        %mul3A_399 = arith.constant 16 : i32
        %mul3A_400 = arith.muli %scan3A_320, %mul3A_399 : i32
        %get3A_401 = arith.constant 11 : i32
        %get3A_402 = arith.index_cast %get3A_401 : i32 to index
        %get3A_403 = arith.index_cast %mul3A_400 : i32 to index
        %get3A_404 = tpu.vector_load %arg9[%get3A_402, %get3A_403] {strides = array<i32>} : memref<16x2048xi32, #tpu.memory_space<vmem>>, vector<16xi32>,
        %add3A_405 = arith.addi %add3A_398, %get3A_404 : vector<16xi32>
        %mul3A_406 = arith.constant 16 : i32
        %mul3A_407 = arith.muli %scan3A_320, %mul3A_406 : i32
        %get3A_408 = arith.constant 12 : i32
        %get3A_409 = arith.index_cast %get3A_408 : i32 to index
        %get3A_410 = arith.index_cast %mul3A_407 : i32 to index
        %get3A_411 = tpu.vector_load %arg9[%get3A_409, %get3A_410] {strides = array<i32>} : memref<16x2048xi32, #tpu.memory_space<vmem>>, vector<16xi32>,
        %add3A_412 = arith.addi %add3A_405, %get3A_411 : vector<16xi32>
        %mul3A_413 = arith.constant 16 : i32
        %mul3A_414 = arith.muli %scan3A_320, %mul3A_413 : i32
        %get3A_415 = arith.constant 13 : i32
        %get3A_416 = arith.index_cast %get3A_415 : i32 to index
        %get3A_417 = arith.index_cast %mul3A_414 : i32 to index
        %get3A_418 = tpu.vector_load %arg9[%get3A_416, %get3A_417] {strides = array<i32>} : memref<16x2048xi32, #tpu.memory_space<vmem>>, vector<16xi32>,
        %add3A_419 = arith.addi %add3A_412, %get3A_418 : vector<16xi32>
        %mul3A_420 = arith.constant 16 : i32
        %mul3A_421 = arith.muli %scan3A_320, %mul3A_420 : i32
        %get3A_422 = arith.constant 14 : i32
        %get3A_423 = arith.index_cast %get3A_422 : i32 to index
        %get3A_424 = arith.index_cast %mul3A_421 : i32 to index
        %get3A_425 = tpu.vector_load %arg9[%get3A_423, %get3A_424] {strides = array<i32>} : memref<16x2048xi32, #tpu.memory_space<vmem>>, vector<16xi32>,
        %add3A_426 = arith.addi %add3A_419, %get3A_425 : vector<16xi32>
        %mul3A_427 = arith.constant 16 : i32
        %mul3A_428 = arith.muli %scan3A_320, %mul3A_427 : i32
        %get3A_429 = arith.constant 15 : i32
        %get3A_430 = arith.index_cast %get3A_429 : i32 to index
        %get3A_431 = arith.index_cast %mul3A_428 : i32 to index
        %get3A_432 = tpu.vector_load %arg9[%get3A_430, %get3A_431] {strides = array<i32>} : memref<16x2048xi32, #tpu.memory_space<vmem>>, vector<16xi32>,
        %add3A_433 = arith.addi %add3A_426, %get3A_432 : vector<16xi32>
        %mul3A_434 = arith.constant 16 : i32
        %mul3A_435 = arith.muli %scan3A_320, %mul3A_434 : i32
        %swap3A_436 = arith.index_cast %mul3A_435 : i32 to index
        %swap3A_437 = tpu.vector_load %arg8[%swap3A_436] {strides = array<i32>} : memref<8192xi32, #tpu.memory_space<vmem>>, vector<16xi32>,
        tpu.vector_store %arg8[%swap3A_436], %add3A_433 {strides = array<i32>} : memref<8192xi32, #tpu.memory_space<vmem>>, vector<16xi32>,
        %scan3A_438 = arith.constant 0 : i32
        scf.yield %scan3A_438 : i32
      }
      %scan3A_217 = arith.constant 128 : i32
      %scan3A_218 = arith.constant 0 : i32
      %scan3A_219 = arith.constant -1 : i32
      %scan3A_220 = arith.constant 0 : i32
      %scan3A_221 = arith.constant 0 : i32
      %scan3A_222 = arith.constant 128 : i32
      %scan3A_223 = arith.addi %scan3A_221, %scan3A_222 : i32
      %scan3A_224 = arith.constant 1 : i32
      %scan3A_225:3 = scf.for %scan3A_320 = %scan3A_221 to %scan3A_223 step %scan3A_224 iter_args(%scan3A_321 = %scan3A_218, %scan3A_322 = %scan3A_219, %scan3A_323 = %scan3A_220) -> (i32, i32, i32)  : i32 {
        %mul3A_324 = arith.constant 16 : i32
        %mul3A_325 = arith.muli %scan3A_320, %mul3A_324 : i32
        %get3A_326 = arith.index_cast %mul3A_325 : i32 to index
        %get3A_327 = tpu.vector_load %arg8[%get3A_326] {strides = array<i32>} : memref<8192xi32, #tpu.memory_space<vmem>>, vector<16xi32>,
        %broadcast_in_dim3A_328 = arith.constant true
        %broadcast_in_dim3A_329 = vector.broadcast %broadcast_in_dim3A_328 : i1 to vector<16xi1>
        %masked_cumsum3A_330 = tpu.scan <sum>, %get3A_327 masked %broadcast_in_dim3A_329 : vector<16xi32>, vector<16xi1> -> vector<16xi32>
        %add3A_331 = vector.broadcast %scan3A_321 : i32 to vector<16xi32>
        %add3A_332 = arith.addi %add3A_331, %masked_cumsum3A_330 : vector<16xi32>
        %sub3A_333 = arith.subi %add3A_332, %get3A_327 : vector<16xi32>
        %le3A_334 = vector.broadcast %reduce_max3A_8 : i32 to vector<16xi32>
        %le3A_335 = arith.cmpi sle, %sub3A_333, %le3A_334 : vector<16xi32>
        %add3A_336 = arith.addi %sub3A_333, %get3A_327 : vector<16xi32>
        %lt3A = vector.broadcast %reduce_max3A_8 : i32 to vector<16xi32>
        %lt3A_337 = arith.cmpi slt, %lt3A, %add3A_336 : vector<16xi32>
        %and3A = arith.andi %le3A_335, %lt3A_337 : vector<16xi1>
        %mul3A_338 = arith.constant 16 : i32
        %mul3A_339 = arith.muli %scan3A_320, %mul3A_338 : i32
        %add3A_340 = vector.broadcast %mul3A_339 : i32 to vector<16xi32>
        %add3A_341 = arith.addi %iota3A, %add3A_340 : vector<16xi32>
        %jit3A = arith.constant -1 : i32
        %broadcast_in_dim3A_342 = vector.broadcast %jit3A : i32 to vector<16xi32>
        %select_n3A = arith.select %and3A, %add3A_341, %broadcast_in_dim3A_342 : vector<16xi1>, vector<16xi32>
        %reduce_max3A_343 = arith.constant true
        %reduce_max3A_344 = vector.broadcast %reduce_max3A_343 : i1 to vector<16xi1>
        %reduce_max3A_345 = arith.constant -2147483648 : i32
        %reduce_max3A_346 = vector.broadcast %reduce_max3A_345 : i32 to vector<16xi32>
        %reduce_max3A_347 = arith.xori %select_n3A, %reduce_max3A_346 : vector<16xi32>
        %reduce_max3A_348 = tpu.scan <max>, %reduce_max3A_347 masked %reduce_max3A_344 : vector<16xi32>, vector<16xi1> -> vector<16xi32>
        %reduce_max3A_349 = arith.xori %reduce_max3A_348, %reduce_max3A_346 : vector<16xi32>
        %reduce_max3A_350 = vector.extract %reduce_max3A_349[15] : i32 from vector<16xi32>
        %max3A_351 = arith.maxsi %scan3A_322, %reduce_max3A_350 : i32
        %jit3A_352 = arith.constant 0 : i32
        %broadcast_in_dim3A_353 = vector.broadcast %jit3A_352 : i32 to vector<16xi32>
        %select_n3A_354 = arith.select %and3A, %sub3A_333, %broadcast_in_dim3A_353 : vector<16xi1>, vector<16xi32>
        %reduce_max3A_355 = arith.constant true
        %reduce_max3A_356 = vector.broadcast %reduce_max3A_355 : i1 to vector<16xi1>
        %reduce_max3A_357 = arith.constant -2147483648 : i32
        %reduce_max3A_358 = vector.broadcast %reduce_max3A_357 : i32 to vector<16xi32>
        %reduce_max3A_359 = arith.xori %select_n3A_354, %reduce_max3A_358 : vector<16xi32>
        %reduce_max3A_360 = tpu.scan <max>, %reduce_max3A_359 masked %reduce_max3A_356 : vector<16xi32>, vector<16xi1> -> vector<16xi32>
        %reduce_max3A_361 = arith.xori %reduce_max3A_360, %reduce_max3A_358 : vector<16xi32>
        %reduce_max3A_362 = vector.extract %reduce_max3A_361[15] : i32 from vector<16xi32>
        %max3A_363 = arith.maxsi %scan3A_323, %reduce_max3A_362 : i32
        %reduce_max3A_364 = arith.constant true
        %reduce_max3A_365 = vector.broadcast %reduce_max3A_364 : i1 to vector<16xi1>
        %reduce_max3A_366 = arith.constant -2147483648 : i32
        %reduce_max3A_367 = vector.broadcast %reduce_max3A_366 : i32 to vector<16xi32>
        %reduce_max3A_368 = arith.xori %masked_cumsum3A_330, %reduce_max3A_367 : vector<16xi32>
        %reduce_max3A_369 = tpu.scan <max>, %reduce_max3A_368 masked %reduce_max3A_365 : vector<16xi32>, vector<16xi1> -> vector<16xi32>
        %reduce_max3A_370 = arith.xori %reduce_max3A_369, %reduce_max3A_367 : vector<16xi32>
        %reduce_max3A_371 = vector.extract %reduce_max3A_370[15] : i32 from vector<16xi32>
        %add3A_372 = arith.addi %scan3A_321, %reduce_max3A_371 : i32
        scf.yield %add3A_372, %max3A_351, %max3A_363 : i32, i32, i32
      }
      %scan3A_226 = arith.constant 128 : i32
      %sub3A = arith.subi %reduce_max3A_8, %scan3A_225#2 : i32
      %shift_left3A = arith.constant 0 : i32
      %shift_left3A_227 = arith.constant 11 : i32
      %shift_left3A_228 = arith.shli %shift_left3A, %shift_left3A_227 : i32
      %or3A = arith.ori %shift_left3A_228, %scan3A_225#1 : i32
      %scan3A_229 = arith.constant 0 : i32
      %scan3A_230 = arith.constant 0 : i32
      %scan3A_231 = arith.constant 512 : i32
      %scan3A_232 = arith.addi %scan3A_230, %scan3A_231 : i32
      %scan3A_233 = arith.constant 1 : i32
      %scan3A_234 = scf.for %scan3A_320 = %scan3A_230 to %scan3A_232 step %scan3A_233 iter_args(%scan3A_321 = %scan3A_229) -> (i32)  : i32 {
        %mul3A_322 = arith.constant 16 : i32
        %mul3A_323 = arith.muli %scan3A_320, %mul3A_322 : i32
        %swap3A_324 = arith.index_cast %mul3A_323 : i32 to index
        %swap3A_325 = tpu.vector_load %arg8[%swap3A_324] {strides = array<i32>} : memref<8192xi32, #tpu.memory_space<vmem>>, vector<16xi32>,
        tpu.vector_store %arg8[%swap3A_324], %broadcast_in_dim3A_11 {strides = array<i32>} : memref<8192xi32, #tpu.memory_space<vmem>>, vector<16xi32>,
        %scan3A_326 = arith.constant 0 : i32
        scf.yield %scan3A_326 : i32
      }
      %scan3A_235 = arith.constant 512 : i32
      %scan3A_236 = arith.constant 0 : i32
      %scan3A_237 = arith.constant 0 : i32
      %scan3A_238 = arith.constant 512 : i32
      %scan3A_239 = arith.addi %scan3A_237, %scan3A_238 : i32
      %scan3A_240 = arith.constant 1 : i32
      %scan3A_241 = scf.for %scan3A_320 = %scan3A_237 to %scan3A_239 step %scan3A_240 iter_args(%scan3A_321 = %scan3A_236) -> (i32)  : i32 {
        %mul3A_322 = arith.constant 8 : i32
        %mul3A_323 = arith.muli %scan3A_320, %mul3A_322 : i32
        %add3A_324 = arith.constant 0 : i32
        %add3A_325 = arith.addi %mul3A_323, %add3A_324 : i32
        %mul3A_326 = arith.constant 16 : i32
        %mul3A_327 = arith.muli %add3A_325, %mul3A_326 : i32
        %get3A_328 = arith.index_cast %mul3A_327 : i32 to index
        %get3A_329 = tpu.vector_load %arg7[%get3A_328] {strides = array<i32>} : memref<65536xf32, #tpu.memory_space<vmem>>, vector<16xf32>,
        %bitcast3A_330 = vector.bitcast %get3A_329 : vector<16xf32> to vector<16xi32>
        %shift_right_logical3A = arith.constant 10 : i32
        %shift_right_logical3A_331 = vector.broadcast %shift_right_logical3A : i32 to vector<16xi32>
        %shift_right_logical3A_332 = arith.shrui %bitcast3A_330, %shift_right_logical3A_331 : vector<16xi32>
        %and3A = arith.constant 1023 : i32
        %and3A_333 = vector.broadcast %and3A : i32 to vector<16xi32>
        %and3A_334 = arith.andi %shift_right_logical3A_332, %and3A_333 : vector<16xi32>
        %add3A_335 = arith.constant 0 : i32
        %add3A_336 = vector.broadcast %add3A_335 : i32 to vector<16xi32>
        %add3A_337 = arith.addi %and3A_334, %add3A_336 : vector<16xi32>
        %shift_right_logical3A_338 = arith.constant 20 : i32
        %shift_right_logical3A_339 = vector.broadcast %shift_right_logical3A_338 : i32 to vector<16xi32>
        %shift_right_logical3A_340 = arith.shrui %bitcast3A_330, %shift_right_logical3A_339 : vector<16xi32>
        %eq3A = vector.broadcast %or3A : i32 to vector<16xi32>
        %eq3A_341 = arith.cmpi eq, %shift_right_logical3A_340, %eq3A : vector<16xi32>
        tpu.vector_store_idx %arg8[%add3A_337], %broadcast_in_dim3A_9 masked %eq3A_341 {add = true} : memref<8192xi32, #tpu.memory_space<vmem>>[vector<16xi32>], vector<16xi32>, vector<16xi1>
        %mul3A_342 = arith.constant 8 : i32
        %mul3A_343 = arith.muli %scan3A_320, %mul3A_342 : i32
        %add3A_344 = arith.constant 1 : i32
        %add3A_345 = arith.addi %mul3A_343, %add3A_344 : i32
        %mul3A_346 = arith.constant 16 : i32
        %mul3A_347 = arith.muli %add3A_345, %mul3A_346 : i32
        %get3A_348 = arith.index_cast %mul3A_347 : i32 to index
        %get3A_349 = tpu.vector_load %arg7[%get3A_348] {strides = array<i32>} : memref<65536xf32, #tpu.memory_space<vmem>>, vector<16xf32>,
        %bitcast3A_350 = vector.bitcast %get3A_349 : vector<16xf32> to vector<16xi32>
        %shift_right_logical3A_351 = arith.constant 10 : i32
        %shift_right_logical3A_352 = vector.broadcast %shift_right_logical3A_351 : i32 to vector<16xi32>
        %shift_right_logical3A_353 = arith.shrui %bitcast3A_350, %shift_right_logical3A_352 : vector<16xi32>
        %and3A_354 = arith.constant 1023 : i32
        %and3A_355 = vector.broadcast %and3A_354 : i32 to vector<16xi32>
        %and3A_356 = arith.andi %shift_right_logical3A_353, %and3A_355 : vector<16xi32>
        %add3A_357 = arith.constant 2048 : i32
        %add3A_358 = vector.broadcast %add3A_357 : i32 to vector<16xi32>
        %add3A_359 = arith.addi %and3A_356, %add3A_358 : vector<16xi32>
        %shift_right_logical3A_360 = arith.constant 20 : i32
        %shift_right_logical3A_361 = vector.broadcast %shift_right_logical3A_360 : i32 to vector<16xi32>
        %shift_right_logical3A_362 = arith.shrui %bitcast3A_350, %shift_right_logical3A_361 : vector<16xi32>
        %eq3A_363 = vector.broadcast %or3A : i32 to vector<16xi32>
        %eq3A_364 = arith.cmpi eq, %shift_right_logical3A_362, %eq3A_363 : vector<16xi32>
        tpu.vector_store_idx %arg8[%add3A_359], %broadcast_in_dim3A_9 masked %eq3A_364 {add = true} : memref<8192xi32, #tpu.memory_space<vmem>>[vector<16xi32>], vector<16xi32>, vector<16xi1>
        %mul3A_365 = arith.constant 8 : i32
        %mul3A_366 = arith.muli %scan3A_320, %mul3A_365 : i32
        %add3A_367 = arith.constant 2 : i32
        %add3A_368 = arith.addi %mul3A_366, %add3A_367 : i32
        %mul3A_369 = arith.constant 16 : i32
        %mul3A_370 = arith.muli %add3A_368, %mul3A_369 : i32
        %get3A_371 = arith.index_cast %mul3A_370 : i32 to index
        %get3A_372 = tpu.vector_load %arg7[%get3A_371] {strides = array<i32>} : memref<65536xf32, #tpu.memory_space<vmem>>, vector<16xf32>,
        %bitcast3A_373 = vector.bitcast %get3A_372 : vector<16xf32> to vector<16xi32>
        %shift_right_logical3A_374 = arith.constant 10 : i32
        %shift_right_logical3A_375 = vector.broadcast %shift_right_logical3A_374 : i32 to vector<16xi32>
        %shift_right_logical3A_376 = arith.shrui %bitcast3A_373, %shift_right_logical3A_375 : vector<16xi32>
        %and3A_377 = arith.constant 1023 : i32
        %and3A_378 = vector.broadcast %and3A_377 : i32 to vector<16xi32>
        %and3A_379 = arith.andi %shift_right_logical3A_376, %and3A_378 : vector<16xi32>
        %add3A_380 = arith.constant 4096 : i32
        %add3A_381 = vector.broadcast %add3A_380 : i32 to vector<16xi32>
        %add3A_382 = arith.addi %and3A_379, %add3A_381 : vector<16xi32>
        %shift_right_logical3A_383 = arith.constant 20 : i32
        %shift_right_logical3A_384 = vector.broadcast %shift_right_logical3A_383 : i32 to vector<16xi32>
        %shift_right_logical3A_385 = arith.shrui %bitcast3A_373, %shift_right_logical3A_384 : vector<16xi32>
        %eq3A_386 = vector.broadcast %or3A : i32 to vector<16xi32>
        %eq3A_387 = arith.cmpi eq, %shift_right_logical3A_385, %eq3A_386 : vector<16xi32>
        tpu.vector_store_idx %arg8[%add3A_382], %broadcast_in_dim3A_9 masked %eq3A_387 {add = true} : memref<8192xi32, #tpu.memory_space<vmem>>[vector<16xi32>], vector<16xi32>, vector<16xi1>
        %mul3A_388 = arith.constant 8 : i32
        %mul3A_389 = arith.muli %scan3A_320, %mul3A_388 : i32
        %add3A_390 = arith.constant 3 : i32
        %add3A_391 = arith.addi %mul3A_389, %add3A_390 : i32
        %mul3A_392 = arith.constant 16 : i32
        %mul3A_393 = arith.muli %add3A_391, %mul3A_392 : i32
        %get3A_394 = arith.index_cast %mul3A_393 : i32 to index
        %get3A_395 = tpu.vector_load %arg7[%get3A_394] {strides = array<i32>} : memref<65536xf32, #tpu.memory_space<vmem>>, vector<16xf32>,
        %bitcast3A_396 = vector.bitcast %get3A_395 : vector<16xf32> to vector<16xi32>
        %shift_right_logical3A_397 = arith.constant 10 : i32
        %shift_right_logical3A_398 = vector.broadcast %shift_right_logical3A_397 : i32 to vector<16xi32>
        %shift_right_logical3A_399 = arith.shrui %bitcast3A_396, %shift_right_logical3A_398 : vector<16xi32>
        %and3A_400 = arith.constant 1023 : i32
        %and3A_401 = vector.broadcast %and3A_400 : i32 to vector<16xi32>
        %and3A_402 = arith.andi %shift_right_logical3A_399, %and3A_401 : vector<16xi32>
        %add3A_403 = arith.constant 6144 : i32
        %add3A_404 = vector.broadcast %add3A_403 : i32 to vector<16xi32>
        %add3A_405 = arith.addi %and3A_402, %add3A_404 : vector<16xi32>
        %shift_right_logical3A_406 = arith.constant 20 : i32
        %shift_right_logical3A_407 = vector.broadcast %shift_right_logical3A_406 : i32 to vector<16xi32>
        %shift_right_logical3A_408 = arith.shrui %bitcast3A_396, %shift_right_logical3A_407 : vector<16xi32>
        %eq3A_409 = vector.broadcast %or3A : i32 to vector<16xi32>
        %eq3A_410 = arith.cmpi eq, %shift_right_logical3A_408, %eq3A_409 : vector<16xi32>
        tpu.vector_store_idx %arg8[%add3A_405], %broadcast_in_dim3A_9 masked %eq3A_410 {add = true} : memref<8192xi32, #tpu.memory_space<vmem>>[vector<16xi32>], vector<16xi32>, vector<16xi1>
        %mul3A_411 = arith.constant 8 : i32
        %mul3A_412 = arith.muli %scan3A_320, %mul3A_411 : i32
        %add3A_413 = arith.constant 4 : i32
        %add3A_414 = arith.addi %mul3A_412, %add3A_413 : i32
        %mul3A_415 = arith.constant 16 : i32
        %mul3A_416 = arith.muli %add3A_414, %mul3A_415 : i32
        %get3A_417 = arith.index_cast %mul3A_416 : i32 to index
        %get3A_418 = tpu.vector_load %arg7[%get3A_417] {strides = array<i32>} : memref<65536xf32, #tpu.memory_space<vmem>>, vector<16xf32>,
        %bitcast3A_419 = vector.bitcast %get3A_418 : vector<16xf32> to vector<16xi32>
        %shift_right_logical3A_420 = arith.constant 10 : i32
        %shift_right_logical3A_421 = vector.broadcast %shift_right_logical3A_420 : i32 to vector<16xi32>
        %shift_right_logical3A_422 = arith.shrui %bitcast3A_419, %shift_right_logical3A_421 : vector<16xi32>
        %and3A_423 = arith.constant 1023 : i32
        %and3A_424 = vector.broadcast %and3A_423 : i32 to vector<16xi32>
        %and3A_425 = arith.andi %shift_right_logical3A_422, %and3A_424 : vector<16xi32>
        %add3A_426 = arith.constant 0 : i32
        %add3A_427 = vector.broadcast %add3A_426 : i32 to vector<16xi32>
        %add3A_428 = arith.addi %and3A_425, %add3A_427 : vector<16xi32>
        %shift_right_logical3A_429 = arith.constant 20 : i32
        %shift_right_logical3A_430 = vector.broadcast %shift_right_logical3A_429 : i32 to vector<16xi32>
        %shift_right_logical3A_431 = arith.shrui %bitcast3A_419, %shift_right_logical3A_430 : vector<16xi32>
        %eq3A_432 = vector.broadcast %or3A : i32 to vector<16xi32>
        %eq3A_433 = arith.cmpi eq, %shift_right_logical3A_431, %eq3A_432 : vector<16xi32>
        tpu.vector_store_idx %arg8[%add3A_428], %broadcast_in_dim3A_9 masked %eq3A_433 {add = true} : memref<8192xi32, #tpu.memory_space<vmem>>[vector<16xi32>], vector<16xi32>, vector<16xi1>
        %mul3A_434 = arith.constant 8 : i32
        %mul3A_435 = arith.muli %scan3A_320, %mul3A_434 : i32
        %add3A_436 = arith.constant 5 : i32
        %add3A_437 = arith.addi %mul3A_435, %add3A_436 : i32
        %mul3A_438 = arith.constant 16 : i32
        %mul3A_439 = arith.muli %add3A_437, %mul3A_438 : i32
        %get3A_440 = arith.index_cast %mul3A_439 : i32 to index
        %get3A_441 = tpu.vector_load %arg7[%get3A_440] {strides = array<i32>} : memref<65536xf32, #tpu.memory_space<vmem>>, vector<16xf32>,
        %bitcast3A_442 = vector.bitcast %get3A_441 : vector<16xf32> to vector<16xi32>
        %shift_right_logical3A_443 = arith.constant 10 : i32
        %shift_right_logical3A_444 = vector.broadcast %shift_right_logical3A_443 : i32 to vector<16xi32>
        %shift_right_logical3A_445 = arith.shrui %bitcast3A_442, %shift_right_logical3A_444 : vector<16xi32>
        %and3A_446 = arith.constant 1023 : i32
        %and3A_447 = vector.broadcast %and3A_446 : i32 to vector<16xi32>
        %and3A_448 = arith.andi %shift_right_logical3A_445, %and3A_447 : vector<16xi32>
        %add3A_449 = arith.constant 2048 : i32
        %add3A_450 = vector.broadcast %add3A_449 : i32 to vector<16xi32>
        %add3A_451 = arith.addi %and3A_448, %add3A_450 : vector<16xi32>
        %shift_right_logical3A_452 = arith.constant 20 : i32
        %shift_right_logical3A_453 = vector.broadcast %shift_right_logical3A_452 : i32 to vector<16xi32>
        %shift_right_logical3A_454 = arith.shrui %bitcast3A_442, %shift_right_logical3A_453 : vector<16xi32>
        %eq3A_455 = vector.broadcast %or3A : i32 to vector<16xi32>
        %eq3A_456 = arith.cmpi eq, %shift_right_logical3A_454, %eq3A_455 : vector<16xi32>
        tpu.vector_store_idx %arg8[%add3A_451], %broadcast_in_dim3A_9 masked %eq3A_456 {add = true} : memref<8192xi32, #tpu.memory_space<vmem>>[vector<16xi32>], vector<16xi32>, vector<16xi1>
        %mul3A_457 = arith.constant 8 : i32
        %mul3A_458 = arith.muli %scan3A_320, %mul3A_457 : i32
        %add3A_459 = arith.constant 6 : i32
        %add3A_460 = arith.addi %mul3A_458, %add3A_459 : i32
        %mul3A_461 = arith.constant 16 : i32
        %mul3A_462 = arith.muli %add3A_460, %mul3A_461 : i32
        %get3A_463 = arith.index_cast %mul3A_462 : i32 to index
        %get3A_464 = tpu.vector_load %arg7[%get3A_463] {strides = array<i32>} : memref<65536xf32, #tpu.memory_space<vmem>>, vector<16xf32>,
        %bitcast3A_465 = vector.bitcast %get3A_464 : vector<16xf32> to vector<16xi32>
        %shift_right_logical3A_466 = arith.constant 10 : i32
        %shift_right_logical3A_467 = vector.broadcast %shift_right_logical3A_466 : i32 to vector<16xi32>
        %shift_right_logical3A_468 = arith.shrui %bitcast3A_465, %shift_right_logical3A_467 : vector<16xi32>
        %and3A_469 = arith.constant 1023 : i32
        %and3A_470 = vector.broadcast %and3A_469 : i32 to vector<16xi32>
        %and3A_471 = arith.andi %shift_right_logical3A_468, %and3A_470 : vector<16xi32>
        %add3A_472 = arith.constant 4096 : i32
        %add3A_473 = vector.broadcast %add3A_472 : i32 to vector<16xi32>
        %add3A_474 = arith.addi %and3A_471, %add3A_473 : vector<16xi32>
        %shift_right_logical3A_475 = arith.constant 20 : i32
        %shift_right_logical3A_476 = vector.broadcast %shift_right_logical3A_475 : i32 to vector<16xi32>
        %shift_right_logical3A_477 = arith.shrui %bitcast3A_465, %shift_right_logical3A_476 : vector<16xi32>
        %eq3A_478 = vector.broadcast %or3A : i32 to vector<16xi32>
        %eq3A_479 = arith.cmpi eq, %shift_right_logical3A_477, %eq3A_478 : vector<16xi32>
        tpu.vector_store_idx %arg8[%add3A_474], %broadcast_in_dim3A_9 masked %eq3A_479 {add = true} : memref<8192xi32, #tpu.memory_space<vmem>>[vector<16xi32>], vector<16xi32>, vector<16xi1>
        %mul3A_480 = arith.constant 8 : i32
        %mul3A_481 = arith.muli %scan3A_320, %mul3A_480 : i32
        %add3A_482 = arith.constant 7 : i32
        %add3A_483 = arith.addi %mul3A_481, %add3A_482 : i32
        %mul3A_484 = arith.constant 16 : i32
        %mul3A_485 = arith.muli %add3A_483, %mul3A_484 : i32
        %get3A_486 = arith.index_cast %mul3A_485 : i32 to index
        %get3A_487 = tpu.vector_load %arg7[%get3A_486] {strides = array<i32>} : memref<65536xf32, #tpu.memory_space<vmem>>, vector<16xf32>,
        %bitcast3A_488 = vector.bitcast %get3A_487 : vector<16xf32> to vector<16xi32>
        %shift_right_logical3A_489 = arith.constant 10 : i32
        %shift_right_logical3A_490 = vector.broadcast %shift_right_logical3A_489 : i32 to vector<16xi32>
        %shift_right_logical3A_491 = arith.shrui %bitcast3A_488, %shift_right_logical3A_490 : vector<16xi32>
        %and3A_492 = arith.constant 1023 : i32
        %and3A_493 = vector.broadcast %and3A_492 : i32 to vector<16xi32>
        %and3A_494 = arith.andi %shift_right_logical3A_491, %and3A_493 : vector<16xi32>
        %add3A_495 = arith.constant 6144 : i32
        %add3A_496 = vector.broadcast %add3A_495 : i32 to vector<16xi32>
        %add3A_497 = arith.addi %and3A_494, %add3A_496 : vector<16xi32>
        %shift_right_logical3A_498 = arith.constant 20 : i32
        %shift_right_logical3A_499 = vector.broadcast %shift_right_logical3A_498 : i32 to vector<16xi32>
        %shift_right_logical3A_500 = arith.shrui %bitcast3A_488, %shift_right_logical3A_499 : vector<16xi32>
        %eq3A_501 = vector.broadcast %or3A : i32 to vector<16xi32>
        %eq3A_502 = arith.cmpi eq, %shift_right_logical3A_500, %eq3A_501 : vector<16xi32>
        tpu.vector_store_idx %arg8[%add3A_497], %broadcast_in_dim3A_9 masked %eq3A_502 {add = true} : memref<8192xi32, #tpu.memory_space<vmem>>[vector<16xi32>], vector<16xi32>, vector<16xi1>
        %scan3A_503 = arith.constant 0 : i32
        scf.yield %scan3A_503 : i32
      }
      %scan3A_242 = arith.constant 512 : i32
      %scan3A_243 = arith.constant 0 : i32
      %scan3A_244 = arith.constant 0 : i32
      %scan3A_245 = arith.constant 128 : i32
      %scan3A_246 = arith.addi %scan3A_244, %scan3A_245 : i32
      %scan3A_247 = arith.constant 1 : i32
      %scan3A_248 = scf.for %scan3A_320 = %scan3A_244 to %scan3A_246 step %scan3A_247 iter_args(%scan3A_321 = %scan3A_243) -> (i32)  : i32 {
        %mul3A_322 = arith.constant 16 : i32
        %mul3A_323 = arith.muli %scan3A_320, %mul3A_322 : i32
        %get3A_324 = arith.index_cast %mul3A_323 : i32 to index
        %get3A_325 = tpu.vector_load %arg8[%get3A_324] {strides = array<i32>} : memref<8192xi32, #tpu.memory_space<vmem>>, vector<16xi32>,
        %mul3A_326 = arith.constant 16 : i32
        %mul3A_327 = arith.muli %scan3A_320, %mul3A_326 : i32
        %add3A_328 = arith.constant 2048 : i32
        %add3A_329 = arith.addi %add3A_328, %mul3A_327 : i32
        %get3A_330 = arith.index_cast %add3A_329 : i32 to index
        %get3A_331 = tpu.vector_load %arg8[%get3A_330] {strides = array<i32>} : memref<8192xi32, #tpu.memory_space<vmem>>, vector<16xi32>,
        %add3A_332 = arith.addi %get3A_325, %get3A_331 : vector<16xi32>
        %mul3A_333 = arith.constant 16 : i32
        %mul3A_334 = arith.muli %scan3A_320, %mul3A_333 : i32
        %add3A_335 = arith.constant 4096 : i32
        %add3A_336 = arith.addi %add3A_335, %mul3A_334 : i32
        %get3A_337 = arith.index_cast %add3A_336 : i32 to index
        %get3A_338 = tpu.vector_load %arg8[%get3A_337] {strides = array<i32>} : memref<8192xi32, #tpu.memory_space<vmem>>, vector<16xi32>,
        %add3A_339 = arith.addi %add3A_332, %get3A_338 : vector<16xi32>
        %mul3A_340 = arith.constant 16 : i32
        %mul3A_341 = arith.muli %scan3A_320, %mul3A_340 : i32
        %add3A_342 = arith.constant 6144 : i32
        %add3A_343 = arith.addi %add3A_342, %mul3A_341 : i32
        %get3A_344 = arith.index_cast %add3A_343 : i32 to index
        %get3A_345 = tpu.vector_load %arg8[%get3A_344] {strides = array<i32>} : memref<8192xi32, #tpu.memory_space<vmem>>, vector<16xi32>,
        %add3A_346 = arith.addi %add3A_339, %get3A_345 : vector<16xi32>
        %mul3A_347 = arith.constant 16 : i32
        %mul3A_348 = arith.muli %scan3A_320, %mul3A_347 : i32
        %swap3A_349 = arith.index_cast %mul3A_348 : i32 to index
        %swap3A_350 = tpu.vector_load %arg8[%swap3A_349] {strides = array<i32>} : memref<8192xi32, #tpu.memory_space<vmem>>, vector<16xi32>,
        tpu.vector_store %arg8[%swap3A_349], %add3A_346 {strides = array<i32>} : memref<8192xi32, #tpu.memory_space<vmem>>, vector<16xi32>,
        %scan3A_351 = arith.constant 0 : i32
        scf.yield %scan3A_351 : i32
      }
      %scan3A_249 = arith.constant 128 : i32
      "tpu.region"() ({
        %run_scoped3A = tpu.sem_alloc : memref<!tpu.dma_semaphore, #tpu.memory_space<semaphore_mem>>
        %dma_start3A = arith.constant 0 : i32
        %dma_start3A_320 = tpu.memref_slice %arg8[%dma_start3A] : memref<8192xi32, #tpu.memory_space<vmem>> -> memref<2048xi32, #tpu.memory_space<vmem>>
        %dma_start3A_321 = arith.constant 0 : i32
        %dma_start3A_322 = tpu.memref_slice %arg15[%arg1, %dma_start3A_321] : memref<16x2048xi32, #tpu.memory_space<vmem_shared>> -> memref<1x2048xi32, #tpu.memory_space<vmem_shared>>
        %dma_start3A_323 = tpu.memref_squeeze %dma_start3A_322 : memref<1x2048xi32, #tpu.memory_space<vmem_shared>> -> memref<2048xi32, #tpu.memory_space<vmem_shared>>
        %dma_start3A_324 = arith.constant 0 : i32
        %dma_start3A_325 = tpu.memref_slice %arg15[%arg1, %dma_start3A_324] : memref<16x2048xi32, #tpu.memory_space<vmem_shared>> -> memref<1x2048xi32, #tpu.memory_space<vmem_shared>>
        %dma_start3A_326 = tpu.memref_squeeze %dma_start3A_325 : memref<1x2048xi32, #tpu.memory_space<vmem_shared>> -> memref<2048xi32, #tpu.memory_space<vmem_shared>>
        %dma_start3A_327 = arith.constant 0 : i32
        %dma_start3A_328 = tpu.memref_slice %arg8[%dma_start3A_327] : memref<8192xi32, #tpu.memory_space<vmem>> -> memref<2048xi32, #tpu.memory_space<vmem>>
        tpu.enqueue_dma source(%dma_start3A_328 : memref<2048xi32, #tpu.memory_space<vmem>>) target(%dma_start3A_326 : memref<2048xi32, #tpu.memory_space<vmem_shared>>) target_semaphore(%run_scoped3A : memref<!tpu.dma_semaphore, #tpu.memory_space<semaphore_mem>>)
        %dma_wait3A = arith.constant 0 : i32
        %dma_wait3A_329 = tpu.memref_slice %arg8[%dma_wait3A] : memref<8192xi32, #tpu.memory_space<vmem>> -> memref<2048xi32, #tpu.memory_space<vmem>>
        %dma_wait3A_330 = arith.constant 0 : i32
        %dma_wait3A_331 = tpu.memref_slice %arg15[%arg1, %dma_wait3A_330] : memref<16x2048xi32, #tpu.memory_space<vmem_shared>> -> memref<1x2048xi32, #tpu.memory_space<vmem_shared>>
        %dma_wait3A_332 = tpu.memref_squeeze %dma_wait3A_331 : memref<1x2048xi32, #tpu.memory_space<vmem_shared>> -> memref<2048xi32, #tpu.memory_space<vmem_shared>>
        %dma_wait3A_333 = arith.constant 0 : i32
        %dma_wait3A_334 = tpu.memref_slice %arg15[%arg1, %dma_wait3A_333] : memref<16x2048xi32, #tpu.memory_space<vmem_shared>> -> memref<1x2048xi32, #tpu.memory_space<vmem_shared>>
        %dma_wait3A_335 = tpu.memref_squeeze %dma_wait3A_334 : memref<1x2048xi32, #tpu.memory_space<vmem_shared>> -> memref<2048xi32, #tpu.memory_space<vmem_shared>>
        %dma_wait3A_336 = arith.constant 0 : i32
        %dma_wait3A_337 = tpu.memref_slice %arg8[%dma_wait3A_336] : memref<8192xi32, #tpu.memory_space<vmem>> -> memref<2048xi32, #tpu.memory_space<vmem>>
        tpu.wait_dma2 semaphore(%run_scoped3A : memref<!tpu.dma_semaphore, #tpu.memory_space<semaphore_mem>>) src(%dma_wait3A_337 : memref<2048xi32, #tpu.memory_space<vmem>>) dst(%dma_wait3A_335 : memref<2048xi32, #tpu.memory_space<vmem_shared>>)
        tpu.yield
      }) : () -> ()
      %barrier3A_250 = arith.constant 0 : index
      tpu.barrier barrier_id(%barrier3A_250)
      "tpu.region"() ({
        %run_scoped3A = tpu.sem_alloc : memref<!tpu.dma_semaphore, #tpu.memory_space<semaphore_mem>>
        tpu.enqueue_dma source(%arg15 : memref<16x2048xi32, #tpu.memory_space<vmem_shared>>) target(%arg9 : memref<16x2048xi32, #tpu.memory_space<vmem>>) target_semaphore(%run_scoped3A : memref<!tpu.dma_semaphore, #tpu.memory_space<semaphore_mem>>)
        tpu.wait_dma2 semaphore(%run_scoped3A : memref<!tpu.dma_semaphore, #tpu.memory_space<semaphore_mem>>) src(%arg15 : memref<16x2048xi32, #tpu.memory_space<vmem_shared>>) dst(%arg9 : memref<16x2048xi32, #tpu.memory_space<vmem>>)
        tpu.yield
      }) : () -> ()
      %barrier3A_251 = arith.constant 0 : index
      tpu.barrier barrier_id(%barrier3A_251)
      %scan3A_252 = arith.constant 0 : i32
      %scan3A_253 = arith.constant 0 : i32
      %scan3A_254 = arith.constant 128 : i32
      %scan3A_255 = arith.addi %scan3A_253, %scan3A_254 : i32
      %scan3A_256 = arith.constant 1 : i32
      %scan3A_257 = scf.for %scan3A_320 = %scan3A_253 to %scan3A_255 step %scan3A_256 iter_args(%scan3A_321 = %scan3A_252) -> (i32)  : i32 {
        %mul3A_322 = arith.constant 16 : i32
        %mul3A_323 = arith.muli %scan3A_320, %mul3A_322 : i32
        %get3A_324 = arith.constant 0 : i32
        %get3A_325 = arith.index_cast %get3A_324 : i32 to index
        %get3A_326 = arith.index_cast %mul3A_323 : i32 to index
        %get3A_327 = tpu.vector_load %arg9[%get3A_325, %get3A_326] {strides = array<i32>} : memref<16x2048xi32, #tpu.memory_space<vmem>>, vector<16xi32>,
        %add3A_328 = arith.addi %broadcast_in_dim3A_11, %get3A_327 : vector<16xi32>
        %mul3A_329 = arith.constant 16 : i32
        %mul3A_330 = arith.muli %scan3A_320, %mul3A_329 : i32
        %get3A_331 = arith.constant 1 : i32
        %get3A_332 = arith.index_cast %get3A_331 : i32 to index
        %get3A_333 = arith.index_cast %mul3A_330 : i32 to index
        %get3A_334 = tpu.vector_load %arg9[%get3A_332, %get3A_333] {strides = array<i32>} : memref<16x2048xi32, #tpu.memory_space<vmem>>, vector<16xi32>,
        %add3A_335 = arith.addi %add3A_328, %get3A_334 : vector<16xi32>
        %mul3A_336 = arith.constant 16 : i32
        %mul3A_337 = arith.muli %scan3A_320, %mul3A_336 : i32
        %get3A_338 = arith.constant 2 : i32
        %get3A_339 = arith.index_cast %get3A_338 : i32 to index
        %get3A_340 = arith.index_cast %mul3A_337 : i32 to index
        %get3A_341 = tpu.vector_load %arg9[%get3A_339, %get3A_340] {strides = array<i32>} : memref<16x2048xi32, #tpu.memory_space<vmem>>, vector<16xi32>,
        %add3A_342 = arith.addi %add3A_335, %get3A_341 : vector<16xi32>
        %mul3A_343 = arith.constant 16 : i32
        %mul3A_344 = arith.muli %scan3A_320, %mul3A_343 : i32
        %get3A_345 = arith.constant 3 : i32
        %get3A_346 = arith.index_cast %get3A_345 : i32 to index
        %get3A_347 = arith.index_cast %mul3A_344 : i32 to index
        %get3A_348 = tpu.vector_load %arg9[%get3A_346, %get3A_347] {strides = array<i32>} : memref<16x2048xi32, #tpu.memory_space<vmem>>, vector<16xi32>,
        %add3A_349 = arith.addi %add3A_342, %get3A_348 : vector<16xi32>
        %mul3A_350 = arith.constant 16 : i32
        %mul3A_351 = arith.muli %scan3A_320, %mul3A_350 : i32
        %get3A_352 = arith.constant 4 : i32
        %get3A_353 = arith.index_cast %get3A_352 : i32 to index
        %get3A_354 = arith.index_cast %mul3A_351 : i32 to index
        %get3A_355 = tpu.vector_load %arg9[%get3A_353, %get3A_354] {strides = array<i32>} : memref<16x2048xi32, #tpu.memory_space<vmem>>, vector<16xi32>,
        %add3A_356 = arith.addi %add3A_349, %get3A_355 : vector<16xi32>
        %mul3A_357 = arith.constant 16 : i32
        %mul3A_358 = arith.muli %scan3A_320, %mul3A_357 : i32
        %get3A_359 = arith.constant 5 : i32
        %get3A_360 = arith.index_cast %get3A_359 : i32 to index
        %get3A_361 = arith.index_cast %mul3A_358 : i32 to index
        %get3A_362 = tpu.vector_load %arg9[%get3A_360, %get3A_361] {strides = array<i32>} : memref<16x2048xi32, #tpu.memory_space<vmem>>, vector<16xi32>,
        %add3A_363 = arith.addi %add3A_356, %get3A_362 : vector<16xi32>
        %mul3A_364 = arith.constant 16 : i32
        %mul3A_365 = arith.muli %scan3A_320, %mul3A_364 : i32
        %get3A_366 = arith.constant 6 : i32
        %get3A_367 = arith.index_cast %get3A_366 : i32 to index
        %get3A_368 = arith.index_cast %mul3A_365 : i32 to index
        %get3A_369 = tpu.vector_load %arg9[%get3A_367, %get3A_368] {strides = array<i32>} : memref<16x2048xi32, #tpu.memory_space<vmem>>, vector<16xi32>,
        %add3A_370 = arith.addi %add3A_363, %get3A_369 : vector<16xi32>
        %mul3A_371 = arith.constant 16 : i32
        %mul3A_372 = arith.muli %scan3A_320, %mul3A_371 : i32
        %get3A_373 = arith.constant 7 : i32
        %get3A_374 = arith.index_cast %get3A_373 : i32 to index
        %get3A_375 = arith.index_cast %mul3A_372 : i32 to index
        %get3A_376 = tpu.vector_load %arg9[%get3A_374, %get3A_375] {strides = array<i32>} : memref<16x2048xi32, #tpu.memory_space<vmem>>, vector<16xi32>,
        %add3A_377 = arith.addi %add3A_370, %get3A_376 : vector<16xi32>
        %mul3A_378 = arith.constant 16 : i32
        %mul3A_379 = arith.muli %scan3A_320, %mul3A_378 : i32
        %get3A_380 = arith.constant 8 : i32
        %get3A_381 = arith.index_cast %get3A_380 : i32 to index
        %get3A_382 = arith.index_cast %mul3A_379 : i32 to index
        %get3A_383 = tpu.vector_load %arg9[%get3A_381, %get3A_382] {strides = array<i32>} : memref<16x2048xi32, #tpu.memory_space<vmem>>, vector<16xi32>,
        %add3A_384 = arith.addi %add3A_377, %get3A_383 : vector<16xi32>
        %mul3A_385 = arith.constant 16 : i32
        %mul3A_386 = arith.muli %scan3A_320, %mul3A_385 : i32
        %get3A_387 = arith.constant 9 : i32
        %get3A_388 = arith.index_cast %get3A_387 : i32 to index
        %get3A_389 = arith.index_cast %mul3A_386 : i32 to index
        %get3A_390 = tpu.vector_load %arg9[%get3A_388, %get3A_389] {strides = array<i32>} : memref<16x2048xi32, #tpu.memory_space<vmem>>, vector<16xi32>,
        %add3A_391 = arith.addi %add3A_384, %get3A_390 : vector<16xi32>
        %mul3A_392 = arith.constant 16 : i32
        %mul3A_393 = arith.muli %scan3A_320, %mul3A_392 : i32
        %get3A_394 = arith.constant 10 : i32
        %get3A_395 = arith.index_cast %get3A_394 : i32 to index
        %get3A_396 = arith.index_cast %mul3A_393 : i32 to index
        %get3A_397 = tpu.vector_load %arg9[%get3A_395, %get3A_396] {strides = array<i32>} : memref<16x2048xi32, #tpu.memory_space<vmem>>, vector<16xi32>,
        %add3A_398 = arith.addi %add3A_391, %get3A_397 : vector<16xi32>
        %mul3A_399 = arith.constant 16 : i32
        %mul3A_400 = arith.muli %scan3A_320, %mul3A_399 : i32
        %get3A_401 = arith.constant 11 : i32
        %get3A_402 = arith.index_cast %get3A_401 : i32 to index
        %get3A_403 = arith.index_cast %mul3A_400 : i32 to index
        %get3A_404 = tpu.vector_load %arg9[%get3A_402, %get3A_403] {strides = array<i32>} : memref<16x2048xi32, #tpu.memory_space<vmem>>, vector<16xi32>,
        %add3A_405 = arith.addi %add3A_398, %get3A_404 : vector<16xi32>
        %mul3A_406 = arith.constant 16 : i32
        %mul3A_407 = arith.muli %scan3A_320, %mul3A_406 : i32
        %get3A_408 = arith.constant 12 : i32
        %get3A_409 = arith.index_cast %get3A_408 : i32 to index
        %get3A_410 = arith.index_cast %mul3A_407 : i32 to index
        %get3A_411 = tpu.vector_load %arg9[%get3A_409, %get3A_410] {strides = array<i32>} : memref<16x2048xi32, #tpu.memory_space<vmem>>, vector<16xi32>,
        %add3A_412 = arith.addi %add3A_405, %get3A_411 : vector<16xi32>
        %mul3A_413 = arith.constant 16 : i32
        %mul3A_414 = arith.muli %scan3A_320, %mul3A_413 : i32
        %get3A_415 = arith.constant 13 : i32
        %get3A_416 = arith.index_cast %get3A_415 : i32 to index
        %get3A_417 = arith.index_cast %mul3A_414 : i32 to index
        %get3A_418 = tpu.vector_load %arg9[%get3A_416, %get3A_417] {strides = array<i32>} : memref<16x2048xi32, #tpu.memory_space<vmem>>, vector<16xi32>,
        %add3A_419 = arith.addi %add3A_412, %get3A_418 : vector<16xi32>
        %mul3A_420 = arith.constant 16 : i32
        %mul3A_421 = arith.muli %scan3A_320, %mul3A_420 : i32
        %get3A_422 = arith.constant 14 : i32
        %get3A_423 = arith.index_cast %get3A_422 : i32 to index
        %get3A_424 = arith.index_cast %mul3A_421 : i32 to index
        %get3A_425 = tpu.vector_load %arg9[%get3A_423, %get3A_424] {strides = array<i32>} : memref<16x2048xi32, #tpu.memory_space<vmem>>, vector<16xi32>,
        %add3A_426 = arith.addi %add3A_419, %get3A_425 : vector<16xi32>
        %mul3A_427 = arith.constant 16 : i32
        %mul3A_428 = arith.muli %scan3A_320, %mul3A_427 : i32
        %get3A_429 = arith.constant 15 : i32
        %get3A_430 = arith.index_cast %get3A_429 : i32 to index
        %get3A_431 = arith.index_cast %mul3A_428 : i32 to index
        %get3A_432 = tpu.vector_load %arg9[%get3A_430, %get3A_431] {strides = array<i32>} : memref<16x2048xi32, #tpu.memory_space<vmem>>, vector<16xi32>,
        %add3A_433 = arith.addi %add3A_426, %get3A_432 : vector<16xi32>
        %mul3A_434 = arith.constant 16 : i32
        %mul3A_435 = arith.muli %scan3A_320, %mul3A_434 : i32
        %swap3A_436 = arith.index_cast %mul3A_435 : i32 to index
        %swap3A_437 = tpu.vector_load %arg8[%swap3A_436] {strides = array<i32>} : memref<8192xi32, #tpu.memory_space<vmem>>, vector<16xi32>,
        tpu.vector_store %arg8[%swap3A_436], %add3A_433 {strides = array<i32>} : memref<8192xi32, #tpu.memory_space<vmem>>, vector<16xi32>,
        %scan3A_438 = arith.constant 0 : i32
        scf.yield %scan3A_438 : i32
      }
      %scan3A_258 = arith.constant 128 : i32
      %scan3A_259 = arith.constant 0 : i32
      %scan3A_260 = arith.constant -1 : i32
      %scan3A_261 = arith.constant 0 : i32
      %scan3A_262 = arith.constant 0 : i32
      %scan3A_263 = arith.constant 128 : i32
      %scan3A_264 = arith.addi %scan3A_262, %scan3A_263 : i32
      %scan3A_265 = arith.constant 1 : i32
      %scan3A_266:3 = scf.for %scan3A_320 = %scan3A_262 to %scan3A_264 step %scan3A_265 iter_args(%scan3A_321 = %scan3A_259, %scan3A_322 = %scan3A_260, %scan3A_323 = %scan3A_261) -> (i32, i32, i32)  : i32 {
        %mul3A_324 = arith.constant 16 : i32
        %mul3A_325 = arith.muli %scan3A_320, %mul3A_324 : i32
        %get3A_326 = arith.index_cast %mul3A_325 : i32 to index
        %get3A_327 = tpu.vector_load %arg8[%get3A_326] {strides = array<i32>} : memref<8192xi32, #tpu.memory_space<vmem>>, vector<16xi32>,
        %broadcast_in_dim3A_328 = arith.constant true
        %broadcast_in_dim3A_329 = vector.broadcast %broadcast_in_dim3A_328 : i1 to vector<16xi1>
        %masked_cumsum3A_330 = tpu.scan <sum>, %get3A_327 masked %broadcast_in_dim3A_329 : vector<16xi32>, vector<16xi1> -> vector<16xi32>
        %add3A_331 = vector.broadcast %scan3A_321 : i32 to vector<16xi32>
        %add3A_332 = arith.addi %add3A_331, %masked_cumsum3A_330 : vector<16xi32>
        %sub3A_333 = arith.subi %add3A_332, %get3A_327 : vector<16xi32>
        %le3A_334 = vector.broadcast %sub3A : i32 to vector<16xi32>
        %le3A_335 = arith.cmpi sle, %sub3A_333, %le3A_334 : vector<16xi32>
        %add3A_336 = arith.addi %sub3A_333, %get3A_327 : vector<16xi32>
        %lt3A = vector.broadcast %sub3A : i32 to vector<16xi32>
        %lt3A_337 = arith.cmpi slt, %lt3A, %add3A_336 : vector<16xi32>
        %and3A = arith.andi %le3A_335, %lt3A_337 : vector<16xi1>
        %mul3A_338 = arith.constant 16 : i32
        %mul3A_339 = arith.muli %scan3A_320, %mul3A_338 : i32
        %add3A_340 = vector.broadcast %mul3A_339 : i32 to vector<16xi32>
        %add3A_341 = arith.addi %iota3A, %add3A_340 : vector<16xi32>
        %jit3A = arith.constant -1 : i32
        %broadcast_in_dim3A_342 = vector.broadcast %jit3A : i32 to vector<16xi32>
        %select_n3A = arith.select %and3A, %add3A_341, %broadcast_in_dim3A_342 : vector<16xi1>, vector<16xi32>
        %reduce_max3A_343 = arith.constant true
        %reduce_max3A_344 = vector.broadcast %reduce_max3A_343 : i1 to vector<16xi1>
        %reduce_max3A_345 = arith.constant -2147483648 : i32
        %reduce_max3A_346 = vector.broadcast %reduce_max3A_345 : i32 to vector<16xi32>
        %reduce_max3A_347 = arith.xori %select_n3A, %reduce_max3A_346 : vector<16xi32>
        %reduce_max3A_348 = tpu.scan <max>, %reduce_max3A_347 masked %reduce_max3A_344 : vector<16xi32>, vector<16xi1> -> vector<16xi32>
        %reduce_max3A_349 = arith.xori %reduce_max3A_348, %reduce_max3A_346 : vector<16xi32>
        %reduce_max3A_350 = vector.extract %reduce_max3A_349[15] : i32 from vector<16xi32>
        %max3A_351 = arith.maxsi %scan3A_322, %reduce_max3A_350 : i32
        %jit3A_352 = arith.constant 0 : i32
        %broadcast_in_dim3A_353 = vector.broadcast %jit3A_352 : i32 to vector<16xi32>
        %select_n3A_354 = arith.select %and3A, %sub3A_333, %broadcast_in_dim3A_353 : vector<16xi1>, vector<16xi32>
        %reduce_max3A_355 = arith.constant true
        %reduce_max3A_356 = vector.broadcast %reduce_max3A_355 : i1 to vector<16xi1>
        %reduce_max3A_357 = arith.constant -2147483648 : i32
        %reduce_max3A_358 = vector.broadcast %reduce_max3A_357 : i32 to vector<16xi32>
        %reduce_max3A_359 = arith.xori %select_n3A_354, %reduce_max3A_358 : vector<16xi32>
        %reduce_max3A_360 = tpu.scan <max>, %reduce_max3A_359 masked %reduce_max3A_356 : vector<16xi32>, vector<16xi1> -> vector<16xi32>
        %reduce_max3A_361 = arith.xori %reduce_max3A_360, %reduce_max3A_358 : vector<16xi32>
        %reduce_max3A_362 = vector.extract %reduce_max3A_361[15] : i32 from vector<16xi32>
        %max3A_363 = arith.maxsi %scan3A_323, %reduce_max3A_362 : i32
        %reduce_max3A_364 = arith.constant true
        %reduce_max3A_365 = vector.broadcast %reduce_max3A_364 : i1 to vector<16xi1>
        %reduce_max3A_366 = arith.constant -2147483648 : i32
        %reduce_max3A_367 = vector.broadcast %reduce_max3A_366 : i32 to vector<16xi32>
        %reduce_max3A_368 = arith.xori %masked_cumsum3A_330, %reduce_max3A_367 : vector<16xi32>
        %reduce_max3A_369 = tpu.scan <max>, %reduce_max3A_368 masked %reduce_max3A_365 : vector<16xi32>, vector<16xi1> -> vector<16xi32>
        %reduce_max3A_370 = arith.xori %reduce_max3A_369, %reduce_max3A_367 : vector<16xi32>
        %reduce_max3A_371 = vector.extract %reduce_max3A_370[15] : i32 from vector<16xi32>
        %add3A_372 = arith.addi %scan3A_321, %reduce_max3A_371 : i32
        scf.yield %add3A_372, %max3A_351, %max3A_363 : i32, i32, i32
      }
      %scan3A_267 = arith.constant 128 : i32
      %sub3A_268 = arith.subi %sub3A, %scan3A_266#2 : i32
      %shift_left3A_269 = arith.constant 10 : i32
      %shift_left3A_270 = arith.shli %or3A, %shift_left3A_269 : i32
      %or3A_271 = arith.ori %shift_left3A_270, %scan3A_266#1 : i32
      %scan3A_272 = arith.constant 0 : i32
      %scan3A_273 = arith.constant 0 : i32
      %scan3A_274 = arith.constant 512 : i32
      %scan3A_275 = arith.addi %scan3A_273, %scan3A_274 : i32
      %scan3A_276 = arith.constant 1 : i32
      %scan3A_277 = scf.for %scan3A_320 = %scan3A_273 to %scan3A_275 step %scan3A_276 iter_args(%scan3A_321 = %scan3A_272) -> (i32)  : i32 {
        %mul3A_322 = arith.constant 16 : i32
        %mul3A_323 = arith.muli %scan3A_320, %mul3A_322 : i32
        %swap3A_324 = arith.index_cast %mul3A_323 : i32 to index
        %swap3A_325 = tpu.vector_load %arg8[%swap3A_324] {strides = array<i32>} : memref<8192xi32, #tpu.memory_space<vmem>>, vector<16xi32>,
        tpu.vector_store %arg8[%swap3A_324], %broadcast_in_dim3A_11 {strides = array<i32>} : memref<8192xi32, #tpu.memory_space<vmem>>, vector<16xi32>,
        %scan3A_326 = arith.constant 0 : i32
        scf.yield %scan3A_326 : i32
      }
      %scan3A_278 = arith.constant 512 : i32
      %scan3A_279 = arith.constant 0 : i32
      %scan3A_280 = arith.constant 0 : i32
      %scan3A_281 = arith.constant 512 : i32
      %scan3A_282 = arith.addi %scan3A_280, %scan3A_281 : i32
      %scan3A_283 = arith.constant 1 : i32
      %scan3A_284 = scf.for %scan3A_320 = %scan3A_280 to %scan3A_282 step %scan3A_283 iter_args(%scan3A_321 = %scan3A_279) -> (i32)  : i32 {
        %mul3A_322 = arith.constant 8 : i32
        %mul3A_323 = arith.muli %scan3A_320, %mul3A_322 : i32
        %add3A_324 = arith.constant 0 : i32
        %add3A_325 = arith.addi %mul3A_323, %add3A_324 : i32
        %mul3A_326 = arith.constant 16 : i32
        %mul3A_327 = arith.muli %add3A_325, %mul3A_326 : i32
        %get3A_328 = arith.index_cast %mul3A_327 : i32 to index
        %get3A_329 = tpu.vector_load %arg7[%get3A_328] {strides = array<i32>} : memref<65536xf32, #tpu.memory_space<vmem>>, vector<16xf32>,
        %bitcast3A_330 = vector.bitcast %get3A_329 : vector<16xf32> to vector<16xi32>
        %shift_right_logical3A = arith.constant 0 : i32
        %shift_right_logical3A_331 = vector.broadcast %shift_right_logical3A : i32 to vector<16xi32>
        %shift_right_logical3A_332 = arith.shrui %bitcast3A_330, %shift_right_logical3A_331 : vector<16xi32>
        %and3A = arith.constant 1023 : i32
        %and3A_333 = vector.broadcast %and3A : i32 to vector<16xi32>
        %and3A_334 = arith.andi %shift_right_logical3A_332, %and3A_333 : vector<16xi32>
        %add3A_335 = arith.constant 0 : i32
        %add3A_336 = vector.broadcast %add3A_335 : i32 to vector<16xi32>
        %add3A_337 = arith.addi %and3A_334, %add3A_336 : vector<16xi32>
        %shift_right_logical3A_338 = arith.constant 10 : i32
        %shift_right_logical3A_339 = vector.broadcast %shift_right_logical3A_338 : i32 to vector<16xi32>
        %shift_right_logical3A_340 = arith.shrui %bitcast3A_330, %shift_right_logical3A_339 : vector<16xi32>
        %eq3A = vector.broadcast %or3A_271 : i32 to vector<16xi32>
        %eq3A_341 = arith.cmpi eq, %shift_right_logical3A_340, %eq3A : vector<16xi32>
        tpu.vector_store_idx %arg8[%add3A_337], %broadcast_in_dim3A_9 masked %eq3A_341 {add = true} : memref<8192xi32, #tpu.memory_space<vmem>>[vector<16xi32>], vector<16xi32>, vector<16xi1>
        %mul3A_342 = arith.constant 8 : i32
        %mul3A_343 = arith.muli %scan3A_320, %mul3A_342 : i32
        %add3A_344 = arith.constant 1 : i32
        %add3A_345 = arith.addi %mul3A_343, %add3A_344 : i32
        %mul3A_346 = arith.constant 16 : i32
        %mul3A_347 = arith.muli %add3A_345, %mul3A_346 : i32
        %get3A_348 = arith.index_cast %mul3A_347 : i32 to index
        %get3A_349 = tpu.vector_load %arg7[%get3A_348] {strides = array<i32>} : memref<65536xf32, #tpu.memory_space<vmem>>, vector<16xf32>,
        %bitcast3A_350 = vector.bitcast %get3A_349 : vector<16xf32> to vector<16xi32>
        %shift_right_logical3A_351 = arith.constant 0 : i32
        %shift_right_logical3A_352 = vector.broadcast %shift_right_logical3A_351 : i32 to vector<16xi32>
        %shift_right_logical3A_353 = arith.shrui %bitcast3A_350, %shift_right_logical3A_352 : vector<16xi32>
        %and3A_354 = arith.constant 1023 : i32
        %and3A_355 = vector.broadcast %and3A_354 : i32 to vector<16xi32>
        %and3A_356 = arith.andi %shift_right_logical3A_353, %and3A_355 : vector<16xi32>
        %add3A_357 = arith.constant 2048 : i32
        %add3A_358 = vector.broadcast %add3A_357 : i32 to vector<16xi32>
        %add3A_359 = arith.addi %and3A_356, %add3A_358 : vector<16xi32>
        %shift_right_logical3A_360 = arith.constant 10 : i32
        %shift_right_logical3A_361 = vector.broadcast %shift_right_logical3A_360 : i32 to vector<16xi32>
        %shift_right_logical3A_362 = arith.shrui %bitcast3A_350, %shift_right_logical3A_361 : vector<16xi32>
        %eq3A_363 = vector.broadcast %or3A_271 : i32 to vector<16xi32>
        %eq3A_364 = arith.cmpi eq, %shift_right_logical3A_362, %eq3A_363 : vector<16xi32>
        tpu.vector_store_idx %arg8[%add3A_359], %broadcast_in_dim3A_9 masked %eq3A_364 {add = true} : memref<8192xi32, #tpu.memory_space<vmem>>[vector<16xi32>], vector<16xi32>, vector<16xi1>
        %mul3A_365 = arith.constant 8 : i32
        %mul3A_366 = arith.muli %scan3A_320, %mul3A_365 : i32
        %add3A_367 = arith.constant 2 : i32
        %add3A_368 = arith.addi %mul3A_366, %add3A_367 : i32
        %mul3A_369 = arith.constant 16 : i32
        %mul3A_370 = arith.muli %add3A_368, %mul3A_369 : i32
        %get3A_371 = arith.index_cast %mul3A_370 : i32 to index
        %get3A_372 = tpu.vector_load %arg7[%get3A_371] {strides = array<i32>} : memref<65536xf32, #tpu.memory_space<vmem>>, vector<16xf32>,
        %bitcast3A_373 = vector.bitcast %get3A_372 : vector<16xf32> to vector<16xi32>
        %shift_right_logical3A_374 = arith.constant 0 : i32
        %shift_right_logical3A_375 = vector.broadcast %shift_right_logical3A_374 : i32 to vector<16xi32>
        %shift_right_logical3A_376 = arith.shrui %bitcast3A_373, %shift_right_logical3A_375 : vector<16xi32>
        %and3A_377 = arith.constant 1023 : i32
        %and3A_378 = vector.broadcast %and3A_377 : i32 to vector<16xi32>
        %and3A_379 = arith.andi %shift_right_logical3A_376, %and3A_378 : vector<16xi32>
        %add3A_380 = arith.constant 4096 : i32
        %add3A_381 = vector.broadcast %add3A_380 : i32 to vector<16xi32>
        %add3A_382 = arith.addi %and3A_379, %add3A_381 : vector<16xi32>
        %shift_right_logical3A_383 = arith.constant 10 : i32
        %shift_right_logical3A_384 = vector.broadcast %shift_right_logical3A_383 : i32 to vector<16xi32>
        %shift_right_logical3A_385 = arith.shrui %bitcast3A_373, %shift_right_logical3A_384 : vector<16xi32>
        %eq3A_386 = vector.broadcast %or3A_271 : i32 to vector<16xi32>
        %eq3A_387 = arith.cmpi eq, %shift_right_logical3A_385, %eq3A_386 : vector<16xi32>
        tpu.vector_store_idx %arg8[%add3A_382], %broadcast_in_dim3A_9 masked %eq3A_387 {add = true} : memref<8192xi32, #tpu.memory_space<vmem>>[vector<16xi32>], vector<16xi32>, vector<16xi1>
        %mul3A_388 = arith.constant 8 : i32
        %mul3A_389 = arith.muli %scan3A_320, %mul3A_388 : i32
        %add3A_390 = arith.constant 3 : i32
        %add3A_391 = arith.addi %mul3A_389, %add3A_390 : i32
        %mul3A_392 = arith.constant 16 : i32
        %mul3A_393 = arith.muli %add3A_391, %mul3A_392 : i32
        %get3A_394 = arith.index_cast %mul3A_393 : i32 to index
        %get3A_395 = tpu.vector_load %arg7[%get3A_394] {strides = array<i32>} : memref<65536xf32, #tpu.memory_space<vmem>>, vector<16xf32>,
        %bitcast3A_396 = vector.bitcast %get3A_395 : vector<16xf32> to vector<16xi32>
        %shift_right_logical3A_397 = arith.constant 0 : i32
        %shift_right_logical3A_398 = vector.broadcast %shift_right_logical3A_397 : i32 to vector<16xi32>
        %shift_right_logical3A_399 = arith.shrui %bitcast3A_396, %shift_right_logical3A_398 : vector<16xi32>
        %and3A_400 = arith.constant 1023 : i32
        %and3A_401 = vector.broadcast %and3A_400 : i32 to vector<16xi32>
        %and3A_402 = arith.andi %shift_right_logical3A_399, %and3A_401 : vector<16xi32>
        %add3A_403 = arith.constant 6144 : i32
        %add3A_404 = vector.broadcast %add3A_403 : i32 to vector<16xi32>
        %add3A_405 = arith.addi %and3A_402, %add3A_404 : vector<16xi32>
        %shift_right_logical3A_406 = arith.constant 10 : i32
        %shift_right_logical3A_407 = vector.broadcast %shift_right_logical3A_406 : i32 to vector<16xi32>
        %shift_right_logical3A_408 = arith.shrui %bitcast3A_396, %shift_right_logical3A_407 : vector<16xi32>
        %eq3A_409 = vector.broadcast %or3A_271 : i32 to vector<16xi32>
        %eq3A_410 = arith.cmpi eq, %shift_right_logical3A_408, %eq3A_409 : vector<16xi32>
        tpu.vector_store_idx %arg8[%add3A_405], %broadcast_in_dim3A_9 masked %eq3A_410 {add = true} : memref<8192xi32, #tpu.memory_space<vmem>>[vector<16xi32>], vector<16xi32>, vector<16xi1>
        %mul3A_411 = arith.constant 8 : i32
        %mul3A_412 = arith.muli %scan3A_320, %mul3A_411 : i32
        %add3A_413 = arith.constant 4 : i32
        %add3A_414 = arith.addi %mul3A_412, %add3A_413 : i32
        %mul3A_415 = arith.constant 16 : i32
        %mul3A_416 = arith.muli %add3A_414, %mul3A_415 : i32
        %get3A_417 = arith.index_cast %mul3A_416 : i32 to index
        %get3A_418 = tpu.vector_load %arg7[%get3A_417] {strides = array<i32>} : memref<65536xf32, #tpu.memory_space<vmem>>, vector<16xf32>,
        %bitcast3A_419 = vector.bitcast %get3A_418 : vector<16xf32> to vector<16xi32>
        %shift_right_logical3A_420 = arith.constant 0 : i32
        %shift_right_logical3A_421 = vector.broadcast %shift_right_logical3A_420 : i32 to vector<16xi32>
        %shift_right_logical3A_422 = arith.shrui %bitcast3A_419, %shift_right_logical3A_421 : vector<16xi32>
        %and3A_423 = arith.constant 1023 : i32
        %and3A_424 = vector.broadcast %and3A_423 : i32 to vector<16xi32>
        %and3A_425 = arith.andi %shift_right_logical3A_422, %and3A_424 : vector<16xi32>
        %add3A_426 = arith.constant 0 : i32
        %add3A_427 = vector.broadcast %add3A_426 : i32 to vector<16xi32>
        %add3A_428 = arith.addi %and3A_425, %add3A_427 : vector<16xi32>
        %shift_right_logical3A_429 = arith.constant 10 : i32
        %shift_right_logical3A_430 = vector.broadcast %shift_right_logical3A_429 : i32 to vector<16xi32>
        %shift_right_logical3A_431 = arith.shrui %bitcast3A_419, %shift_right_logical3A_430 : vector<16xi32>
        %eq3A_432 = vector.broadcast %or3A_271 : i32 to vector<16xi32>
        %eq3A_433 = arith.cmpi eq, %shift_right_logical3A_431, %eq3A_432 : vector<16xi32>
        tpu.vector_store_idx %arg8[%add3A_428], %broadcast_in_dim3A_9 masked %eq3A_433 {add = true} : memref<8192xi32, #tpu.memory_space<vmem>>[vector<16xi32>], vector<16xi32>, vector<16xi1>
        %mul3A_434 = arith.constant 8 : i32
        %mul3A_435 = arith.muli %scan3A_320, %mul3A_434 : i32
        %add3A_436 = arith.constant 5 : i32
        %add3A_437 = arith.addi %mul3A_435, %add3A_436 : i32
        %mul3A_438 = arith.constant 16 : i32
        %mul3A_439 = arith.muli %add3A_437, %mul3A_438 : i32
        %get3A_440 = arith.index_cast %mul3A_439 : i32 to index
        %get3A_441 = tpu.vector_load %arg7[%get3A_440] {strides = array<i32>} : memref<65536xf32, #tpu.memory_space<vmem>>, vector<16xf32>,
        %bitcast3A_442 = vector.bitcast %get3A_441 : vector<16xf32> to vector<16xi32>
        %shift_right_logical3A_443 = arith.constant 0 : i32
        %shift_right_logical3A_444 = vector.broadcast %shift_right_logical3A_443 : i32 to vector<16xi32>
        %shift_right_logical3A_445 = arith.shrui %bitcast3A_442, %shift_right_logical3A_444 : vector<16xi32>
        %and3A_446 = arith.constant 1023 : i32
        %and3A_447 = vector.broadcast %and3A_446 : i32 to vector<16xi32>
        %and3A_448 = arith.andi %shift_right_logical3A_445, %and3A_447 : vector<16xi32>
        %add3A_449 = arith.constant 2048 : i32
        %add3A_450 = vector.broadcast %add3A_449 : i32 to vector<16xi32>
        %add3A_451 = arith.addi %and3A_448, %add3A_450 : vector<16xi32>
        %shift_right_logical3A_452 = arith.constant 10 : i32
        %shift_right_logical3A_453 = vector.broadcast %shift_right_logical3A_452 : i32 to vector<16xi32>
        %shift_right_logical3A_454 = arith.shrui %bitcast3A_442, %shift_right_logical3A_453 : vector<16xi32>
        %eq3A_455 = vector.broadcast %or3A_271 : i32 to vector<16xi32>
        %eq3A_456 = arith.cmpi eq, %shift_right_logical3A_454, %eq3A_455 : vector<16xi32>
        tpu.vector_store_idx %arg8[%add3A_451], %broadcast_in_dim3A_9 masked %eq3A_456 {add = true} : memref<8192xi32, #tpu.memory_space<vmem>>[vector<16xi32>], vector<16xi32>, vector<16xi1>
        %mul3A_457 = arith.constant 8 : i32
        %mul3A_458 = arith.muli %scan3A_320, %mul3A_457 : i32
        %add3A_459 = arith.constant 6 : i32
        %add3A_460 = arith.addi %mul3A_458, %add3A_459 : i32
        %mul3A_461 = arith.constant 16 : i32
        %mul3A_462 = arith.muli %add3A_460, %mul3A_461 : i32
        %get3A_463 = arith.index_cast %mul3A_462 : i32 to index
        %get3A_464 = tpu.vector_load %arg7[%get3A_463] {strides = array<i32>} : memref<65536xf32, #tpu.memory_space<vmem>>, vector<16xf32>,
        %bitcast3A_465 = vector.bitcast %get3A_464 : vector<16xf32> to vector<16xi32>
        %shift_right_logical3A_466 = arith.constant 0 : i32
        %shift_right_logical3A_467 = vector.broadcast %shift_right_logical3A_466 : i32 to vector<16xi32>
        %shift_right_logical3A_468 = arith.shrui %bitcast3A_465, %shift_right_logical3A_467 : vector<16xi32>
        %and3A_469 = arith.constant 1023 : i32
        %and3A_470 = vector.broadcast %and3A_469 : i32 to vector<16xi32>
        %and3A_471 = arith.andi %shift_right_logical3A_468, %and3A_470 : vector<16xi32>
        %add3A_472 = arith.constant 4096 : i32
        %add3A_473 = vector.broadcast %add3A_472 : i32 to vector<16xi32>
        %add3A_474 = arith.addi %and3A_471, %add3A_473 : vector<16xi32>
        %shift_right_logical3A_475 = arith.constant 10 : i32
        %shift_right_logical3A_476 = vector.broadcast %shift_right_logical3A_475 : i32 to vector<16xi32>
        %shift_right_logical3A_477 = arith.shrui %bitcast3A_465, %shift_right_logical3A_476 : vector<16xi32>
        %eq3A_478 = vector.broadcast %or3A_271 : i32 to vector<16xi32>
        %eq3A_479 = arith.cmpi eq, %shift_right_logical3A_477, %eq3A_478 : vector<16xi32>
        tpu.vector_store_idx %arg8[%add3A_474], %broadcast_in_dim3A_9 masked %eq3A_479 {add = true} : memref<8192xi32, #tpu.memory_space<vmem>>[vector<16xi32>], vector<16xi32>, vector<16xi1>
        %mul3A_480 = arith.constant 8 : i32
        %mul3A_481 = arith.muli %scan3A_320, %mul3A_480 : i32
        %add3A_482 = arith.constant 7 : i32
        %add3A_483 = arith.addi %mul3A_481, %add3A_482 : i32
        %mul3A_484 = arith.constant 16 : i32
        %mul3A_485 = arith.muli %add3A_483, %mul3A_484 : i32
        %get3A_486 = arith.index_cast %mul3A_485 : i32 to index
        %get3A_487 = tpu.vector_load %arg7[%get3A_486] {strides = array<i32>} : memref<65536xf32, #tpu.memory_space<vmem>>, vector<16xf32>,
        %bitcast3A_488 = vector.bitcast %get3A_487 : vector<16xf32> to vector<16xi32>
        %shift_right_logical3A_489 = arith.constant 0 : i32
        %shift_right_logical3A_490 = vector.broadcast %shift_right_logical3A_489 : i32 to vector<16xi32>
        %shift_right_logical3A_491 = arith.shrui %bitcast3A_488, %shift_right_logical3A_490 : vector<16xi32>
        %and3A_492 = arith.constant 1023 : i32
        %and3A_493 = vector.broadcast %and3A_492 : i32 to vector<16xi32>
        %and3A_494 = arith.andi %shift_right_logical3A_491, %and3A_493 : vector<16xi32>
        %add3A_495 = arith.constant 6144 : i32
        %add3A_496 = vector.broadcast %add3A_495 : i32 to vector<16xi32>
        %add3A_497 = arith.addi %and3A_494, %add3A_496 : vector<16xi32>
        %shift_right_logical3A_498 = arith.constant 10 : i32
        %shift_right_logical3A_499 = vector.broadcast %shift_right_logical3A_498 : i32 to vector<16xi32>
        %shift_right_logical3A_500 = arith.shrui %bitcast3A_488, %shift_right_logical3A_499 : vector<16xi32>
        %eq3A_501 = vector.broadcast %or3A_271 : i32 to vector<16xi32>
        %eq3A_502 = arith.cmpi eq, %shift_right_logical3A_500, %eq3A_501 : vector<16xi32>
        tpu.vector_store_idx %arg8[%add3A_497], %broadcast_in_dim3A_9 masked %eq3A_502 {add = true} : memref<8192xi32, #tpu.memory_space<vmem>>[vector<16xi32>], vector<16xi32>, vector<16xi1>
        %scan3A_503 = arith.constant 0 : i32
        scf.yield %scan3A_503 : i32
      }
      %scan3A_285 = arith.constant 512 : i32
      %scan3A_286 = arith.constant 0 : i32
      %scan3A_287 = arith.constant 0 : i32
      %scan3A_288 = arith.constant 128 : i32
      %scan3A_289 = arith.addi %scan3A_287, %scan3A_288 : i32
      %scan3A_290 = arith.constant 1 : i32
      %scan3A_291 = scf.for %scan3A_320 = %scan3A_287 to %scan3A_289 step %scan3A_290 iter_args(%scan3A_321 = %scan3A_286) -> (i32)  : i32 {
        %mul3A_322 = arith.constant 16 : i32
        %mul3A_323 = arith.muli %scan3A_320, %mul3A_322 : i32
        %get3A_324 = arith.index_cast %mul3A_323 : i32 to index
        %get3A_325 = tpu.vector_load %arg8[%get3A_324] {strides = array<i32>} : memref<8192xi32, #tpu.memory_space<vmem>>, vector<16xi32>,
        %mul3A_326 = arith.constant 16 : i32
        %mul3A_327 = arith.muli %scan3A_320, %mul3A_326 : i32
        %add3A_328 = arith.constant 2048 : i32
        %add3A_329 = arith.addi %add3A_328, %mul3A_327 : i32
        %get3A_330 = arith.index_cast %add3A_329 : i32 to index
        %get3A_331 = tpu.vector_load %arg8[%get3A_330] {strides = array<i32>} : memref<8192xi32, #tpu.memory_space<vmem>>, vector<16xi32>,
        %add3A_332 = arith.addi %get3A_325, %get3A_331 : vector<16xi32>
        %mul3A_333 = arith.constant 16 : i32
        %mul3A_334 = arith.muli %scan3A_320, %mul3A_333 : i32
        %add3A_335 = arith.constant 4096 : i32
        %add3A_336 = arith.addi %add3A_335, %mul3A_334 : i32
        %get3A_337 = arith.index_cast %add3A_336 : i32 to index
        %get3A_338 = tpu.vector_load %arg8[%get3A_337] {strides = array<i32>} : memref<8192xi32, #tpu.memory_space<vmem>>, vector<16xi32>,
        %add3A_339 = arith.addi %add3A_332, %get3A_338 : vector<16xi32>
        %mul3A_340 = arith.constant 16 : i32
        %mul3A_341 = arith.muli %scan3A_320, %mul3A_340 : i32
        %add3A_342 = arith.constant 6144 : i32
        %add3A_343 = arith.addi %add3A_342, %mul3A_341 : i32
        %get3A_344 = arith.index_cast %add3A_343 : i32 to index
        %get3A_345 = tpu.vector_load %arg8[%get3A_344] {strides = array<i32>} : memref<8192xi32, #tpu.memory_space<vmem>>, vector<16xi32>,
        %add3A_346 = arith.addi %add3A_339, %get3A_345 : vector<16xi32>
        %mul3A_347 = arith.constant 16 : i32
        %mul3A_348 = arith.muli %scan3A_320, %mul3A_347 : i32
        %swap3A_349 = arith.index_cast %mul3A_348 : i32 to index
        %swap3A_350 = tpu.vector_load %arg8[%swap3A_349] {strides = array<i32>} : memref<8192xi32, #tpu.memory_space<vmem>>, vector<16xi32>,
        tpu.vector_store %arg8[%swap3A_349], %add3A_346 {strides = array<i32>} : memref<8192xi32, #tpu.memory_space<vmem>>, vector<16xi32>,
        %scan3A_351 = arith.constant 0 : i32
        scf.yield %scan3A_351 : i32
      }
      %scan3A_292 = arith.constant 128 : i32
      "tpu.region"() ({
        %run_scoped3A = tpu.sem_alloc : memref<!tpu.dma_semaphore, #tpu.memory_space<semaphore_mem>>
        %dma_start3A = arith.constant 0 : i32
        %dma_start3A_320 = tpu.memref_slice %arg8[%dma_start3A] : memref<8192xi32, #tpu.memory_space<vmem>> -> memref<2048xi32, #tpu.memory_space<vmem>>
        %dma_start3A_321 = arith.constant 0 : i32
        %dma_start3A_322 = tpu.memref_slice %arg15[%arg1, %dma_start3A_321] : memref<16x2048xi32, #tpu.memory_space<vmem_shared>> -> memref<1x2048xi32, #tpu.memory_space<vmem_shared>>
        %dma_start3A_323 = tpu.memref_squeeze %dma_start3A_322 : memref<1x2048xi32, #tpu.memory_space<vmem_shared>> -> memref<2048xi32, #tpu.memory_space<vmem_shared>>
        %dma_start3A_324 = arith.constant 0 : i32
        %dma_start3A_325 = tpu.memref_slice %arg15[%arg1, %dma_start3A_324] : memref<16x2048xi32, #tpu.memory_space<vmem_shared>> -> memref<1x2048xi32, #tpu.memory_space<vmem_shared>>
        %dma_start3A_326 = tpu.memref_squeeze %dma_start3A_325 : memref<1x2048xi32, #tpu.memory_space<vmem_shared>> -> memref<2048xi32, #tpu.memory_space<vmem_shared>>
        %dma_start3A_327 = arith.constant 0 : i32
        %dma_start3A_328 = tpu.memref_slice %arg8[%dma_start3A_327] : memref<8192xi32, #tpu.memory_space<vmem>> -> memref<2048xi32, #tpu.memory_space<vmem>>
        tpu.enqueue_dma source(%dma_start3A_328 : memref<2048xi32, #tpu.memory_space<vmem>>) target(%dma_start3A_326 : memref<2048xi32, #tpu.memory_space<vmem_shared>>) target_semaphore(%run_scoped3A : memref<!tpu.dma_semaphore, #tpu.memory_space<semaphore_mem>>)
        %dma_wait3A = arith.constant 0 : i32
        %dma_wait3A_329 = tpu.memref_slice %arg8[%dma_wait3A] : memref<8192xi32, #tpu.memory_space<vmem>> -> memref<2048xi32, #tpu.memory_space<vmem>>
        %dma_wait3A_330 = arith.constant 0 : i32
        %dma_wait3A_331 = tpu.memref_slice %arg15[%arg1, %dma_wait3A_330] : memref<16x2048xi32, #tpu.memory_space<vmem_shared>> -> memref<1x2048xi32, #tpu.memory_space<vmem_shared>>
        %dma_wait3A_332 = tpu.memref_squeeze %dma_wait3A_331 : memref<1x2048xi32, #tpu.memory_space<vmem_shared>> -> memref<2048xi32, #tpu.memory_space<vmem_shared>>
        %dma_wait3A_333 = arith.constant 0 : i32
        %dma_wait3A_334 = tpu.memref_slice %arg15[%arg1, %dma_wait3A_333] : memref<16x2048xi32, #tpu.memory_space<vmem_shared>> -> memref<1x2048xi32, #tpu.memory_space<vmem_shared>>
        %dma_wait3A_335 = tpu.memref_squeeze %dma_wait3A_334 : memref<1x2048xi32, #tpu.memory_space<vmem_shared>> -> memref<2048xi32, #tpu.memory_space<vmem_shared>>
        %dma_wait3A_336 = arith.constant 0 : i32
        %dma_wait3A_337 = tpu.memref_slice %arg8[%dma_wait3A_336] : memref<8192xi32, #tpu.memory_space<vmem>> -> memref<2048xi32, #tpu.memory_space<vmem>>
        tpu.wait_dma2 semaphore(%run_scoped3A : memref<!tpu.dma_semaphore, #tpu.memory_space<semaphore_mem>>) src(%dma_wait3A_337 : memref<2048xi32, #tpu.memory_space<vmem>>) dst(%dma_wait3A_335 : memref<2048xi32, #tpu.memory_space<vmem_shared>>)
        tpu.yield
      }) : () -> ()
      %barrier3A_293 = arith.constant 0 : index
      tpu.barrier barrier_id(%barrier3A_293)
      "tpu.region"() ({
        %run_scoped3A = tpu.sem_alloc : memref<!tpu.dma_semaphore, #tpu.memory_space<semaphore_mem>>
        tpu.enqueue_dma source(%arg15 : memref<16x2048xi32, #tpu.memory_space<vmem_shared>>) target(%arg9 : memref<16x2048xi32, #tpu.memory_space<vmem>>) target_semaphore(%run_scoped3A : memref<!tpu.dma_semaphore, #tpu.memory_space<semaphore_mem>>)
        tpu.wait_dma2 semaphore(%run_scoped3A : memref<!tpu.dma_semaphore, #tpu.memory_space<semaphore_mem>>) src(%arg15 : memref<16x2048xi32, #tpu.memory_space<vmem_shared>>) dst(%arg9 : memref<16x2048xi32, #tpu.memory_space<vmem>>)
        tpu.yield
      }) : () -> ()
      %barrier3A_294 = arith.constant 0 : index
      tpu.barrier barrier_id(%barrier3A_294)
      %scan3A_295 = arith.constant 0 : i32
      %scan3A_296 = arith.constant 0 : i32
      %scan3A_297 = arith.constant 128 : i32
      %scan3A_298 = arith.addi %scan3A_296, %scan3A_297 : i32
      %scan3A_299 = arith.constant 1 : i32
      %scan3A_300 = scf.for %scan3A_320 = %scan3A_296 to %scan3A_298 step %scan3A_299 iter_args(%scan3A_321 = %scan3A_295) -> (i32)  : i32 {
        %mul3A_322 = arith.constant 16 : i32
        %mul3A_323 = arith.muli %scan3A_320, %mul3A_322 : i32
        %get3A_324 = arith.constant 0 : i32
        %get3A_325 = arith.index_cast %get3A_324 : i32 to index
        %get3A_326 = arith.index_cast %mul3A_323 : i32 to index
        %get3A_327 = tpu.vector_load %arg9[%get3A_325, %get3A_326] {strides = array<i32>} : memref<16x2048xi32, #tpu.memory_space<vmem>>, vector<16xi32>,
        %add3A_328 = arith.addi %broadcast_in_dim3A_11, %get3A_327 : vector<16xi32>
        %mul3A_329 = arith.constant 16 : i32
        %mul3A_330 = arith.muli %scan3A_320, %mul3A_329 : i32
        %get3A_331 = arith.constant 1 : i32
        %get3A_332 = arith.index_cast %get3A_331 : i32 to index
        %get3A_333 = arith.index_cast %mul3A_330 : i32 to index
        %get3A_334 = tpu.vector_load %arg9[%get3A_332, %get3A_333] {strides = array<i32>} : memref<16x2048xi32, #tpu.memory_space<vmem>>, vector<16xi32>,
        %add3A_335 = arith.addi %add3A_328, %get3A_334 : vector<16xi32>
        %mul3A_336 = arith.constant 16 : i32
        %mul3A_337 = arith.muli %scan3A_320, %mul3A_336 : i32
        %get3A_338 = arith.constant 2 : i32
        %get3A_339 = arith.index_cast %get3A_338 : i32 to index
        %get3A_340 = arith.index_cast %mul3A_337 : i32 to index
        %get3A_341 = tpu.vector_load %arg9[%get3A_339, %get3A_340] {strides = array<i32>} : memref<16x2048xi32, #tpu.memory_space<vmem>>, vector<16xi32>,
        %add3A_342 = arith.addi %add3A_335, %get3A_341 : vector<16xi32>
        %mul3A_343 = arith.constant 16 : i32
        %mul3A_344 = arith.muli %scan3A_320, %mul3A_343 : i32
        %get3A_345 = arith.constant 3 : i32
        %get3A_346 = arith.index_cast %get3A_345 : i32 to index
        %get3A_347 = arith.index_cast %mul3A_344 : i32 to index
        %get3A_348 = tpu.vector_load %arg9[%get3A_346, %get3A_347] {strides = array<i32>} : memref<16x2048xi32, #tpu.memory_space<vmem>>, vector<16xi32>,
        %add3A_349 = arith.addi %add3A_342, %get3A_348 : vector<16xi32>
        %mul3A_350 = arith.constant 16 : i32
        %mul3A_351 = arith.muli %scan3A_320, %mul3A_350 : i32
        %get3A_352 = arith.constant 4 : i32
        %get3A_353 = arith.index_cast %get3A_352 : i32 to index
        %get3A_354 = arith.index_cast %mul3A_351 : i32 to index
        %get3A_355 = tpu.vector_load %arg9[%get3A_353, %get3A_354] {strides = array<i32>} : memref<16x2048xi32, #tpu.memory_space<vmem>>, vector<16xi32>,
        %add3A_356 = arith.addi %add3A_349, %get3A_355 : vector<16xi32>
        %mul3A_357 = arith.constant 16 : i32
        %mul3A_358 = arith.muli %scan3A_320, %mul3A_357 : i32
        %get3A_359 = arith.constant 5 : i32
        %get3A_360 = arith.index_cast %get3A_359 : i32 to index
        %get3A_361 = arith.index_cast %mul3A_358 : i32 to index
        %get3A_362 = tpu.vector_load %arg9[%get3A_360, %get3A_361] {strides = array<i32>} : memref<16x2048xi32, #tpu.memory_space<vmem>>, vector<16xi32>,
        %add3A_363 = arith.addi %add3A_356, %get3A_362 : vector<16xi32>
        %mul3A_364 = arith.constant 16 : i32
        %mul3A_365 = arith.muli %scan3A_320, %mul3A_364 : i32
        %get3A_366 = arith.constant 6 : i32
        %get3A_367 = arith.index_cast %get3A_366 : i32 to index
        %get3A_368 = arith.index_cast %mul3A_365 : i32 to index
        %get3A_369 = tpu.vector_load %arg9[%get3A_367, %get3A_368] {strides = array<i32>} : memref<16x2048xi32, #tpu.memory_space<vmem>>, vector<16xi32>,
        %add3A_370 = arith.addi %add3A_363, %get3A_369 : vector<16xi32>
        %mul3A_371 = arith.constant 16 : i32
        %mul3A_372 = arith.muli %scan3A_320, %mul3A_371 : i32
        %get3A_373 = arith.constant 7 : i32
        %get3A_374 = arith.index_cast %get3A_373 : i32 to index
        %get3A_375 = arith.index_cast %mul3A_372 : i32 to index
        %get3A_376 = tpu.vector_load %arg9[%get3A_374, %get3A_375] {strides = array<i32>} : memref<16x2048xi32, #tpu.memory_space<vmem>>, vector<16xi32>,
        %add3A_377 = arith.addi %add3A_370, %get3A_376 : vector<16xi32>
        %mul3A_378 = arith.constant 16 : i32
        %mul3A_379 = arith.muli %scan3A_320, %mul3A_378 : i32
        %get3A_380 = arith.constant 8 : i32
        %get3A_381 = arith.index_cast %get3A_380 : i32 to index
        %get3A_382 = arith.index_cast %mul3A_379 : i32 to index
        %get3A_383 = tpu.vector_load %arg9[%get3A_381, %get3A_382] {strides = array<i32>} : memref<16x2048xi32, #tpu.memory_space<vmem>>, vector<16xi32>,
        %add3A_384 = arith.addi %add3A_377, %get3A_383 : vector<16xi32>
        %mul3A_385 = arith.constant 16 : i32
        %mul3A_386 = arith.muli %scan3A_320, %mul3A_385 : i32
        %get3A_387 = arith.constant 9 : i32
        %get3A_388 = arith.index_cast %get3A_387 : i32 to index
        %get3A_389 = arith.index_cast %mul3A_386 : i32 to index
        %get3A_390 = tpu.vector_load %arg9[%get3A_388, %get3A_389] {strides = array<i32>} : memref<16x2048xi32, #tpu.memory_space<vmem>>, vector<16xi32>,
        %add3A_391 = arith.addi %add3A_384, %get3A_390 : vector<16xi32>
        %mul3A_392 = arith.constant 16 : i32
        %mul3A_393 = arith.muli %scan3A_320, %mul3A_392 : i32
        %get3A_394 = arith.constant 10 : i32
        %get3A_395 = arith.index_cast %get3A_394 : i32 to index
        %get3A_396 = arith.index_cast %mul3A_393 : i32 to index
        %get3A_397 = tpu.vector_load %arg9[%get3A_395, %get3A_396] {strides = array<i32>} : memref<16x2048xi32, #tpu.memory_space<vmem>>, vector<16xi32>,
        %add3A_398 = arith.addi %add3A_391, %get3A_397 : vector<16xi32>
        %mul3A_399 = arith.constant 16 : i32
        %mul3A_400 = arith.muli %scan3A_320, %mul3A_399 : i32
        %get3A_401 = arith.constant 11 : i32
        %get3A_402 = arith.index_cast %get3A_401 : i32 to index
        %get3A_403 = arith.index_cast %mul3A_400 : i32 to index
        %get3A_404 = tpu.vector_load %arg9[%get3A_402, %get3A_403] {strides = array<i32>} : memref<16x2048xi32, #tpu.memory_space<vmem>>, vector<16xi32>,
        %add3A_405 = arith.addi %add3A_398, %get3A_404 : vector<16xi32>
        %mul3A_406 = arith.constant 16 : i32
        %mul3A_407 = arith.muli %scan3A_320, %mul3A_406 : i32
        %get3A_408 = arith.constant 12 : i32
        %get3A_409 = arith.index_cast %get3A_408 : i32 to index
        %get3A_410 = arith.index_cast %mul3A_407 : i32 to index
        %get3A_411 = tpu.vector_load %arg9[%get3A_409, %get3A_410] {strides = array<i32>} : memref<16x2048xi32, #tpu.memory_space<vmem>>, vector<16xi32>,
        %add3A_412 = arith.addi %add3A_405, %get3A_411 : vector<16xi32>
        %mul3A_413 = arith.constant 16 : i32
        %mul3A_414 = arith.muli %scan3A_320, %mul3A_413 : i32
        %get3A_415 = arith.constant 13 : i32
        %get3A_416 = arith.index_cast %get3A_415 : i32 to index
        %get3A_417 = arith.index_cast %mul3A_414 : i32 to index
        %get3A_418 = tpu.vector_load %arg9[%get3A_416, %get3A_417] {strides = array<i32>} : memref<16x2048xi32, #tpu.memory_space<vmem>>, vector<16xi32>,
        %add3A_419 = arith.addi %add3A_412, %get3A_418 : vector<16xi32>
        %mul3A_420 = arith.constant 16 : i32
        %mul3A_421 = arith.muli %scan3A_320, %mul3A_420 : i32
        %get3A_422 = arith.constant 14 : i32
        %get3A_423 = arith.index_cast %get3A_422 : i32 to index
        %get3A_424 = arith.index_cast %mul3A_421 : i32 to index
        %get3A_425 = tpu.vector_load %arg9[%get3A_423, %get3A_424] {strides = array<i32>} : memref<16x2048xi32, #tpu.memory_space<vmem>>, vector<16xi32>,
        %add3A_426 = arith.addi %add3A_419, %get3A_425 : vector<16xi32>
        %mul3A_427 = arith.constant 16 : i32
        %mul3A_428 = arith.muli %scan3A_320, %mul3A_427 : i32
        %get3A_429 = arith.constant 15 : i32
        %get3A_430 = arith.index_cast %get3A_429 : i32 to index
        %get3A_431 = arith.index_cast %mul3A_428 : i32 to index
        %get3A_432 = tpu.vector_load %arg9[%get3A_430, %get3A_431] {strides = array<i32>} : memref<16x2048xi32, #tpu.memory_space<vmem>>, vector<16xi32>,
        %add3A_433 = arith.addi %add3A_426, %get3A_432 : vector<16xi32>
        %mul3A_434 = arith.constant 16 : i32
        %mul3A_435 = arith.muli %scan3A_320, %mul3A_434 : i32
        %swap3A_436 = arith.index_cast %mul3A_435 : i32 to index
        %swap3A_437 = tpu.vector_load %arg8[%swap3A_436] {strides = array<i32>} : memref<8192xi32, #tpu.memory_space<vmem>>, vector<16xi32>,
        tpu.vector_store %arg8[%swap3A_436], %add3A_433 {strides = array<i32>} : memref<8192xi32, #tpu.memory_space<vmem>>, vector<16xi32>,
        %scan3A_438 = arith.constant 0 : i32
        scf.yield %scan3A_438 : i32
      }
      %scan3A_301 = arith.constant 128 : i32
      %scan3A_302 = arith.constant 0 : i32
      %scan3A_303 = arith.constant -1 : i32
      %scan3A_304 = arith.constant 0 : i32
      %scan3A_305 = arith.constant 0 : i32
      %scan3A_306 = arith.constant 128 : i32
      %scan3A_307 = arith.addi %scan3A_305, %scan3A_306 : i32
      %scan3A_308 = arith.constant 1 : i32
      %scan3A_309:3 = scf.for %scan3A_320 = %scan3A_305 to %scan3A_307 step %scan3A_308 iter_args(%scan3A_321 = %scan3A_302, %scan3A_322 = %scan3A_303, %scan3A_323 = %scan3A_304) -> (i32, i32, i32)  : i32 {
        %mul3A_324 = arith.constant 16 : i32
        %mul3A_325 = arith.muli %scan3A_320, %mul3A_324 : i32
        %get3A_326 = arith.index_cast %mul3A_325 : i32 to index
        %get3A_327 = tpu.vector_load %arg8[%get3A_326] {strides = array<i32>} : memref<8192xi32, #tpu.memory_space<vmem>>, vector<16xi32>,
        %broadcast_in_dim3A_328 = arith.constant true
        %broadcast_in_dim3A_329 = vector.broadcast %broadcast_in_dim3A_328 : i1 to vector<16xi1>
        %masked_cumsum3A_330 = tpu.scan <sum>, %get3A_327 masked %broadcast_in_dim3A_329 : vector<16xi32>, vector<16xi1> -> vector<16xi32>
        %add3A_331 = vector.broadcast %scan3A_321 : i32 to vector<16xi32>
        %add3A_332 = arith.addi %add3A_331, %masked_cumsum3A_330 : vector<16xi32>
        %sub3A_333 = arith.subi %add3A_332, %get3A_327 : vector<16xi32>
        %le3A_334 = vector.broadcast %sub3A_268 : i32 to vector<16xi32>
        %le3A_335 = arith.cmpi sle, %sub3A_333, %le3A_334 : vector<16xi32>
        %add3A_336 = arith.addi %sub3A_333, %get3A_327 : vector<16xi32>
        %lt3A = vector.broadcast %sub3A_268 : i32 to vector<16xi32>
        %lt3A_337 = arith.cmpi slt, %lt3A, %add3A_336 : vector<16xi32>
        %and3A = arith.andi %le3A_335, %lt3A_337 : vector<16xi1>
        %mul3A_338 = arith.constant 16 : i32
        %mul3A_339 = arith.muli %scan3A_320, %mul3A_338 : i32
        %add3A_340 = vector.broadcast %mul3A_339 : i32 to vector<16xi32>
        %add3A_341 = arith.addi %iota3A, %add3A_340 : vector<16xi32>
        %jit3A = arith.constant -1 : i32
        %broadcast_in_dim3A_342 = vector.broadcast %jit3A : i32 to vector<16xi32>
        %select_n3A = arith.select %and3A, %add3A_341, %broadcast_in_dim3A_342 : vector<16xi1>, vector<16xi32>
        %reduce_max3A_343 = arith.constant true
        %reduce_max3A_344 = vector.broadcast %reduce_max3A_343 : i1 to vector<16xi1>
        %reduce_max3A_345 = arith.constant -2147483648 : i32
        %reduce_max3A_346 = vector.broadcast %reduce_max3A_345 : i32 to vector<16xi32>
        %reduce_max3A_347 = arith.xori %select_n3A, %reduce_max3A_346 : vector<16xi32>
        %reduce_max3A_348 = tpu.scan <max>, %reduce_max3A_347 masked %reduce_max3A_344 : vector<16xi32>, vector<16xi1> -> vector<16xi32>
        %reduce_max3A_349 = arith.xori %reduce_max3A_348, %reduce_max3A_346 : vector<16xi32>
        %reduce_max3A_350 = vector.extract %reduce_max3A_349[15] : i32 from vector<16xi32>
        %max3A_351 = arith.maxsi %scan3A_322, %reduce_max3A_350 : i32
        %jit3A_352 = arith.constant 0 : i32
        %broadcast_in_dim3A_353 = vector.broadcast %jit3A_352 : i32 to vector<16xi32>
        %select_n3A_354 = arith.select %and3A, %sub3A_333, %broadcast_in_dim3A_353 : vector<16xi1>, vector<16xi32>
        %reduce_max3A_355 = arith.constant true
        %reduce_max3A_356 = vector.broadcast %reduce_max3A_355 : i1 to vector<16xi1>
        %reduce_max3A_357 = arith.constant -2147483648 : i32
        %reduce_max3A_358 = vector.broadcast %reduce_max3A_357 : i32 to vector<16xi32>
        %reduce_max3A_359 = arith.xori %select_n3A_354, %reduce_max3A_358 : vector<16xi32>
        %reduce_max3A_360 = tpu.scan <max>, %reduce_max3A_359 masked %reduce_max3A_356 : vector<16xi32>, vector<16xi1> -> vector<16xi32>
        %reduce_max3A_361 = arith.xori %reduce_max3A_360, %reduce_max3A_358 : vector<16xi32>
        %reduce_max3A_362 = vector.extract %reduce_max3A_361[15] : i32 from vector<16xi32>
        %max3A_363 = arith.maxsi %scan3A_323, %reduce_max3A_362 : i32
        %reduce_max3A_364 = arith.constant true
        %reduce_max3A_365 = vector.broadcast %reduce_max3A_364 : i1 to vector<16xi1>
        %reduce_max3A_366 = arith.constant -2147483648 : i32
        %reduce_max3A_367 = vector.broadcast %reduce_max3A_366 : i32 to vector<16xi32>
        %reduce_max3A_368 = arith.xori %masked_cumsum3A_330, %reduce_max3A_367 : vector<16xi32>
        %reduce_max3A_369 = tpu.scan <max>, %reduce_max3A_368 masked %reduce_max3A_365 : vector<16xi32>, vector<16xi1> -> vector<16xi32>
        %reduce_max3A_370 = arith.xori %reduce_max3A_369, %reduce_max3A_367 : vector<16xi32>
        %reduce_max3A_371 = vector.extract %reduce_max3A_370[15] : i32 from vector<16xi32>
        %add3A_372 = arith.addi %scan3A_321, %reduce_max3A_371 : i32
        scf.yield %add3A_372, %max3A_351, %max3A_363 : i32, i32, i32
      }
      %scan3A_310 = arith.constant 128 : i32
      %sub3A_311 = arith.subi %sub3A_268, %scan3A_309#2 : i32
      %shift_left3A_312 = arith.constant 10 : i32
      %shift_left3A_313 = arith.shli %or3A_271, %shift_left3A_312 : i32
      %or3A_314 = arith.ori %shift_left3A_313, %scan3A_309#1 : i32
      %broadcast_in_dim3A_315 = vector.broadcast %or3A_314 : i32 to vector<16xi32>
      %bitcast3A = vector.bitcast %broadcast_in_dim3A_315 : vector<16xi32> to vector<16xf32>
      %max3A = arith.constant 0.699999988 : f32
      %max3A_316 = vector.broadcast %max3A : f32 to vector<16xf32>
      %max3A_317 = arith.maximumf %bitcast3A, %max3A_316 : vector<16xf32>
      %swap3A_318 = arith.constant 0 : index
      %swap3A_319 = tpu.vector_load %arg11[%swap3A_318] {strides = array<i32>} : memref<16xf32, #tpu.memory_space<vmem>>, vector<16xf32>,
      tpu.vector_store %arg11[%swap3A_318], %max3A_317 {strides = array<i32>} : memref<16xf32, #tpu.memory_space<vmem>>, vector<16xf32>,
    } else {
    }
    %get3A_123 = arith.constant 0 : index
    %get3A_124 = tpu.vector_load %arg11[%get3A_123] {strides = array<i32>} : memref<16xf32, #tpu.memory_space<vmem>>, vector<16xf32>,
    %reduce_max3A_125 = arith.constant true
    %reduce_max3A_126 = vector.broadcast %reduce_max3A_125 : i1 to vector<16xi1>
    %reduce_max3A_127 = tpu.scan <max>, %get3A_124 masked %reduce_max3A_126 : vector<16xf32>, vector<16xi1> -> vector<16xf32>
    %reduce_max3A_128 = vector.extract %reduce_max3A_127[15] : f32 from vector<16xf32>
    %mul3A_129 = arith.constant 65536 : i32
    %mul3A_130 = arith.muli %arg1, %mul3A_129 : i32
    %add3A_131 = arith.constant 0 : i32
    %add3A_132 = arith.addi %mul3A_130, %add3A_131 : i32
    "tpu.region"() ({
      %run_scoped3A = tpu.sem_alloc : memref<!tpu.dma_semaphore, #tpu.memory_space<semaphore_mem>>
      %dma_start3A = tpu.memref_slice %arg3[%add3A_132] : memref<1048576xf32, #tpu.memory_space<hbm>> -> memref<16384xf32, #tpu.memory_space<hbm>>
      %dma_start3A_188 = tpu.memref_slice %arg3[%add3A_132] : memref<1048576xf32, #tpu.memory_space<hbm>> -> memref<16384xf32, #tpu.memory_space<hbm>>
      tpu.enqueue_dma source(%dma_start3A_188 : memref<16384xf32, #tpu.memory_space<hbm>>) target(%arg12 : memref<16384xf32, #tpu.memory_space<vmem>>) target_semaphore(%run_scoped3A : memref<!tpu.dma_semaphore, #tpu.memory_space<semaphore_mem>>)
      %dma_wait3A = tpu.memref_slice %arg3[%add3A_132] : memref<1048576xf32, #tpu.memory_space<hbm>> -> memref<16384xf32, #tpu.memory_space<hbm>>
      %dma_wait3A_189 = tpu.memref_slice %arg3[%add3A_132] : memref<1048576xf32, #tpu.memory_space<hbm>> -> memref<16384xf32, #tpu.memory_space<hbm>>
      tpu.wait_dma2 semaphore(%run_scoped3A : memref<!tpu.dma_semaphore, #tpu.memory_space<semaphore_mem>>) src(%dma_wait3A_189 : memref<16384xf32, #tpu.memory_space<hbm>>) dst(%arg12 : memref<16384xf32, #tpu.memory_space<vmem>>)
      tpu.yield
    }) : () -> ()
    %scan3A_133 = arith.constant 0 : i32
    %scan3A_134 = arith.constant 128 : i32
    %scan3A_135 = arith.addi %scan3A_133, %scan3A_134 : i32
    %scan3A_136 = arith.constant 1 : i32
    %scan3A_137:16 = scf.for %scan3A_188 = %scan3A_133 to %scan3A_135 step %scan3A_136 iter_args(%scan3A_189 = %broadcast_in_dim3A_13, %scan3A_190 = %broadcast_in_dim3A_13, %scan3A_191 = %broadcast_in_dim3A_13, %scan3A_192 = %broadcast_in_dim3A_13, %scan3A_193 = %broadcast_in_dim3A_13, %scan3A_194 = %broadcast_in_dim3A_13, %scan3A_195 = %broadcast_in_dim3A_13, %scan3A_196 = %broadcast_in_dim3A_13, %scan3A_197 = %broadcast_in_dim3A_11, %scan3A_198 = %broadcast_in_dim3A_11, %scan3A_199 = %broadcast_in_dim3A_11, %scan3A_200 = %broadcast_in_dim3A_11, %scan3A_201 = %broadcast_in_dim3A_11, %scan3A_202 = %broadcast_in_dim3A_11, %scan3A_203 = %broadcast_in_dim3A_11, %scan3A_204 = %broadcast_in_dim3A_11) -> (vector<16xf32>, vector<16xf32>, vector<16xf32>, vector<16xf32>, vector<16xf32>, vector<16xf32>, vector<16xf32>, vector<16xf32>, vector<16xi32>, vector<16xi32>, vector<16xi32>, vector<16xi32>, vector<16xi32>, vector<16xi32>, vector<16xi32>, vector<16xi32>)  : i32 {
      %mul3A_205 = arith.constant 8 : i32
      %mul3A_206 = arith.muli %scan3A_188, %mul3A_205 : i32
      %add3A_207 = arith.constant 0 : i32
      %add3A_208 = arith.addi %mul3A_206, %add3A_207 : i32
      %mul3A_209 = arith.constant 16 : i32
      %mul3A_210 = arith.muli %add3A_208, %mul3A_209 : i32
      %add3A_211 = arith.constant 0 : i32
      %add3A_212 = arith.addi %add3A_211, %mul3A_210 : i32
      %get3A_213 = arith.index_cast %add3A_212 : i32 to index
      %get3A_214 = tpu.vector_load %arg7[%get3A_213] {strides = array<i32>} : memref<65536xf32, #tpu.memory_space<vmem>>, vector<16xf32>,
      %get3A_215 = arith.index_cast %mul3A_210 : i32 to index
      %get3A_216 = tpu.vector_load %arg12[%get3A_215] {strides = array<i32>} : memref<16384xf32, #tpu.memory_space<vmem>>, vector<16xf32>,
      %lt3A = vector.broadcast %reduce_max3A_128 : f32 to vector<16xf32>
      %lt3A_217 = arith.cmpf olt, %get3A_214, %lt3A : vector<16xf32>
      %jit3A = arith.constant 0.000000e+00 : f32
      %broadcast_in_dim3A_218 = vector.broadcast %jit3A : f32 to vector<16xf32>
      %select_n3A = arith.select %lt3A_217, %get3A_216, %broadcast_in_dim3A_218 : vector<16xi1>, vector<16xf32>
      %add3A_219 = arith.addf %scan3A_189, %select_n3A : vector<16xf32>
      %select_n3A_220 = arith.select %lt3A_217, %broadcast_in_dim3A_9, %broadcast_in_dim3A_11 : vector<16xi1>, vector<16xi32>
      %add3A_221 = arith.addi %scan3A_197, %select_n3A_220 : vector<16xi32>
      %mul3A_222 = arith.constant 8 : i32
      %mul3A_223 = arith.muli %scan3A_188, %mul3A_222 : i32
      %add3A_224 = arith.constant 1 : i32
      %add3A_225 = arith.addi %mul3A_223, %add3A_224 : i32
      %mul3A_226 = arith.constant 16 : i32
      %mul3A_227 = arith.muli %add3A_225, %mul3A_226 : i32
      %add3A_228 = arith.constant 0 : i32
      %add3A_229 = arith.addi %add3A_228, %mul3A_227 : i32
      %get3A_230 = arith.index_cast %add3A_229 : i32 to index
      %get3A_231 = tpu.vector_load %arg7[%get3A_230] {strides = array<i32>} : memref<65536xf32, #tpu.memory_space<vmem>>, vector<16xf32>,
      %get3A_232 = arith.index_cast %mul3A_227 : i32 to index
      %get3A_233 = tpu.vector_load %arg12[%get3A_232] {strides = array<i32>} : memref<16384xf32, #tpu.memory_space<vmem>>, vector<16xf32>,
      %lt3A_234 = vector.broadcast %reduce_max3A_128 : f32 to vector<16xf32>
      %lt3A_235 = arith.cmpf olt, %get3A_231, %lt3A_234 : vector<16xf32>
      %jit3A_236 = arith.constant 0.000000e+00 : f32
      %broadcast_in_dim3A_237 = vector.broadcast %jit3A_236 : f32 to vector<16xf32>
      %select_n3A_238 = arith.select %lt3A_235, %get3A_233, %broadcast_in_dim3A_237 : vector<16xi1>, vector<16xf32>
      %add3A_239 = arith.addf %scan3A_190, %select_n3A_238 : vector<16xf32>
      %select_n3A_240 = arith.select %lt3A_235, %broadcast_in_dim3A_9, %broadcast_in_dim3A_11 : vector<16xi1>, vector<16xi32>
      %add3A_241 = arith.addi %scan3A_198, %select_n3A_240 : vector<16xi32>
      %mul3A_242 = arith.constant 8 : i32
      %mul3A_243 = arith.muli %scan3A_188, %mul3A_242 : i32
      %add3A_244 = arith.constant 2 : i32
      %add3A_245 = arith.addi %mul3A_243, %add3A_244 : i32
      %mul3A_246 = arith.constant 16 : i32
      %mul3A_247 = arith.muli %add3A_245, %mul3A_246 : i32
      %add3A_248 = arith.constant 0 : i32
      %add3A_249 = arith.addi %add3A_248, %mul3A_247 : i32
      %get3A_250 = arith.index_cast %add3A_249 : i32 to index
      %get3A_251 = tpu.vector_load %arg7[%get3A_250] {strides = array<i32>} : memref<65536xf32, #tpu.memory_space<vmem>>, vector<16xf32>,
      %get3A_252 = arith.index_cast %mul3A_247 : i32 to index
      %get3A_253 = tpu.vector_load %arg12[%get3A_252] {strides = array<i32>} : memref<16384xf32, #tpu.memory_space<vmem>>, vector<16xf32>,
      %lt3A_254 = vector.broadcast %reduce_max3A_128 : f32 to vector<16xf32>
      %lt3A_255 = arith.cmpf olt, %get3A_251, %lt3A_254 : vector<16xf32>
      %jit3A_256 = arith.constant 0.000000e+00 : f32
      %broadcast_in_dim3A_257 = vector.broadcast %jit3A_256 : f32 to vector<16xf32>
      %select_n3A_258 = arith.select %lt3A_255, %get3A_253, %broadcast_in_dim3A_257 : vector<16xi1>, vector<16xf32>
      %add3A_259 = arith.addf %scan3A_191, %select_n3A_258 : vector<16xf32>
      %select_n3A_260 = arith.select %lt3A_255, %broadcast_in_dim3A_9, %broadcast_in_dim3A_11 : vector<16xi1>, vector<16xi32>
      %add3A_261 = arith.addi %scan3A_199, %select_n3A_260 : vector<16xi32>
      %mul3A_262 = arith.constant 8 : i32
      %mul3A_263 = arith.muli %scan3A_188, %mul3A_262 : i32
      %add3A_264 = arith.constant 3 : i32
      %add3A_265 = arith.addi %mul3A_263, %add3A_264 : i32
      %mul3A_266 = arith.constant 16 : i32
      %mul3A_267 = arith.muli %add3A_265, %mul3A_266 : i32
      %add3A_268 = arith.constant 0 : i32
      %add3A_269 = arith.addi %add3A_268, %mul3A_267 : i32
      %get3A_270 = arith.index_cast %add3A_269 : i32 to index
      %get3A_271 = tpu.vector_load %arg7[%get3A_270] {strides = array<i32>} : memref<65536xf32, #tpu.memory_space<vmem>>, vector<16xf32>,
      %get3A_272 = arith.index_cast %mul3A_267 : i32 to index
      %get3A_273 = tpu.vector_load %arg12[%get3A_272] {strides = array<i32>} : memref<16384xf32, #tpu.memory_space<vmem>>, vector<16xf32>,
      %lt3A_274 = vector.broadcast %reduce_max3A_128 : f32 to vector<16xf32>
      %lt3A_275 = arith.cmpf olt, %get3A_271, %lt3A_274 : vector<16xf32>
      %jit3A_276 = arith.constant 0.000000e+00 : f32
      %broadcast_in_dim3A_277 = vector.broadcast %jit3A_276 : f32 to vector<16xf32>
      %select_n3A_278 = arith.select %lt3A_275, %get3A_273, %broadcast_in_dim3A_277 : vector<16xi1>, vector<16xf32>
      %add3A_279 = arith.addf %scan3A_192, %select_n3A_278 : vector<16xf32>
      %select_n3A_280 = arith.select %lt3A_275, %broadcast_in_dim3A_9, %broadcast_in_dim3A_11 : vector<16xi1>, vector<16xi32>
      %add3A_281 = arith.addi %scan3A_200, %select_n3A_280 : vector<16xi32>
      %mul3A_282 = arith.constant 8 : i32
      %mul3A_283 = arith.muli %scan3A_188, %mul3A_282 : i32
      %add3A_284 = arith.constant 4 : i32
      %add3A_285 = arith.addi %mul3A_283, %add3A_284 : i32
      %mul3A_286 = arith.constant 16 : i32
      %mul3A_287 = arith.muli %add3A_285, %mul3A_286 : i32
      %add3A_288 = arith.constant 0 : i32
      %add3A_289 = arith.addi %add3A_288, %mul3A_287 : i32
      %get3A_290 = arith.index_cast %add3A_289 : i32 to index
      %get3A_291 = tpu.vector_load %arg7[%get3A_290] {strides = array<i32>} : memref<65536xf32, #tpu.memory_space<vmem>>, vector<16xf32>,
      %get3A_292 = arith.index_cast %mul3A_287 : i32 to index
      %get3A_293 = tpu.vector_load %arg12[%get3A_292] {strides = array<i32>} : memref<16384xf32, #tpu.memory_space<vmem>>, vector<16xf32>,
      %lt3A_294 = vector.broadcast %reduce_max3A_128 : f32 to vector<16xf32>
      %lt3A_295 = arith.cmpf olt, %get3A_291, %lt3A_294 : vector<16xf32>
      %jit3A_296 = arith.constant 0.000000e+00 : f32
      %broadcast_in_dim3A_297 = vector.broadcast %jit3A_296 : f32 to vector<16xf32>
      %select_n3A_298 = arith.select %lt3A_295, %get3A_293, %broadcast_in_dim3A_297 : vector<16xi1>, vector<16xf32>
      %add3A_299 = arith.addf %scan3A_193, %select_n3A_298 : vector<16xf32>
      %select_n3A_300 = arith.select %lt3A_295, %broadcast_in_dim3A_9, %broadcast_in_dim3A_11 : vector<16xi1>, vector<16xi32>
      %add3A_301 = arith.addi %scan3A_201, %select_n3A_300 : vector<16xi32>
      %mul3A_302 = arith.constant 8 : i32
      %mul3A_303 = arith.muli %scan3A_188, %mul3A_302 : i32
      %add3A_304 = arith.constant 5 : i32
      %add3A_305 = arith.addi %mul3A_303, %add3A_304 : i32
      %mul3A_306 = arith.constant 16 : i32
      %mul3A_307 = arith.muli %add3A_305, %mul3A_306 : i32
      %add3A_308 = arith.constant 0 : i32
      %add3A_309 = arith.addi %add3A_308, %mul3A_307 : i32
      %get3A_310 = arith.index_cast %add3A_309 : i32 to index
      %get3A_311 = tpu.vector_load %arg7[%get3A_310] {strides = array<i32>} : memref<65536xf32, #tpu.memory_space<vmem>>, vector<16xf32>,
      %get3A_312 = arith.index_cast %mul3A_307 : i32 to index
      %get3A_313 = tpu.vector_load %arg12[%get3A_312] {strides = array<i32>} : memref<16384xf32, #tpu.memory_space<vmem>>, vector<16xf32>,
      %lt3A_314 = vector.broadcast %reduce_max3A_128 : f32 to vector<16xf32>
      %lt3A_315 = arith.cmpf olt, %get3A_311, %lt3A_314 : vector<16xf32>
      %jit3A_316 = arith.constant 0.000000e+00 : f32
      %broadcast_in_dim3A_317 = vector.broadcast %jit3A_316 : f32 to vector<16xf32>
      %select_n3A_318 = arith.select %lt3A_315, %get3A_313, %broadcast_in_dim3A_317 : vector<16xi1>, vector<16xf32>
      %add3A_319 = arith.addf %scan3A_194, %select_n3A_318 : vector<16xf32>
      %select_n3A_320 = arith.select %lt3A_315, %broadcast_in_dim3A_9, %broadcast_in_dim3A_11 : vector<16xi1>, vector<16xi32>
      %add3A_321 = arith.addi %scan3A_202, %select_n3A_320 : vector<16xi32>
      %mul3A_322 = arith.constant 8 : i32
      %mul3A_323 = arith.muli %scan3A_188, %mul3A_322 : i32
      %add3A_324 = arith.constant 6 : i32
      %add3A_325 = arith.addi %mul3A_323, %add3A_324 : i32
      %mul3A_326 = arith.constant 16 : i32
      %mul3A_327 = arith.muli %add3A_325, %mul3A_326 : i32
      %add3A_328 = arith.constant 0 : i32
      %add3A_329 = arith.addi %add3A_328, %mul3A_327 : i32
      %get3A_330 = arith.index_cast %add3A_329 : i32 to index
      %get3A_331 = tpu.vector_load %arg7[%get3A_330] {strides = array<i32>} : memref<65536xf32, #tpu.memory_space<vmem>>, vector<16xf32>,
      %get3A_332 = arith.index_cast %mul3A_327 : i32 to index
      %get3A_333 = tpu.vector_load %arg12[%get3A_332] {strides = array<i32>} : memref<16384xf32, #tpu.memory_space<vmem>>, vector<16xf32>,
      %lt3A_334 = vector.broadcast %reduce_max3A_128 : f32 to vector<16xf32>
      %lt3A_335 = arith.cmpf olt, %get3A_331, %lt3A_334 : vector<16xf32>
      %jit3A_336 = arith.constant 0.000000e+00 : f32
      %broadcast_in_dim3A_337 = vector.broadcast %jit3A_336 : f32 to vector<16xf32>
      %select_n3A_338 = arith.select %lt3A_335, %get3A_333, %broadcast_in_dim3A_337 : vector<16xi1>, vector<16xf32>
      %add3A_339 = arith.addf %scan3A_195, %select_n3A_338 : vector<16xf32>
      %select_n3A_340 = arith.select %lt3A_335, %broadcast_in_dim3A_9, %broadcast_in_dim3A_11 : vector<16xi1>, vector<16xi32>
      %add3A_341 = arith.addi %scan3A_203, %select_n3A_340 : vector<16xi32>
      %mul3A_342 = arith.constant 8 : i32
      %mul3A_343 = arith.muli %scan3A_188, %mul3A_342 : i32
      %add3A_344 = arith.constant 7 : i32
      %add3A_345 = arith.addi %mul3A_343, %add3A_344 : i32
      %mul3A_346 = arith.constant 16 : i32
      %mul3A_347 = arith.muli %add3A_345, %mul3A_346 : i32
      %add3A_348 = arith.constant 0 : i32
      %add3A_349 = arith.addi %add3A_348, %mul3A_347 : i32
      %get3A_350 = arith.index_cast %add3A_349 : i32 to index
      %get3A_351 = tpu.vector_load %arg7[%get3A_350] {strides = array<i32>} : memref<65536xf32, #tpu.memory_space<vmem>>, vector<16xf32>,
      %get3A_352 = arith.index_cast %mul3A_347 : i32 to index
      %get3A_353 = tpu.vector_load %arg12[%get3A_352] {strides = array<i32>} : memref<16384xf32, #tpu.memory_space<vmem>>, vector<16xf32>,
      %lt3A_354 = vector.broadcast %reduce_max3A_128 : f32 to vector<16xf32>
      %lt3A_355 = arith.cmpf olt, %get3A_351, %lt3A_354 : vector<16xf32>
      %jit3A_356 = arith.constant 0.000000e+00 : f32
      %broadcast_in_dim3A_357 = vector.broadcast %jit3A_356 : f32 to vector<16xf32>
      %select_n3A_358 = arith.select %lt3A_355, %get3A_353, %broadcast_in_dim3A_357 : vector<16xi1>, vector<16xf32>
      %add3A_359 = arith.addf %scan3A_196, %select_n3A_358 : vector<16xf32>
      %select_n3A_360 = arith.select %lt3A_355, %broadcast_in_dim3A_9, %broadcast_in_dim3A_11 : vector<16xi1>, vector<16xi32>
      %add3A_361 = arith.addi %scan3A_204, %select_n3A_360 : vector<16xi32>
      scf.yield %add3A_219, %add3A_239, %add3A_259, %add3A_279, %add3A_299, %add3A_319, %add3A_339, %add3A_359, %add3A_221, %add3A_241, %add3A_261, %add3A_281, %add3A_301, %add3A_321, %add3A_341, %add3A_361 : vector<16xf32>, vector<16xf32>, vector<16xf32>, vector<16xf32>, vector<16xf32>, vector<16xf32>, vector<16xf32>, vector<16xf32>, vector<16xi32>, vector<16xi32>, vector<16xi32>, vector<16xi32>, vector<16xi32>, vector<16xi32>, vector<16xi32>, vector<16xi32>
    }
    %scan3A_138 = arith.constant 128 : i32
    %mul3A_139 = arith.constant 65536 : i32
    %mul3A_140 = arith.muli %arg1, %mul3A_139 : i32
    %add3A_141 = arith.constant 16384 : i32
    %add3A_142 = arith.addi %mul3A_140, %add3A_141 : i32
    "tpu.region"() ({
      %run_scoped3A = tpu.sem_alloc : memref<!tpu.dma_semaphore, #tpu.memory_space<semaphore_mem>>
      %dma_start3A = tpu.memref_slice %arg3[%add3A_142] : memref<1048576xf32, #tpu.memory_space<hbm>> -> memref<16384xf32, #tpu.memory_space<hbm>>
      %dma_start3A_188 = tpu.memref_slice %arg3[%add3A_142] : memref<1048576xf32, #tpu.memory_space<hbm>> -> memref<16384xf32, #tpu.memory_space<hbm>>
      tpu.enqueue_dma source(%dma_start3A_188 : memref<16384xf32, #tpu.memory_space<hbm>>) target(%arg12 : memref<16384xf32, #tpu.memory_space<vmem>>) target_semaphore(%run_scoped3A : memref<!tpu.dma_semaphore, #tpu.memory_space<semaphore_mem>>)
      %dma_wait3A = tpu.memref_slice %arg3[%add3A_142] : memref<1048576xf32, #tpu.memory_space<hbm>> -> memref<16384xf32, #tpu.memory_space<hbm>>
      %dma_wait3A_189 = tpu.memref_slice %arg3[%add3A_142] : memref<1048576xf32, #tpu.memory_space<hbm>> -> memref<16384xf32, #tpu.memory_space<hbm>>
      tpu.wait_dma2 semaphore(%run_scoped3A : memref<!tpu.dma_semaphore, #tpu.memory_space<semaphore_mem>>) src(%dma_wait3A_189 : memref<16384xf32, #tpu.memory_space<hbm>>) dst(%arg12 : memref<16384xf32, #tpu.memory_space<vmem>>)
      tpu.yield
    }) : () -> ()
    %scan3A_143 = arith.constant 0 : i32
    %scan3A_144 = arith.constant 128 : i32
    %scan3A_145 = arith.addi %scan3A_143, %scan3A_144 : i32
    %scan3A_146 = arith.constant 1 : i32
    %scan3A_147:16 = scf.for %scan3A_188 = %scan3A_143 to %scan3A_145 step %scan3A_146 iter_args(%scan3A_189 = %scan3A_137#0, %scan3A_190 = %scan3A_137#1, %scan3A_191 = %scan3A_137#2, %scan3A_192 = %scan3A_137#3, %scan3A_193 = %scan3A_137#4, %scan3A_194 = %scan3A_137#5, %scan3A_195 = %scan3A_137#6, %scan3A_196 = %scan3A_137#7, %scan3A_197 = %scan3A_137#8, %scan3A_198 = %scan3A_137#9, %scan3A_199 = %scan3A_137#10, %scan3A_200 = %scan3A_137#11, %scan3A_201 = %scan3A_137#12, %scan3A_202 = %scan3A_137#13, %scan3A_203 = %scan3A_137#14, %scan3A_204 = %scan3A_137#15) -> (vector<16xf32>, vector<16xf32>, vector<16xf32>, vector<16xf32>, vector<16xf32>, vector<16xf32>, vector<16xf32>, vector<16xf32>, vector<16xi32>, vector<16xi32>, vector<16xi32>, vector<16xi32>, vector<16xi32>, vector<16xi32>, vector<16xi32>, vector<16xi32>)  : i32 {
      %mul3A_205 = arith.constant 8 : i32
      %mul3A_206 = arith.muli %scan3A_188, %mul3A_205 : i32
      %add3A_207 = arith.constant 0 : i32
      %add3A_208 = arith.addi %mul3A_206, %add3A_207 : i32
      %mul3A_209 = arith.constant 16 : i32
      %mul3A_210 = arith.muli %add3A_208, %mul3A_209 : i32
      %add3A_211 = arith.constant 16384 : i32
      %add3A_212 = arith.addi %add3A_211, %mul3A_210 : i32
      %get3A_213 = arith.index_cast %add3A_212 : i32 to index
      %get3A_214 = tpu.vector_load %arg7[%get3A_213] {strides = array<i32>} : memref<65536xf32, #tpu.memory_space<vmem>>, vector<16xf32>,
      %get3A_215 = arith.index_cast %mul3A_210 : i32 to index
      %get3A_216 = tpu.vector_load %arg12[%get3A_215] {strides = array<i32>} : memref<16384xf32, #tpu.memory_space<vmem>>, vector<16xf32>,
      %lt3A = vector.broadcast %reduce_max3A_128 : f32 to vector<16xf32>
      %lt3A_217 = arith.cmpf olt, %get3A_214, %lt3A : vector<16xf32>
      %jit3A = arith.constant 0.000000e+00 : f32
      %broadcast_in_dim3A_218 = vector.broadcast %jit3A : f32 to vector<16xf32>
      %select_n3A = arith.select %lt3A_217, %get3A_216, %broadcast_in_dim3A_218 : vector<16xi1>, vector<16xf32>
      %add3A_219 = arith.addf %scan3A_189, %select_n3A : vector<16xf32>
      %select_n3A_220 = arith.select %lt3A_217, %broadcast_in_dim3A_9, %broadcast_in_dim3A_11 : vector<16xi1>, vector<16xi32>
      %add3A_221 = arith.addi %scan3A_197, %select_n3A_220 : vector<16xi32>
      %mul3A_222 = arith.constant 8 : i32
      %mul3A_223 = arith.muli %scan3A_188, %mul3A_222 : i32
      %add3A_224 = arith.constant 1 : i32
      %add3A_225 = arith.addi %mul3A_223, %add3A_224 : i32
      %mul3A_226 = arith.constant 16 : i32
      %mul3A_227 = arith.muli %add3A_225, %mul3A_226 : i32
      %add3A_228 = arith.constant 16384 : i32
      %add3A_229 = arith.addi %add3A_228, %mul3A_227 : i32
      %get3A_230 = arith.index_cast %add3A_229 : i32 to index
      %get3A_231 = tpu.vector_load %arg7[%get3A_230] {strides = array<i32>} : memref<65536xf32, #tpu.memory_space<vmem>>, vector<16xf32>,
      %get3A_232 = arith.index_cast %mul3A_227 : i32 to index
      %get3A_233 = tpu.vector_load %arg12[%get3A_232] {strides = array<i32>} : memref<16384xf32, #tpu.memory_space<vmem>>, vector<16xf32>,
      %lt3A_234 = vector.broadcast %reduce_max3A_128 : f32 to vector<16xf32>
      %lt3A_235 = arith.cmpf olt, %get3A_231, %lt3A_234 : vector<16xf32>
      %jit3A_236 = arith.constant 0.000000e+00 : f32
      %broadcast_in_dim3A_237 = vector.broadcast %jit3A_236 : f32 to vector<16xf32>
      %select_n3A_238 = arith.select %lt3A_235, %get3A_233, %broadcast_in_dim3A_237 : vector<16xi1>, vector<16xf32>
      %add3A_239 = arith.addf %scan3A_190, %select_n3A_238 : vector<16xf32>
      %select_n3A_240 = arith.select %lt3A_235, %broadcast_in_dim3A_9, %broadcast_in_dim3A_11 : vector<16xi1>, vector<16xi32>
      %add3A_241 = arith.addi %scan3A_198, %select_n3A_240 : vector<16xi32>
      %mul3A_242 = arith.constant 8 : i32
      %mul3A_243 = arith.muli %scan3A_188, %mul3A_242 : i32
      %add3A_244 = arith.constant 2 : i32
      %add3A_245 = arith.addi %mul3A_243, %add3A_244 : i32
      %mul3A_246 = arith.constant 16 : i32
      %mul3A_247 = arith.muli %add3A_245, %mul3A_246 : i32
      %add3A_248 = arith.constant 16384 : i32
      %add3A_249 = arith.addi %add3A_248, %mul3A_247 : i32
      %get3A_250 = arith.index_cast %add3A_249 : i32 to index
      %get3A_251 = tpu.vector_load %arg7[%get3A_250] {strides = array<i32>} : memref<65536xf32, #tpu.memory_space<vmem>>, vector<16xf32>,
      %get3A_252 = arith.index_cast %mul3A_247 : i32 to index
      %get3A_253 = tpu.vector_load %arg12[%get3A_252] {strides = array<i32>} : memref<16384xf32, #tpu.memory_space<vmem>>, vector<16xf32>,
      %lt3A_254 = vector.broadcast %reduce_max3A_128 : f32 to vector<16xf32>
      %lt3A_255 = arith.cmpf olt, %get3A_251, %lt3A_254 : vector<16xf32>
      %jit3A_256 = arith.constant 0.000000e+00 : f32
      %broadcast_in_dim3A_257 = vector.broadcast %jit3A_256 : f32 to vector<16xf32>
      %select_n3A_258 = arith.select %lt3A_255, %get3A_253, %broadcast_in_dim3A_257 : vector<16xi1>, vector<16xf32>
      %add3A_259 = arith.addf %scan3A_191, %select_n3A_258 : vector<16xf32>
      %select_n3A_260 = arith.select %lt3A_255, %broadcast_in_dim3A_9, %broadcast_in_dim3A_11 : vector<16xi1>, vector<16xi32>
      %add3A_261 = arith.addi %scan3A_199, %select_n3A_260 : vector<16xi32>
      %mul3A_262 = arith.constant 8 : i32
      %mul3A_263 = arith.muli %scan3A_188, %mul3A_262 : i32
      %add3A_264 = arith.constant 3 : i32
      %add3A_265 = arith.addi %mul3A_263, %add3A_264 : i32
      %mul3A_266 = arith.constant 16 : i32
      %mul3A_267 = arith.muli %add3A_265, %mul3A_266 : i32
      %add3A_268 = arith.constant 16384 : i32
      %add3A_269 = arith.addi %add3A_268, %mul3A_267 : i32
      %get3A_270 = arith.index_cast %add3A_269 : i32 to index
      %get3A_271 = tpu.vector_load %arg7[%get3A_270] {strides = array<i32>} : memref<65536xf32, #tpu.memory_space<vmem>>, vector<16xf32>,
      %get3A_272 = arith.index_cast %mul3A_267 : i32 to index
      %get3A_273 = tpu.vector_load %arg12[%get3A_272] {strides = array<i32>} : memref<16384xf32, #tpu.memory_space<vmem>>, vector<16xf32>,
      %lt3A_274 = vector.broadcast %reduce_max3A_128 : f32 to vector<16xf32>
      %lt3A_275 = arith.cmpf olt, %get3A_271, %lt3A_274 : vector<16xf32>
      %jit3A_276 = arith.constant 0.000000e+00 : f32
      %broadcast_in_dim3A_277 = vector.broadcast %jit3A_276 : f32 to vector<16xf32>
      %select_n3A_278 = arith.select %lt3A_275, %get3A_273, %broadcast_in_dim3A_277 : vector<16xi1>, vector<16xf32>
      %add3A_279 = arith.addf %scan3A_192, %select_n3A_278 : vector<16xf32>
      %select_n3A_280 = arith.select %lt3A_275, %broadcast_in_dim3A_9, %broadcast_in_dim3A_11 : vector<16xi1>, vector<16xi32>
      %add3A_281 = arith.addi %scan3A_200, %select_n3A_280 : vector<16xi32>
      %mul3A_282 = arith.constant 8 : i32
      %mul3A_283 = arith.muli %scan3A_188, %mul3A_282 : i32
      %add3A_284 = arith.constant 4 : i32
      %add3A_285 = arith.addi %mul3A_283, %add3A_284 : i32
      %mul3A_286 = arith.constant 16 : i32
      %mul3A_287 = arith.muli %add3A_285, %mul3A_286 : i32
      %add3A_288 = arith.constant 16384 : i32
      %add3A_289 = arith.addi %add3A_288, %mul3A_287 : i32
      %get3A_290 = arith.index_cast %add3A_289 : i32 to index
      %get3A_291 = tpu.vector_load %arg7[%get3A_290] {strides = array<i32>} : memref<65536xf32, #tpu.memory_space<vmem>>, vector<16xf32>,
      %get3A_292 = arith.index_cast %mul3A_287 : i32 to index
      %get3A_293 = tpu.vector_load %arg12[%get3A_292] {strides = array<i32>} : memref<16384xf32, #tpu.memory_space<vmem>>, vector<16xf32>,
      %lt3A_294 = vector.broadcast %reduce_max3A_128 : f32 to vector<16xf32>
      %lt3A_295 = arith.cmpf olt, %get3A_291, %lt3A_294 : vector<16xf32>
      %jit3A_296 = arith.constant 0.000000e+00 : f32
      %broadcast_in_dim3A_297 = vector.broadcast %jit3A_296 : f32 to vector<16xf32>
      %select_n3A_298 = arith.select %lt3A_295, %get3A_293, %broadcast_in_dim3A_297 : vector<16xi1>, vector<16xf32>
      %add3A_299 = arith.addf %scan3A_193, %select_n3A_298 : vector<16xf32>
      %select_n3A_300 = arith.select %lt3A_295, %broadcast_in_dim3A_9, %broadcast_in_dim3A_11 : vector<16xi1>, vector<16xi32>
      %add3A_301 = arith.addi %scan3A_201, %select_n3A_300 : vector<16xi32>
      %mul3A_302 = arith.constant 8 : i32
      %mul3A_303 = arith.muli %scan3A_188, %mul3A_302 : i32
      %add3A_304 = arith.constant 5 : i32
      %add3A_305 = arith.addi %mul3A_303, %add3A_304 : i32
      %mul3A_306 = arith.constant 16 : i32
      %mul3A_307 = arith.muli %add3A_305, %mul3A_306 : i32
      %add3A_308 = arith.constant 16384 : i32
      %add3A_309 = arith.addi %add3A_308, %mul3A_307 : i32
      %get3A_310 = arith.index_cast %add3A_309 : i32 to index
      %get3A_311 = tpu.vector_load %arg7[%get3A_310] {strides = array<i32>} : memref<65536xf32, #tpu.memory_space<vmem>>, vector<16xf32>,
      %get3A_312 = arith.index_cast %mul3A_307 : i32 to index
      %get3A_313 = tpu.vector_load %arg12[%get3A_312] {strides = array<i32>} : memref<16384xf32, #tpu.memory_space<vmem>>, vector<16xf32>,
      %lt3A_314 = vector.broadcast %reduce_max3A_128 : f32 to vector<16xf32>
      %lt3A_315 = arith.cmpf olt, %get3A_311, %lt3A_314 : vector<16xf32>
      %jit3A_316 = arith.constant 0.000000e+00 : f32
      %broadcast_in_dim3A_317 = vector.broadcast %jit3A_316 : f32 to vector<16xf32>
      %select_n3A_318 = arith.select %lt3A_315, %get3A_313, %broadcast_in_dim3A_317 : vector<16xi1>, vector<16xf32>
      %add3A_319 = arith.addf %scan3A_194, %select_n3A_318 : vector<16xf32>
      %select_n3A_320 = arith.select %lt3A_315, %broadcast_in_dim3A_9, %broadcast_in_dim3A_11 : vector<16xi1>, vector<16xi32>
      %add3A_321 = arith.addi %scan3A_202, %select_n3A_320 : vector<16xi32>
      %mul3A_322 = arith.constant 8 : i32
      %mul3A_323 = arith.muli %scan3A_188, %mul3A_322 : i32
      %add3A_324 = arith.constant 6 : i32
      %add3A_325 = arith.addi %mul3A_323, %add3A_324 : i32
      %mul3A_326 = arith.constant 16 : i32
      %mul3A_327 = arith.muli %add3A_325, %mul3A_326 : i32
      %add3A_328 = arith.constant 16384 : i32
      %add3A_329 = arith.addi %add3A_328, %mul3A_327 : i32
      %get3A_330 = arith.index_cast %add3A_329 : i32 to index
      %get3A_331 = tpu.vector_load %arg7[%get3A_330] {strides = array<i32>} : memref<65536xf32, #tpu.memory_space<vmem>>, vector<16xf32>,
      %get3A_332 = arith.index_cast %mul3A_327 : i32 to index
      %get3A_333 = tpu.vector_load %arg12[%get3A_332] {strides = array<i32>} : memref<16384xf32, #tpu.memory_space<vmem>>, vector<16xf32>,
      %lt3A_334 = vector.broadcast %reduce_max3A_128 : f32 to vector<16xf32>
      %lt3A_335 = arith.cmpf olt, %get3A_331, %lt3A_334 : vector<16xf32>
      %jit3A_336 = arith.constant 0.000000e+00 : f32
      %broadcast_in_dim3A_337 = vector.broadcast %jit3A_336 : f32 to vector<16xf32>
      %select_n3A_338 = arith.select %lt3A_335, %get3A_333, %broadcast_in_dim3A_337 : vector<16xi1>, vector<16xf32>
      %add3A_339 = arith.addf %scan3A_195, %select_n3A_338 : vector<16xf32>
      %select_n3A_340 = arith.select %lt3A_335, %broadcast_in_dim3A_9, %broadcast_in_dim3A_11 : vector<16xi1>, vector<16xi32>
      %add3A_341 = arith.addi %scan3A_203, %select_n3A_340 : vector<16xi32>
      %mul3A_342 = arith.constant 8 : i32
      %mul3A_343 = arith.muli %scan3A_188, %mul3A_342 : i32
      %add3A_344 = arith.constant 7 : i32
      %add3A_345 = arith.addi %mul3A_343, %add3A_344 : i32
      %mul3A_346 = arith.constant 16 : i32
      %mul3A_347 = arith.muli %add3A_345, %mul3A_346 : i32
      %add3A_348 = arith.constant 16384 : i32
      %add3A_349 = arith.addi %add3A_348, %mul3A_347 : i32
      %get3A_350 = arith.index_cast %add3A_349 : i32 to index
      %get3A_351 = tpu.vector_load %arg7[%get3A_350] {strides = array<i32>} : memref<65536xf32, #tpu.memory_space<vmem>>, vector<16xf32>,
      %get3A_352 = arith.index_cast %mul3A_347 : i32 to index
      %get3A_353 = tpu.vector_load %arg12[%get3A_352] {strides = array<i32>} : memref<16384xf32, #tpu.memory_space<vmem>>, vector<16xf32>,
      %lt3A_354 = vector.broadcast %reduce_max3A_128 : f32 to vector<16xf32>
      %lt3A_355 = arith.cmpf olt, %get3A_351, %lt3A_354 : vector<16xf32>
      %jit3A_356 = arith.constant 0.000000e+00 : f32
      %broadcast_in_dim3A_357 = vector.broadcast %jit3A_356 : f32 to vector<16xf32>
      %select_n3A_358 = arith.select %lt3A_355, %get3A_353, %broadcast_in_dim3A_357 : vector<16xi1>, vector<16xf32>
      %add3A_359 = arith.addf %scan3A_196, %select_n3A_358 : vector<16xf32>
      %select_n3A_360 = arith.select %lt3A_355, %broadcast_in_dim3A_9, %broadcast_in_dim3A_11 : vector<16xi1>, vector<16xi32>
      %add3A_361 = arith.addi %scan3A_204, %select_n3A_360 : vector<16xi32>
      scf.yield %add3A_219, %add3A_239, %add3A_259, %add3A_279, %add3A_299, %add3A_319, %add3A_339, %add3A_359, %add3A_221, %add3A_241, %add3A_261, %add3A_281, %add3A_301, %add3A_321, %add3A_341, %add3A_361 : vector<16xf32>, vector<16xf32>, vector<16xf32>, vector<16xf32>, vector<16xf32>, vector<16xf32>, vector<16xf32>, vector<16xf32>, vector<16xi32>, vector<16xi32>, vector<16xi32>, vector<16xi32>, vector<16xi32>, vector<16xi32>, vector<16xi32>, vector<16xi32>
    }
    %scan3A_148 = arith.constant 128 : i32
    %mul3A_149 = arith.constant 65536 : i32
    %mul3A_150 = arith.muli %arg1, %mul3A_149 : i32
    %add3A_151 = arith.constant 32768 : i32
    %add3A_152 = arith.addi %mul3A_150, %add3A_151 : i32
    "tpu.region"() ({
      %run_scoped3A = tpu.sem_alloc : memref<!tpu.dma_semaphore, #tpu.memory_space<semaphore_mem>>
      %dma_start3A = tpu.memref_slice %arg3[%add3A_152] : memref<1048576xf32, #tpu.memory_space<hbm>> -> memref<16384xf32, #tpu.memory_space<hbm>>
      %dma_start3A_188 = tpu.memref_slice %arg3[%add3A_152] : memref<1048576xf32, #tpu.memory_space<hbm>> -> memref<16384xf32, #tpu.memory_space<hbm>>
      tpu.enqueue_dma source(%dma_start3A_188 : memref<16384xf32, #tpu.memory_space<hbm>>) target(%arg12 : memref<16384xf32, #tpu.memory_space<vmem>>) target_semaphore(%run_scoped3A : memref<!tpu.dma_semaphore, #tpu.memory_space<semaphore_mem>>)
      %dma_wait3A = tpu.memref_slice %arg3[%add3A_152] : memref<1048576xf32, #tpu.memory_space<hbm>> -> memref<16384xf32, #tpu.memory_space<hbm>>
      %dma_wait3A_189 = tpu.memref_slice %arg3[%add3A_152] : memref<1048576xf32, #tpu.memory_space<hbm>> -> memref<16384xf32, #tpu.memory_space<hbm>>
      tpu.wait_dma2 semaphore(%run_scoped3A : memref<!tpu.dma_semaphore, #tpu.memory_space<semaphore_mem>>) src(%dma_wait3A_189 : memref<16384xf32, #tpu.memory_space<hbm>>) dst(%arg12 : memref<16384xf32, #tpu.memory_space<vmem>>)
      tpu.yield
    }) : () -> ()
    %scan3A_153 = arith.constant 0 : i32
    %scan3A_154 = arith.constant 128 : i32
    %scan3A_155 = arith.addi %scan3A_153, %scan3A_154 : i32
    %scan3A_156 = arith.constant 1 : i32
    %scan3A_157:16 = scf.for %scan3A_188 = %scan3A_153 to %scan3A_155 step %scan3A_156 iter_args(%scan3A_189 = %scan3A_147#0, %scan3A_190 = %scan3A_147#1, %scan3A_191 = %scan3A_147#2, %scan3A_192 = %scan3A_147#3, %scan3A_193 = %scan3A_147#4, %scan3A_194 = %scan3A_147#5, %scan3A_195 = %scan3A_147#6, %scan3A_196 = %scan3A_147#7, %scan3A_197 = %scan3A_147#8, %scan3A_198 = %scan3A_147#9, %scan3A_199 = %scan3A_147#10, %scan3A_200 = %scan3A_147#11, %scan3A_201 = %scan3A_147#12, %scan3A_202 = %scan3A_147#13, %scan3A_203 = %scan3A_147#14, %scan3A_204 = %scan3A_147#15) -> (vector<16xf32>, vector<16xf32>, vector<16xf32>, vector<16xf32>, vector<16xf32>, vector<16xf32>, vector<16xf32>, vector<16xf32>, vector<16xi32>, vector<16xi32>, vector<16xi32>, vector<16xi32>, vector<16xi32>, vector<16xi32>, vector<16xi32>, vector<16xi32>)  : i32 {
      %mul3A_205 = arith.constant 8 : i32
      %mul3A_206 = arith.muli %scan3A_188, %mul3A_205 : i32
      %add3A_207 = arith.constant 0 : i32
      %add3A_208 = arith.addi %mul3A_206, %add3A_207 : i32
      %mul3A_209 = arith.constant 16 : i32
      %mul3A_210 = arith.muli %add3A_208, %mul3A_209 : i32
      %add3A_211 = arith.constant 32768 : i32
      %add3A_212 = arith.addi %add3A_211, %mul3A_210 : i32
      %get3A_213 = arith.index_cast %add3A_212 : i32 to index
      %get3A_214 = tpu.vector_load %arg7[%get3A_213] {strides = array<i32>} : memref<65536xf32, #tpu.memory_space<vmem>>, vector<16xf32>,
      %get3A_215 = arith.index_cast %mul3A_210 : i32 to index
      %get3A_216 = tpu.vector_load %arg12[%get3A_215] {strides = array<i32>} : memref<16384xf32, #tpu.memory_space<vmem>>, vector<16xf32>,
      %lt3A = vector.broadcast %reduce_max3A_128 : f32 to vector<16xf32>
      %lt3A_217 = arith.cmpf olt, %get3A_214, %lt3A : vector<16xf32>
      %jit3A = arith.constant 0.000000e+00 : f32
      %broadcast_in_dim3A_218 = vector.broadcast %jit3A : f32 to vector<16xf32>
      %select_n3A = arith.select %lt3A_217, %get3A_216, %broadcast_in_dim3A_218 : vector<16xi1>, vector<16xf32>
      %add3A_219 = arith.addf %scan3A_189, %select_n3A : vector<16xf32>
      %select_n3A_220 = arith.select %lt3A_217, %broadcast_in_dim3A_9, %broadcast_in_dim3A_11 : vector<16xi1>, vector<16xi32>
      %add3A_221 = arith.addi %scan3A_197, %select_n3A_220 : vector<16xi32>
      %mul3A_222 = arith.constant 8 : i32
      %mul3A_223 = arith.muli %scan3A_188, %mul3A_222 : i32
      %add3A_224 = arith.constant 1 : i32
      %add3A_225 = arith.addi %mul3A_223, %add3A_224 : i32
      %mul3A_226 = arith.constant 16 : i32
      %mul3A_227 = arith.muli %add3A_225, %mul3A_226 : i32
      %add3A_228 = arith.constant 32768 : i32
      %add3A_229 = arith.addi %add3A_228, %mul3A_227 : i32
      %get3A_230 = arith.index_cast %add3A_229 : i32 to index
      %get3A_231 = tpu.vector_load %arg7[%get3A_230] {strides = array<i32>} : memref<65536xf32, #tpu.memory_space<vmem>>, vector<16xf32>,
      %get3A_232 = arith.index_cast %mul3A_227 : i32 to index
      %get3A_233 = tpu.vector_load %arg12[%get3A_232] {strides = array<i32>} : memref<16384xf32, #tpu.memory_space<vmem>>, vector<16xf32>,
      %lt3A_234 = vector.broadcast %reduce_max3A_128 : f32 to vector<16xf32>
      %lt3A_235 = arith.cmpf olt, %get3A_231, %lt3A_234 : vector<16xf32>
      %jit3A_236 = arith.constant 0.000000e+00 : f32
      %broadcast_in_dim3A_237 = vector.broadcast %jit3A_236 : f32 to vector<16xf32>
      %select_n3A_238 = arith.select %lt3A_235, %get3A_233, %broadcast_in_dim3A_237 : vector<16xi1>, vector<16xf32>
      %add3A_239 = arith.addf %scan3A_190, %select_n3A_238 : vector<16xf32>
      %select_n3A_240 = arith.select %lt3A_235, %broadcast_in_dim3A_9, %broadcast_in_dim3A_11 : vector<16xi1>, vector<16xi32>
      %add3A_241 = arith.addi %scan3A_198, %select_n3A_240 : vector<16xi32>
      %mul3A_242 = arith.constant 8 : i32
      %mul3A_243 = arith.muli %scan3A_188, %mul3A_242 : i32
      %add3A_244 = arith.constant 2 : i32
      %add3A_245 = arith.addi %mul3A_243, %add3A_244 : i32
      %mul3A_246 = arith.constant 16 : i32
      %mul3A_247 = arith.muli %add3A_245, %mul3A_246 : i32
      %add3A_248 = arith.constant 32768 : i32
      %add3A_249 = arith.addi %add3A_248, %mul3A_247 : i32
      %get3A_250 = arith.index_cast %add3A_249 : i32 to index
      %get3A_251 = tpu.vector_load %arg7[%get3A_250] {strides = array<i32>} : memref<65536xf32, #tpu.memory_space<vmem>>, vector<16xf32>,
      %get3A_252 = arith.index_cast %mul3A_247 : i32 to index
      %get3A_253 = tpu.vector_load %arg12[%get3A_252] {strides = array<i32>} : memref<16384xf32, #tpu.memory_space<vmem>>, vector<16xf32>,
      %lt3A_254 = vector.broadcast %reduce_max3A_128 : f32 to vector<16xf32>
      %lt3A_255 = arith.cmpf olt, %get3A_251, %lt3A_254 : vector<16xf32>
      %jit3A_256 = arith.constant 0.000000e+00 : f32
      %broadcast_in_dim3A_257 = vector.broadcast %jit3A_256 : f32 to vector<16xf32>
      %select_n3A_258 = arith.select %lt3A_255, %get3A_253, %broadcast_in_dim3A_257 : vector<16xi1>, vector<16xf32>
      %add3A_259 = arith.addf %scan3A_191, %select_n3A_258 : vector<16xf32>
      %select_n3A_260 = arith.select %lt3A_255, %broadcast_in_dim3A_9, %broadcast_in_dim3A_11 : vector<16xi1>, vector<16xi32>
      %add3A_261 = arith.addi %scan3A_199, %select_n3A_260 : vector<16xi32>
      %mul3A_262 = arith.constant 8 : i32
      %mul3A_263 = arith.muli %scan3A_188, %mul3A_262 : i32
      %add3A_264 = arith.constant 3 : i32
      %add3A_265 = arith.addi %mul3A_263, %add3A_264 : i32
      %mul3A_266 = arith.constant 16 : i32
      %mul3A_267 = arith.muli %add3A_265, %mul3A_266 : i32
      %add3A_268 = arith.constant 32768 : i32
      %add3A_269 = arith.addi %add3A_268, %mul3A_267 : i32
      %get3A_270 = arith.index_cast %add3A_269 : i32 to index
      %get3A_271 = tpu.vector_load %arg7[%get3A_270] {strides = array<i32>} : memref<65536xf32, #tpu.memory_space<vmem>>, vector<16xf32>,
      %get3A_272 = arith.index_cast %mul3A_267 : i32 to index
      %get3A_273 = tpu.vector_load %arg12[%get3A_272] {strides = array<i32>} : memref<16384xf32, #tpu.memory_space<vmem>>, vector<16xf32>,
      %lt3A_274 = vector.broadcast %reduce_max3A_128 : f32 to vector<16xf32>
      %lt3A_275 = arith.cmpf olt, %get3A_271, %lt3A_274 : vector<16xf32>
      %jit3A_276 = arith.constant 0.000000e+00 : f32
      %broadcast_in_dim3A_277 = vector.broadcast %jit3A_276 : f32 to vector<16xf32>
      %select_n3A_278 = arith.select %lt3A_275, %get3A_273, %broadcast_in_dim3A_277 : vector<16xi1>, vector<16xf32>
      %add3A_279 = arith.addf %scan3A_192, %select_n3A_278 : vector<16xf32>
      %select_n3A_280 = arith.select %lt3A_275, %broadcast_in_dim3A_9, %broadcast_in_dim3A_11 : vector<16xi1>, vector<16xi32>
      %add3A_281 = arith.addi %scan3A_200, %select_n3A_280 : vector<16xi32>
      %mul3A_282 = arith.constant 8 : i32
      %mul3A_283 = arith.muli %scan3A_188, %mul3A_282 : i32
      %add3A_284 = arith.constant 4 : i32
      %add3A_285 = arith.addi %mul3A_283, %add3A_284 : i32
      %mul3A_286 = arith.constant 16 : i32
      %mul3A_287 = arith.muli %add3A_285, %mul3A_286 : i32
      %add3A_288 = arith.constant 32768 : i32
      %add3A_289 = arith.addi %add3A_288, %mul3A_287 : i32
      %get3A_290 = arith.index_cast %add3A_289 : i32 to index
      %get3A_291 = tpu.vector_load %arg7[%get3A_290] {strides = array<i32>} : memref<65536xf32, #tpu.memory_space<vmem>>, vector<16xf32>,
      %get3A_292 = arith.index_cast %mul3A_287 : i32 to index
      %get3A_293 = tpu.vector_load %arg12[%get3A_292] {strides = array<i32>} : memref<16384xf32, #tpu.memory_space<vmem>>, vector<16xf32>,
      %lt3A_294 = vector.broadcast %reduce_max3A_128 : f32 to vector<16xf32>
      %lt3A_295 = arith.cmpf olt, %get3A_291, %lt3A_294 : vector<16xf32>
      %jit3A_296 = arith.constant 0.000000e+00 : f32
      %broadcast_in_dim3A_297 = vector.broadcast %jit3A_296 : f32 to vector<16xf32>
      %select_n3A_298 = arith.select %lt3A_295, %get3A_293, %broadcast_in_dim3A_297 : vector<16xi1>, vector<16xf32>
      %add3A_299 = arith.addf %scan3A_193, %select_n3A_298 : vector<16xf32>
      %select_n3A_300 = arith.select %lt3A_295, %broadcast_in_dim3A_9, %broadcast_in_dim3A_11 : vector<16xi1>, vector<16xi32>
      %add3A_301 = arith.addi %scan3A_201, %select_n3A_300 : vector<16xi32>
      %mul3A_302 = arith.constant 8 : i32
      %mul3A_303 = arith.muli %scan3A_188, %mul3A_302 : i32
      %add3A_304 = arith.constant 5 : i32
      %add3A_305 = arith.addi %mul3A_303, %add3A_304 : i32
      %mul3A_306 = arith.constant 16 : i32
      %mul3A_307 = arith.muli %add3A_305, %mul3A_306 : i32
      %add3A_308 = arith.constant 32768 : i32
      %add3A_309 = arith.addi %add3A_308, %mul3A_307 : i32
      %get3A_310 = arith.index_cast %add3A_309 : i32 to index
      %get3A_311 = tpu.vector_load %arg7[%get3A_310] {strides = array<i32>} : memref<65536xf32, #tpu.memory_space<vmem>>, vector<16xf32>,
      %get3A_312 = arith.index_cast %mul3A_307 : i32 to index
      %get3A_313 = tpu.vector_load %arg12[%get3A_312] {strides = array<i32>} : memref<16384xf32, #tpu.memory_space<vmem>>, vector<16xf32>,
      %lt3A_314 = vector.broadcast %reduce_max3A_128 : f32 to vector<16xf32>
      %lt3A_315 = arith.cmpf olt, %get3A_311, %lt3A_314 : vector<16xf32>
      %jit3A_316 = arith.constant 0.000000e+00 : f32
      %broadcast_in_dim3A_317 = vector.broadcast %jit3A_316 : f32 to vector<16xf32>
      %select_n3A_318 = arith.select %lt3A_315, %get3A_313, %broadcast_in_dim3A_317 : vector<16xi1>, vector<16xf32>
      %add3A_319 = arith.addf %scan3A_194, %select_n3A_318 : vector<16xf32>
      %select_n3A_320 = arith.select %lt3A_315, %broadcast_in_dim3A_9, %broadcast_in_dim3A_11 : vector<16xi1>, vector<16xi32>
      %add3A_321 = arith.addi %scan3A_202, %select_n3A_320 : vector<16xi32>
      %mul3A_322 = arith.constant 8 : i32
      %mul3A_323 = arith.muli %scan3A_188, %mul3A_322 : i32
      %add3A_324 = arith.constant 6 : i32
      %add3A_325 = arith.addi %mul3A_323, %add3A_324 : i32
      %mul3A_326 = arith.constant 16 : i32
      %mul3A_327 = arith.muli %add3A_325, %mul3A_326 : i32
      %add3A_328 = arith.constant 32768 : i32
      %add3A_329 = arith.addi %add3A_328, %mul3A_327 : i32
      %get3A_330 = arith.index_cast %add3A_329 : i32 to index
      %get3A_331 = tpu.vector_load %arg7[%get3A_330] {strides = array<i32>} : memref<65536xf32, #tpu.memory_space<vmem>>, vector<16xf32>,
      %get3A_332 = arith.index_cast %mul3A_327 : i32 to index
      %get3A_333 = tpu.vector_load %arg12[%get3A_332] {strides = array<i32>} : memref<16384xf32, #tpu.memory_space<vmem>>, vector<16xf32>,
      %lt3A_334 = vector.broadcast %reduce_max3A_128 : f32 to vector<16xf32>
      %lt3A_335 = arith.cmpf olt, %get3A_331, %lt3A_334 : vector<16xf32>
      %jit3A_336 = arith.constant 0.000000e+00 : f32
      %broadcast_in_dim3A_337 = vector.broadcast %jit3A_336 : f32 to vector<16xf32>
      %select_n3A_338 = arith.select %lt3A_335, %get3A_333, %broadcast_in_dim3A_337 : vector<16xi1>, vector<16xf32>
      %add3A_339 = arith.addf %scan3A_195, %select_n3A_338 : vector<16xf32>
      %select_n3A_340 = arith.select %lt3A_335, %broadcast_in_dim3A_9, %broadcast_in_dim3A_11 : vector<16xi1>, vector<16xi32>
      %add3A_341 = arith.addi %scan3A_203, %select_n3A_340 : vector<16xi32>
      %mul3A_342 = arith.constant 8 : i32
      %mul3A_343 = arith.muli %scan3A_188, %mul3A_342 : i32
      %add3A_344 = arith.constant 7 : i32
      %add3A_345 = arith.addi %mul3A_343, %add3A_344 : i32
      %mul3A_346 = arith.constant 16 : i32
      %mul3A_347 = arith.muli %add3A_345, %mul3A_346 : i32
      %add3A_348 = arith.constant 32768 : i32
      %add3A_349 = arith.addi %add3A_348, %mul3A_347 : i32
      %get3A_350 = arith.index_cast %add3A_349 : i32 to index
      %get3A_351 = tpu.vector_load %arg7[%get3A_350] {strides = array<i32>} : memref<65536xf32, #tpu.memory_space<vmem>>, vector<16xf32>,
      %get3A_352 = arith.index_cast %mul3A_347 : i32 to index
      %get3A_353 = tpu.vector_load %arg12[%get3A_352] {strides = array<i32>} : memref<16384xf32, #tpu.memory_space<vmem>>, vector<16xf32>,
      %lt3A_354 = vector.broadcast %reduce_max3A_128 : f32 to vector<16xf32>
      %lt3A_355 = arith.cmpf olt, %get3A_351, %lt3A_354 : vector<16xf32>
      %jit3A_356 = arith.constant 0.000000e+00 : f32
      %broadcast_in_dim3A_357 = vector.broadcast %jit3A_356 : f32 to vector<16xf32>
      %select_n3A_358 = arith.select %lt3A_355, %get3A_353, %broadcast_in_dim3A_357 : vector<16xi1>, vector<16xf32>
      %add3A_359 = arith.addf %scan3A_196, %select_n3A_358 : vector<16xf32>
      %select_n3A_360 = arith.select %lt3A_355, %broadcast_in_dim3A_9, %broadcast_in_dim3A_11 : vector<16xi1>, vector<16xi32>
      %add3A_361 = arith.addi %scan3A_204, %select_n3A_360 : vector<16xi32>
      scf.yield %add3A_219, %add3A_239, %add3A_259, %add3A_279, %add3A_299, %add3A_319, %add3A_339, %add3A_359, %add3A_221, %add3A_241, %add3A_261, %add3A_281, %add3A_301, %add3A_321, %add3A_341, %add3A_361 : vector<16xf32>, vector<16xf32>, vector<16xf32>, vector<16xf32>, vector<16xf32>, vector<16xf32>, vector<16xf32>, vector<16xf32>, vector<16xi32>, vector<16xi32>, vector<16xi32>, vector<16xi32>, vector<16xi32>, vector<16xi32>, vector<16xi32>, vector<16xi32>
    }
    %scan3A_158 = arith.constant 128 : i32
    %mul3A_159 = arith.constant 65536 : i32
    %mul3A_160 = arith.muli %arg1, %mul3A_159 : i32
    %add3A_161 = arith.constant 49152 : i32
    %add3A_162 = arith.addi %mul3A_160, %add3A_161 : i32
    "tpu.region"() ({
      %run_scoped3A = tpu.sem_alloc : memref<!tpu.dma_semaphore, #tpu.memory_space<semaphore_mem>>
      %dma_start3A = tpu.memref_slice %arg3[%add3A_162] : memref<1048576xf32, #tpu.memory_space<hbm>> -> memref<16384xf32, #tpu.memory_space<hbm>>
      %dma_start3A_188 = tpu.memref_slice %arg3[%add3A_162] : memref<1048576xf32, #tpu.memory_space<hbm>> -> memref<16384xf32, #tpu.memory_space<hbm>>
      tpu.enqueue_dma source(%dma_start3A_188 : memref<16384xf32, #tpu.memory_space<hbm>>) target(%arg12 : memref<16384xf32, #tpu.memory_space<vmem>>) target_semaphore(%run_scoped3A : memref<!tpu.dma_semaphore, #tpu.memory_space<semaphore_mem>>)
      %dma_wait3A = tpu.memref_slice %arg3[%add3A_162] : memref<1048576xf32, #tpu.memory_space<hbm>> -> memref<16384xf32, #tpu.memory_space<hbm>>
      %dma_wait3A_189 = tpu.memref_slice %arg3[%add3A_162] : memref<1048576xf32, #tpu.memory_space<hbm>> -> memref<16384xf32, #tpu.memory_space<hbm>>
      tpu.wait_dma2 semaphore(%run_scoped3A : memref<!tpu.dma_semaphore, #tpu.memory_space<semaphore_mem>>) src(%dma_wait3A_189 : memref<16384xf32, #tpu.memory_space<hbm>>) dst(%arg12 : memref<16384xf32, #tpu.memory_space<vmem>>)
      tpu.yield
    }) : () -> ()
    %scan3A_163 = arith.constant 0 : i32
    %scan3A_164 = arith.constant 128 : i32
    %scan3A_165 = arith.addi %scan3A_163, %scan3A_164 : i32
    %scan3A_166 = arith.constant 1 : i32
    %scan3A_167:16 = scf.for %scan3A_188 = %scan3A_163 to %scan3A_165 step %scan3A_166 iter_args(%scan3A_189 = %scan3A_157#0, %scan3A_190 = %scan3A_157#1, %scan3A_191 = %scan3A_157#2, %scan3A_192 = %scan3A_157#3, %scan3A_193 = %scan3A_157#4, %scan3A_194 = %scan3A_157#5, %scan3A_195 = %scan3A_157#6, %scan3A_196 = %scan3A_157#7, %scan3A_197 = %scan3A_157#8, %scan3A_198 = %scan3A_157#9, %scan3A_199 = %scan3A_157#10, %scan3A_200 = %scan3A_157#11, %scan3A_201 = %scan3A_157#12, %scan3A_202 = %scan3A_157#13, %scan3A_203 = %scan3A_157#14, %scan3A_204 = %scan3A_157#15) -> (vector<16xf32>, vector<16xf32>, vector<16xf32>, vector<16xf32>, vector<16xf32>, vector<16xf32>, vector<16xf32>, vector<16xf32>, vector<16xi32>, vector<16xi32>, vector<16xi32>, vector<16xi32>, vector<16xi32>, vector<16xi32>, vector<16xi32>, vector<16xi32>)  : i32 {
      %mul3A_205 = arith.constant 8 : i32
      %mul3A_206 = arith.muli %scan3A_188, %mul3A_205 : i32
      %add3A_207 = arith.constant 0 : i32
      %add3A_208 = arith.addi %mul3A_206, %add3A_207 : i32
      %mul3A_209 = arith.constant 16 : i32
      %mul3A_210 = arith.muli %add3A_208, %mul3A_209 : i32
      %add3A_211 = arith.constant 49152 : i32
      %add3A_212 = arith.addi %add3A_211, %mul3A_210 : i32
      %get3A_213 = arith.index_cast %add3A_212 : i32 to index
      %get3A_214 = tpu.vector_load %arg7[%get3A_213] {strides = array<i32>} : memref<65536xf32, #tpu.memory_space<vmem>>, vector<16xf32>,
      %get3A_215 = arith.index_cast %mul3A_210 : i32 to index
      %get3A_216 = tpu.vector_load %arg12[%get3A_215] {strides = array<i32>} : memref<16384xf32, #tpu.memory_space<vmem>>, vector<16xf32>,
      %lt3A = vector.broadcast %reduce_max3A_128 : f32 to vector<16xf32>
      %lt3A_217 = arith.cmpf olt, %get3A_214, %lt3A : vector<16xf32>
      %jit3A = arith.constant 0.000000e+00 : f32
      %broadcast_in_dim3A_218 = vector.broadcast %jit3A : f32 to vector<16xf32>
      %select_n3A = arith.select %lt3A_217, %get3A_216, %broadcast_in_dim3A_218 : vector<16xi1>, vector<16xf32>
      %add3A_219 = arith.addf %scan3A_189, %select_n3A : vector<16xf32>
      %select_n3A_220 = arith.select %lt3A_217, %broadcast_in_dim3A_9, %broadcast_in_dim3A_11 : vector<16xi1>, vector<16xi32>
      %add3A_221 = arith.addi %scan3A_197, %select_n3A_220 : vector<16xi32>
      %mul3A_222 = arith.constant 8 : i32
      %mul3A_223 = arith.muli %scan3A_188, %mul3A_222 : i32
      %add3A_224 = arith.constant 1 : i32
      %add3A_225 = arith.addi %mul3A_223, %add3A_224 : i32
      %mul3A_226 = arith.constant 16 : i32
      %mul3A_227 = arith.muli %add3A_225, %mul3A_226 : i32
      %add3A_228 = arith.constant 49152 : i32
      %add3A_229 = arith.addi %add3A_228, %mul3A_227 : i32
      %get3A_230 = arith.index_cast %add3A_229 : i32 to index
      %get3A_231 = tpu.vector_load %arg7[%get3A_230] {strides = array<i32>} : memref<65536xf32, #tpu.memory_space<vmem>>, vector<16xf32>,
      %get3A_232 = arith.index_cast %mul3A_227 : i32 to index
      %get3A_233 = tpu.vector_load %arg12[%get3A_232] {strides = array<i32>} : memref<16384xf32, #tpu.memory_space<vmem>>, vector<16xf32>,
      %lt3A_234 = vector.broadcast %reduce_max3A_128 : f32 to vector<16xf32>
      %lt3A_235 = arith.cmpf olt, %get3A_231, %lt3A_234 : vector<16xf32>
      %jit3A_236 = arith.constant 0.000000e+00 : f32
      %broadcast_in_dim3A_237 = vector.broadcast %jit3A_236 : f32 to vector<16xf32>
      %select_n3A_238 = arith.select %lt3A_235, %get3A_233, %broadcast_in_dim3A_237 : vector<16xi1>, vector<16xf32>
      %add3A_239 = arith.addf %scan3A_190, %select_n3A_238 : vector<16xf32>
      %select_n3A_240 = arith.select %lt3A_235, %broadcast_in_dim3A_9, %broadcast_in_dim3A_11 : vector<16xi1>, vector<16xi32>
      %add3A_241 = arith.addi %scan3A_198, %select_n3A_240 : vector<16xi32>
      %mul3A_242 = arith.constant 8 : i32
      %mul3A_243 = arith.muli %scan3A_188, %mul3A_242 : i32
      %add3A_244 = arith.constant 2 : i32
      %add3A_245 = arith.addi %mul3A_243, %add3A_244 : i32
      %mul3A_246 = arith.constant 16 : i32
      %mul3A_247 = arith.muli %add3A_245, %mul3A_246 : i32
      %add3A_248 = arith.constant 49152 : i32
      %add3A_249 = arith.addi %add3A_248, %mul3A_247 : i32
      %get3A_250 = arith.index_cast %add3A_249 : i32 to index
      %get3A_251 = tpu.vector_load %arg7[%get3A_250] {strides = array<i32>} : memref<65536xf32, #tpu.memory_space<vmem>>, vector<16xf32>,
      %get3A_252 = arith.index_cast %mul3A_247 : i32 to index
      %get3A_253 = tpu.vector_load %arg12[%get3A_252] {strides = array<i32>} : memref<16384xf32, #tpu.memory_space<vmem>>, vector<16xf32>,
      %lt3A_254 = vector.broadcast %reduce_max3A_128 : f32 to vector<16xf32>
      %lt3A_255 = arith.cmpf olt, %get3A_251, %lt3A_254 : vector<16xf32>
      %jit3A_256 = arith.constant 0.000000e+00 : f32
      %broadcast_in_dim3A_257 = vector.broadcast %jit3A_256 : f32 to vector<16xf32>
      %select_n3A_258 = arith.select %lt3A_255, %get3A_253, %broadcast_in_dim3A_257 : vector<16xi1>, vector<16xf32>
      %add3A_259 = arith.addf %scan3A_191, %select_n3A_258 : vector<16xf32>
      %select_n3A_260 = arith.select %lt3A_255, %broadcast_in_dim3A_9, %broadcast_in_dim3A_11 : vector<16xi1>, vector<16xi32>
      %add3A_261 = arith.addi %scan3A_199, %select_n3A_260 : vector<16xi32>
      %mul3A_262 = arith.constant 8 : i32
      %mul3A_263 = arith.muli %scan3A_188, %mul3A_262 : i32
      %add3A_264 = arith.constant 3 : i32
      %add3A_265 = arith.addi %mul3A_263, %add3A_264 : i32
      %mul3A_266 = arith.constant 16 : i32
      %mul3A_267 = arith.muli %add3A_265, %mul3A_266 : i32
      %add3A_268 = arith.constant 49152 : i32
      %add3A_269 = arith.addi %add3A_268, %mul3A_267 : i32
      %get3A_270 = arith.index_cast %add3A_269 : i32 to index
      %get3A_271 = tpu.vector_load %arg7[%get3A_270] {strides = array<i32>} : memref<65536xf32, #tpu.memory_space<vmem>>, vector<16xf32>,
      %get3A_272 = arith.index_cast %mul3A_267 : i32 to index
      %get3A_273 = tpu.vector_load %arg12[%get3A_272] {strides = array<i32>} : memref<16384xf32, #tpu.memory_space<vmem>>, vector<16xf32>,
      %lt3A_274 = vector.broadcast %reduce_max3A_128 : f32 to vector<16xf32>
      %lt3A_275 = arith.cmpf olt, %get3A_271, %lt3A_274 : vector<16xf32>
      %jit3A_276 = arith.constant 0.000000e+00 : f32
      %broadcast_in_dim3A_277 = vector.broadcast %jit3A_276 : f32 to vector<16xf32>
      %select_n3A_278 = arith.select %lt3A_275, %get3A_273, %broadcast_in_dim3A_277 : vector<16xi1>, vector<16xf32>
      %add3A_279 = arith.addf %scan3A_192, %select_n3A_278 : vector<16xf32>
      %select_n3A_280 = arith.select %lt3A_275, %broadcast_in_dim3A_9, %broadcast_in_dim3A_11 : vector<16xi1>, vector<16xi32>
      %add3A_281 = arith.addi %scan3A_200, %select_n3A_280 : vector<16xi32>
      %mul3A_282 = arith.constant 8 : i32
      %mul3A_283 = arith.muli %scan3A_188, %mul3A_282 : i32
      %add3A_284 = arith.constant 4 : i32
      %add3A_285 = arith.addi %mul3A_283, %add3A_284 : i32
      %mul3A_286 = arith.constant 16 : i32
      %mul3A_287 = arith.muli %add3A_285, %mul3A_286 : i32
      %add3A_288 = arith.constant 49152 : i32
      %add3A_289 = arith.addi %add3A_288, %mul3A_287 : i32
      %get3A_290 = arith.index_cast %add3A_289 : i32 to index
      %get3A_291 = tpu.vector_load %arg7[%get3A_290] {strides = array<i32>} : memref<65536xf32, #tpu.memory_space<vmem>>, vector<16xf32>,
      %get3A_292 = arith.index_cast %mul3A_287 : i32 to index
      %get3A_293 = tpu.vector_load %arg12[%get3A_292] {strides = array<i32>} : memref<16384xf32, #tpu.memory_space<vmem>>, vector<16xf32>,
      %lt3A_294 = vector.broadcast %reduce_max3A_128 : f32 to vector<16xf32>
      %lt3A_295 = arith.cmpf olt, %get3A_291, %lt3A_294 : vector<16xf32>
      %jit3A_296 = arith.constant 0.000000e+00 : f32
      %broadcast_in_dim3A_297 = vector.broadcast %jit3A_296 : f32 to vector<16xf32>
      %select_n3A_298 = arith.select %lt3A_295, %get3A_293, %broadcast_in_dim3A_297 : vector<16xi1>, vector<16xf32>
      %add3A_299 = arith.addf %scan3A_193, %select_n3A_298 : vector<16xf32>
      %select_n3A_300 = arith.select %lt3A_295, %broadcast_in_dim3A_9, %broadcast_in_dim3A_11 : vector<16xi1>, vector<16xi32>
      %add3A_301 = arith.addi %scan3A_201, %select_n3A_300 : vector<16xi32>
      %mul3A_302 = arith.constant 8 : i32
      %mul3A_303 = arith.muli %scan3A_188, %mul3A_302 : i32
      %add3A_304 = arith.constant 5 : i32
      %add3A_305 = arith.addi %mul3A_303, %add3A_304 : i32
      %mul3A_306 = arith.constant 16 : i32
      %mul3A_307 = arith.muli %add3A_305, %mul3A_306 : i32
      %add3A_308 = arith.constant 49152 : i32
      %add3A_309 = arith.addi %add3A_308, %mul3A_307 : i32
      %get3A_310 = arith.index_cast %add3A_309 : i32 to index
      %get3A_311 = tpu.vector_load %arg7[%get3A_310] {strides = array<i32>} : memref<65536xf32, #tpu.memory_space<vmem>>, vector<16xf32>,
      %get3A_312 = arith.index_cast %mul3A_307 : i32 to index
      %get3A_313 = tpu.vector_load %arg12[%get3A_312] {strides = array<i32>} : memref<16384xf32, #tpu.memory_space<vmem>>, vector<16xf32>,
      %lt3A_314 = vector.broadcast %reduce_max3A_128 : f32 to vector<16xf32>
      %lt3A_315 = arith.cmpf olt, %get3A_311, %lt3A_314 : vector<16xf32>
      %jit3A_316 = arith.constant 0.000000e+00 : f32
      %broadcast_in_dim3A_317 = vector.broadcast %jit3A_316 : f32 to vector<16xf32>
      %select_n3A_318 = arith.select %lt3A_315, %get3A_313, %broadcast_in_dim3A_317 : vector<16xi1>, vector<16xf32>
      %add3A_319 = arith.addf %scan3A_194, %select_n3A_318 : vector<16xf32>
      %select_n3A_320 = arith.select %lt3A_315, %broadcast_in_dim3A_9, %broadcast_in_dim3A_11 : vector<16xi1>, vector<16xi32>
      %add3A_321 = arith.addi %scan3A_202, %select_n3A_320 : vector<16xi32>
      %mul3A_322 = arith.constant 8 : i32
      %mul3A_323 = arith.muli %scan3A_188, %mul3A_322 : i32
      %add3A_324 = arith.constant 6 : i32
      %add3A_325 = arith.addi %mul3A_323, %add3A_324 : i32
      %mul3A_326 = arith.constant 16 : i32
      %mul3A_327 = arith.muli %add3A_325, %mul3A_326 : i32
      %add3A_328 = arith.constant 49152 : i32
      %add3A_329 = arith.addi %add3A_328, %mul3A_327 : i32
      %get3A_330 = arith.index_cast %add3A_329 : i32 to index
      %get3A_331 = tpu.vector_load %arg7[%get3A_330] {strides = array<i32>} : memref<65536xf32, #tpu.memory_space<vmem>>, vector<16xf32>,
      %get3A_332 = arith.index_cast %mul3A_327 : i32 to index
      %get3A_333 = tpu.vector_load %arg12[%get3A_332] {strides = array<i32>} : memref<16384xf32, #tpu.memory_space<vmem>>, vector<16xf32>,
      %lt3A_334 = vector.broadcast %reduce_max3A_128 : f32 to vector<16xf32>
      %lt3A_335 = arith.cmpf olt, %get3A_331, %lt3A_334 : vector<16xf32>
      %jit3A_336 = arith.constant 0.000000e+00 : f32
      %broadcast_in_dim3A_337 = vector.broadcast %jit3A_336 : f32 to vector<16xf32>
      %select_n3A_338 = arith.select %lt3A_335, %get3A_333, %broadcast_in_dim3A_337 : vector<16xi1>, vector<16xf32>
      %add3A_339 = arith.addf %scan3A_195, %select_n3A_338 : vector<16xf32>
      %select_n3A_340 = arith.select %lt3A_335, %broadcast_in_dim3A_9, %broadcast_in_dim3A_11 : vector<16xi1>, vector<16xi32>
      %add3A_341 = arith.addi %scan3A_203, %select_n3A_340 : vector<16xi32>
      %mul3A_342 = arith.constant 8 : i32
      %mul3A_343 = arith.muli %scan3A_188, %mul3A_342 : i32
      %add3A_344 = arith.constant 7 : i32
      %add3A_345 = arith.addi %mul3A_343, %add3A_344 : i32
      %mul3A_346 = arith.constant 16 : i32
      %mul3A_347 = arith.muli %add3A_345, %mul3A_346 : i32
      %add3A_348 = arith.constant 49152 : i32
      %add3A_349 = arith.addi %add3A_348, %mul3A_347 : i32
      %get3A_350 = arith.index_cast %add3A_349 : i32 to index
      %get3A_351 = tpu.vector_load %arg7[%get3A_350] {strides = array<i32>} : memref<65536xf32, #tpu.memory_space<vmem>>, vector<16xf32>,
      %get3A_352 = arith.index_cast %mul3A_347 : i32 to index
      %get3A_353 = tpu.vector_load %arg12[%get3A_352] {strides = array<i32>} : memref<16384xf32, #tpu.memory_space<vmem>>, vector<16xf32>,
      %lt3A_354 = vector.broadcast %reduce_max3A_128 : f32 to vector<16xf32>
      %lt3A_355 = arith.cmpf olt, %get3A_351, %lt3A_354 : vector<16xf32>
      %jit3A_356 = arith.constant 0.000000e+00 : f32
      %broadcast_in_dim3A_357 = vector.broadcast %jit3A_356 : f32 to vector<16xf32>
      %select_n3A_358 = arith.select %lt3A_355, %get3A_353, %broadcast_in_dim3A_357 : vector<16xi1>, vector<16xf32>
      %add3A_359 = arith.addf %scan3A_196, %select_n3A_358 : vector<16xf32>
      %select_n3A_360 = arith.select %lt3A_355, %broadcast_in_dim3A_9, %broadcast_in_dim3A_11 : vector<16xi1>, vector<16xi32>
      %add3A_361 = arith.addi %scan3A_204, %select_n3A_360 : vector<16xi32>
      scf.yield %add3A_219, %add3A_239, %add3A_259, %add3A_279, %add3A_299, %add3A_319, %add3A_339, %add3A_359, %add3A_221, %add3A_241, %add3A_261, %add3A_281, %add3A_301, %add3A_321, %add3A_341, %add3A_361 : vector<16xf32>, vector<16xf32>, vector<16xf32>, vector<16xf32>, vector<16xf32>, vector<16xf32>, vector<16xf32>, vector<16xf32>, vector<16xi32>, vector<16xi32>, vector<16xi32>, vector<16xi32>, vector<16xi32>, vector<16xi32>, vector<16xi32>, vector<16xi32>
    }
    %scan3A_168 = arith.constant 128 : i32
    %add3A_169 = arith.addf %scan3A_167#0, %scan3A_167#1 : vector<16xf32>
    %add3A_170 = arith.addf %add3A_169, %scan3A_167#2 : vector<16xf32>
    %add3A_171 = arith.addf %add3A_170, %scan3A_167#3 : vector<16xf32>
    %add3A_172 = arith.addf %add3A_171, %scan3A_167#4 : vector<16xf32>
    %add3A_173 = arith.addf %add3A_172, %scan3A_167#5 : vector<16xf32>
    %add3A_174 = arith.addf %add3A_173, %scan3A_167#6 : vector<16xf32>
    %add3A_175 = arith.addf %add3A_174, %scan3A_167#7 : vector<16xf32>
    %add3A_176 = arith.addi %scan3A_167#8, %scan3A_167#9 : vector<16xi32>
    %add3A_177 = arith.addi %add3A_176, %scan3A_167#10 : vector<16xi32>
    %add3A_178 = arith.addi %add3A_177, %scan3A_167#11 : vector<16xi32>
    %add3A_179 = arith.addi %add3A_178, %scan3A_167#12 : vector<16xi32>
    %add3A_180 = arith.addi %add3A_179, %scan3A_167#13 : vector<16xi32>
    %add3A_181 = arith.addi %add3A_180, %scan3A_167#14 : vector<16xi32>
    %add3A_182 = arith.addi %add3A_181, %scan3A_167#15 : vector<16xi32>
    %swap3A_183 = arith.constant 0 : index
    %swap3A_184 = tpu.vector_load %arg13[%swap3A_183] {strides = array<i32>} : memref<16xf32, #tpu.memory_space<vmem>>, vector<16xf32>,
    tpu.vector_store %arg13[%swap3A_183], %add3A_175 {strides = array<i32>} : memref<16xf32, #tpu.memory_space<vmem>>, vector<16xf32>,
    %convert_element_type3A_185 = arith.sitofp %add3A_182 : vector<16xi32> to vector<16xf32>
    %swap3A_186 = arith.constant 0 : index
    %swap3A_187 = tpu.vector_load %arg14[%swap3A_186] {strides = array<i32>} : memref<16xf32, #tpu.memory_space<vmem>>, vector<16xf32>,
    tpu.vector_store %arg14[%swap3A_186], %convert_element_type3A_185 {strides = array<i32>} : memref<16xf32, #tpu.memory_space<vmem>>, vector<16xf32>,
    "tpu.region"() ({
      %run_scoped3A = tpu.sem_alloc : memref<!tpu.dma_semaphore, #tpu.memory_space<semaphore_mem>>
      %dma_start3A = arith.constant 0 : i32
      %dma_start3A_188 = tpu.memref_slice %arg5[%arg1, %dma_start3A] : memref<16x16xf32, #tpu.memory_space<hbm>> -> memref<1x16xf32, #tpu.memory_space<hbm>>
      %dma_start3A_189 = tpu.memref_squeeze %dma_start3A_188 : memref<1x16xf32, #tpu.memory_space<hbm>> -> memref<16xf32, #tpu.memory_space<hbm>>
      %dma_start3A_190 = arith.constant 0 : i32
      %dma_start3A_191 = tpu.memref_slice %arg5[%arg1, %dma_start3A_190] : memref<16x16xf32, #tpu.memory_space<hbm>> -> memref<1x16xf32, #tpu.memory_space<hbm>>
      %dma_start3A_192 = tpu.memref_squeeze %dma_start3A_191 : memref<1x16xf32, #tpu.memory_space<hbm>> -> memref<16xf32, #tpu.memory_space<hbm>>
      tpu.enqueue_dma source(%arg13 : memref<16xf32, #tpu.memory_space<vmem>>) target(%dma_start3A_192 : memref<16xf32, #tpu.memory_space<hbm>>) target_semaphore(%run_scoped3A : memref<!tpu.dma_semaphore, #tpu.memory_space<semaphore_mem>>)
      %dma_wait3A = arith.constant 0 : i32
      %dma_wait3A_193 = tpu.memref_slice %arg5[%arg1, %dma_wait3A] : memref<16x16xf32, #tpu.memory_space<hbm>> -> memref<1x16xf32, #tpu.memory_space<hbm>>
      %dma_wait3A_194 = tpu.memref_squeeze %dma_wait3A_193 : memref<1x16xf32, #tpu.memory_space<hbm>> -> memref<16xf32, #tpu.memory_space<hbm>>
      %dma_wait3A_195 = arith.constant 0 : i32
      %dma_wait3A_196 = tpu.memref_slice %arg5[%arg1, %dma_wait3A_195] : memref<16x16xf32, #tpu.memory_space<hbm>> -> memref<1x16xf32, #tpu.memory_space<hbm>>
      %dma_wait3A_197 = tpu.memref_squeeze %dma_wait3A_196 : memref<1x16xf32, #tpu.memory_space<hbm>> -> memref<16xf32, #tpu.memory_space<hbm>>
      tpu.wait_dma2 semaphore(%run_scoped3A : memref<!tpu.dma_semaphore, #tpu.memory_space<semaphore_mem>>) src(%arg13 : memref<16xf32, #tpu.memory_space<vmem>>) dst(%dma_wait3A_197 : memref<16xf32, #tpu.memory_space<hbm>>)
      tpu.yield
    }) : () -> ()
    "tpu.region"() ({
      %run_scoped3A = tpu.sem_alloc : memref<!tpu.dma_semaphore, #tpu.memory_space<semaphore_mem>>
      %dma_start3A = arith.constant 0 : i32
      %dma_start3A_188 = tpu.memref_slice %arg6[%arg1, %dma_start3A] : memref<16x16xf32, #tpu.memory_space<hbm>> -> memref<1x16xf32, #tpu.memory_space<hbm>>
      %dma_start3A_189 = tpu.memref_squeeze %dma_start3A_188 : memref<1x16xf32, #tpu.memory_space<hbm>> -> memref<16xf32, #tpu.memory_space<hbm>>
      %dma_start3A_190 = arith.constant 0 : i32
      %dma_start3A_191 = tpu.memref_slice %arg6[%arg1, %dma_start3A_190] : memref<16x16xf32, #tpu.memory_space<hbm>> -> memref<1x16xf32, #tpu.memory_space<hbm>>
      %dma_start3A_192 = tpu.memref_squeeze %dma_start3A_191 : memref<1x16xf32, #tpu.memory_space<hbm>> -> memref<16xf32, #tpu.memory_space<hbm>>
      tpu.enqueue_dma source(%arg14 : memref<16xf32, #tpu.memory_space<vmem>>) target(%dma_start3A_192 : memref<16xf32, #tpu.memory_space<hbm>>) target_semaphore(%run_scoped3A : memref<!tpu.dma_semaphore, #tpu.memory_space<semaphore_mem>>)
      %dma_wait3A = arith.constant 0 : i32
      %dma_wait3A_193 = tpu.memref_slice %arg6[%arg1, %dma_wait3A] : memref<16x16xf32, #tpu.memory_space<hbm>> -> memref<1x16xf32, #tpu.memory_space<hbm>>
      %dma_wait3A_194 = tpu.memref_squeeze %dma_wait3A_193 : memref<1x16xf32, #tpu.memory_space<hbm>> -> memref<16xf32, #tpu.memory_space<hbm>>
      %dma_wait3A_195 = arith.constant 0 : i32
      %dma_wait3A_196 = tpu.memref_slice %arg6[%arg1, %dma_wait3A_195] : memref<16x16xf32, #tpu.memory_space<hbm>> -> memref<1x16xf32, #tpu.memory_space<hbm>>
      %dma_wait3A_197 = tpu.memref_squeeze %dma_wait3A_196 : memref<1x16xf32, #tpu.memory_space<hbm>> -> memref<16xf32, #tpu.memory_space<hbm>>
      tpu.wait_dma2 semaphore(%run_scoped3A : memref<!tpu.dma_semaphore, #tpu.memory_space<semaphore_mem>>) src(%arg14 : memref<16xf32, #tpu.memory_space<vmem>>) dst(%dma_wait3A_197 : memref<16xf32, #tpu.memory_space<hbm>>)
      tpu.yield
    }) : () -> ()
    return
  }
}

module attributes {stable_mosaic.version = 14 : i64} {
  func.func @_stats_body(%arg0: i32, %arg1: i32, %arg2: memref<1x19x64x512xf32, #tpu.memory_space<vmem>>, %arg3: memref<1x64x512xi32, #tpu.memory_space<vmem>>, %arg4: memref<1x64x512xf32, #tpu.memory_space<vmem>>, %arg5: memref<1x64x512xf32, #tpu.memory_space<vmem>>) attributes {dimension_semantics = [#tpu.dimension_semantics<arbitrary>, #tpu.dimension_semantics<arbitrary>], iteration_bounds = array<i64: 4, 8>, scalar_prefetch = 0 : i64, scratch_operands = 0 : i64, tpu.core_type = #tpu.core_type<tc>, window_params = [{transform_indices = @transform_0, window_bounds = array<i64: 1, 19, 64, 512>}, {transform_indices = @transform_1, window_bounds = array<i64: 1, 64, 512>}, {transform_indices = @transform_2, window_bounds = array<i64: 1, 64, 512>}, {transform_indices = @transform_3, window_bounds = array<i64: 1, 64, 512>}]} {
    %get3A = arith.constant 0 : index
    %get3A_0 = arith.constant 0 : index
    %get3A_1 = arith.constant 0 : index
    %get3A_2 = arith.constant 0 : index
    %get3A_3 = vector.load %arg2[%get3A, %get3A_0, %get3A_1, %get3A_2] : memref<1x19x64x512xf32, #tpu.memory_space<vmem>>, vector<1x19x64x512xf32>
    %get3A_4 = vector.shape_cast %get3A_3 : vector<1x19x64x512xf32> to vector<19x64x512xf32>
    %get3A_5 = arith.constant 0 : index
    %get3A_6 = arith.constant 0 : index
    %get3A_7 = arith.constant 0 : index
    %get3A_8 = vector.load %arg3[%get3A_5, %get3A_6, %get3A_7] : memref<1x64x512xi32, #tpu.memory_space<vmem>>, vector<1x64x512xi32>
    %get3A_9 = vector.shape_cast %get3A_8 : vector<1x64x512xi32> to vector<64x512xi32>
    %iota3A = tpu.iota {dimensions = array<i32: 0>} : vector<19x64x512xi32>
    %broadcast_in_dim3A = vector.shape_cast %get3A_9 : vector<64x512xi32> to vector<1x64x512xi32>
    %eq3A = vector.broadcast %broadcast_in_dim3A : vector<1x64x512xi32> to vector<19x64x512xi32>
    %eq3A_10 = arith.cmpi eq, %iota3A, %eq3A : vector<19x64x512xi32>
    %jit3A = arith.constant 0.000000e+00 : f32
    %broadcast_in_dim3A_11 = vector.broadcast %jit3A : f32 to vector<19x64x512xf32>
    %select_n3A = arith.select %eq3A_10, %get3A_4, %broadcast_in_dim3A_11 : vector<19x64x512xi1>, vector<19x64x512xf32>
    %reduce_sum3A = arith.constant dense<0.000000e+00> : vector<64x512xf32>
    %reduce_sum3A_12 = vector.multi_reduction <add>, %select_n3A, %reduce_sum3A [0] : vector<19x64x512xf32> to vector<64x512xf32>
    %reduce_max3A = arith.constant dense<0xFF800000> : vector<64x512xf32>
    %reduce_max3A_13 = vector.multi_reduction <maximumf>, %get3A_4, %reduce_max3A [0] : vector<19x64x512xf32> to vector<64x512xf32>
    %broadcast_in_dim3A_14 = vector.shape_cast %reduce_max3A_13 : vector<64x512xf32> to vector<1x64x512xf32>
    %sub3A = vector.broadcast %broadcast_in_dim3A_14 : vector<1x64x512xf32> to vector<19x64x512xf32>
    %sub3A_15 = arith.subf %get3A_4, %sub3A : vector<19x64x512xf32>
    %exp3A = math.exp %sub3A_15 : vector<19x64x512xf32>
    %reduce_sum3A_16 = arith.constant dense<0.000000e+00> : vector<64x512xf32>
    %reduce_sum3A_17 = vector.multi_reduction <add>, %exp3A, %reduce_sum3A_16 [0] : vector<19x64x512xf32> to vector<64x512xf32>
    %sub3A_18 = arith.subf %reduce_sum3A_12, %reduce_max3A_13 : vector<64x512xf32>
    %exp3A_19 = math.exp %sub3A_18 : vector<64x512xf32>
    %div3A = arith.divf %exp3A_19, %reduce_sum3A_17 : vector<64x512xf32>
    %swap3A = arith.constant 0 : index
    %swap3A_20 = arith.constant 0 : index
    %swap3A_21 = arith.constant 0 : index
    %swap3A_22 = vector.load %arg4[%swap3A, %swap3A_20, %swap3A_21] : memref<1x64x512xf32, #tpu.memory_space<vmem>>, vector<1x64x512xf32>
    %swap3A_23 = vector.shape_cast %swap3A_22 : vector<1x64x512xf32> to vector<64x512xf32>
    %swap3A_24 = vector.shape_cast %div3A : vector<64x512xf32> to vector<1x64x512xf32>
    tpu.vector_store %arg4[%swap3A, %swap3A_20, %swap3A_21], %swap3A_24 {strides = array<i32>} : memref<1x64x512xf32, #tpu.memory_space<vmem>>, vector<1x64x512xf32>,
    %log3A = math.log %reduce_sum3A_17 : vector<64x512xf32>
    %add3A = arith.addf %reduce_max3A_13, %log3A : vector<64x512xf32>
    %sub3A_25 = arith.subf %add3A, %reduce_sum3A_12 : vector<64x512xf32>
    %swap3A_26 = arith.constant 0 : index
    %swap3A_27 = arith.constant 0 : index
    %swap3A_28 = arith.constant 0 : index
    %swap3A_29 = vector.load %arg5[%swap3A_26, %swap3A_27, %swap3A_28] : memref<1x64x512xf32, #tpu.memory_space<vmem>>, vector<1x64x512xf32>
    %swap3A_30 = vector.shape_cast %swap3A_29 : vector<1x64x512xf32> to vector<64x512xf32>
    %swap3A_31 = vector.shape_cast %sub3A_25 : vector<64x512xf32> to vector<1x64x512xf32>
    tpu.vector_store %arg5[%swap3A_26, %swap3A_27, %swap3A_28], %swap3A_31 {strides = array<i32>} : memref<1x64x512xf32, #tpu.memory_space<vmem>>, vector<1x64x512xf32>,
    return
  }
  func.func @transform_0(%arg0: i32, %arg1: i32) -> (i32, i32, i32, i32) {
    %c0_i32 = arith.constant 0 : i32
    %c0_i32_0 = arith.constant 0 : i32
    %c0_i32_1 = arith.constant 0 : i32
    return %arg0, %c0_i32, %arg1, %c0_i32_0 : i32, i32, i32, i32
  }
  func.func @transform_1(%arg0: i32, %arg1: i32) -> (i32, i32, i32) {
    %c0_i32 = arith.constant 0 : i32
    %c0_i32_0 = arith.constant 0 : i32
    return %arg0, %arg1, %c0_i32 : i32, i32, i32
  }
  func.func @transform_2(%arg0: i32, %arg1: i32) -> (i32, i32, i32) {
    %c0_i32 = arith.constant 0 : i32
    %c0_i32_0 = arith.constant 0 : i32
    return %arg0, %arg1, %c0_i32 : i32, i32, i32
  }
  func.func @transform_3(%arg0: i32, %arg1: i32) -> (i32, i32, i32) {
    %c0_i32 = arith.constant 0 : i32
    %c0_i32_0 = arith.constant 0 : i32
    return %arg0, %arg1, %c0_i32 : i32, i32, i32
  }
}

</mosaic_0001>

<sc_bundles>
// kernel: kernel.4.cloned.1.call-start
scs
__scs_entry_jumppad:
0x0: {  	(pc) =	sbr.rel $0x88, $3  }
0x1: {  	(tag) =	ssettag $0x0;
	lr =	simm.s32 $0x1  }
0x2: {  	[smem:$0x3F9E] =	sst lr;
	_ =	strace $0xD0000000  }
0x3: {  	_ = 	snop  }
0x4: {  	_ = 	snop  }
0x5: {  	_ = 	snop  }
0x6: {  	_ = 	snop  }
0x7: {  	_ = 	snop  }
__scs_overlays_trampoline_lowered:
0x8: {  	[smem:$0x3FAD] =	sst s0  }
0x9: {  	[smem:$0x3FAE] =	sst s1  }
0xa: {  	[smem:$0x3FAF] =	sst s2  }
0xb: {  	[smem:$0x3FB0] =	sst s3  }
0xc: {  	[smem:$0x3FB1] =	sst s4  }
0xd: {  	[smem:$0x3FB2] =	sst s5  }
0xe: {  	[smem:$0x3FB3] =	sst s6  }
0xf: {  	[smem:$0x3FB4] =	sst s7  }
0x10: {  	[smem:$0x3FB5] =	sst s8  }
0x11: {  	[smem:$0x3FB6] =	sst s9;
	s0 =	simm.s32 @!p0 $0x0  }
0x12: {  	s1 =	sld [smem:$0x3F9C];
	s0 =	simm.s32 @p0 $0x1  }
0x13: {  	[smem:$0x3FB7] =	sst s0;
	s0 =	simm.s32 @!p1 $0x0  }
0x14: {  	s2 =	sld [smem:$0x3F9B];
	s0 =	simm.s32 @p1 $0x1  }
0x15: {  	[smem:$0x3FB8] =	sst s0;
	s0 =	simm.s32 @!p2 $0x0  }
0x16: {  	s3 =	sld [smem:$0x3FDB];
	s0 =	simm.s32 @p2 $0x1  }
0x17: {  	s4 =	simm.s32 $0x1BF5;
	[smem:$0x3FBA] =	sst s0  }
0x18: {  	s0 =	sld [smem:$0x3F9D];
	_ =	swait.ge [sflag:s4], $0x0  }
0x19: {  	s7 =	sld [smem:$0x3F9E]  }
0x1a: {  	s8 =	sadd.s32 $0xFFFFE003, lr  }
0x1b: {  	s9 =	sadd.s32 $0xFFFFFEF7, lr;
	s5 =	simm.s32 $0xFFFFFFFF;
	p2 =	slt.u32 s8, $0xFFFFF086  }
0x1c: {  	p1 =	slt.u32 s9, $0xF7A;
	s5 =	simm.s32 @!p2 $0x0  }
0x1d: {  	s5 =	simm.s32 @p1 $0x1;
	p0 =	seq.s32 s7, s2  }
0x1e: {  	s7 =	smul.u32 @!p0 $0xF7A, s2;
	p2 =	seq.s32 @!p0 s5, $0x0  }
0x1f: {  	s9 =	smul.u32 $0xF7A, s1;
	s8 =	simm.s32 @!p0 $0x1BF5;
	p2 =	por !p2, p0  }
0x20: {  	[sflag:s8] =	ssyncset.s32 @!p0 $0xFFFFF086;
	s6 =	sadd.s32 @!p0 s3, s7;
	s7 =	simm.s32 @!p0 $0x108  }
0x21: {  	s3 =	sadd.s32 s3, s9;
	s6 =	sadd.s32 @!p0 $0x88, s6;
	s7 =	simm.s32 @p2 $0x1082  }
0x22: {  	[simem:s7], [sflag:s8] =	dma.local @!p0 [hbm:s6], $0xF7A  }
0x23: {  	s9 =	sor.u32 $0xD0000000, s2;
	s6 =	simm.s32 $0x108;
	_ =	swait.ge @!p0 [sflag:s8], $0x0  }
0x24: {  	s3 =	sadd.s32 $0x88, s3;
	s6 =	simm.s32 @!p1 $0x1082;
	[sflag:s4] =	ssyncset.s32 $0xFFFFF086  }
0x25: {  	[simem:s6], [sflag:s4] =	dma.local [hbm:s3], $0xF7A  }
0x26: {  	[smem:$0x3F9E] =	sst s1;
	(tag) =	ssettag s2;
	_ =	strace s9  }
0x27: {  	s1 =	sld [smem:$0x3FAE]  }
0x28: {  	s2 =	sld [smem:$0x3FAF]  }
0x29: {  	s4 =	sld [smem:$0x3FB1]  }
0x2a: {  	p0 =	seq.s32 s5, $0x0;
	s5 =	sld [smem:$0x3FB2]  }
0x2b: {  	s6 =	sld [smem:$0x3FB3]  }
0x2c: {  	s7 =	sld [smem:$0x3FB4]  }
0x2d: {  	s3 =	simm.s32 $0x108;
	s8 =	sld [smem:$0x3FB5]  }
0x2e: {  	s3 =	simm.s32 @!p0 $0x1082;
	s9 =	sld [smem:$0x3FB6]  }
0x2f: {  	lr =	sadd.s32 s0, s3;
	s0 =	sld [smem:$0x3FAD]  }
0x30: {  	s3 =	sld [smem:$0x3FB0]  }
0x31: {  	[smem:$0x3FB9] =	sst s10  }
0x32: {  	s10 =	sld [smem:$0x3FB7];
	_ =	sdelay $0x3  }
0x33: {  	p0 =	seq.s32 s10, $0x1;
	s10 =	sld [smem:$0x3FB9];
	_ =	sdelay $0x3  }
0x34: {  	[smem:$0x3FB9] =	sst s10  }
0x35: {  	s10 =	sld [smem:$0x3FB8];
	_ =	sdelay $0x3  }
0x36: {  	p1 =	seq.s32 s10, $0x1;
	s10 =	sld [smem:$0x3FB9];
	_ =	sdelay $0x3  }
0x37: {  	[smem:$0x3FB9] =	sst s10  }
0x38: {  	s10 =	sld [smem:$0x3FBA]  }
0x39: {  	_ = 	snop;
	(pc) =	sbr.ind lr, $3  }
0x3a: {  	_ = 	snop  }
0x3b: {  	_ = 	snop  }
0x3c: {  	p2 =	seq.s32 s10, $0x1;
	s10 =	sld [smem:$0x3FB9]  }
0x3d: {  	_ =	shalt  }
0x3e: {  	_ =	shalt  }
0x3f: {  	_ =	shalt  }
0x40: {  	_ =	shalt  }
0x41: {  	_ =	shalt  }
0x42: {  	_ =	shalt  }
0x43: {  	_ =	shalt  }
0x44: {  	_ =	shalt  }
0x45: {  	_ =	shalt  }
0x46: {  	_ =	shalt  }
0x47: {  	_ =	shalt  }
0x48: {  	_ =	shalt  }
0x49: {  	_ =	shalt  }
0x4a: {  	_ =	shalt  }
0x4b: {  	_ =	shalt  }
0x4c: {  	_ =	shalt  }
0x4d: {  	_ =	shalt  }
0x4e: {  	_ =	shalt  }
0x4f: {  	_ =	shalt  }
0x50: {  	_ =	shalt  }
0x51: {  	_ =	shalt  }
0x52: {  	_ =	shalt  }
0x53: {  	_ =	shalt  }
0x54: {  	_ =	shalt  }
0x55: {  	_ =	shalt  }
0x56: {  	_ =	shalt  }
0x57: {  	_ =	shalt  }
0x58: {  	_ =	shalt  }
0x59: {  	_ =	shalt  }
0x5a: {  	_ =	shalt  }
0x5b: {  	_ =	shalt  }
0x5c: {  	_ =	shalt  }
0x5d: {  	_ =	shalt  }
0x5e: {  	_ =	shalt  }
0x5f: {  	_ =	shalt  }
0x60: {  	_ =	shalt  }
0x61: {  	_ =	shalt  }
0x62: {  	_ =	shalt  }
0x63: {  	_ =	shalt  }
0x64: {  	_ =	shalt  }
0x65: {  	_ =	shalt  }
0x66: {  	_ =	shalt  }
0x67: {  	_ =	shalt  }
0x68: {  	_ =	shalt  }
0x69: {  	_ =	shalt  }
0x6a: {  	_ =	shalt  }
0x6b: {  	_ =	shalt  }
0x6c: {  	_ =	shalt  }
0x6d: {  	_ =	shalt  }
0x6e: {  	_ =	shalt  }
0x6f: {  	_ =	shalt  }
0x70: {  	_ =	shalt  }
0x71: {  	_ =	shalt  }
0x72: {  	_ =	shalt  }
0x73: {  	_ =	shalt  }
0x74: {  	_ =	shalt  }
0x75: {  	_ =	shalt  }
0x76: {  	_ =	shalt  }
0x77: {  	_ =	shalt  }
0x78: {  	_ =	shalt  }
0x79: {  	_ =	shalt  }
0x7a: {  	_ =	shalt  }
0x7b: {  	_ =	shalt  }
0x7c: {  	_ =	shalt  }
0x7d: {  	_ =	shalt  }
0x7e: {  	_ =	shalt  }
0x7f: {  	_ =	shalt  }
0x80: {  	_ =	shalt  }
0x81: {  	_ =	shalt  }
0x82: {  	_ =	shalt  }
0x83: {  	_ =	shalt  }
0x84: {  	_ =	shalt  }
0x85: {  	_ =	shalt  }
0x86: {  	_ =	shalt  }
0x87: {  	_ =	shalt  }
.Lfunc_end0:
.L_simem_size_0:
called_computation_lowered:
.L_overlay_start_0:
0x88: {  	s0 =	sld [smem:$0x3FD9]  }
0x89: {  	s1 =	sld [smem:$0x3FFE];
	_ =	sdelay $0x3  }
0x8a: {  	s0 =	sadd.s32 s1, s0  }
0x8b: {  	[smem:$0x3FC5] =	sst s0  }
0x8c: {  	_ = 	snop  }
0x8d: {  	s0 =	sld [smem:$0x3FD0];
	(tm) =	ssettm $0x1  }
0x8e: {  	s16 =	sld [smem:$0x3FFB];
	_ =	sdelay $0x3  }
0x8f: {  	_ =	strace s16  }
0x90: {  	s1 =	sld [smem:$0x3FFC];
	_ =	sdelay $0x3  }
0x91: {  	_ =	strace s1  }
0x92: {  	s1 =	sld [smem:$0x3FFD];
	_ =	sdelay $0x3  }
0x93: {  	_ =	strace s1  }
0x94: {  	_ =	strace $0x8FFFFFFF  }
0x95: {  	s17 =	sld [smem:$0x3FDB];
	_ =	sdelay $0x1  }
0x96: {  	s2 =	simm.s32 $_scs_section_size  }
0x97: {  	s3 =	simm.s32 $_size__tile_overlayer_lowered;
	s4 =	simm.s32 $_tile_overlayer_lowered  }
0x98: {  	s20 =	simm.s32 $0x1BFF;
	s19 =	sshll.u32 s4, $0x1;
	s1 =	sadd.s32 s2, s17  }
0x99: {  	s5 =	simm.s32 $0x0;
	s18 =	sshll.u32 s3, $0x1;
	s3 =	sadd.s32 s19, s1  }
0x9a: {  	[timem:s5], [sflag:s20] =	dma.local [hbm:s3], s18  }
0x9b: {  	_ =	swait.ge [sflag:s20], s18  }
0x9c: {  	s2 =	ssub.s32 $0x0, s18;
	[sflag:s20] =	ssyncset.done $0x0  }
0x9d: {  	[sflag:s20] =	ssyncadd.s32 s2;
	_ =	sdelay $0x1  }
0x9e: {  	s21 =	simm.s32 $0x1B8B  }
0x9f: {  	_ =	swait.ge [sflag:s21], $0x1  }
0xa0: {  	[sflag:s21] =	ssyncset.done $0x0  }
0xa1: {  	s23 =	simm.s32 $0x1B8E;
	s22 =	sld [smem:$0x3FFE];
	[sflag:s21] =	ssyncadd.s32 $0xFFFFFFFF  }
0xa2: {  	s24 =	simm.s32 $execute0_lowered;
	[smem:$0x3FD2] =	sst s23  }
0xa3: {  	s3 =	sshll.u32 s24, $0x1;
	_ =	strace $0x80000046;
	[dreg:$0x1] =	wrdreg $0xFFFFFFFF  }
0xa4: {  	s25 =	simm.s32 $_size_execute0_lowered;
	s1 =	sadd.s32 s1, s3;
	[dreg:$0x0] =	wrdreg $0x0  }
0xa5: {  	s3 =	sshll.u32 s25, $0x1;
	[dreg:$0x2] =	wrdreg s1  }
0xa6: {  	[dreg:$0x3] =	wrdreg s3  }
0xa7: {  	[dreg:$0x4] =	wrdreg $0xC0  }
0xa8: {  	_ =	task [dreg:s5], $0x5FFFF  }
0xa9: {  	[dreg:$0x1] =	wrdreg $0xFFFFFFFF  }
0xaa: {  	[dreg:$0x0] =	wrdreg $0x60  }
0xab: {  	[dreg:$0x2] =	wrdreg s22  }
0xac: {  	[dreg:$0x3] =	wrdreg s0  }
0xad: {  	[dreg:$0x4] =	wrdreg $0x1E2000  }
0xae: {  	[dreg:$0x5] =	wrdreg $0x9  }
0xaf: {  	_ =	task.clear_ibuf [dreg:s5], $0x6FFFF;
	_ =	strace $0x90000046  }
0xb0: {  	s26 =	simm.s32 $0x9;
	_ =	strace $0x80000048  }
0xb1: {  	_ =	swait.ge [sflag:s26], $0x1  }
0xb2: {  	[sflag:s26] =	ssyncadd.s32 $0xFFFFFFFF  }
0xb3: {  	_ =	strace $0x90000048  }
0xb4: {  	_ =	sfence  }
0xb5: {  	s28 =	sld [smem:$0x0];
	_ =	sdelay $0x1  }
0xb6: {  	s29 =	srdreg.scid  }
0xb7: {  	s30 =	sshll.u32 s29, $0xD;
	s31 =	sshrl.u32 s29, $0x2  }
0xb8: {  	s2 =	sand.u32 $0x4000, s30;
	s1 =	sand.u32 $0x1, s29;
	s0 =	sadd.s32 s31, s28  }
0xb9: {  	s1 =	sor.u32 s2, s1;
	s0 =	sshll.u32 s0, $0x11  }
0xba: {  	s0 =	sor.u32 s0, s1  }
0xbb: {  	s0 =	sadd.s32 $0x8F2B, s0  }
0xbc: {  	[sflag:s0] =	ssyncadd.remote.s32 $0x1  }
0xbd: {  	_ =	sfence.sel $0xFFFF  }
0xbe: {  	[dreg:$0x0] =	wrdreg $0xFFFFFFFF;
	(pc) =	sbr.abs _section_cstart, $3  }
0xbf: {  	[dreg:$0x1] =	wrdreg $0xFFFFFFFF  }
0xc0: {  	_ =	task.clear_ibuf [dreg:s5], $0x2FFFF;
	_ =	strace $0x9FFFFFFF  }
0xc1: {  	(tm) =	ssettm $0x7FFFFFFF  }
tec
execute0_lowered:
.L_overlay_start_1:
0x0: {  	(tag) =	ssettag $0x1  }
0x1: {  	s3 =	rddreg [dreg:$0x0]  }
0x2: {  	s2 =	rddreg [dreg:$0x1]  }
0x3: {  	s7 =	rddreg [dreg:$0x2];
	s1 =	stileid.u32  }
0x4: {  	s0 =	rddreg [dreg:$0x3];
	s5 =	simm.s32 $0x0;
	s4 =	sshll.u32 s1, $0xD  }
0x5: {  	[smem:$0x7FF] =	sst s5;
	s6 =	sadd.s32 s4, s3  }
0x6: {  	s31 =	simm.s32 $0x1;
	_ =	strace $0x80000047;
	s6 =	sadd.s32 $0x200, s6  }
0x7: {  	[tilespmem:s5], [sflag:$0x1] =	stream.linear.gather [hbm4b:s6+s5], $0x10000, $0x38;
	[tilespmem:$0x1EA00] =	vst v63  }
0x8: {  	_ =	swait.ge [sflag:s31], $0x10000  }
0x9: {  	[sflag:s31] =	ssyncset.done $0x0  }
0xa: {  	s8 =	simm.s32 $0x1A000;
	[sflag:s31] =	ssyncadd.s32 $0xFFFF0000  }
0xb: {  	[tilespmem:s8], [sflag:$0x1] =	stream.linear.gather [hbm4b:s2+s5], $0x80, $0x38;
	[tilespmem:$0x1EA00] =	vst v63  }
0xc: {  	_ =	swait.ge [sflag:s31], $0x80  }
0xd: {  	[sflag:s31] =	ssyncset.done $0x0  }
0xe: {  	s9 =	simm.s32 $0x0;
	[sflag:s31] =	ssyncadd.s32 $0xFFFFFF80  }
0xf: {  	v1 =	vld [tilespmem:s9+$0x70]  }
0x10: {  	v2 =	vld [tilespmem:s9+$0x0]  }
0x11: {  	v3 =	vld [tilespmem:s9+$0x10]  }
0x12: {  	v4 =	vld [tilespmem:$0x1A000]  }
0x13: {  	v0 =	vimm.s32 $0x0;
	v8 =	vimm.s32 $0x0;
	v12 =	vld [tilespmem:s9+$0x20]  }
0x14: {  	v9 =	vimm.s32 $0x0;
	v7 =	vimm.s32 $0x0;
	v5 =	vimm.s32 $0x0;
	v10 =	vld [tilespmem:s9+$0x30]  }
0x15: {  	v6 =	vimm.s32 $0x0;
	v11 =	vld [tilespmem:s9+$0x40];
	vm0 =	vlt.f32 v1, $6.999999880e-01;
	vm1 =	vlt.f32 v2, $6.999999880e-01  }
0x16: {  	s6 =	sadd.s32 $0x20200, s3;
	s2 =	sadd.s32 $0x40200, s3;
	v13 =	vld [tilespmem:s9+$0x50];
	v2 =	vimm.s32 $0x0;
	v1 =	vsel vm0, $0x1, v0;
	v15 =	vsel vm1, $0x1, v0  }
0x17: {  	s3 =	sadd.s32 $0x40400, s3;
	s5 =	simm.s32 $0x80;
	s8 =	simm.s32 $0x400;
	v14 =	vld [tilespmem:s9+$0x60];
	vm0 =	vlt.f32 v3, $6.999999880e-01;
	v3 =	vimm.s32 $0x0;
	v1 =	vadd.s32 v1, v0  }
.LBB2_1:
0x18: {  	p0 =	sne.s32 s8, $0x3FE00;
	v16 =	vld [tilespmem:s5+$0x70];
	v8 =	vadd.s32 v15, v8;
	v15 =	vsel vm0, $0x1, v0;
	vm0 =	vlt.f32 v12, $6.999999880e-01  }
0x19: {  	v17 =	vld [tilespmem:s5+$0x0];
	v9 =	vadd.s32 v15, v9;
	v12 =	vsel vm0, $0x1, v0;
	vm0 =	vlt.f32 v10, $6.999999880e-01  }
0x1a: {  	v18 =	vld [tilespmem:s5+$0x10];
	v7 =	vadd.s32 v12, v7;
	v10 =	vsel vm0, $0x1, v0;
	vm0 =	vlt.f32 v11, $6.999999880e-01  }
.Ltmp0:
0x1b: {  	v12 =	vld [tilespmem:s5+$0x20];
	v5 =	vadd.s32 v10, v5;
	v11 =	vsel vm0, $0x1, v0;
	vm0 =	vlt.f32 v13, $6.999999880e-01;
	(pc) =	sbr.rel @p0 .LBB2_1-.Ltmp0, $4  }
0x1c: {  	v10 =	vld [tilespmem:s5+$0x30];
	v6 =	vadd.s32 v11, v6;
	v13 =	vsel vm0, $0x1, v0;
	vm0 =	vlt.f32 v14, $6.999999880e-01  }
0x1d: {  	v11 =	vld [tilespmem:s5+$0x40];
	vm1 =	vlt.f32 v16, $6.999999880e-01;
	v3 =	vadd.s32 v13, v3;
	v14 =	vsel vm0, $0x1, v0  }
0x1e: {  	vm0 =	vlt.f32 v17, $6.999999880e-01;
	v13 =	vld [tilespmem:s5+$0x50];
	v16 =	vsel vm1, $0x1, v0;
	v2 =	vadd.s32 v14, v2  }
0x1f: {  	v15 =	vsel vm0, $0x1, v0;
	vm0 =	vlt.f32 v18, $6.999999880e-01;
	v14 =	vld [tilespmem:s5+$0x60];
	s5 =	sshra.s32 s8, $0x2;
	s8 =	sadd.s32 $0x200, s8;
	v1 =	vadd.s32 v16, v1  }
0x20: {  	v38 =	vld [tilespmem:s5+$0x70]  }
0x21: {  	v4 =	vxor.u32 $0x80000000, v4;
	v39 =	vld [tilespmem:s5+$0x0]  }
0x22: {  	v41 =	vld [tilespmem:s5+$0x10];
	(xrf0) =	vmax.scan.msk.u32 $0xffff, v4  }
0x23: {  	v43 =	vld [tilespmem:s5+$0x20]  }
0x24: {  	v16 =	vsel vm0, $0x1, v0;
	vm4 =	vlt.f32 v12, $6.999999880e-01;
	v45 =	vld [tilespmem:s5+$0x30]  }
0x25: {  	v8 =	vadd.s32 v15, v8;
	v47 =	vld [tilespmem:s5+$0x40];
	v9 =	vadd.s32 v16, v9;
	v40 =	vsel vm4, $0x1, v0  }
0x26: {  	v49 =	vld [tilespmem:s5+$0x50];
	vm5 =	vlt.f32 v10, $6.999999880e-01;
	v7 =	vadd.s32 v40, v7;
	vm1 =	vlt.f32 v11, $6.999999880e-01  }
0x27: {  	v51 =	vld [tilespmem:s5+$0x60];
	v42 =	vsel vm5, $0x1, v0;
	v44 =	vsel vm1, $0x1, v0;
	vm6 =	vlt.f32 v13, $6.999999880e-01  }
0x28: {  	v5 =	vadd.s32 v42, v5;
	v6 =	vadd.s32 v44, v6;
	v13 =	vsel vm6, $0x1, v0;
	v46, _, _ =	vpop (xrf0)  }
0x29: {  	vm7 =	vlt.f32 v14, $6.999999880e-01;
	vm8 =	vlt.f32 v38, $6.999999880e-01;
	(v2sf) =	vpush v46, $0xF  }
0x2a: {  	v3 =	vadd.s32 v13, v3;
	v48 =	vsel vm7, $0x1, v0;
	vm9 =	vlt.f32 v39, $6.999999880e-01  }
0x2b: {  	vm10 =	vlt.f32 v41, $6.999999880e-01;
	vm11 =	vlt.f32 v43, $6.999999880e-01;
	vm12 =	vlt.f32 v45, $6.999999880e-01  }
0x2c: {  	vm13 =	vlt.f32 v47, $6.999999880e-01;
	vm14 =	vlt.f32 v49, $6.999999880e-01;
	vm15 =	vlt.f32 v51, $6.999999880e-01  }
0x2d: {  	v2 =	vadd.s32 v48, v2;
	v50 =	vsel vm9, $0x1, v0;
	v52 =	vsel vm10, $0x1, v0  }
0x2e: {  	v53 =	vsel vm11, $0x1, v0;
	v4 =	vadd.s32 v50, v8;
	v8 =	vadd.s32 v52, v9  }
0x2f: {  	v54 =	vsel vm12, $0x1, v0;
	v7 =	vadd.s32 v53, v7;
	v4 =	vadd.s32 v4, v8  }
0x30: {  	v55 =	vsel vm13, $0x1, v0;
	v5 =	vadd.s32 v54, v5;
	v4 =	vadd.s32 v7, v4  }
0x31: {  	v56 =	vsel vm14, $0x1, v0;
	v6 =	vadd.s32 v55, v6;
	v4 =	vadd.s32 v5, v4  }
0x32: {  	v57 =	vsel vm15, $0x1, v0;
	v3 =	vadd.s32 v56, v3;
	v4 =	vadd.s32 v6, v4  }
0x33: {  	s9 =	sshrl.u32 s1, $0x3;
	v0 =	vsel vm8, $0x1, v0;
	v2 =	vadd.s32 v57, v2;
	v3 =	vadd.s32 v3, v4  }
0x34: {  	s26 =	sshll.u32 s1, $0x7;
	s8 =	sshll.u32 s9, $0xE;
	v0 =	vadd.s32 v0, v1;
	v1 =	vadd.s32 v2, v3  }
0x35: {  	s29 =	simm.s32 $0x80;
	s11 =	sand.u32 $0x380, s26;
	s28 =	sadd.s32 s8, s7;
	v0 =	vadd.s32 v0, v1  }
0x36: {  	s10 =	simm.s32 $0x400;
	s12 =	simm.s32 $0x10000;
	s8 =	sadd.s32 s11, s28;
	[tilespmem:$0x10000] =	vst v0  }
0x37: {  	[spmem:s8] =	stream.strided.scatter [tilespmem:s12], [sflag:$0x1], $0x800, s10, s29, $0x38;
	[tilespmem:$0x1EA00] =	vst v63  }
0x38: {  	s5 =	simm.s32 $0x1;
	s10 =	spop (v2sf)  }
0x39: {  	_ =	swait.ge [sflag:s5], $0x800  }
0x3a: {  	[sflag:s5] =	ssyncset.done $0x0  }
0x3b: {  	[sflag:s5] =	ssyncadd.s32 $0xFFFFF800  }
0x3c: {  	s30 =	simm.s32 $0x12000;
	[bflag:$0x0] =	sbarrier.arrive $0xFFFF  }
0x3d: {  	[tilespmem:s30], [sflag:$0x1] =	stream.linear.gather [spmem:s7], $0x8000, $0x38;
	[tilespmem:$0x1EA00] =	vst v63  }
0x3e: {  	_ =	swait.ge [sflag:s5], $0x8000  }
0x3f: {  	[sflag:s5] =	ssyncset.done $0x0  }
0x40: {  	[sflag:s5] =	ssyncadd.s32 $0xFFFF8000  }
0x41: {  	[bflag:$0x0] =	sbarrier.arrive $0xFFFF  }
0x42: {  	v0 =	vld [tilespmem:$0x12000]  }
0x43: {  	v1 =	vld [tilespmem:$0x12080]  }
0x44: {  	v2 =	vld [tilespmem:$0x12100]  }
0x45: {  	v3 =	vld [tilespmem:$0x12180]  }
0x46: {  	v58 =	vld [tilespmem:$0x12200]  }
0x47: {  	v59 =	vld [tilespmem:$0x12280]  }
0x48: {  	v0 =	vadd.s32 v0, v1;
	v1 =	vld [tilespmem:$0x12300]  }
0x49: {  	v0 =	vadd.s32 v2, v0;
	v2 =	vld [tilespmem:$0x12380]  }
0x4a: {  	v0 =	vadd.s32 v3, v0;
	v3 =	vld [tilespmem:$0x16000]  }
0x4b: {  	v60 =	vld [tilespmem:$0x16080];
	v0 =	vadd.s32 v58, v0  }
0x4c: {  	v61 =	vld [tilespmem:$0x16100];
	v0 =	vadd.s32 v59, v0  }
0x4d: {  	v0 =	vadd.s32 v1, v0;
	v1 =	vld [tilespmem:$0x16180]  }
0x4e: {  	v0 =	vadd.s32 v2, v0;
	v2 =	vld [tilespmem:$0x16200]  }
0x4f: {  	v0 =	vadd.s32 v3, v0;
	v3 =	vld [tilespmem:$0x16280]  }
0x50: {  	v62 =	vld [tilespmem:$0x16300];
	v0 =	vadd.s32 v60, v0  }
0x51: {  	v63 =	vld [tilespmem:$0x16380];
	v0 =	vadd.s32 v61, v0  }
0x52: {  	v0 =	vadd.s32 v1, v0  }
0x53: {  	v0 =	vadd.s32 v2, v0  }
0x54: {  	v0 =	vadd.s32 v3, v0  }
0x55: {  	v0 =	vadd.s32 v62, v0  }
0x56: {  	v0 =	vadd.s32 v63, v0  }
0x57: {  	(xrf0) =	vadd.scan.msk.s32 $0xffff, v0;
	_ =	sdelay $0x5  }
0x58: {  	v0, _, _ =	vpop (xrf0)  }
0x59: {  	v0 =	vxor.u32 $0x80000000, v0  }
0x5a: {  	(xrf0) =	vmax.scan.msk.u32 $0xffff, v0;
	_ =	sdelay $0x5  }
0x5b: {  	v0, _, _ =	vpop (xrf0)  }
0x5c: {  	(v2sf) =	vpush v0, $0xF;
	_ =	sdelay $0xe  }
0x5d: {  	s31 =	spop (v2sf)  }
0x5e: {  	p0 =	sgt.u32 s31, s10  }
.Ltmp1:
0x5f: {  	_ = 	snop;
	(pc) =	sbr.rel @p0 .LBB2_62-.Ltmp1, $4  }
0x60: {  	_ = 	snop  }
0x61: {  	s9 =	sshll.u32 s9, $0xA  }
0x62: {  	s9 =	sor.u32 s11, s9  }
0x63: {  	s6 =	sadd.s32 s6, s4;
	s4 =	sshrl.u32 s9, $0x3;
	v0 =	vimm.f32 $6.999999880e-01  }
0x64: {  	s9 =	sxor.u32 $0x80000000, s10;
	v0 =	vimm.s32 $0x0;
	s10 =	simm.s32 $0x40;
	s11 =	simm.s32 $0x0  }
.LBB2_4:
0x65: {  	p0 =	sne.s32 s10, $0x7FC0;
	[tilespmem:s11+$0x10000] =	vst v0;
	s11 =	smov.u32 s10;
	s10 =	sadd.s32 $0x40, s10  }
.Ltmp2:
0x66: {  	(pc) =	sbr.rel @p0 .LBB2_4-.Ltmp2, $2  }
0x67: {  	_ =	sdelay $0x2  }
0x68: {  	s11 =	sshra.s32 s11, $0x2  }
0x69: {  	[tilespmem:s11+$0x10000] =	vst v0;
	s11 =	simm.s32 $0x0;
	v0 =	vimm.s32 $0x1;
	s12 =	simm.s32 $0x0;
	s10 =	simm.s32 $0x10000  }
.LBB2_6:
0x6a: {  	s13 =	sshra.s32 s12, $0x2  }
0x6b: {  	v1 =	vld [tilespmem:s13+$0x0];
	_ =	sdelay $0x4  }
0x6c: {  	v1 =	vshrl.u32 v1, $0x14  }
0x6d: {  	v1 =	vand.u32 $0x7FF, v1;
	_ =	sdelay $0x4  }
0x6e: {  	[tilespmem:v1+s10+$0x0] =	vst.idx.add.s32.msk $0xffff, v0  }
0x6f: {  	v1 =	vld [tilespmem:s13+$0x10];
	_ =	sdelay $0x4  }
0x70: {  	v1 =	vshrl.u32 v1, $0x14  }
0x71: {  	v1 =	vor.u32 $0x800, v1;
	_ =	sdelay $0x4  }
0x72: {  	[tilespmem:v1+s10+$0x0] =	vst.idx.add.s32.msk $0xffff, v0  }
0x73: {  	v1 =	vld [tilespmem:s13+$0x20];
	_ =	sdelay $0x4  }
0x74: {  	v1 =	vshrl.u32 v1, $0x14  }
0x75: {  	v1 =	vand.u32 $0x7FF, v1  }
0x76: {  	v1 =	vor.u32 $0x1000, v1;
	_ =	sdelay $0x4  }
0x77: {  	[tilespmem:v1+s10+$0x0] =	vst.idx.add.s32.msk $0xffff, v0  }
0x78: {  	v1 =	vld [tilespmem:s13+$0x30];
	_ =	sdelay $0x4  }
0x79: {  	v1 =	vshrl.u32 v1, $0x14  }
0x7a: {  	v1 =	vor.u32 $0x1800, v1;
	_ =	sdelay $0x4  }
0x7b: {  	[tilespmem:v1+s10+$0x0] =	vst.idx.add.s32.msk $0xffff, v0  }
0x7c: {  	v1 =	vld [tilespmem:s13+$0x40];
	_ =	sdelay $0x4  }
0x7d: {  	v1 =	vshrl.u32 v1, $0x14  }
0x7e: {  	v1 =	vand.u32 $0x7FF, v1;
	_ =	sdelay $0x4  }
0x7f: {  	[tilespmem:v1+s10+$0x0] =	vst.idx.add.s32.msk $0xffff, v0  }
0x80: {  	v1 =	vld [tilespmem:s13+$0x50];
	_ =	sdelay $0x4  }
0x81: {  	v1 =	vshrl.u32 v1, $0x14  }
0x82: {  	v1 =	vor.u32 $0x800, v1;
	_ =	sdelay $0x4  }
0x83: {  	[tilespmem:v1+s10+$0x0] =	vst.idx.add.s32.msk $0xffff, v0  }
0x84: {  	v1 =	vld [tilespmem:s13+$0x60];
	_ =	sdelay $0x4  }
0x85: {  	v1 =	vshrl.u32 v1, $0x14  }
0x86: {  	v1 =	vand.u32 $0x7FF, v1  }
0x87: {  	v1 =	vor.u32 $0x1000, v1;
	_ =	sdelay $0x4  }
0x88: {  	[tilespmem:v1+s10+$0x0] =	vst.idx.add.s32.msk $0xffff, v0  }
0x89: {  	v1 =	vld [tilespmem:s13+$0x70];
	_ =	sdelay $0x4  }
0x8a: {  	v1 =	vshrl.u32 v1, $0x14  }
0x8b: {  	p0 =	sne.s32 s12, $0x3FE00;
	v1 =	vor.u32 $0x1800, v1  }
.Ltmp3:
0x8c: {  	_ = 	snop;
	(pc) =	sbr.rel @p0 .LBB2_6-.Ltmp3, $2  }
0x8d: {  	_ =	sdelay $0x2  }
0x8e: {  	s12 =	sadd.s32 $0x200, s12;
	[tilespmem:v1+s10+$0x0] =	vst.idx.add.s32.msk $0xffff, v0  }
0x8f: {  	s12 =	sand.u32 $0x7F0, s11  }
0x90: {  	s11 =	simm.s32 $0x10;
	v0 =	vld [tilespmem:s12+$0x10800]  }
.LBB2_8:
0x91: {  	p0 =	sne.s32 s11, $0x7F0;
	v1 =	vld [tilespmem:s10+$0x0]  }
0x92: {  	v2 =	vld [tilespmem:s12+$0x11000]  }
0x93: {  	v3 =	vld [tilespmem:s12+$0x11800];
	_ =	sdelay $0x2  }
.Ltmp4:
0x94: {  	v0 =	vadd.s32 v1, v0;
	(pc) =	sbr.rel @p0 .LBB2_8-.Ltmp4, $4  }
0x95: {  	v0 =	vadd.s32 v2, v0  }
0x96: {  	v0 =	vadd.s32 v3, v0  }
0x97: {  	s12 =	sand.u32 $0x7F0, s11;
	[tilespmem:s10+$0x0] =	vst v0  }
0x98: {  	s11 =	sadd.s32 $0x10, s11;
	s10 =	sadd.s32 $0x10, s10;
	v0 =	vld [tilespmem:s12+$0x10800]  }
0x99: {  	v1 =	vld [tilespmem:s10+$0x0]  }
0x9a: {  	v2 =	vld [tilespmem:s12+$0x11000]  }
0x9b: {  	v3 =	vld [tilespmem:s12+$0x11800];
	_ =	sdelay $0x2  }
0x9c: {  	v0 =	vadd.s32 v1, v0  }
0x9d: {  	v0 =	vadd.s32 v2, v0  }
0x9e: {  	s11 =	simm.s32 $0x80;
	v0 =	vadd.s32 v3, v0  }
0x9f: {  	s25 =	simm.s32 $0x400;
	s26 =	simm.s32 $0x1;
	[tilespmem:s10+$0x0] =	vst v0;
	s10 =	simm.s32 $0x10000  }
0xa0: {  	[spmem:s8] =	stream.strided.scatter [tilespmem:s10], [sflag:$0x1], $0x800, s25, s11, $0x38;
	[tilespmem:$0x1EA00] =	vst v63  }
0xa1: {  	_ =	swait.ge [sflag:s26], $0x800  }
0xa2: {  	[sflag:s26] =	ssyncset.done $0x0  }
0xa3: {  	[sflag:s26] =	ssyncadd.s32 $0xFFFFF800  }
0xa4: {  	s28 =	simm.s32 $0x12000;
	[bflag:$0x0] =	sbarrier.arrive $0xFFFF  }
0xa5: {  	[tilespmem:s28], [sflag:$0x1] =	stream.linear.gather [spmem:s7], $0x8000, $0x38;
	[tilespmem:$0x1EA00] =	vst v63  }
0xa6: {  	s29 =	simm.s32 $0x0;
	_ =	swait.ge [sflag:s26], $0x8000  }
0xa7: {  	s30 =	sand.u32 $0x70, s29;
	s11 =	sand.u32 $0x3C00, s29;
	[sflag:s26] =	ssyncset.done $0x0  }
0xa8: {  	s11 =	sor.u32 s30, s11;
	[sflag:s26] =	ssyncadd.s32 $0xFFFF8000  }
0xa9: {  	s12 =	sadd.s32 $0x12000, s11;
	[bflag:$0x0] =	sbarrier.arrive $0xFFFF  }
0xaa: {  	v0 =	vld [tilespmem:s12+$0x80]  }
0xab: {  	v1 =	vld [tilespmem:s11+$0x12000]  }
0xac: {  	v2 =	vld [tilespmem:s12+$0x100]  }
0xad: {  	v3 =	vld [tilespmem:s12+$0x180]  }
0xae: {  	v4 =	vld [tilespmem:s12+$0x200]  }
0xaf: {  	v5 =	vld [tilespmem:s12+$0x280]  }
0xb0: {  	v0 =	vadd.s32 v1, v0;
	v1 =	vld [tilespmem:s12+$0x300]  }
0xb1: {  	v0 =	vadd.s32 v2, v0;
	v2 =	vld [tilespmem:s12+$0x380]  }
0xb2: {  	v0 =	vadd.s32 v3, v0;
	v3 =	vld [tilespmem:s11+$0x16000]  }
0xb3: {  	v60 =	vld [tilespmem:s11+$0x16080];
	v0 =	vadd.s32 v4, v0  }
0xb4: {  	v61 =	vld [tilespmem:s11+$0x16100];
	v0 =	vadd.s32 v5, v0  }
0xb5: {  	v0 =	vadd.s32 v1, v0;
	v1 =	vld [tilespmem:s11+$0x16180]  }
0xb6: {  	v0 =	vadd.s32 v2, v0;
	v2 =	vld [tilespmem:s11+$0x16200]  }
0xb7: {  	v0 =	vadd.s32 v3, v0;
	v3 =	vld [tilespmem:s11+$0x16280]  }
0xb8: {  	v62 =	vld [tilespmem:s11+$0x16300];
	v0 =	vadd.s32 v60, v0  }
0xb9: {  	v63 =	vld [tilespmem:s11+$0x16380];
	v0 =	vadd.s32 v61, v0  }
0xba: {  	v0 =	vadd.s32 v1, v0  }
0xbb: {  	v0 =	vadd.s32 v2, v0  }
0xbc: {  	s31 =	simm.s32 $0x10;
	s12 =	simm.s32 $0x80;
	v0 =	vadd.s32 v3, v0  }
0xbd: {  	s13 =	sand.u32 $0x3C00, s12;
	s11 =	sand.u32 $0x70, s31;
	v0 =	vadd.s32 v62, v0  }
0xbe: {  	s11 =	sor.u32 s11, s13;
	s13 =	simm.s32 $0x20;
	v0 =	vadd.s32 v63, v0  }
.LBB2_10:
0xbf: {  	p0 =	seq.s32 s13, $0x7F0;
	s14 =	sadd.s32 $0x12000, s11;
	[tilespmem:s10+$0x0] =	vst v0  }
0xc0: {  	v0 =	vld [tilespmem:s14+$0x80]  }
0xc1: {  	v1 =	vld [tilespmem:s11+$0x12000]  }
0xc2: {  	v2 =	vld [tilespmem:s14+$0x100]  }
0xc3: {  	v3 =	vld [tilespmem:s14+$0x180]  }
0xc4: {  	v4 =	vld [tilespmem:s14+$0x200]  }
0xc5: {  	v5 =	vld [tilespmem:s14+$0x280]  }
0xc6: {  	v0 =	vadd.s32 v1, v0;
	v1 =	vld [tilespmem:s14+$0x300]  }
0xc7: {  	v0 =	vadd.s32 v2, v0;
	v2 =	vld [tilespmem:s14+$0x380]  }
0xc8: {  	v0 =	vadd.s32 v3, v0;
	v3 =	vld [tilespmem:s11+$0x16000]  }
0xc9: {  	v0 =	vadd.s32 v4, v0;
	v4 =	vld [tilespmem:s11+$0x16080]  }
0xca: {  	v0 =	vadd.s32 v5, v0;
	v5 =	vld [tilespmem:s11+$0x16100]  }
0xcb: {  	v0 =	vadd.s32 v1, v0;
	v1 =	vld [tilespmem:s11+$0x16180]  }
0xcc: {  	v0 =	vadd.s32 v2, v0;
	v2 =	vld [tilespmem:s11+$0x16200]  }
0xcd: {  	v0 =	vadd.s32 v3, v0;
	v3 =	vld [tilespmem:s11+$0x16280]  }
0xce: {  	v0 =	vadd.s32 v4, v0;
	v4 =	vld [tilespmem:s11+$0x16300]  }
0xcf: {  	v0 =	vadd.s32 v5, v0;
	v5 =	vld [tilespmem:s11+$0x16380]  }
.Ltmp5:
0xd0: {  	v0 =	vadd.s32 v1, v0;
	(pc) =	sbr.rel @!p0 .LBB2_10-.Ltmp5, $4  }
0xd1: {  	v0 =	vadd.s32 v2, v0  }
0xd2: {  	s12 =	sadd.s32 $0x80, s12;
	v0 =	vadd.s32 v3, v0  }
0xd3: {  	s14 =	sand.u32 $0x3C00, s12;
	s11 =	sand.u32 $0x70, s13;
	v0 =	vadd.s32 v4, v0  }
0xd4: {  	s10 =	sadd.s32 $0x10, s10;
	s13 =	sadd.s32 $0x10, s13;
	s11 =	sor.u32 s11, s14;
	v0 =	vadd.s32 v5, v0  }
0xd5: {  	s12 =	sadd.s32 $0x12000, s11;
	[tilespmem:s10+$0x0] =	vst v0  }
0xd6: {  	v0 =	vld [tilespmem:s12+$0x80]  }
0xd7: {  	v1 =	vld [tilespmem:s11+$0x12000]  }
0xd8: {  	v2 =	vld [tilespmem:s12+$0x100]  }
0xd9: {  	v3 =	vld [tilespmem:s12+$0x180]  }
0xda: {  	v4 =	vld [tilespmem:s12+$0x200]  }
0xdb: {  	v5 =	vld [tilespmem:s12+$0x280]  }
0xdc: {  	v0 =	vadd.s32 v1, v0;
	v1 =	vld [tilespmem:s12+$0x300]  }
0xdd: {  	v0 =	vadd.s32 v2, v0;
	v2 =	vld [tilespmem:s12+$0x380]  }
0xde: {  	v0 =	vadd.s32 v3, v0;
	v3 =	vld [tilespmem:s11+$0x16000]  }
0xdf: {  	v60 =	vld [tilespmem:s11+$0x16080];
	v0 =	vadd.s32 v4, v0  }
0xe0: {  	v61 =	vld [tilespmem:s11+$0x16100];
	v0 =	vadd.s32 v5, v0  }
0xe1: {  	v0 =	vadd.s32 v1, v0;
	v1 =	vld [tilespmem:s11+$0x16180]  }
0xe2: {  	v0 =	vadd.s32 v2, v0;
	v2 =	vld [tilespmem:s11+$0x16200]  }
0xe3: {  	v0 =	vadd.s32 v3, v0;
	v3 =	vld [tilespmem:s11+$0x16280]  }
0xe4: {  	v62 =	vld [tilespmem:s11+$0x16300];
	v0 =	vadd.s32 v60, v0  }
0xe5: {  	v63 =	vld [tilespmem:s11+$0x16380];
	v0 =	vadd.s32 v61, v0  }
0xe6: {  	v0 =	vadd.s32 v1, v0  }
0xe7: {  	p5 =	por $0x0, $0x0;
	v0 =	vadd.s32 v2, v0  }
.Ltmp6:
0xe8: {  	v0 =	vadd.s32 v3, v0;
	(pc) =	sbr.rel @p5 .LBB2_12-.Ltmp6, $4  }
0xe9: {  	v0 =	vadd.s32 v62, v0  }
0xea: {  	s31 =	sadd.s32 $0x10, s10;
	v1 =	vlaneseq.u32;
	v0 =	vadd.s32 v63, v0  }
0xeb: {  	s13 =	simm.s32 $0x10000;
	s11 =	simm.s32 $0x0;
	v14 =	vor.u32 $0x80000000, v1;
	[tilespmem:s31+$0x0] =	vst v0  }
0xec: {  	s10 =	simm.s32 $0x10;
	s12 =	simm.s32 $0xFFFFFFFF;
	v1 =	vor.u32 s11, v14;
	v0 =	vmov s9;
	v2 =	vld [tilespmem:s13+$0x0]  }
0xed: {  	_ =	sdelay $0x3  }
0xee: {  	(xrf0) =	vadd.scan.msk.s32 $0xffff, v2;
	_ =	sdelay $0x2  }
0xef: {  	p5 =	por $0x0, $0x0  }
.Ltmp7:
0xf0: {  	_ = 	snop;
	(pc) =	sbr.rel @p5 .LBB2_14-.Ltmp7, $4  }
0xf1: {  	_ = 	snop  }
0xf2: {  	v6, _, _ =	vpop (xrf0)  }
0xf3: {  	s13 =	simm.s32 $0x10010;
	v4 =	vxor.u32 $0x80000000, v6  }
0xf4: {  	v3 =	vor.u32 s10, v14;
	s10 =	simm.s32 $0x20;
	v8 =	vld [tilespmem:s13+$0x0];
	(xrf0) =	vmax.scan.msk.u32 $0xffff, v4  }
0xf5: {  	_ =	sdelay $0x3  }
0xf6: {  	(xrf0) =	vadd.scan.msk.s32 $0xffff, v8;
	_ =	sdelay $0x2  }
0xf7: {  	p5 =	por $0x0, $0x0  }
.Ltmp8:
0xf8: {  	_ = 	snop;
	(pc) =	sbr.rel @p5 .LBB2_16-.Ltmp8, $4  }
0xf9: {  	v4, _, _ =	vpop (xrf0)  }
0xfa: {  	v9, _, _ =	vpop (xrf0)  }
0xfb: {  	s13 =	simm.s32 $0x10020;
	v7 =	vxor.u32 $0x80000000, v9  }
0xfc: {  	v5 =	vor.u32 s10, v14;
	s10 =	simm.s32 $0x30;
	p0 =	por $0x1, $0x1;
	v12 =	vld [tilespmem:s13+$0x0];
	(v2sf) =	vpush v4, $0xF;
	(xrf0) =	vmax.scan.msk.u32 $0xffff, v7  }
0xfd: {  	_ =	sdelay $0x3  }
0xfe: {  	(xrf0) =	vadd.scan.msk.s32 $0xffff, v12;
	_ =	sdelay $0x2  }
0xff: {  	p5 =	por $0x0, $0x0  }
.Ltmp9:
0x100: {  	_ = 	snop;
	(pc) =	sbr.rel @p5 .LBB2_18-.Ltmp9, $4  }
0x101: {  	v4, _, _ =	vpop (xrf0)  }
0x102: {  	s13 =	simm.s32 @!p0 $0x0;
	v7 =	vor.u32 s10, v14;
	v6 =	vadd.s32 s11, v6;
	v13, _, _ =	vpop (xrf0)  }
0x103: {  	s31 =	simm.s32 $0x10030;
	s13 =	simm.s32 @p0 $0x1;
	v2 =	vsub.s32 v6, v2;
	(v2sf) =	vpush v4, $0xF;
	v4 =	vxor.u32 $0x80000000, v13  }
0x104: {  	v10 =	vld [tilespmem:s31+$0x0];
	vm4 =	vlt.s32 v0, v6;
	p0 =	por $0x1, $0x1;
	[smem:$0x7F9] =	sst s13;
	s13 =	simm.s32 $0x40;
	vm5 =	vle.s32 v2, v0;
	v16 =	vxor.u32 $0x80000000, v2;
	(xrf0) =	vmax.scan.msk.u32 $0xffff, v4  }
0x105: {  	_ =	sdelay $0x3  }
0x106: {  	s10 =	simm.s32 @!p0 $0x0;
	vm0 =	vmand vm4, vm5;
	(xrf0) =	vadd.scan.msk.s32 $0xffff, v10  }
0x107: {  	p1 =	por $0x1, $0x1;
	s10 =	simm.s32 @p0 $0x1;
	v1 =	vnsel vm0, $0x7FFFFFFF, v1  }
0x108: {  	[smem:$0x7F8] =	sst s10;
	s10 =	simm.s32 @!p1 $0x0;
	(xrf0) =	vmax.scan.msk.u32 $0xffff, v1  }
0x109: {  	p5 =	por $0x0, $0x0;
	s31 =	spop (v2sf);
	s10 =	simm.s32 @p1 $0x1  }
.Ltmp10:
0x10a: {  	[smem:$0x7FA] =	sst s10;
	s10 =	sadd.s32 $0x0, s31;
	(pc) =	sbr.rel @p5 .LBB2_20-.Ltmp10, $4  }
0x10b: {  	v1, _, _ =	vpop (xrf0);
	s10 =	sadd.s32 $0x80000000, s10  }
0x10c: {  	v18 =	vor.u32 s13, v14;
	v2 =	vnsel vm0, $0x80000000, v16;
	v4 =	vadd.s32 s10, v9;
	v11, _, _ =	vpop (xrf0)  }
0x10d: {  	s14 =	simm.s32 $0x10040;
	(v2sf) =	vpush v1, $0xF;
	v6 =	vsub.s32 v4, v8;
	(xrf0) =	vmax.scan.msk.u32 $0xffff, v2;
	v1 =	vxor.u32 $0x80000000, v11  }
0x10e: {  	s13 =	simm.s32 $0x50;
	p2 =	por $0x1, $0x1;
	vm0 =	vlt.s32 v0, v4;
	vm1 =	vle.s32 v6, v0;
	v9 =	vxor.u32 $0x80000000, v6;
	v2 =	vld [tilespmem:s14+$0x0];
	v8, _, _ =	vpop (xrf0);
	(xrf0) =	vmax.scan.msk.u32 $0xffff, v1  }
0x10f: {  	_ =	sdelay $0x3  }
0x110: {  	s30 =	spop (v2sf);
	(v2sf) =	vpush v8, $0xF;
	v4, _, _ =	vpop (xrf0)  }
0x111: {  	v15, _, _ =	vpop (xrf0);
	(v2sf) =	vpush v4, $0xF  }
0x112: {  	(v2sf) =	vpush v15, $0xF  }
0x113: {  	vm2 =	vmand vm0, vm1;
	(xrf0) =	vadd.scan.msk.s32 $0xffff, v2  }
0x114: {  	v1 =	vnsel vm2, $0x7FFFFFFF, v3  }
0x115: {  	s10 =	sadd.s32 s30, s10;
	(xrf0) =	vmax.scan.msk.u32 $0xffff, v1  }
0x116: {  	p5 =	por $0x0, $0x0;
	s10 =	sadd.s32 $0x80000000, s10  }
.Ltmp11:
0x117: {  	s14 =	simm.s32 @!p2 $0x0;
	v4 =	vadd.s32 s10, v13;
	(pc) =	sbr.rel @p5 .LBB2_22-.Ltmp11, $4  }
0x118: {  	p3 =	por $0x1, $0x1;
	s14 =	simm.s32 @p2 $0x1;
	v12 =	vsub.s32 v4, v12  }
0x119: {  	v16 =	vnsel vm2, $0x80000000, v9;
	[smem:$0x7FB] =	sst s14;
	s14 =	simm.s32 @!p3 $0x0;
	v6, _, _ =	vpop (xrf0)  }
0x11a: {  	s31 =	simm.s32 $0x10050;
	s14 =	simm.s32 @p3 $0x1;
	v1 =	vor.u32 s13, v14;
	(xrf0) =	vmax.scan.msk.u32 $0xffff, v16;
	v13 =	vxor.u32 $0x80000000, v6  }
0x11b: {  	v21 =	vld [tilespmem:s31+$0x0];
	[smem:$0x7FC] =	sst s14;
	s13 =	simm.s32 $0x60;
	vm2 =	vlt.s32 v0, v4;
	vm3 =	vle.s32 v12, v0;
	(xrf0) =	vmax.scan.msk.u32 $0xffff, v13;
	v13 =	vxor.u32 $0x80000000, v12;
	v12, _, _ =	vpop (xrf0)  }
0x11c: {  	_ =	sdelay $0x1  }
0x11d: {  	vm4 =	vmand vm2, vm3  }
0x11e: {  	v4 =	vnsel vm4, $0x7FFFFFFF, v5  }
0x11f: {  	(xrf0) =	vadd.scan.msk.s32 $0xffff, v21;
	_ =	sdelay $0x1  }
0x120: {  	s14 =	spop (v2sf);
	(v2sf) =	vpush v12, $0xF;
	(xrf0) =	vmax.scan.msk.u32 $0xffff, v4;
	v4, _, _ =	vpop (xrf0)  }
0x121: {  	p5 =	por $0x0, $0x0;
	s10 =	sadd.s32 s14, s10;
	v15, _, _ =	vpop (xrf0);
	(v2sf) =	vpush v4, $0xF  }
.Ltmp12:
0x122: {  	p4 =	por $0x1, $0x1;
	v16 =	vnsel vm4, $0x80000000, v13;
	s10 =	sadd.s32 $0x80000000, s10;
	(v2sf) =	vpush v15, $0xF;
	(pc) =	sbr.rel @p5 .LBB2_71-.Ltmp12, $4  }
0x123: {  	v23 =	vor.u32 s13, v14;
	s18 =	simm.s32 $0x70;
	s17 =	simm.s32 $0x10060;
	s13 =	simm.s32 @!p4 $0x0;
	v17 =	vadd.s32 s10, v11;
	(xrf0) =	vmax.scan.msk.u32 $0xffff, v16  }
0x124: {  	s14 =	simm.s32 $0x0;
	s13 =	simm.s32 @p4 $0x1;
	s30 =	spop (v2sf);
	v4 =	vld [tilespmem:s17+$0x0];
	v24, _, _ =	vpop (xrf0)  }
0x125: {  	[smem:$0x7FD] =	sst s13;
	s16 =	sxor.u32 $0x80000000, s30;
	s31 =	spop (v2sf);
	v16 =	vsub.s32 v17, v10;
	v15 =	vxor.u32 $0x80000000, v24  }
0x126: {  	s13 =	simm.s32 $0xFFFFFFFF;
	vm4 =	vlt.s32 v0, v17;
	p6 =	slt.s32 s16, $0xFFFFFFFF;
	s15 =	sxor.u32 $0x80000000, s31;
	vm5 =	vle.s32 v16, v0;
	v16 =	vxor.u32 $0x80000000, v16;
	v17, _, _ =	vpop (xrf0);
	(xrf0) =	vmax.scan.msk.u32 $0xffff, v15  }
0x127: {  	v15 =	vmov v7  }
.LBB2_25:
0x128: {  	s19 =	smov.u32 s14;
	s14 =	smov.u32 s13;
	s13 =	smov.u32 s16  }
0x129: {  	v19 =	vor.u32 s18, v14;
	s13 =	smov.u32 @p6 s14;
	s14 =	smov.u32 s18  }
0x12a: {  	vm4 =	vmand vm4, vm5;
	v20 =	vmov v4;
	s20 =	sadd.s32 $0x10, s18;
	(xrf0) =	vadd.scan.msk.s32 $0xffff, v4;
	(v2sf) =	vpush v17, $0xF;
	v17, _, _ =	vpop (xrf0);
	p6 =	sgt.s32 s19, s15;
	s14 =	smov.u32 s15  }
0x12b: {  	p5 =	seq.s32 s18, $0x7F0;
	v4 =	vnsel vm4, $0x7FFFFFFF, v15;
	v16 =	vnsel vm4, $0x80000000, v16;
	v15 =	vmovc v18;
	v18 =	vmovc v1;
	(v2sf) =	vpush v17, $0xF;
	s14 =	smov.u32 @p6 s19  }
0x12c: {  	v1 =	vmov v23;
	v23 =	vmov v19;
	(xrf0) =	vmax.scan.msk.u32 $0xffff, v4  }
0x12d: {  	s17 =	sadd.s32 $0x10, s17;
	(xrf0) =	vmax.scan.msk.u32 $0xffff, v16;
	s15 =	spop (v2sf)  }
.Ltmp13:
0x12e: {  	v4 =	vld [tilespmem:s17+$0x0];
	s10 =	sadd.s32 s15, s10;
	(pc) =	sbr.rel @!p5 .LBB2_25-.Ltmp13, $4  }
0x12f: {  	v16, _, _ =	vpop (xrf0);
	s10 =	sadd.s32 $0x80000000, s10  }
0x130: {  	(v2sf) =	vpush v16, $0xF;
	v16 =	vadd.s32 s10, v6;
	s15 =	spop (v2sf);
	v6 =	vmov v24;
	v24, _, _ =	vpop (xrf0)  }
0x131: {  	v22 =	vxor.u32 $0x80000000, v24;
	v19 =	vsub.s32 v16, v2;
	s16 =	sxor.u32 $0x80000000, s15;
	s15 =	spop (v2sf);
	v2 =	vmovc v21;
	v21 =	vmov v20  }
0x132: {  	s18 =	smov.u32 s20;
	vm4 =	vlt.s32 v0, v16;
	(xrf0) =	vmax.scan.msk.u32 $0xffff, v22;
	vm5 =	vle.s32 v19, v0;
	v16 =	vxor.u32 $0x80000000, v19;
	v17, _, _ =	vpop (xrf0);
	p6 =	sgt.s32 s13, s16;
	s15 =	sxor.u32 $0x80000000, s15  }
0x133: {  	v14 =	vmov v1;
	v20 =	vmov v6  }
0x134: {  	v22 =	vmovc v2;
	v19 =	vmovc v18;
	v1 =	vmov v23;
	v6 =	vmov v24;
	v2 =	vmov v21  }
.LBB2_27:
0x135: {  	s17 =	sld [smem:$0x7FB]  }
0x136: {  	s24 =	sld [smem:$0x7F8];
	_ =	sdelay $0x1  }
0x137: {  	s25 =	sld [smem:$0x7FA];
	p2 =	seq.s32 s17, $0x1  }
0x138: {  	p5 =	seq.s32 s24, $0x1;
	(v2sf) =	vpush @p2 v17, $0xF;
	v17, _, _ =	vpop @p2 (xrf0)  }
0x139: {  	(v2sf) =	vpush @p2 v17, $0xF;
	v17, _, _ =	vpop @p5 (xrf0)  }
0x13a: {  	s26 =	sld [smem:$0x7F9];
	p1 =	seq.s32 s25, $0x1;
	(v2sf) =	vpush @p5 v17, $0xF  }
0x13b: {  	s28 =	sld [smem:$0x7FC];
	s17 =	spop @p1 (v2sf)  }
0x13c: {  	vm4 =	vmand @p1 vm4, vm5;
	(xrf0) =	vadd.scan.msk.s32 $0xffff, v4;
	s10 =	sadd.s32 @p1 s17, s10  }
0x13d: {  	s18 =	simm.s32 $0x0;
	v15 =	vnsel @p1 vm4, $0x7FFFFFFF, v15;
	s10 =	sadd.s32 @p1 $0x80000000, s10  }
0x13e: {  	p0 =	seq.s32 s26, $0x1;
	p3 =	seq.s32 s28, $0x1;
	(xrf0) =	vmax.scan.msk.u32 @p1 $0xffff, v15;
	s18 =	smov.u32 @p1 s10  }
0x13f: {  	s17 =	spop @p3 (v2sf);
	v15 =	vadd.s32 @p0 s18, v20  }
0x140: {  	v6 =	vpsel p5, v6, v11;
	s10 =	spop @p3 (v2sf);
	v17 =	vsub.s32 @p0 v15, v22  }
0x141: {  	v16 =	vnsel @p1 vm4, $0x80000000, v16;
	vm5 =	vlt.s32 @p0 v0, v15;
	vm4 =	vle.s32 @p0 v17, v0;
	s19 =	spop @p0 (v2sf)  }
0x142: {  	(xrf0) =	vmax.scan.msk.u32 @p1 $0xffff, v16;
	vm2 =	vmmov @p0 vm5;
	v61, _, _ =	vpop (xrf0);
	v15 =	vmov @p0 v19;
	vm3 =	vmmov @p0 vm4;
	s18 =	sadd.s32 @p0 s19, s18  }
0x143: {  	s19 =	simm.s32 $0x0;
	v18 =	vxor.u32 $0x80000000, v61;
	v5 =	vpsel p0, v15, v5;
	vm2 =	vmand @p0 vm2, vm3;
	s18 =	sadd.s32 @p0 $0x80000000, s18  }
0x144: {  	s20 =	sld [smem:$0x7FD];
	v2 =	vpsel p5, v2, v10;
	v17 =	vxor.u32 @p0 $0x80000000, v17;
	v19, _, _ =	vpop @p1 (xrf0);
	(xrf0) =	vmax.scan.msk.u32 $0xffff, v18;
	v5 =	vnsel @p0 vm2, $0x7FFFFFFF, v5;
	s19 =	smov.u32 @p0 s18  }
0x145: {  	v13 =	vpsel p0, v17, v13;
	v12 =	vpsel p1, v19, v12;
	(xrf0) =	vmax.scan.msk.u32 @p0 $0xffff, v5;
	v5 =	vadd.s32 @p5 s19, v6  }
0x146: {  	v11 =	vmovc @p5 v14;
	v10 =	vnsel @p0 vm2, $0x80000000, v13;
	(v2sf) =	vpush @p1 v12, $0xF;
	v2 =	vsub.s32 @p5 v5, v2  }
0x147: {  	p4 =	seq.s32 s20, $0x1;
	v6 =	vpsel p5, v11, v7;
	vm3 =	vlt.s32 @p5 v0, v5;
	vm2 =	vle.s32 @p5 v2, v0;
	s18 =	spop @p2 (v2sf)  }
0x148: {  	p6 =	por !p6, !p4;
	v7, _, _ =	vpop @p1 (xrf0);
	vm0 =	vmmov @p5 vm3;
	v5 =	vmov @p5 v6;
	vm1 =	vmmov @p5 vm2;
	s20 =	spop @p2 (v2sf)  }
0x149: {  	s13 =	smov.u32 @p6 s16;
	(v2sf) =	vpush @p1 v7, $0xF;
	(xrf0) =	vmax.scan.msk.u32 @p0 $0xffff, v10;
	v3 =	vpsel p5, v5, v3;
	vm0 =	vmand @p5 vm0, vm1;
	s16 =	spop @p5 (v2sf)  }
0x14a: {  	v62, _, _ =	vpop (xrf0);
	v3 =	vnsel @p5 vm0, $0x7FFFFFFF, v3;
	s16 =	sadd.s32 @p5 s16, s19;
	s19 =	simm.s32 $0xFFFFFFFF  }
0x14b: {  	v2 =	vxor.u32 @p5 $0x80000000, v2;
	(v2sf) =	vpush v62, $0xF;
	v5, _, _ =	vpop @p0 (xrf0);
	(xrf0) =	vmax.scan.msk.u32 @p5 $0xffff, v3;
	s19 =	smov.u32 @p4 s13;
	s13 =	sadd.s32 @p5 $0x80000000, s16;
	s16 =	simm.s32 $0x0  }
0x14c: {  	p6 =	sgt.s32 @p4 s14, s15;
	v2 =	vpsel p5, v2, v9;
	v3 =	vpsel p0, v5, v8;
	s16 =	smov.u32 @p5 s13  }
0x14d: {  	p6 =	por !p6, !p4;
	v2 =	vnsel @p5 vm0, $0x80000000, v2;
	s13 =	sxor.u32 @p3 $0x80000000, s17;
	v63 =	vadd.s32 s16, v61  }
0x14e: {  	s14 =	smov.u32 @p6 s15;
	s15 =	simm.s32 $0x0;
	(xrf0) =	vmax.scan.msk.u32 @p5 $0xffff, v2;
	(v2sf) =	vpush @p0 v3, $0xF;
	p6 =	sgt.s32 @p3 s19, s13;
	v2 =	vsub.s32 v63, v4  }
0x14f: {  	s15 =	smov.u32 @p4 s14;
	s10 =	sxor.u32 @p3 $0x80000000, s10;
	v3, _, _ =	vpop @p0 (xrf0);
	p6 =	por @!p3 p0, p0  }
0x150: {  	s10 =	smov.u32 @p3 s10;
	s13 =	smov.u32 @p3 s13;
	(v2sf) =	vpush @p0 v3, $0xF;
	vm15 =	vlt.s32 v0, v63;
	p4 =	por !p6, !p3;
	vm14 =	vle.s32 v2, v0  }
0x151: {  	v0 =	vxor.u32 $0x80000000, v2;
	s19 =	smov.u32 @p4 s13;
	p4 =	sgt.s32 @p3 s15, s10;
	s13 =	simm.s32 $0xFFFFFFFF;
	vm0 =	vmand vm15, vm14;
	v2, _, _ =	vpop @p5 (xrf0)  }
0x152: {  	s14 =	sxor.u32 @p2 $0x80000000, s18;
	p4 =	por !p4, !p3;
	s13 =	smov.u32 @p3 s19;
	v1 =	vnsel vm0, $0x7FFFFFFF, v1;
	v2 =	vpsel p5, v2, v0;
	v0 =	vnsel vm0, $0x80000000, v0  }
0x153: {  	s16 =	simm.s32 $0x0;
	s15 =	smov.u32 @p4 s10;
	p4 =	sgt.s32 @p2 s13, s14;
	(xrf0) =	vmax.scan.msk.u32 $0xffff, v1  }
0x154: {  	s10 =	sxor.u32 @p2 $0x80000000, s20;
	s14 =	smov.u32 @p2 s14;
	p4 =	por @!p2 p0, p0;
	(v2sf) =	vpush @p5 v2, $0xF;
	(xrf0) =	vmax.scan.msk.u32 $0xffff, v0  }
0x155: {  	s16 =	smov.u32 @p3 s15;
	s10 =	smov.u32 @p2 s10;
	s15 =	spop @p1 (v2sf);
	v0, _, _ =	vpop @p5 (xrf0)  }
0x156: {  	p4 =	por !p4, !p2;
	p3 =	sgt.s32 @p2 s16, s10;
	s15 =	sxor.u32 @p1 $0x80000000, s15;
	(v2sf) =	vpush @p5 v0, $0xF  }
0x157: {  	s13 =	smov.u32 @p4 s14;
	p4 =	por !p3, !p2;
	s14 =	simm.s32 $0xFFFFFFFF  }
0x158: {  	s17 =	spop @p1 (v2sf);
	s14 =	smov.u32 @p2 s13;
	s16 =	smov.u32 @p4 s10  }
0x159: {  	s10 =	sxor.u32 @p1 $0x80000000, s17;
	s13 =	smov.u32 @p1 s15;
	p4 =	sgt.s32 @p1 s14, s15;
	v0, _, _ =	vpop (xrf0)  }
0x15a: {  	s15 =	simm.s32 $0x0;
	s29 =	spop (v2sf);
	p4 =	por @!p1 p0, p0;
	(v2sf) =	vpush v0, $0xF;
	v0, _, _ =	vpop (xrf0)  }
0x15b: {  	s10 =	smov.u32 @p1 s10;
	s15 =	smov.u32 @p2 s16;
	p3 =	por !p4, !p1;
	(v2sf) =	vpush v0, $0xF  }
0x15c: {  	s14 =	smov.u32 @p3 s13;
	p3 =	sgt.s32 @p1 s15, s10  }
0x15d: {  	s16 =	simm.s32 $0xFFFFFFFF;
	s13 =	spop @p0 (v2sf);
	p3 =	por !p3, !p1  }
0x15e: {  	s13 =	sxor.u32 @p0 $0x80000000, s13;
	s16 =	smov.u32 @p1 s14;
	s14 =	simm.s32 $0x0  }
0x15f: {  	s15 =	smov.u32 @p3 s10;
	s10 =	spop @p0 (v2sf);
	p3 =	sgt.s32 @p0 s16, s13  }
0x160: {  	s13 =	smov.u32 @p0 s13;
	s10 =	sxor.u32 @p0 $0x80000000, s10;
	p3 =	por @!p0 p0, p0  }
0x161: {  	s14 =	smov.u32 @p1 s15;
	p2 =	por !p3, !p0;
	s10 =	smov.u32 @p0 s10  }
0x162: {  	s16 =	smov.u32 @p2 s13;
	p2 =	sgt.s32 @p0 s14, s10  }
0x163: {  	s15 =	simm.s32 $0xFFFFFFFF;
	p2 =	por !p2, !p0;
	s13 =	spop @p5 (v2sf)  }
0x164: {  	s15 =	smov.u32 @p0 s16;
	s16 =	simm.s32 $0x0;
	s13 =	sxor.u32 @p5 $0x80000000, s13  }
0x165: {  	s14 =	smov.u32 @p2 s10;
	p2 =	sgt.s32 @p5 s15, s13;
	s10 =	spop @p5 (v2sf)  }
0x166: {  	s16 =	smov.u32 @p0 s14;
	p2 =	por @!p5 p0, p0;
	s10 =	sxor.u32 @p5 $0x80000000, s10  }
0x167: {  	s13 =	smov.u32 @p5 s13;
	p1 =	por !p2, !p5;
	s10 =	smov.u32 @p5 s10  }
0x168: {  	s15 =	smov.u32 @p1 s13;
	p2 =	sgt.s32 @p5 s16, s10  }
0x169: {  	s30 =	spop (v2sf);
	s12 =	smov.u32 @p5 s15;
	p1 =	por !p2, !p5  }
0x16a: {  	s31 =	spop (v2sf);
	s16 =	smov.u32 @p1 s10;
	s10 =	sxor.u32 $0x80000000, s30  }
0x16b: {  	s13 =	sxor.u32 $0x80000000, s31;
	s11 =	smov.u32 @p5 s16;
	p0 =	sgt.s32 s12, s10  }
0x16c: {  	p1 =	sgt.s32 s11, s13;
	s10 =	smov.u32 @p0 s12  }
0x16d: {  	v0 =	vimm.s32 $0x0;
	s12 =	simm.s32 $0x0;
	s13 =	smov.u32 @p1 s11;
	s11 =	simm.s32 $0x40  }
.LBB2_28:
0x16e: {  	p0 =	seq.s32 s11, $0x7FC0;
	[tilespmem:s12+$0x10000] =	vst v0;
	s12 =	smov.u32 s11;
	s11 =	sadd.s32 $0x40, s11  }
.Ltmp14:
0x16f: {  	(pc) =	sbr.rel @!p0 .LBB2_28-.Ltmp14, $2  }
0x170: {  	_ =	sdelay $0x2  }
0x171: {  	s12 =	sshra.s32 s12, $0x2  }
0x172: {  	[tilespmem:s12+$0x10000] =	vst v0;
	v0 =	vmov s10;
	s12 =	simm.s32 $0x0;
	v1 =	vimm.s32 $0x1;
	s14 =	simm.s32 $0x0;
	s11 =	simm.s32 $0x10000  }
.LBB2_30:
0x173: {  	s15 =	sshra.s32 s14, $0x2  }
0x174: {  	v2 =	vld [tilespmem:s15+$0x0];
	_ =	sdelay $0x4  }
0x175: {  	v3 =	vshrl.u32 v2, $0x14  }
0x176: {  	v2 =	vshrl.u32 v2, $0xA;
	vm0 =	veq.s32 v3, v0  }
0x177: {  	v2 =	vand.u32 $0x3FF, v2;
	_ =	sdelay $0x4  }
0x178: {  	[tilespmem:v2+s11+$0x0] =	vst.idx.add.s32.msk vm0, v1  }
0x179: {  	v2 =	vld [tilespmem:s15+$0x10];
	_ =	sdelay $0x4  }
0x17a: {  	v3 =	vshrl.u32 v2, $0xA;
	v2 =	vshrl.u32 v2, $0x14  }
0x17b: {  	vm9 =	veq.s32 v2, v0;
	v2 =	vand.u32 $0x3FF, v3  }
0x17c: {  	v2 =	vor.u32 $0x800, v2;
	_ =	sdelay $0x4  }
0x17d: {  	[tilespmem:v2+s11+$0x0] =	vst.idx.add.s32.msk vm9, v1  }
0x17e: {  	v2 =	vld [tilespmem:s15+$0x20];
	_ =	sdelay $0x4  }
0x17f: {  	v3 =	vshrl.u32 v2, $0xA;
	v2 =	vshrl.u32 v2, $0x14  }
0x180: {  	vm10 =	veq.s32 v2, v0;
	v2 =	vand.u32 $0x3FF, v3  }
0x181: {  	v2 =	vor.u32 $0x1000, v2;
	_ =	sdelay $0x4  }
0x182: {  	[tilespmem:v2+s11+$0x0] =	vst.idx.add.s32.msk vm10, v1  }
0x183: {  	v2 =	vld [tilespmem:s15+$0x30];
	_ =	sdelay $0x4  }
0x184: {  	v3 =	vshrl.u32 v2, $0xA;
	v2 =	vshrl.u32 v2, $0x14  }
0x185: {  	vm11 =	veq.s32 v2, v0;
	v2 =	vand.u32 $0x3FF, v3  }
0x186: {  	v2 =	vor.u32 $0x1800, v2;
	_ =	sdelay $0x4  }
0x187: {  	[tilespmem:v2+s11+$0x0] =	vst.idx.add.s32.msk vm11, v1  }
0x188: {  	v2 =	vld [tilespmem:s15+$0x40];
	_ =	sdelay $0x4  }
0x189: {  	v3 =	vshrl.u32 v2, $0x14  }
0x18a: {  	v2 =	vshrl.u32 v2, $0xA;
	vm12 =	veq.s32 v3, v0  }
0x18b: {  	v2 =	vand.u32 $0x3FF, v2;
	_ =	sdelay $0x4  }
0x18c: {  	[tilespmem:v2+s11+$0x0] =	vst.idx.add.s32.msk vm12, v1  }
0x18d: {  	v2 =	vld [tilespmem:s15+$0x50];
	_ =	sdelay $0x4  }
0x18e: {  	v3 =	vshrl.u32 v2, $0xA;
	v2 =	vshrl.u32 v2, $0x14  }
0x18f: {  	vm13 =	veq.s32 v2, v0;
	v2 =	vand.u32 $0x3FF, v3  }
0x190: {  	v2 =	vor.u32 $0x800, v2;
	_ =	sdelay $0x4  }
0x191: {  	[tilespmem:v2+s11+$0x0] =	vst.idx.add.s32.msk vm13, v1  }
0x192: {  	v2 =	vld [tilespmem:s15+$0x60];
	_ =	sdelay $0x4  }
0x193: {  	v3 =	vshrl.u32 v2, $0xA;
	v2 =	vshrl.u32 v2, $0x14  }
0x194: {  	vm14 =	veq.s32 v2, v0;
	v2 =	vand.u32 $0x3FF, v3  }
0x195: {  	v2 =	vor.u32 $0x1000, v2;
	_ =	sdelay $0x4  }
0x196: {  	[tilespmem:v2+s11+$0x0] =	vst.idx.add.s32.msk vm14, v1  }
0x197: {  	v2 =	vld [tilespmem:s15+$0x70];
	_ =	sdelay $0x4  }
0x198: {  	v3 =	vshrl.u32 v2, $0xA;
	v2 =	vshrl.u32 v2, $0x14  }
0x199: {  	vm15 =	veq.s32 v2, v0;
	v2 =	vand.u32 $0x3FF, v3  }
0x19a: {  	p0 =	sne.s32 s14, $0x3FE00;
	v2 =	vor.u32 $0x1800, v2  }
.Ltmp15:
0x19b: {  	_ = 	snop;
	(pc) =	sbr.rel @p0 .LBB2_30-.Ltmp15, $2  }
0x19c: {  	_ =	sdelay $0x2  }
0x19d: {  	s14 =	sadd.s32 $0x200, s14;
	[tilespmem:v2+s11+$0x0] =	vst.idx.add.s32.msk vm15, v1  }
0x19e: {  	s14 =	sand.u32 $0x7F0, s12  }
0x19f: {  	s12 =	simm.s32 $0x10;
	v0 =	vld [tilespmem:s14+$0x10800]  }
.LBB2_32:
0x1a0: {  	p0 =	sne.s32 s12, $0x7F0;
	v1 =	vld [tilespmem:s11+$0x0]  }
0x1a1: {  	v2 =	vld [tilespmem:s14+$0x11000]  }
0x1a2: {  	v3 =	vld [tilespmem:s14+$0x11800];
	_ =	sdelay $0x2  }
.Ltmp16:
0x1a3: {  	v0 =	vadd.s32 v1, v0;
	(pc) =	sbr.rel @p0 .LBB2_32-.Ltmp16, $4  }
0x1a4: {  	v0 =	vadd.s32 v2, v0  }
0x1a5: {  	v0 =	vadd.s32 v3, v0  }
0x1a6: {  	s14 =	sand.u32 $0x7F0, s12;
	[tilespmem:s11+$0x0] =	vst v0  }
0x1a7: {  	s12 =	sadd.s32 $0x10, s12;
	s11 =	sadd.s32 $0x10, s11;
	v0 =	vld [tilespmem:s14+$0x10800]  }
0x1a8: {  	v1 =	vld [tilespmem:s11+$0x0]  }
0x1a9: {  	v2 =	vld [tilespmem:s14+$0x11000]  }
0x1aa: {  	v3 =	vld [tilespmem:s14+$0x11800];
	_ =	sdelay $0x2  }
0x1ab: {  	v0 =	vadd.s32 v1, v0  }
0x1ac: {  	v0 =	vadd.s32 v2, v0  }
0x1ad: {  	s12 =	simm.s32 $0x80;
	v0 =	vadd.s32 v3, v0  }
0x1ae: {  	s25 =	simm.s32 $0x400;
	s26 =	simm.s32 $0x1;
	[tilespmem:s11+$0x0] =	vst v0;
	s11 =	simm.s32 $0x10000  }
0x1af: {  	[spmem:s8] =	stream.strided.scatter [tilespmem:s11], [sflag:$0x1], $0x800, s25, s12, $0x38;
	[tilespmem:$0x1EA00] =	vst v63  }
0x1b0: {  	_ =	swait.ge [sflag:s26], $0x800  }
0x1b1: {  	[sflag:s26] =	ssyncset.done $0x0  }
0x1b2: {  	[sflag:s26] =	ssyncadd.s32 $0xFFFFF800  }
0x1b3: {  	s28 =	simm.s32 $0x12000;
	[bflag:$0x0] =	sbarrier.arrive $0xFFFF  }
0x1b4: {  	[tilespmem:s28], [sflag:$0x1] =	stream.linear.gather [spmem:s7], $0x8000, $0x38;
	[tilespmem:$0x1EA00] =	vst v63  }
0x1b5: {  	s29 =	simm.s32 $0x0;
	_ =	swait.ge [sflag:s26], $0x8000  }
0x1b6: {  	s30 =	sand.u32 $0x70, s29;
	s12 =	sand.u32 $0x3C00, s29;
	[sflag:s26] =	ssyncset.done $0x0  }
0x1b7: {  	s12 =	sor.u32 s30, s12;
	[sflag:s26] =	ssyncadd.s32 $0xFFFF8000  }
0x1b8: {  	s14 =	sadd.s32 $0x12000, s12;
	[bflag:$0x0] =	sbarrier.arrive $0xFFFF  }
0x1b9: {  	v0 =	vld [tilespmem:s14+$0x80]  }
0x1ba: {  	v1 =	vld [tilespmem:s12+$0x12000]  }
0x1bb: {  	v2 =	vld [tilespmem:s14+$0x100]  }
0x1bc: {  	v3 =	vld [tilespmem:s14+$0x180]  }
0x1bd: {  	v4 =	vld [tilespmem:s14+$0x200]  }
0x1be: {  	v5 =	vld [tilespmem:s14+$0x280]  }
0x1bf: {  	v0 =	vadd.s32 v1, v0;
	v1 =	vld [tilespmem:s14+$0x300]  }
0x1c0: {  	v0 =	vadd.s32 v2, v0;
	v2 =	vld [tilespmem:s14+$0x380]  }
0x1c1: {  	v0 =	vadd.s32 v3, v0;
	v3 =	vld [tilespmem:s12+$0x16000]  }
0x1c2: {  	v60 =	vld [tilespmem:s12+$0x16080];
	v0 =	vadd.s32 v4, v0  }
0x1c3: {  	v61 =	vld [tilespmem:s12+$0x16100];
	v0 =	vadd.s32 v5, v0  }
0x1c4: {  	v0 =	vadd.s32 v1, v0;
	v1 =	vld [tilespmem:s12+$0x16180]  }
0x1c5: {  	v0 =	vadd.s32 v2, v0;
	v2 =	vld [tilespmem:s12+$0x16200]  }
0x1c6: {  	v0 =	vadd.s32 v3, v0;
	v3 =	vld [tilespmem:s12+$0x16280]  }
0x1c7: {  	v62 =	vld [tilespmem:s12+$0x16300];
	v0 =	vadd.s32 v60, v0  }
0x1c8: {  	v63 =	vld [tilespmem:s12+$0x16380];
	v0 =	vadd.s32 v61, v0  }
0x1c9: {  	v0 =	vadd.s32 v1, v0  }
0x1ca: {  	v0 =	vadd.s32 v2, v0  }
0x1cb: {  	s31 =	simm.s32 $0x10;
	s14 =	simm.s32 $0x80;
	v0 =	vadd.s32 v3, v0  }
0x1cc: {  	s15 =	sand.u32 $0x3C00, s14;
	s12 =	sand.u32 $0x70, s31;
	v0 =	vadd.s32 v62, v0  }
0x1cd: {  	s12 =	sor.u32 s12, s15;
	s15 =	simm.s32 $0x20;
	v0 =	vadd.s32 v63, v0  }
.LBB2_34:
0x1ce: {  	p0 =	seq.s32 s15, $0x7F0;
	s16 =	sadd.s32 $0x12000, s12;
	[tilespmem:s11+$0x0] =	vst v0  }
0x1cf: {  	v0 =	vld [tilespmem:s16+$0x80]  }
0x1d0: {  	v1 =	vld [tilespmem:s12+$0x12000]  }
0x1d1: {  	v2 =	vld [tilespmem:s16+$0x100]  }
0x1d2: {  	v3 =	vld [tilespmem:s16+$0x180]  }
0x1d3: {  	v4 =	vld [tilespmem:s16+$0x200]  }
0x1d4: {  	v5 =	vld [tilespmem:s16+$0x280]  }
0x1d5: {  	v0 =	vadd.s32 v1, v0;
	v1 =	vld [tilespmem:s16+$0x300]  }
0x1d6: {  	v0 =	vadd.s32 v2, v0;
	v2 =	vld [tilespmem:s16+$0x380]  }
0x1d7: {  	v0 =	vadd.s32 v3, v0;
	v3 =	vld [tilespmem:s12+$0x16000]  }
0x1d8: {  	v0 =	vadd.s32 v4, v0;
	v4 =	vld [tilespmem:s12+$0x16080]  }
0x1d9: {  	v0 =	vadd.s32 v5, v0;
	v5 =	vld [tilespmem:s12+$0x16100]  }
0x1da: {  	v0 =	vadd.s32 v1, v0;
	v1 =	vld [tilespmem:s12+$0x16180]  }
0x1db: {  	v0 =	vadd.s32 v2, v0;
	v2 =	vld [tilespmem:s12+$0x16200]  }
0x1dc: {  	v0 =	vadd.s32 v3, v0;
	v3 =	vld [tilespmem:s12+$0x16280]  }
0x1dd: {  	v0 =	vadd.s32 v4, v0;
	v4 =	vld [tilespmem:s12+$0x16300]  }
0x1de: {  	v0 =	vadd.s32 v5, v0;
	v5 =	vld [tilespmem:s12+$0x16380]  }
.Ltmp17:
0x1df: {  	v0 =	vadd.s32 v1, v0;
	(pc) =	sbr.rel @!p0 .LBB2_34-.Ltmp17, $4  }
0x1e0: {  	v0 =	vadd.s32 v2, v0  }
0x1e1: {  	s14 =	sadd.s32 $0x80, s14;
	v0 =	vadd.s32 v3, v0  }
0x1e2: {  	s16 =	sand.u32 $0x3C00, s14;
	s12 =	sand.u32 $0x70, s15;
	v0 =	vadd.s32 v4, v0  }
0x1e3: {  	s11 =	sadd.s32 $0x10, s11;
	s15 =	sadd.s32 $0x10, s15;
	s12 =	sor.u32 s12, s16;
	v0 =	vadd.s32 v5, v0  }
0x1e4: {  	s14 =	sadd.s32 $0x12000, s12;
	[tilespmem:s11+$0x0] =	vst v0  }
0x1e5: {  	v0 =	vld [tilespmem:s14+$0x80]  }
0x1e6: {  	v1 =	vld [tilespmem:s12+$0x12000]  }
0x1e7: {  	v2 =	vld [tilespmem:s14+$0x100]  }
0x1e8: {  	v3 =	vld [tilespmem:s14+$0x180]  }
0x1e9: {  	v4 =	vld [tilespmem:s14+$0x200]  }
0x1ea: {  	v5 =	vld [tilespmem:s14+$0x280]  }
0x1eb: {  	v0 =	vadd.s32 v1, v0;
	v1 =	vld [tilespmem:s14+$0x300]  }
0x1ec: {  	v0 =	vadd.s32 v2, v0;
	v2 =	vld [tilespmem:s14+$0x380]  }
0x1ed: {  	v0 =	vadd.s32 v3, v0;
	v3 =	vld [tilespmem:s12+$0x16000]  }
0x1ee: {  	v60 =	vld [tilespmem:s12+$0x16080];
	v0 =	vadd.s32 v4, v0  }
0x1ef: {  	v61 =	vld [tilespmem:s12+$0x16100];
	v0 =	vadd.s32 v5, v0  }
0x1f0: {  	v0 =	vadd.s32 v1, v0;
	v1 =	vld [tilespmem:s12+$0x16180]  }
0x1f1: {  	v0 =	vadd.s32 v2, v0;
	v2 =	vld [tilespmem:s12+$0x16200]  }
0x1f2: {  	v0 =	vadd.s32 v3, v0;
	v3 =	vld [tilespmem:s12+$0x16280]  }
0x1f3: {  	v62 =	vld [tilespmem:s12+$0x16300];
	v0 =	vadd.s32 v60, v0  }
0x1f4: {  	v63 =	vld [tilespmem:s12+$0x16380];
	v0 =	vadd.s32 v61, v0  }
0x1f5: {  	v0 =	vadd.s32 v1, v0  }
0x1f6: {  	p5 =	por $0x0, $0x0;
	v0 =	vadd.s32 v2, v0  }
.Ltmp18:
0x1f7: {  	v0 =	vadd.s32 v3, v0;
	(pc) =	sbr.rel @p5 .LBB2_36-.Ltmp18, $4  }
0x1f8: {  	v0 =	vadd.s32 v62, v0  }
0x1f9: {  	s30 =	sadd.s32 $0x10, s11;
	v1 =	vlaneseq.u32;
	v0 =	vadd.s32 v63, v0  }
0x1fa: {  	s9 =	ssub.s32 s9, s13;
	s11 =	simm.s32 $0x0;
	s31 =	simm.s32 $0x10000;
	v14 =	vor.u32 $0x80000000, v1;
	[tilespmem:s30+$0x0] =	vst v0  }
0x1fb: {  	s13 =	simm.s32 $0x10;
	s12 =	simm.s32 $0xFFFFFFFF;
	v1 =	vor.u32 s11, v14;
	v0 =	vmov s9;
	v2 =	vld [tilespmem:s31+$0x0]  }
0x1fc: {  	_ =	sdelay $0x3  }
0x1fd: {  	(xrf0) =	vadd.scan.msk.s32 $0xffff, v2;
	_ =	sdelay $0x2  }
0x1fe: {  	p5 =	por $0x0, $0x0  }
.Ltmp19:
0x1ff: {  	_ = 	snop;
	(pc) =	sbr.rel @p5 .LBB2_38-.Ltmp19, $4  }
0x200: {  	_ = 	snop  }
0x201: {  	v6, _, _ =	vpop (xrf0)  }
0x202: {  	s14 =	simm.s32 $0x10010;
	v4 =	vxor.u32 $0x80000000, v6  }
0x203: {  	v3 =	vor.u32 s13, v14;
	s13 =	simm.s32 $0x20;
	v8 =	vld [tilespmem:s14+$0x0];
	(xrf0) =	vmax.scan.msk.u32 $0xffff, v4  }
0x204: {  	_ =	sdelay $0x3  }
0x205: {  	(xrf0) =	vadd.scan.msk.s32 $0xffff, v8;
	_ =	sdelay $0x2  }
0x206: {  	p5 =	por $0x0, $0x0  }
.Ltmp20:
0x207: {  	_ = 	snop;
	(pc) =	sbr.rel @p5 .LBB2_40-.Ltmp20, $4  }
0x208: {  	v4, _, _ =	vpop (xrf0)  }
0x209: {  	v9, _, _ =	vpop (xrf0)  }
0x20a: {  	s14 =	simm.s32 $0x10020;
	v7 =	vxor.u32 $0x80000000, v9  }
0x20b: {  	v5 =	vor.u32 s13, v14;
	s13 =	simm.s32 $0x30;
	p0 =	por $0x1, $0x1;
	v12 =	vld [tilespmem:s14+$0x0];
	(v2sf) =	vpush v4, $0xF;
	(xrf0) =	vmax.scan.msk.u32 $0xffff, v7  }
0x20c: {  	_ =	sdelay $0x3  }
0x20d: {  	(xrf0) =	vadd.scan.msk.s32 $0xffff, v12;
	_ =	sdelay $0x2  }
0x20e: {  	p5 =	por $0x0, $0x0  }
.Ltmp21:
0x20f: {  	_ = 	snop;
	(pc) =	sbr.rel @p5 .LBB2_42-.Ltmp21, $4  }
0x210: {  	v4, _, _ =	vpop (xrf0)  }
0x211: {  	s14 =	simm.s32 @!p0 $0x0;
	v7 =	vor.u32 s13, v14;
	v6 =	vadd.s32 s11, v6;
	v13, _, _ =	vpop (xrf0)  }
0x212: {  	s31 =	simm.s32 $0x10030;
	s14 =	simm.s32 @p0 $0x1;
	v2 =	vsub.s32 v6, v2;
	(v2sf) =	vpush v4, $0xF;
	v4 =	vxor.u32 $0x80000000, v13  }
0x213: {  	v10 =	vld [tilespmem:s31+$0x0];
	vm4 =	vlt.s32 v0, v6;
	p0 =	por $0x1, $0x1;
	[smem:$0x7F3] =	sst s14;
	s14 =	simm.s32 $0x40;
	vm5 =	vle.s32 v2, v0;
	v16 =	vxor.u32 $0x80000000, v2;
	(xrf0) =	vmax.scan.msk.u32 $0xffff, v4  }
0x214: {  	_ =	sdelay $0x3  }
0x215: {  	s13 =	simm.s32 @!p0 $0x0;
	vm0 =	vmand vm4, vm5;
	(xrf0) =	vadd.scan.msk.s32 $0xffff, v10  }
0x216: {  	p1 =	por $0x1, $0x1;
	s13 =	simm.s32 @p0 $0x1;
	v1 =	vnsel vm0, $0x7FFFFFFF, v1  }
0x217: {  	[smem:$0x7F2] =	sst s13;
	s13 =	simm.s32 @!p1 $0x0;
	(xrf0) =	vmax.scan.msk.u32 $0xffff, v1  }
0x218: {  	p5 =	por $0x0, $0x0;
	s31 =	spop (v2sf);
	s13 =	simm.s32 @p1 $0x1  }
.Ltmp22:
0x219: {  	[smem:$0x7F4] =	sst s13;
	s13 =	sadd.s32 $0x0, s31;
	(pc) =	sbr.rel @p5 .LBB2_44-.Ltmp22, $4  }
0x21a: {  	v1, _, _ =	vpop (xrf0);
	s13 =	sadd.s32 $0x80000000, s13  }
0x21b: {  	v18 =	vor.u32 s14, v14;
	v2 =	vnsel vm0, $0x80000000, v16;
	v4 =	vadd.s32 s13, v9;
	v11, _, _ =	vpop (xrf0)  }
0x21c: {  	s15 =	simm.s32 $0x10040;
	(v2sf) =	vpush v1, $0xF;
	v6 =	vsub.s32 v4, v8;
	(xrf0) =	vmax.scan.msk.u32 $0xffff, v2;
	v1 =	vxor.u32 $0x80000000, v11  }
0x21d: {  	s14 =	simm.s32 $0x50;
	p2 =	por $0x1, $0x1;
	vm0 =	vlt.s32 v0, v4;
	vm1 =	vle.s32 v6, v0;
	v9 =	vxor.u32 $0x80000000, v6;
	v2 =	vld [tilespmem:s15+$0x0];
	v8, _, _ =	vpop (xrf0);
	(xrf0) =	vmax.scan.msk.u32 $0xffff, v1  }
0x21e: {  	_ =	sdelay $0x3  }
0x21f: {  	s30 =	spop (v2sf);
	(v2sf) =	vpush v8, $0xF;
	v4, _, _ =	vpop (xrf0)  }
0x220: {  	v15, _, _ =	vpop (xrf0);
	(v2sf) =	vpush v4, $0xF  }
0x221: {  	(v2sf) =	vpush v15, $0xF  }
0x222: {  	vm2 =	vmand vm0, vm1;
	(xrf0) =	vadd.scan.msk.s32 $0xffff, v2  }
0x223: {  	v1 =	vnsel vm2, $0x7FFFFFFF, v3  }
0x224: {  	s13 =	sadd.s32 s30, s13;
	(xrf0) =	vmax.scan.msk.u32 $0xffff, v1  }
0x225: {  	p5 =	por $0x0, $0x0;
	s13 =	sadd.s32 $0x80000000, s13  }
.Ltmp23:
0x226: {  	s15 =	simm.s32 @!p2 $0x0;
	v4 =	vadd.s32 s13, v13;
	(pc) =	sbr.rel @p5 .LBB2_46-.Ltmp23, $4  }
0x227: {  	p3 =	por $0x1, $0x1;
	s15 =	simm.s32 @p2 $0x1;
	v12 =	vsub.s32 v4, v12  }
0x228: {  	v16 =	vnsel vm2, $0x80000000, v9;
	[smem:$0x7F5] =	sst s15;
	s15 =	simm.s32 @!p3 $0x0;
	v6, _, _ =	vpop (xrf0)  }
0x229: {  	s31 =	simm.s32 $0x10050;
	s15 =	simm.s32 @p3 $0x1;
	v1 =	vor.u32 s14, v14;
	(xrf0) =	vmax.scan.msk.u32 $0xffff, v16;
	v13 =	vxor.u32 $0x80000000, v6  }
0x22a: {  	v21 =	vld [tilespmem:s31+$0x0];
	[smem:$0x7F6] =	sst s15;
	s14 =	simm.s32 $0x60;
	vm2 =	vlt.s32 v0, v4;
	vm3 =	vle.s32 v12, v0;
	(xrf0) =	vmax.scan.msk.u32 $0xffff, v13;
	v13 =	vxor.u32 $0x80000000, v12;
	v12, _, _ =	vpop (xrf0)  }
0x22b: {  	_ =	sdelay $0x1  }
0x22c: {  	vm4 =	vmand vm2, vm3  }
0x22d: {  	v4 =	vnsel vm4, $0x7FFFFFFF, v5  }
0x22e: {  	(xrf0) =	vadd.scan.msk.s32 $0xffff, v21;
	_ =	sdelay $0x1  }
0x22f: {  	s15 =	spop (v2sf);
	(v2sf) =	vpush v12, $0xF;
	(xrf0) =	vmax.scan.msk.u32 $0xffff, v4;
	v4, _, _ =	vpop (xrf0)  }
0x230: {  	p5 =	por $0x0, $0x0;
	s13 =	sadd.s32 s15, s13;
	v15, _, _ =	vpop (xrf0);
	(v2sf) =	vpush v4, $0xF  }
.Ltmp24:
0x231: {  	p4 =	por $0x1, $0x1;
	v16 =	vnsel vm4, $0x80000000, v13;
	s13 =	sadd.s32 $0x80000000, s13;
	(v2sf) =	vpush v15, $0xF;
	(pc) =	sbr.rel @p5 .LBB2_72-.Ltmp24, $4  }
0x232: {  	v23 =	vor.u32 s14, v14;
	s19 =	simm.s32 $0x70;
	s18 =	simm.s32 $0x10060;
	s14 =	simm.s32 @!p4 $0x0;
	v17 =	vadd.s32 s13, v11;
	(xrf0) =	vmax.scan.msk.u32 $0xffff, v16  }
0x233: {  	s15 =	simm.s32 $0x0;
	s14 =	simm.s32 @p4 $0x1;
	s30 =	spop (v2sf);
	v4 =	vld [tilespmem:s18+$0x0];
	v24, _, _ =	vpop (xrf0)  }
0x234: {  	[smem:$0x7F7] =	sst s14;
	s17 =	sxor.u32 $0x80000000, s30;
	s31 =	spop (v2sf);
	v16 =	vsub.s32 v17, v10;
	v15 =	vxor.u32 $0x80000000, v24  }
0x235: {  	s14 =	simm.s32 $0xFFFFFFFF;
	vm4 =	vlt.s32 v0, v17;
	p6 =	slt.s32 s17, $0xFFFFFFFF;
	s16 =	sxor.u32 $0x80000000, s31;
	vm5 =	vle.s32 v16, v0;
	v16 =	vxor.u32 $0x80000000, v16;
	v17, _, _ =	vpop (xrf0);
	(xrf0) =	vmax.scan.msk.u32 $0xffff, v15  }
0x236: {  	v15 =	vmov v7  }
.LBB2_49:
0x237: {  	s20 =	smov.u32 s15;
	s15 =	smov.u32 s14;
	s14 =	smov.u32 s17  }
0x238: {  	v19 =	vor.u32 s19, v14;
	s14 =	smov.u32 @p6 s15;
	s15 =	smov.u32 s19  }
0x239: {  	vm4 =	vmand vm4, vm5;
	v20 =	vmov v4;
	s21 =	sadd.s32 $0x10, s19;
	(xrf0) =	vadd.scan.msk.s32 $0xffff, v4;
	(v2sf) =	vpush v17, $0xF;
	v17, _, _ =	vpop (xrf0);
	p6 =	sgt.s32 s20, s16;
	s15 =	smov.u32 s16  }
0x23a: {  	p5 =	seq.s32 s19, $0x7F0;
	v4 =	vnsel vm4, $0x7FFFFFFF, v15;
	v16 =	vnsel vm4, $0x80000000, v16;
	v15 =	vmovc v18;
	v18 =	vmovc v1;
	(v2sf) =	vpush v17, $0xF;
	s15 =	smov.u32 @p6 s20  }
0x23b: {  	v1 =	vmov v23;
	v23 =	vmov v19;
	(xrf0) =	vmax.scan.msk.u32 $0xffff, v4  }
0x23c: {  	s18 =	sadd.s32 $0x10, s18;
	(xrf0) =	vmax.scan.msk.u32 $0xffff, v16;
	s16 =	spop (v2sf)  }
.Ltmp25:
0x23d: {  	v4 =	vld [tilespmem:s18+$0x0];
	s13 =	sadd.s32 s16, s13;
	(pc) =	sbr.rel @!p5 .LBB2_49-.Ltmp25, $4  }
0x23e: {  	v16, _, _ =	vpop (xrf0);
	s13 =	sadd.s32 $0x80000000, s13  }
0x23f: {  	(v2sf) =	vpush v16, $0xF;
	v16 =	vadd.s32 s13, v6;
	s16 =	spop (v2sf);
	v6 =	vmov v24;
	v24, _, _ =	vpop (xrf0)  }
0x240: {  	v22 =	vxor.u32 $0x80000000, v24;
	v19 =	vsub.s32 v16, v2;
	s17 =	sxor.u32 $0x80000000, s16;
	s16 =	spop (v2sf);
	v2 =	vmovc v21;
	v21 =	vmov v20  }
0x241: {  	s19 =	smov.u32 s21;
	vm4 =	vlt.s32 v0, v16;
	(xrf0) =	vmax.scan.msk.u32 $0xffff, v22;
	vm5 =	vle.s32 v19, v0;
	v16 =	vxor.u32 $0x80000000, v19;
	v17, _, _ =	vpop (xrf0);
	p6 =	sgt.s32 s14, s17;
	s16 =	sxor.u32 $0x80000000, s16  }
0x242: {  	v14 =	vmov v1;
	v20 =	vmov v6  }
0x243: {  	v22 =	vmovc v2;
	v19 =	vmovc v18;
	v1 =	vmov v23;
	v6 =	vmov v24;
	v2 =	vmov v21  }
.LBB2_51:
0x244: {  	s18 =	sld [smem:$0x7F5]  }
0x245: {  	s24 =	sld [smem:$0x7F2];
	_ =	sdelay $0x1  }
0x246: {  	s25 =	sld [smem:$0x7F4];
	p2 =	seq.s32 s18, $0x1  }
0x247: {  	p5 =	seq.s32 s24, $0x1;
	(v2sf) =	vpush @p2 v17, $0xF;
	v17, _, _ =	vpop @p2 (xrf0)  }
0x248: {  	(v2sf) =	vpush @p2 v17, $0xF;
	v17, _, _ =	vpop @p5 (xrf0)  }
0x249: {  	s26 =	sld [smem:$0x7F3];
	p1 =	seq.s32 s25, $0x1;
	(v2sf) =	vpush @p5 v17, $0xF  }
0x24a: {  	s28 =	sld [smem:$0x7F6];
	s18 =	spop @p1 (v2sf)  }
0x24b: {  	vm4 =	vmand @p1 vm4, vm5;
	(xrf0) =	vadd.scan.msk.s32 $0xffff, v4;
	s13 =	sadd.s32 @p1 s18, s13  }
0x24c: {  	s19 =	simm.s32 $0x0;
	v15 =	vnsel @p1 vm4, $0x7FFFFFFF, v15;
	s13 =	sadd.s32 @p1 $0x80000000, s13  }
0x24d: {  	p0 =	seq.s32 s26, $0x1;
	p3 =	seq.s32 s28, $0x1;
	(xrf0) =	vmax.scan.msk.u32 @p1 $0xffff, v15;
	s19 =	smov.u32 @p1 s13  }
0x24e: {  	s18 =	spop @p3 (v2sf);
	v15 =	vadd.s32 @p0 s19, v20  }
0x24f: {  	v6 =	vpsel p5, v6, v11;
	s13 =	spop @p3 (v2sf);
	v17 =	vsub.s32 @p0 v15, v22  }
0x250: {  	v16 =	vnsel @p1 vm4, $0x80000000, v16;
	vm5 =	vlt.s32 @p0 v0, v15;
	vm4 =	vle.s32 @p0 v17, v0;
	s20 =	spop @p0 (v2sf)  }
0x251: {  	(xrf0) =	vmax.scan.msk.u32 @p1 $0xffff, v16;
	vm2 =	vmmov @p0 vm5;
	v61, _, _ =	vpop (xrf0);
	v15 =	vmov @p0 v19;
	vm3 =	vmmov @p0 vm4;
	s19 =	sadd.s32 @p0 s20, s19  }
0x252: {  	s20 =	simm.s32 $0x0;
	v18 =	vxor.u32 $0x80000000, v61;
	v5 =	vpsel p0, v15, v5;
	vm2 =	vmand @p0 vm2, vm3;
	s19 =	sadd.s32 @p0 $0x80000000, s19  }
0x253: {  	s21 =	sld [smem:$0x7F7];
	v2 =	vpsel p5, v2, v10;
	v17 =	vxor.u32 @p0 $0x80000000, v17;
	v19, _, _ =	vpop @p1 (xrf0);
	(xrf0) =	vmax.scan.msk.u32 $0xffff, v18;
	v5 =	vnsel @p0 vm2, $0x7FFFFFFF, v5;
	s20 =	smov.u32 @p0 s19  }
0x254: {  	v13 =	vpsel p0, v17, v13;
	v12 =	vpsel p1, v19, v12;
	(xrf0) =	vmax.scan.msk.u32 @p0 $0xffff, v5;
	v5 =	vadd.s32 @p5 s20, v6  }
0x255: {  	v11 =	vmovc @p5 v14;
	v10 =	vnsel @p0 vm2, $0x80000000, v13;
	(v2sf) =	vpush @p1 v12, $0xF;
	v2 =	vsub.s32 @p5 v5, v2  }
0x256: {  	p4 =	seq.s32 s21, $0x1;
	v6 =	vpsel p5, v11, v7;
	vm3 =	vlt.s32 @p5 v0, v5;
	vm2 =	vle.s32 @p5 v2, v0;
	s19 =	spop @p2 (v2sf)  }
0x257: {  	p6 =	por !p6, !p4;
	v7, _, _ =	vpop @p1 (xrf0);
	vm0 =	vmmov @p5 vm3;
	v5 =	vmov @p5 v6;
	vm1 =	vmmov @p5 vm2;
	s21 =	spop @p2 (v2sf)  }
0x258: {  	s14 =	smov.u32 @p6 s17;
	(v2sf) =	vpush @p1 v7, $0xF;
	(xrf0) =	vmax.scan.msk.u32 @p0 $0xffff, v10;
	v3 =	vpsel p5, v5, v3;
	vm0 =	vmand @p5 vm0, vm1;
	s17 =	spop @p5 (v2sf)  }
0x259: {  	v62, _, _ =	vpop (xrf0);
	v3 =	vnsel @p5 vm0, $0x7FFFFFFF, v3;
	s17 =	sadd.s32 @p5 s17, s20;
	s20 =	simm.s32 $0xFFFFFFFF  }
0x25a: {  	v2 =	vxor.u32 @p5 $0x80000000, v2;
	(v2sf) =	vpush v62, $0xF;
	v5, _, _ =	vpop @p0 (xrf0);
	(xrf0) =	vmax.scan.msk.u32 @p5 $0xffff, v3;
	s20 =	smov.u32 @p4 s14;
	s14 =	sadd.s32 @p5 $0x80000000, s17;
	s17 =	simm.s32 $0x0  }
0x25b: {  	p6 =	sgt.s32 @p4 s15, s16;
	v2 =	vpsel p5, v2, v9;
	v3 =	vpsel p0, v5, v8;
	s17 =	smov.u32 @p5 s14  }
0x25c: {  	p6 =	por !p6, !p4;
	v2 =	vnsel @p5 vm0, $0x80000000, v2;
	s14 =	sxor.u32 @p3 $0x80000000, s18;
	v63 =	vadd.s32 s17, v61  }
0x25d: {  	s15 =	smov.u32 @p6 s16;
	s16 =	simm.s32 $0x0;
	(xrf0) =	vmax.scan.msk.u32 @p5 $0xffff, v2;
	(v2sf) =	vpush @p0 v3, $0xF;
	p6 =	sgt.s32 @p3 s20, s14;
	v2 =	vsub.s32 v63, v4  }
0x25e: {  	s16 =	smov.u32 @p4 s15;
	s13 =	sxor.u32 @p3 $0x80000000, s13;
	v3, _, _ =	vpop @p0 (xrf0);
	p6 =	por @!p3 p0, p0  }
0x25f: {  	s13 =	smov.u32 @p3 s13;
	s14 =	smov.u32 @p3 s14;
	(v2sf) =	vpush @p0 v3, $0xF;
	vm15 =	vlt.s32 v0, v63;
	p4 =	por !p6, !p3;
	vm14 =	vle.s32 v2, v0  }
0x260: {  	v0 =	vxor.u32 $0x80000000, v2;
	s20 =	smov.u32 @p4 s14;
	p4 =	sgt.s32 @p3 s16, s13;
	s14 =	simm.s32 $0xFFFFFFFF;
	vm0 =	vmand vm15, vm14;
	v2, _, _ =	vpop @p5 (xrf0)  }
0x261: {  	s15 =	sxor.u32 @p2 $0x80000000, s19;
	p4 =	por !p4, !p3;
	s14 =	smov.u32 @p3 s20;
	v1 =	vnsel vm0, $0x7FFFFFFF, v1;
	v2 =	vpsel p5, v2, v0;
	v0 =	vnsel vm0, $0x80000000, v0  }
0x262: {  	s17 =	simm.s32 $0x0;
	s16 =	smov.u32 @p4 s13;
	p4 =	sgt.s32 @p2 s14, s15;
	(xrf0) =	vmax.scan.msk.u32 $0xffff, v1  }
0x263: {  	s13 =	sxor.u32 @p2 $0x80000000, s21;
	s15 =	smov.u32 @p2 s15;
	p4 =	por @!p2 p0, p0;
	(v2sf) =	vpush @p5 v2, $0xF;
	(xrf0) =	vmax.scan.msk.u32 $0xffff, v0  }
0x264: {  	s17 =	smov.u32 @p3 s16;
	s13 =	smov.u32 @p2 s13;
	s16 =	spop @p1 (v2sf);
	v0, _, _ =	vpop @p5 (xrf0)  }
0x265: {  	p4 =	por !p4, !p2;
	p3 =	sgt.s32 @p2 s17, s13;
	s16 =	sxor.u32 @p1 $0x80000000, s16;
	(v2sf) =	vpush @p5 v0, $0xF  }
0x266: {  	s14 =	smov.u32 @p4 s15;
	p4 =	por !p3, !p2;
	s15 =	simm.s32 $0xFFFFFFFF  }
0x267: {  	s18 =	spop @p1 (v2sf);
	s15 =	smov.u32 @p2 s14;
	s17 =	smov.u32 @p4 s13  }
0x268: {  	s13 =	sxor.u32 @p1 $0x80000000, s18;
	s14 =	smov.u32 @p1 s16;
	p4 =	sgt.s32 @p1 s15, s16;
	v0, _, _ =	vpop (xrf0)  }
0x269: {  	s16 =	simm.s32 $0x0;
	s29 =	spop (v2sf);
	p4 =	por @!p1 p0, p0;
	(v2sf) =	vpush v0, $0xF;
	v0, _, _ =	vpop (xrf0)  }
0x26a: {  	s13 =	smov.u32 @p1 s13;
	s16 =	smov.u32 @p2 s17;
	p3 =	por !p4, !p1;
	(v2sf) =	vpush v0, $0xF  }
0x26b: {  	s15 =	smov.u32 @p3 s14;
	p3 =	sgt.s32 @p1 s16, s13  }
0x26c: {  	s17 =	simm.s32 $0xFFFFFFFF;
	s14 =	spop @p0 (v2sf);
	p3 =	por !p3, !p1  }
0x26d: {  	s14 =	sxor.u32 @p0 $0x80000000, s14;
	s17 =	smov.u32 @p1 s15;
	s15 =	simm.s32 $0x0  }
0x26e: {  	s16 =	smov.u32 @p3 s13;
	s13 =	spop @p0 (v2sf);
	p3 =	sgt.s32 @p0 s17, s14  }
0x26f: {  	s14 =	smov.u32 @p0 s14;
	s13 =	sxor.u32 @p0 $0x80000000, s13;
	p3 =	por @!p0 p0, p0  }
0x270: {  	s15 =	smov.u32 @p1 s16;
	p2 =	por !p3, !p0;
	s13 =	smov.u32 @p0 s13  }
0x271: {  	s17 =	smov.u32 @p2 s14;
	p2 =	sgt.s32 @p0 s15, s13  }
0x272: {  	s16 =	simm.s32 $0xFFFFFFFF;
	p2 =	por !p2, !p0;
	s14 =	spop @p5 (v2sf)  }
0x273: {  	s16 =	smov.u32 @p0 s17;
	s17 =	simm.s32 $0x0;
	s14 =	sxor.u32 @p5 $0x80000000, s14  }
0x274: {  	s15 =	smov.u32 @p2 s13;
	p2 =	sgt.s32 @p5 s16, s14;
	s13 =	spop @p5 (v2sf)  }
0x275: {  	s17 =	smov.u32 @p0 s15;
	p2 =	por @!p5 p0, p0;
	s13 =	sxor.u32 @p5 $0x80000000, s13  }
0x276: {  	s14 =	smov.u32 @p5 s14;
	p1 =	por !p2, !p5;
	s13 =	smov.u32 @p5 s13  }
0x277: {  	s16 =	smov.u32 @p1 s14;
	p2 =	sgt.s32 @p5 s17, s13  }
0x278: {  	s30 =	spop (v2sf);
	s12 =	smov.u32 @p5 s16;
	p1 =	por !p2, !p5  }
0x279: {  	s14 =	sxor.u32 $0x80000000, s30;
	s31 =	spop (v2sf);
	s17 =	smov.u32 @p1 s13  }
0x27a: {  	s13 =	sxor.u32 $0x80000000, s31;
	p0 =	sgt.s32 s12, s14;
	s11 =	smov.u32 @p5 s17  }
0x27b: {  	s14 =	smov.u32 @p0 s12;
	p1 =	sgt.s32 s11, s13  }
0x27c: {  	v0 =	vimm.s32 $0x0;
	s12 =	simm.s32 $0x0;
	s13 =	smov.u32 @p1 s11;
	s11 =	simm.s32 $0x40  }
.LBB2_52:
0x27d: {  	p0 =	seq.s32 s11, $0x7FC0;
	[tilespmem:s12+$0x10000] =	vst v0;
	s12 =	smov.u32 s11;
	s11 =	sadd.s32 $0x40, s11  }
.Ltmp26:
0x27e: {  	(pc) =	sbr.rel @!p0 .LBB2_52-.Ltmp26, $2  }
0x27f: {  	_ =	sdelay $0x2  }
0x280: {  	s12 =	sshra.s32 s12, $0x2  }
0x281: {  	s10 =	sshll.u32 s10, $0xA  }
0x282: {  	s10 =	sor.u32 s10, s14  }
0x283: {  	[tilespmem:s12+$0x10000] =	vst v0;
	s12 =	simm.s32 $0x0;
	v1 =	vimm.s32 $0x1;
	s11 =	simm.s32 $0x10000;
	s14 =	simm.s32 $0x0;
	v0 =	vmov s10  }
.LBB2_54:
0x284: {  	s15 =	sshra.s32 s14, $0x2  }
0x285: {  	v2 =	vld [tilespmem:s15+$0x0];
	_ =	sdelay $0x4  }
0x286: {  	v3 =	vshrl.u32 v2, $0xA  }
0x287: {  	vm0 =	veq.s32 v3, v0  }
0x288: {  	v2 =	vand.u32 $0x3FF, v2;
	_ =	sdelay $0x4  }
0x289: {  	[tilespmem:v2+s11+$0x0] =	vst.idx.add.s32.msk vm0, v1  }
0x28a: {  	v2 =	vld [tilespmem:s15+$0x10];
	_ =	sdelay $0x4  }
0x28b: {  	v3 =	vshrl.u32 v2, $0xA  }
0x28c: {  	v2 =	vand.u32 $0x3FF, v2;
	vm9 =	veq.s32 v3, v0  }
0x28d: {  	v2 =	vor.u32 $0x800, v2;
	_ =	sdelay $0x4  }
0x28e: {  	[tilespmem:v2+s11+$0x0] =	vst.idx.add.s32.msk vm9, v1  }
0x28f: {  	v2 =	vld [tilespmem:s15+$0x20];
	_ =	sdelay $0x4  }
0x290: {  	v3 =	vshrl.u32 v2, $0xA  }
0x291: {  	v2 =	vand.u32 $0x3FF, v2;
	vm10 =	veq.s32 v3, v0  }
0x292: {  	v2 =	vor.u32 $0x1000, v2;
	_ =	sdelay $0x4  }
0x293: {  	[tilespmem:v2+s11+$0x0] =	vst.idx.add.s32.msk vm10, v1  }
0x294: {  	v2 =	vld [tilespmem:s15+$0x30];
	_ =	sdelay $0x4  }
0x295: {  	v3 =	vshrl.u32 v2, $0xA  }
0x296: {  	v2 =	vand.u32 $0x3FF, v2;
	vm11 =	veq.s32 v3, v0  }
0x297: {  	v2 =	vor.u32 $0x1800, v2;
	_ =	sdelay $0x4  }
0x298: {  	[tilespmem:v2+s11+$0x0] =	vst.idx.add.s32.msk vm11, v1  }
0x299: {  	v2 =	vld [tilespmem:s15+$0x40];
	_ =	sdelay $0x4  }
0x29a: {  	v3 =	vshrl.u32 v2, $0xA  }
0x29b: {  	vm12 =	veq.s32 v3, v0  }
0x29c: {  	v2 =	vand.u32 $0x3FF, v2;
	_ =	sdelay $0x4  }
0x29d: {  	[tilespmem:v2+s11+$0x0] =	vst.idx.add.s32.msk vm12, v1  }
0x29e: {  	v2 =	vld [tilespmem:s15+$0x50];
	_ =	sdelay $0x4  }
0x29f: {  	v3 =	vshrl.u32 v2, $0xA  }
0x2a0: {  	v2 =	vand.u32 $0x3FF, v2;
	vm13 =	veq.s32 v3, v0  }
0x2a1: {  	v2 =	vor.u32 $0x800, v2;
	_ =	sdelay $0x4  }
0x2a2: {  	[tilespmem:v2+s11+$0x0] =	vst.idx.add.s32.msk vm13, v1  }
0x2a3: {  	v2 =	vld [tilespmem:s15+$0x60];
	_ =	sdelay $0x4  }
0x2a4: {  	v3 =	vshrl.u32 v2, $0xA  }
0x2a5: {  	v2 =	vand.u32 $0x3FF, v2;
	vm14 =	veq.s32 v3, v0  }
0x2a6: {  	v2 =	vor.u32 $0x1000, v2;
	_ =	sdelay $0x4  }
0x2a7: {  	[tilespmem:v2+s11+$0x0] =	vst.idx.add.s32.msk vm14, v1  }
0x2a8: {  	v2 =	vld [tilespmem:s15+$0x70];
	_ =	sdelay $0x4  }
0x2a9: {  	v3 =	vshrl.u32 v2, $0xA  }
0x2aa: {  	v2 =	vand.u32 $0x3FF, v2;
	vm15 =	veq.s32 v3, v0  }
0x2ab: {  	p0 =	sne.s32 s14, $0x3FE00;
	v2 =	vor.u32 $0x1800, v2  }
.Ltmp27:
0x2ac: {  	_ = 	snop;
	(pc) =	sbr.rel @p0 .LBB2_54-.Ltmp27, $2  }
0x2ad: {  	_ =	sdelay $0x2  }
0x2ae: {  	s14 =	sadd.s32 $0x200, s14;
	[tilespmem:v2+s11+$0x0] =	vst.idx.add.s32.msk vm15, v1  }
0x2af: {  	s14 =	sand.u32 $0x7F0, s12  }
0x2b0: {  	s12 =	simm.s32 $0x10;
	v0 =	vld [tilespmem:s14+$0x10800]  }
.LBB2_56:
0x2b1: {  	p0 =	sne.s32 s12, $0x7F0;
	v1 =	vld [tilespmem:s11+$0x0]  }
0x2b2: {  	v2 =	vld [tilespmem:s14+$0x11000]  }
0x2b3: {  	v3 =	vld [tilespmem:s14+$0x11800];
	_ =	sdelay $0x2  }
.Ltmp28:
0x2b4: {  	v0 =	vadd.s32 v1, v0;
	(pc) =	sbr.rel @p0 .LBB2_56-.Ltmp28, $4  }
0x2b5: {  	v0 =	vadd.s32 v2, v0  }
0x2b6: {  	v0 =	vadd.s32 v3, v0  }
0x2b7: {  	s14 =	sand.u32 $0x7F0, s12;
	[tilespmem:s11+$0x0] =	vst v0  }
0x2b8: {  	s12 =	sadd.s32 $0x10, s12;
	s11 =	sadd.s32 $0x10, s11;
	v0 =	vld [tilespmem:s14+$0x10800]  }
0x2b9: {  	v1 =	vld [tilespmem:s11+$0x0]  }
0x2ba: {  	v2 =	vld [tilespmem:s14+$0x11000]  }
0x2bb: {  	v3 =	vld [tilespmem:s14+$0x11800];
	_ =	sdelay $0x2  }
0x2bc: {  	v0 =	vadd.s32 v1, v0  }
0x2bd: {  	v0 =	vadd.s32 v2, v0  }
0x2be: {  	s12 =	simm.s32 $0x80;
	v0 =	vadd.s32 v3, v0  }
0x2bf: {  	s24 =	simm.s32 $0x400;
	s25 =	simm.s32 $0x1;
	[tilespmem:s11+$0x0] =	vst v0;
	s11 =	simm.s32 $0x10000  }
0x2c0: {  	[spmem:s8] =	stream.strided.scatter [tilespmem:s11], [sflag:$0x1], $0x800, s24, s12, $0x38;
	[tilespmem:$0x1EA00] =	vst v63  }
0x2c1: {  	_ =	swait.ge [sflag:s25], $0x800  }
0x2c2: {  	[sflag:s25] =	ssyncset.done $0x0  }
0x2c3: {  	[sflag:s25] =	ssyncadd.s32 $0xFFFFF800  }
0x2c4: {  	s26 =	simm.s32 $0x12000;
	[bflag:$0x0] =	sbarrier.arrive $0xFFFF  }
0x2c5: {  	[tilespmem:s26], [sflag:$0x1] =	stream.linear.gather [spmem:s7], $0x8000, $0x38;
	[tilespmem:$0x1EA00] =	vst v63  }
0x2c6: {  	s28 =	simm.s32 $0x0;
	_ =	swait.ge [sflag:s25], $0x8000  }
0x2c7: {  	s29 =	sand.u32 $0x70, s28;
	s7 =	sand.u32 $0x3C00, s28;
	[sflag:s25] =	ssyncset.done $0x0  }
0x2c8: {  	s7 =	sor.u32 s29, s7;
	[sflag:s25] =	ssyncadd.s32 $0xFFFF8000  }
0x2c9: {  	s8 =	sadd.s32 $0x12000, s7;
	[bflag:$0x0] =	sbarrier.arrive $0xFFFF  }
0x2ca: {  	v0 =	vld [tilespmem:s8+$0x80]  }
0x2cb: {  	v1 =	vld [tilespmem:s7+$0x12000]  }
0x2cc: {  	v2 =	vld [tilespmem:s8+$0x100]  }
0x2cd: {  	v3 =	vld [tilespmem:s8+$0x180]  }
0x2ce: {  	v4 =	vld [tilespmem:s8+$0x200]  }
0x2cf: {  	v5 =	vld [tilespmem:s8+$0x280]  }
0x2d0: {  	v0 =	vadd.s32 v1, v0;
	v1 =	vld [tilespmem:s8+$0x300]  }
0x2d1: {  	v0 =	vadd.s32 v2, v0;
	v2 =	vld [tilespmem:s8+$0x380]  }
0x2d2: {  	v0 =	vadd.s32 v3, v0;
	v3 =	vld [tilespmem:s7+$0x16000]  }
0x2d3: {  	v60 =	vld [tilespmem:s7+$0x16080];
	v0 =	vadd.s32 v4, v0  }
0x2d4: {  	v61 =	vld [tilespmem:s7+$0x16100];
	v0 =	vadd.s32 v5, v0  }
0x2d5: {  	v0 =	vadd.s32 v1, v0;
	v1 =	vld [tilespmem:s7+$0x16180]  }
0x2d6: {  	v0 =	vadd.s32 v2, v0;
	v2 =	vld [tilespmem:s7+$0x16200]  }
0x2d7: {  	v0 =	vadd.s32 v3, v0;
	v3 =	vld [tilespmem:s7+$0x16280]  }
0x2d8: {  	v62 =	vld [tilespmem:s7+$0x16300];
	v0 =	vadd.s32 v60, v0  }
0x2d9: {  	v63 =	vld [tilespmem:s7+$0x16380];
	v0 =	vadd.s32 v61, v0  }
0x2da: {  	v0 =	vadd.s32 v1, v0  }
0x2db: {  	v0 =	vadd.s32 v2, v0  }
0x2dc: {  	s30 =	simm.s32 $0x10;
	s8 =	simm.s32 $0x80;
	v0 =	vadd.s32 v3, v0  }
0x2dd: {  	s31 =	sand.u32 $0x3C00, s8;
	s7 =	sand.u32 $0x70, s30;
	v0 =	vadd.s32 v62, v0  }
0x2de: {  	s12 =	simm.s32 $0x20;
	s7 =	sor.u32 s7, s31;
	v0 =	vadd.s32 v63, v0  }
.LBB2_58:
0x2df: {  	p0 =	seq.s32 s12, $0x7F0;
	s14 =	sadd.s32 $0x12000, s7;
	[tilespmem:s11+$0x0] =	vst v0  }
0x2e0: {  	v0 =	vld [tilespmem:s14+$0x80]  }
0x2e1: {  	v1 =	vld [tilespmem:s7+$0x12000]  }
0x2e2: {  	v2 =	vld [tilespmem:s14+$0x100]  }
0x2e3: {  	v3 =	vld [tilespmem:s14+$0x180]  }
0x2e4: {  	v4 =	vld [tilespmem:s14+$0x200]  }
0x2e5: {  	v5 =	vld [tilespmem:s14+$0x280]  }
0x2e6: {  	v0 =	vadd.s32 v1, v0;
	v1 =	vld [tilespmem:s14+$0x300]  }
0x2e7: {  	v0 =	vadd.s32 v2, v0;
	v2 =	vld [tilespmem:s14+$0x380]  }
0x2e8: {  	v0 =	vadd.s32 v3, v0;
	v3 =	vld [tilespmem:s7+$0x16000]  }
0x2e9: {  	v0 =	vadd.s32 v4, v0;
	v4 =	vld [tilespmem:s7+$0x16080]  }
0x2ea: {  	v0 =	vadd.s32 v5, v0;
	v5 =	vld [tilespmem:s7+$0x16100]  }
0x2eb: {  	v0 =	vadd.s32 v1, v0;
	v1 =	vld [tilespmem:s7+$0x16180]  }
0x2ec: {  	v0 =	vadd.s32 v2, v0;
	v2 =	vld [tilespmem:s7+$0x16200]  }
0x2ed: {  	v0 =	vadd.s32 v3, v0;
	v3 =	vld [tilespmem:s7+$0x16280]  }
0x2ee: {  	v0 =	vadd.s32 v4, v0;
	v4 =	vld [tilespmem:s7+$0x16300]  }
0x2ef: {  	v0 =	vadd.s32 v5, v0;
	v5 =	vld [tilespmem:s7+$0x16380]  }
.Ltmp29:
0x2f0: {  	v0 =	vadd.s32 v1, v0;
	(pc) =	sbr.rel @!p0 .LBB2_58-.Ltmp29, $4  }
0x2f1: {  	v0 =	vadd.s32 v2, v0  }
0x2f2: {  	s8 =	sadd.s32 $0x80, s8;
	v0 =	vadd.s32 v3, v0  }
0x2f3: {  	s14 =	sand.u32 $0x3C00, s8;
	s7 =	sand.u32 $0x70, s12;
	v0 =	vadd.s32 v4, v0  }
0x2f4: {  	s11 =	sadd.s32 $0x10, s11;
	s12 =	sadd.s32 $0x10, s12;
	s7 =	sor.u32 s7, s14;
	v0 =	vadd.s32 v5, v0  }
0x2f5: {  	s8 =	sadd.s32 $0x12000, s7;
	[tilespmem:s11+$0x0] =	vst v0  }
0x2f6: {  	v0 =	vld [tilespmem:s8+$0x80]  }
0x2f7: {  	v1 =	vld [tilespmem:s7+$0x12000]  }
0x2f8: {  	v2 =	vld [tilespmem:s8+$0x100]  }
0x2f9: {  	v3 =	vld [tilespmem:s8+$0x180]  }
0x2fa: {  	v4 =	vld [tilespmem:s8+$0x200]  }
0x2fb: {  	v5 =	vld [tilespmem:s8+$0x280]  }
0x2fc: {  	v0 =	vadd.s32 v1, v0;
	v1 =	vld [tilespmem:s8+$0x300]  }
0x2fd: {  	v0 =	vadd.s32 v2, v0;
	v2 =	vld [tilespmem:s8+$0x380]  }
0x2fe: {  	v0 =	vadd.s32 v3, v0;
	v3 =	vld [tilespmem:s7+$0x16000]  }
0x2ff: {  	v0 =	vadd.s32 v4, v0;
	v4 =	vld [tilespmem:s7+$0x16080]  }
0x300: {  	v0 =	vadd.s32 v5, v0;
	v5 =	vld [tilespmem:s7+$0x16100]  }
0x301: {  	v0 =	vadd.s32 v1, v0;
	v1 =	vld [tilespmem:s7+$0x16180]  }
0x302: {  	v0 =	vadd.s32 v2, v0;
	v2 =	vld [tilespmem:s7+$0x16200]  }
0x303: {  	v0 =	vadd.s32 v3, v0;
	v3 =	vld [tilespmem:s7+$0x16280]  }
0x304: {  	v0 =	vadd.s32 v4, v0;
	v4 =	vld [tilespmem:s7+$0x16300]  }
0x305: {  	v0 =	vadd.s32 v5, v0;
	v5 =	vld [tilespmem:s7+$0x16380]  }
0x306: {  	v0 =	vadd.s32 v1, v0  }
0x307: {  	v0 =	vadd.s32 v2, v0  }
0x308: {  	v0 =	vadd.s32 v3, v0  }
0x309: {  	v0 =	vadd.s32 v4, v0  }
0x30a: {  	s12 =	sadd.s32 $0x10, s11;
	v0 =	vadd.s32 v5, v0  }
0x30b: {  	s15 =	simm.s32 $0x10000;
	[tilespmem:s12+$0x0] =	vst v0  }
0x30c: {  	v2 =	vld [tilespmem:s15+$0x0];
	_ =	sdelay $0x2  }
0x30d: {  	s16 =	simm.s32 $0x10010  }
0x30e: {  	v4 =	vld [tilespmem:s16+$0x0]  }
0x30f: {  	(xrf0) =	vadd.scan.msk.s32 $0xffff, v2;
	_ =	sdelay $0x3  }
0x310: {  	(xrf0) =	vadd.scan.msk.s32 $0xffff, v4  }
0x311: {  	s17 =	simm.s32 $0x10020  }
0x312: {  	v5 =	vld [tilespmem:s17+$0x0];
	v3, _, _ =	vpop (xrf0)  }
0x313: {  	v6 =	vxor.u32 $0x80000000, v3;
	_ =	sdelay $0x1  }
0x314: {  	(xrf0) =	vmax.scan.msk.u32 $0xffff, v6  }
0x315: {  	s18 =	simm.s32 $0x10030;
	v6, _, _ =	vpop (xrf0)  }
0x316: {  	v7 =	vld [tilespmem:s18+$0x0];
	(xrf0) =	vadd.scan.msk.s32 $0xffff, v5;
	v8 =	vxor.u32 $0x80000000, v6  }
0x317: {  	(xrf0) =	vmax.scan.msk.u32 $0xffff, v8;
	_ =	sdelay $0x2  }
0x318: {  	v8, _, _ =	vpop (xrf0)  }
0x319: {  	(xrf0) =	vadd.scan.msk.s32 $0xffff, v7;
	(v2sf) =	vpush v8, $0xF  }
0x31a: {  	v8, _, _ =	vpop (xrf0)  }
0x31b: {  	v11, _, _ =	vpop (xrf0)  }
0x31c: {  	s19 =	simm.s32 $0x10040;
	v10 =	vxor.u32 $0x80000000, v8;
	(v2sf) =	vpush v11, $0xF  }
0x31d: {  	v9 =	vld [tilespmem:s19+$0x0];
	(xrf0) =	vmax.scan.msk.u32 $0xffff, v10  }
0x31e: {  	s13 =	ssub.s32 s9, s13;
	s14 =	simm.s32 $0x0  }
0x31f: {  	v1 =	vlaneseq.u32;
	v0 =	vmov s13;
	v3 =	vadd.s32 s14, v3;
	v10, _, _ =	vpop (xrf0)  }
0x320: {  	v2 =	vsub.s32 v3, v2;
	vm0 =	vlt.s32 v0, v3;
	v3 =	vxor.u32 $0x80000000, v10  }
0x321: {  	v1 =	vor.u32 $0x80000000, v1;
	vm1 =	vle.s32 v2, v0  }
0x322: {  	v2 =	vor.u32 s14, v1;
	vm0 =	vmand vm0, vm1;
	(xrf0) =	vadd.scan.msk.s32 $0xffff, v9  }
0x323: {  	v2 =	vnsel vm0, $0x7FFFFFFF, v2;
	(xrf0) =	vmax.scan.msk.u32 $0xffff, v3;
	v3, _, _ =	vpop (xrf0)  }
0x324: {  	s20 =	simm.s32 $0x10050;
	(xrf0) =	vmax.scan.msk.u32 $0xffff, v2;
	(v2sf) =	vpush v3, $0xF  }
0x325: {  	v3 =	vld [tilespmem:s20+$0x0];
	_ =	sdelay $0x2  }
0x326: {  	v11, _, _ =	vpop (xrf0);
	s21 =	spop (v2sf)  }
0x327: {  	v2, _, _ =	vpop (xrf0);
	s8 =	sadd.s32 $0x0, s21  }
0x328: {  	(v2sf) =	vpush v2, $0xF;
	v2, _, _ =	vpop (xrf0);
	(xrf0) =	vadd.scan.msk.s32 $0xffff, v3;
	s8 =	sadd.s32 $0x80000000, s8  }
0x329: {  	s22 =	simm.s32 $0x10060;
	(v2sf) =	vpush v2, $0xF;
	v2 =	vadd.s32 s8, v6;
	s23 =	spop (v2sf)  }
0x32a: {  	v6 =	vsub.s32 v2, v4;
	v4 =	vld [tilespmem:s22+$0x0];
	s8 =	sadd.s32 s23, s8  }
0x32b: {  	s24 =	simm.s32 $0x10;
	vm0 =	vlt.s32 v0, v2;
	v2 =	vxor.u32 $0x80000000, v11;
	vm1 =	vle.s32 v6, v0;
	s8 =	sadd.s32 $0x80000000, s8  }
0x32c: {  	v6 =	vor.u32 s24, v1;
	vm0 =	vmand vm0, vm1;
	v8 =	vadd.s32 s8, v8  }
0x32d: {  	(xrf0) =	vmax.scan.msk.u32 $0xffff, v2;
	v6 =	vnsel vm0, $0x7FFFFFFF, v6;
	v12 =	vsub.s32 v8, v5  }
0x32e: {  	s26 =	simm.s32 $0x20;
	(xrf0) =	vmax.scan.msk.u32 $0xffff, v6;
	v5, _, _ =	vpop (xrf0);
	vm0 =	vlt.s32 v0, v8;
	vm1 =	vle.s32 v12, v0  }
0x32f: {  	v8 =	vor.u32 s26, v1;
	(xrf0) =	vadd.scan.msk.s32 $0xffff, v4;
	v6 =	vxor.u32 $0x80000000, v5;
	vm0 =	vmand vm0, vm1  }
0x330: {  	(xrf0) =	vmax.scan.msk.u32 $0xffff, v6;
	v6 =	vnsel vm0, $0x7FFFFFFF, v8  }
0x331: {  	s28 =	spop (v2sf)  }
0x332: {  	s8 =	sadd.s32 s28, s8;
	(xrf0) =	vmax.scan.msk.u32 $0xffff, v6  }
0x333: {  	s8 =	sadd.s32 $0x80000000, s8;
	v6, _, _ =	vpop (xrf0)  }
0x334: {  	s25 =	simm.s32 $0x10070;
	s29 =	simm.s32 $0x30;
	v8 =	vadd.s32 s8, v10;
	v10, _, _ =	vpop (xrf0);
	(v2sf) =	vpush v6, $0xF  }
0x335: {  	v2 =	vld [tilespmem:s25+$0x0];
	v7 =	vsub.s32 v8, v7;
	(v2sf) =	vpush v10, $0xF;
	v10 =	vor.u32 s29, v1  }
0x336: {  	vm0 =	vlt.s32 v0, v8;
	vm1 =	vle.s32 v7, v0;
	v6, _, _ =	vpop (xrf0)  }
0x337: {  	vm0 =	vmand vm0, vm1;
	v8, _, _ =	vpop (xrf0)  }
0x338: {  	(v2sf) =	vpush v8, $0xF;
	v8 =	vnsel vm0, $0x7FFFFFFF, v10;
	v10, _, _ =	vpop (xrf0)  }
0x339: {  	s30 =	spop (v2sf);
	(v2sf) =	vpush v10, $0xF  }
0x33a: {  	(xrf0) =	vadd.scan.msk.s32 $0xffff, v2  }
0x33b: {  	v7 =	vxor.u32 $0x80000000, v6  }
0x33c: {  	s16 =	simm.s32 $0x10080;
	(xrf0) =	vmax.scan.msk.u32 $0xffff, v7  }
0x33d: {  	s9 =	simm.s32 $0x70;
	s7 =	simm.s32 $0xFFFFFFFF;
	s8 =	sadd.s32 s30, s8;
	v7 =	vld [tilespmem:s16+$0x0]  }
0x33e: {  	s13 =	simm.s32 $0x50;
	s31 =	spop (v2sf);
	s15 =	sadd.s32 $0x80000000, s8;
	(xrf0) =	vmax.scan.msk.u32 $0xffff, v8  }
0x33f: {  	s12 =	simm.s32 $0x60;
	s17 =	simm.s32 $0x90;
	s11 =	sxor.u32 $0x80000000, s31;
	v11 =	vadd.s32 s15, v11  }
0x340: {  	s14 =	simm.s32 $0x40;
	s8 =	simm.s32 $0x80;
	p0 =	slt.s32 s11, $0xFFFFFFFF;
	v9 =	vsub.s32 v11, v9;
	vm0 =	vlt.s32 v0, v11;
	v8, _, _ =	vpop (xrf0)  }
.LBB2_60:
0x341: {  	s18 =	smov.u32 s7;
	p1 =	sne.s32 s17, $0x7F0;
	v13 =	vxor.u32 $0x80000000, v8;
	vm1 =	vle.s32 v9, v0;
	s7 =	smov.u32 s11  }
0x342: {  	v12 =	vmov v4;
	v4 =	vmov v2;
	v2 =	vmov v7;
	s11 =	smov.u32 s17;
	s17 =	sadd.s32 $0x10, s17;
	(xrf0) =	vadd.scan.msk.s32 $0xffff, v7;
	v11, _, _ =	vpop (xrf0);
	s7 =	smov.u32 @p0 s18  }
0x343: {  	s16 =	sadd.s32 $0x10, s16;
	v9 =	vor.u32 s14, v1;
	s14 =	smov.u32 s13;
	s13 =	smov.u32 s12;
	vm0 =	vmand vm0, vm1;
	(xrf0) =	vmax.scan.msk.u32 $0xffff, v13;
	(v2sf) =	vpush v11, $0xF  }
.Ltmp30:
0x344: {  	s12 =	smov.u32 s9;
	v9 =	vnsel vm0, $0x7FFFFFFF, v9;
	v7 =	vld [tilespmem:s16+$0x0];
	s18 =	spop (v2sf);
	v10, _, _ =	vpop (xrf0);
	(pc) =	sbr.rel @p1 .LBB2_60-.Ltmp30, $4  }
0x345: {  	s9 =	smov.u32 s8;
	s8 =	smov.u32 s11;
	s15 =	sadd.s32 s18, s15;
	(xrf0) =	vmax.scan.msk.u32 $0xffff, v9;
	(v2sf) =	vpush v10, $0xF  }
0x346: {  	s15 =	sadd.s32 $0x80000000, s15;
	s11 =	spop (v2sf)  }
0x347: {  	v10 =	vadd.s32 s15, v5;
	s11 =	sxor.u32 $0x80000000, s11;
	v5 =	vmov v6;
	v6 =	vmov v8  }
0x348: {  	v8, _, _ =	vpop (xrf0);
	v9 =	vsub.s32 v10, v3;
	vm0 =	vlt.s32 v0, v10;
	p0 =	sgt.s32 s7, s11;
	v3 =	vmov v12  }
0x349: {  	(xrf0) =	vadd.scan.msk.s32 $0xffff, v7;
	v10 =	vxor.u32 $0x80000000, v8  }
0x34a: {  	(xrf0) =	vmax.scan.msk.u32 $0xffff, v10;
	_ =	sdelay $0x2  }
0x34b: {  	v55, _, _ =	vpop (xrf0)  }
0x34c: {  	v11, _, _ =	vpop (xrf0)  }
0x34d: {  	(v2sf) =	vpush v55, $0xF;
	v56, _, _ =	vpop (xrf0)  }
0x34e: {  	(v2sf) =	vpush v11, $0xF;
	v57, _, _ =	vpop (xrf0)  }
0x34f: {  	(v2sf) =	vpush v57, $0xF;
	_ =	sdelay $0x6  }
0x350: {  	s16 =	spop (v2sf)  }
0x351: {  	s16 =	sadd.s32 s16, s15;
	s18 =	spop (v2sf)  }
0x352: {  	vm1 =	vle.s32 v9, v0;
	s16 =	sadd.s32 $0x80000000, s16;
	s17 =	spop (v2sf)  }
0x353: {  	v58 =	vor.u32 s14, v1;
	vm0 =	vmand vm0, vm1;
	v5 =	vadd.s32 s16, v5;
	s19 =	sadd.s32 s17, s16  }
0x354: {  	v9 =	vnsel vm0, $0x7FFFFFFF, v58;
	v3 =	vsub.s32 v5, v3;
	s14 =	sadd.s32 $0x80000000, s19  }
0x355: {  	vm8 =	vlt.s32 v0, v5;
	vm9 =	vle.s32 v3, v0;
	s20 =	spop (v2sf);
	v59 =	vadd.s32 s14, v6  }
0x356: {  	v3 =	vor.u32 s13, v1;
	vm0 =	vmand vm8, vm9;
	v4 =	vsub.s32 v59, v4;
	s21 =	spop (v2sf)  }
0x357: {  	(xrf0) =	vmax.scan.msk.u32 $0xffff, v9;
	v60 =	vxor.u32 $0x80000000, v56;
	vm10 =	vlt.s32 v0, v59;
	vm2 =	vle.s32 v4, v0;
	s13 =	sadd.s32 s21, s14;
	s22 =	spop (v2sf)  }
0x358: {  	v61 =	vor.u32 s12, v1;
	v3 =	vnsel vm0, $0x7FFFFFFF, v3;
	(xrf0) =	vmax.scan.msk.u32 $0xffff, v60;
	vm11 =	vmand vm10, vm2;
	s23 =	sadd.s32 $0x80000000, s13;
	s24 =	spop (v2sf)  }
0x359: {  	(xrf0) =	vmax.scan.msk.u32 $0xffff, v3;
	v3 =	vnsel vm11, $0x7FFFFFFF, v61;
	v62 =	vadd.s32 s23, v8;
	s12 =	sadd.s32 s24, s23  }
0x35a: {  	(xrf0) =	vmax.scan.msk.u32 $0xffff, v3;
	v3 =	vor.u32 s9, v1;
	v2 =	vsub.s32 v62, v2;
	s12 =	sadd.s32 $0x80000000, s12  }
0x35b: {  	vm12 =	vlt.s32 v0, v62;
	vm13 =	vle.s32 v2, v0;
	v2 =	vadd.s32 s12, v56  }
0x35c: {  	v1 =	vor.u32 s8, v1;
	vm0 =	vmand vm12, vm13;
	v63 =	vsub.s32 v2, v7  }
0x35d: {  	v3 =	vnsel vm0, $0x7FFFFFFF, v3;
	vm14 =	vlt.s32 v0, v2;
	vm15 =	vle.s32 v63, v0  }
0x35e: {  	v0, _, _ =	vpop (xrf0);
	(xrf0) =	vmax.scan.msk.u32 $0xffff, v3;
	vm0 =	vmand vm14, vm15  }
0x35f: {  	v2, _, _ =	vpop (xrf0);
	(v2sf) =	vpush v0, $0xF;
	v0 =	vnsel vm0, $0x7FFFFFFF, v1  }
0x360: {  	(v2sf) =	vpush v2, $0xF;
	v1, _, _ =	vpop (xrf0);
	(xrf0) =	vmax.scan.msk.u32 $0xffff, v0  }
0x361: {  	(v2sf) =	vpush v1, $0xF  }
0x362: {  	v0, _, _ =	vpop (xrf0)  }
0x363: {  	(v2sf) =	vpush v0, $0xF  }
0x364: {  	v0, _, _ =	vpop (xrf0)  }
0x365: {  	(v2sf) =	vpush v0, $0xF  }
0x366: {  	v0, _, _ =	vpop (xrf0)  }
0x367: {  	(v2sf) =	vpush v0, $0xF;
	_ =	sdelay $0x1  }
0x368: {  	s11 =	smov.u32 @p0 s7;
	s7 =	sxor.u32 $0x80000000, s18  }
0x369: {  	p0 =	sgt.s32 s11, s7  }
0x36a: {  	s7 =	smov.u32 @p0 s11;
	s8 =	sxor.u32 $0x80000000, s20  }
0x36b: {  	p0 =	sgt.s32 s7, s8  }
0x36c: {  	s8 =	smov.u32 @p0 s7;
	s7 =	sxor.u32 $0x80000000, s22  }
0x36d: {  	p0 =	sgt.s32 s8, s7;
	s25 =	spop (v2sf)  }
0x36e: {  	s7 =	smov.u32 @p0 s8;
	s8 =	sxor.u32 $0x80000000, s25;
	s26 =	spop (v2sf)  }
0x36f: {  	p0 =	sgt.s32 s7, s8;
	s9 =	spop (v2sf)  }
0x370: {  	s8 =	smov.u32 @p0 s7;
	s7 =	sxor.u32 $0x80000000, s9  }
0x371: {  	p0 =	sgt.s32 s8, s7;
	s28 =	spop (v2sf)  }
0x372: {  	s7 =	smov.u32 @p0 s8;
	s8 =	sxor.u32 $0x80000000, s28  }
0x373: {  	s29 =	spop (v2sf);
	p0 =	sgt.s32 s7, s8  }
0x374: {  	s8 =	smov.u32 @p0 s7;
	s7 =	sxor.u32 $0x80000000, s29  }
0x375: {  	p0 =	sgt.s32 s8, s7;
	s30 =	spop (v2sf)  }
0x376: {  	s7 =	smov.u32 @p0 s8;
	s8 =	sxor.u32 $0x80000000, s30  }
0x377: {  	p0 =	sgt.s32 s7, s8  }
0x378: {  	s31 =	sshll.u32 s10, $0xA;
	s8 =	smov.u32 @p0 s7  }
0x379: {  	s7 =	sor.u32 s31, s8  }
0x37a: {  	v0 =	vmov s7  }
0x37b: {  	v0 =	vmax.f32 v0, $6.999999880e-01  }
0x37c: {  	v0 =	vbroadcast v0, $0x0  }
.LBB2_62:
0x37d: {  	_ = 	snop  }
0x37e: {  	(xrf0) =	vmax.scan.msk.f32 $0xffff, v0;
	_ =	sdelay $0x4  }
0x37f: {  	s7 =	simm.s32 $0x0;
	s8 =	simm.s32 $0x1A100;
	[tilespmem:$0x1A080] =	vst v0  }
0x380: {  	[tilespmem:s8], [sflag:$0x1] =	stream.linear.gather [hbm4b:s6+s7], $0x4000, $0x38;
	v0, _, _ =	vpop (xrf0);
	[tilespmem:$0x1EA00] =	vst v63  }
0x381: {  	_ =	swait.ge [sflag:s5], $0x4000  }
0x382: {  	[sflag:s5] =	ssyncset.done $0x0  }
0x383: {  	s9 =	simm.s32 $0x0;
	[sflag:s5] =	ssyncadd.s32 $0xFFFFC000  }
0x384: {  	v2 =	vld [tilespmem:s9+$0x70]  }
0x385: {  	v3 =	vld [tilespmem:s9+$0x0]  }
0x386: {  	v4 =	vld [tilespmem:s9+$0x10]  }
0x387: {  	v5 =	vld [tilespmem:s9+$0x20]  }
0x388: {  	v7 =	vld [tilespmem:s9+$0x30]  }
0x389: {  	v9 =	vld [tilespmem:s9+$0x40]  }
0x38a: {  	v10 =	vld [tilespmem:s9+$0x60]  }
0x38b: {  	v0 =	vbroadcast v0, $0xF  }
0x38c: {  	v12 =	vimm.f32 $0.0e+00;
	v1 =	vimm.s32 $0x0;
	v15 =	vimm.f32 $0.0e+00;
	v13 =	vld [tilespmem:s9+$0x1A110]  }
0x38d: {  	v16 =	vimm.f32 $0.0e+00;
	v17 =	vimm.f32 $0.0e+00;
	vm0 =	vlt.f32 v2, v0  }
0x38e: {  	v14 =	vld [tilespmem:s9+$0x1A120];
	vm5 =	vlt.f32 v3, v0;
	vm6 =	vlt.f32 v4, v0;
	vm7 =	vlt.f32 v5, v0  }
0x38f: {  	v2 =	vld [tilespmem:s9+$0x50];
	vm1 =	vlt.f32 v7, v0;
	vm2 =	vlt.f32 v9, v0;
	vm4 =	vlt.f32 v10, v0  }
0x390: {  	v11 =	vld [tilespmem:s9+$0x1A100];
	v3 =	vsel vm0, $0x1, v1;
	v4 =	vsel vm5, $0x1, v1;
	v7 =	vsel vm2, $0x1, v1  }
0x391: {  	v13 =	vnsel vm6, $0x0, v13;
	v8 =	vadd.s32 v3, v1;
	v3 =	vsel vm6, $0x1, v1  }
0x392: {  	v6 =	vadd.s32 v4, v1;
	v4 =	vadd.s32 v3, v1;
	v3 =	vsel vm7, $0x1, v1  }
0x393: {  	v18 =	vld [tilespmem:s9+$0x1A130];
	v23 =	vnsel vm7, $0x0, v14;
	v9 =	vadd.s32 v3, v1;
	v3 =	vsel vm1, $0x1, v1  }
0x394: {  	v19 =	vld [tilespmem:s9+$0x1A140];
	v14 =	vimm.f32 $0.0e+00;
	v5 =	vadd.s32 v3, v1;
	vm3 =	vlt.f32 v2, v0  }
0x395: {  	s8 =	sadd.s32 $0x800, s6;
	v20 =	vld [tilespmem:s9+$0x1A150];
	v3 =	vadd.s32 v7, v1;
	v7 =	vnsel vm5, $0x0, v11;
	v2 =	vsel vm3, $0x1, v1  }
0x396: {  	s7 =	sadd.s32 $0x1000, s6;
	s6 =	sadd.s32 $0x1800, s6;
	s5 =	sadd.s32 s2, s4;
	v21 =	vld [tilespmem:s9+$0x1A160];
	v11 =	vadd.f32 v7, v12;
	v10 =	vadd.s32 v2, v1;
	v2 =	vsel vm4, $0x1, v1  }
0x397: {  	s2 =	sadd.s32 s3, s4;
	s3 =	simm.s32 $0x80;
	s4 =	simm.s32 $0x400;
	v22 =	vld [tilespmem:s9+$0x1A170];
	v7 =	vadd.f32 v13, v12;
	v13 =	vimm.f32 $0.0e+00;
	v2 =	vadd.s32 v2, v1  }
.LBB2_63:
0x398: {  	p0 =	sne.s32 s4, $0xFE00;
	v24 =	vld [tilespmem:s3+$0x70];
	v12 =	vadd.f32 v23, v12;
	v18 =	vnsel vm1, $0x0, v18  }
0x399: {  	v23 =	vld [tilespmem:s3+$0x0];
	v15 =	vadd.f32 v18, v15;
	v18 =	vnsel vm2, $0x0, v19  }
0x39a: {  	v19 =	vld [tilespmem:s3+$0x10];
	v16 =	vadd.f32 v18, v16;
	v18 =	vnsel vm3, $0x0, v20  }
0x39b: {  	v20 =	vld [tilespmem:s3+$0x20];
	v17 =	vadd.f32 v18, v17;
	v18 =	vnsel vm4, $0x0, v21  }
0x39c: {  	v21 =	vld [tilespmem:s3+$0x30];
	v14 =	vadd.f32 v18, v14;
	v18 =	vnsel vm0, $0x0, v22  }
0x39d: {  	v22 =	vld [tilespmem:s3+$0x40];
	vm0 =	vlt.f32 v24, v0;
	v13 =	vadd.f32 v18, v13  }
0x39e: {  	vm6 =	vlt.f32 v23, v0;
	v23 =	vld [tilespmem:s3+$0x50];
	v18 =	vsel vm0, $0x1, v1  }
0x39f: {  	v24 =	vsel vm6, $0x1, v1;
	vm5 =	vlt.f32 v19, v0;
	v25 =	vld [tilespmem:s3+$0x60];
	v8 =	vadd.s32 v18, v8  }
0x3a0: {  	v26 =	vld [tilespmem:s3+$0x1A100];
	v6 =	vadd.s32 v24, v6;
	v18 =	vsel vm5, $0x1, v1;
	vm7 =	vlt.f32 v20, v0  }
0x3a1: {  	v24 =	vld [tilespmem:s3+$0x1A110];
	v4 =	vadd.s32 v18, v4;
	v18 =	vsel vm7, $0x1, v1;
	vm1 =	vlt.f32 v21, v0  }
0x3a2: {  	v27 =	vld [tilespmem:s3+$0x1A120];
	v9 =	vadd.s32 v18, v9;
	v19 =	vsel vm1, $0x1, v1;
	vm2 =	vlt.f32 v22, v0  }
.Ltmp31:
0x3a3: {  	v18 =	vld [tilespmem:s3+$0x1A130];
	v5 =	vadd.s32 v19, v5;
	v20 =	vsel vm2, $0x1, v1;
	vm3 =	vlt.f32 v23, v0;
	(pc) =	sbr.rel @p0 .LBB2_63-.Ltmp31, $4  }
0x3a4: {  	v19 =	vld [tilespmem:s3+$0x1A140];
	v3 =	vadd.s32 v20, v3;
	v21 =	vsel vm3, $0x1, v1;
	vm4 =	vlt.f32 v25, v0  }
0x3a5: {  	v22 =	vnsel vm6, $0x0, v26;
	v20 =	vld [tilespmem:s3+$0x1A150];
	v10 =	vadd.s32 v21, v10;
	v23 =	vsel vm4, $0x1, v1  }
0x3a6: {  	v11 =	vadd.f32 v22, v11;
	v22 =	vnsel vm5, $0x0, v24;
	v21 =	vld [tilespmem:s3+$0x1A160];
	v2 =	vadd.s32 v23, v2  }
0x3a7: {  	v7 =	vadd.f32 v22, v7;
	v23 =	vnsel vm7, $0x0, v27;
	v22 =	vld [tilespmem:s3+$0x1A170];
	s3 =	sshra.s32 s4, $0x2;
	s4 =	sadd.s32 $0x200, s4  }
0x3a8: {  	v24 =	vld [tilespmem:s3+$0x70]  }
0x3a9: {  	v25 =	vld [tilespmem:s3+$0x0]  }
0x3aa: {  	v26 =	vld [tilespmem:s3+$0x10]  }
0x3ab: {  	v27 =	vld [tilespmem:s3+$0x20]  }
0x3ac: {  	v28 =	vld [tilespmem:s3+$0x30]  }
0x3ad: {  	v29 =	vld [tilespmem:s3+$0x40]  }
0x3ae: {  	v30 =	vld [tilespmem:s3+$0x50]  }
0x3af: {  	v31 =	vld [tilespmem:s3+$0x60]  }
0x3b0: {  	v32 =	vld [tilespmem:s3+$0x1A100]  }
0x3b1: {  	v33 =	vld [tilespmem:s3+$0x1A110];
	v12 =	vadd.f32 v23, v12;
	v18 =	vnsel vm1, $0x0, v18;
	v19 =	vnsel vm2, $0x0, v19  }
0x3b2: {  	v23 =	vld [tilespmem:s3+$0x1A120];
	v15 =	vadd.f32 v18, v15;
	v16 =	vadd.f32 v19, v16;
	v18 =	vnsel vm3, $0x0, v20  }
0x3b3: {  	v19 =	vld [tilespmem:s3+$0x1A130];
	v17 =	vadd.f32 v18, v17;
	v18 =	vnsel vm4, $0x0, v21;
	v20 =	vnsel vm0, $0x0, v22  }
0x3b4: {  	v21 =	vld [tilespmem:s3+$0x1A140];
	v14 =	vadd.f32 v18, v14;
	vm0 =	vlt.f32 v24, v0;
	v13 =	vadd.f32 v20, v13  }
0x3b5: {  	v18 =	vld [tilespmem:s3+$0x1A150];
	vm1 =	vlt.f32 v25, v0;
	vm2 =	vlt.f32 v26, v0;
	vm3 =	vlt.f32 v27, v0  }
0x3b6: {  	s29 =	simm.s32 $0x0;
	s4 =	simm.s32 $0x1A100;
	s30 =	simm.s32 $0x1;
	v22 =	vld [tilespmem:s3+$0x1A160];
	vm4 =	vlt.f32 v28, v0;
	v20 =	vsel vm0, $0x1, v1;
	v55 =	vsel vm1, $0x1, v1  }
0x3b7: {  	v8 =	vadd.s32 v20, v8;
	v20 =	vld [tilespmem:s3+$0x1A170];
	v24 =	vadd.s32 v55, v6;
	v6 =	vsel vm2, $0x1, v1;
	[tilespmem:s4], [sflag:$0x1] =	stream.linear.gather [hbm4b:s8+s29], $0x4000, $0x38  }
0x3b8: {  	vm5 =	vlt.f32 v29, v0;
	v57 =	vadd.s32 v6, v4;
	v4 =	vsel vm4, $0x1, v1;
	_ =	swait.ge [sflag:s30], $0x4000  }
0x3b9: {  	vm6 =	vlt.f32 v30, v0;
	v58 =	vadd.s32 v4, v5;
	v4 =	vsel vm5, $0x1, v1;
	[sflag:s30] =	ssyncset.done $0x0  }
0x3ba: {  	s31 =	simm.s32 $0x0;
	v5 =	vsel vm6, $0x1, v1;
	v59 =	vadd.s32 v4, v3;
	v3 =	vnsel vm1, $0x0, v32;
	[sflag:s30] =	ssyncadd.s32 $0xFFFFC000  }
0x3bb: {  	v6 =	vnsel vm6, $0x0, v18;
	v60 =	vadd.s32 v5, v10;
	v61 =	vadd.f32 v3, v11;
	v11 =	vld [tilespmem:s31+$0x4070]  }
0x3bc: {  	vm1 =	vlt.f32 v31, v0;
	v5 =	vnsel vm4, $0x0, v19;
	v3 =	vnsel vm2, $0x0, v33;
	v19 =	vld [tilespmem:s31+$0x4000]  }
0x3bd: {  	v6 =	vadd.f32 v6, v17;
	v17 =	vld [tilespmem:s31+$0x4030];
	v62 =	vadd.f32 v3, v7;
	v3 =	vnsel vm3, $0x0, v23  }
0x3be: {  	v7 =	vnsel vm1, $0x0, v22;
	v4 =	vadd.f32 v3, v12;
	v12 =	vld [tilespmem:s31+$0x4010]  }
0x3bf: {  	v10 =	vadd.f32 v7, v14;
	v14 =	vld [tilespmem:s31+$0x4050]  }
0x3c0: {  	v3 =	vadd.f32 v5, v15;
	v15 =	vnsel vm0, $0x0, v20;
	v20 =	vld [tilespmem:s31+$0x4060]  }
0x3c1: {  	v5 =	vnsel vm5, $0x0, v21;
	v21 =	vld [tilespmem:s31+$0x1A100]  }
0x3c2: {  	v56 =	vsel vm3, $0x1, v1;
	v1 =	vsel vm1, $0x1, v1;
	v5 =	vadd.f32 v5, v16;
	v16 =	vld [tilespmem:s31+$0x4020]  }
0x3c3: {  	v9 =	vadd.s32 v56, v9;
	v2 =	vadd.s32 v1, v2;
	v7 =	vadd.f32 v15, v13;
	v13 =	vld [tilespmem:s31+$0x4040]  }
0x3c4: {  	v1 =	vimm.s32 $0x0;
	vm0 =	vlt.f32 v11, v0;
	vm5 =	vlt.f32 v19, v0  }
0x3c5: {  	vm1 =	vlt.f32 v17, v0;
	v11 =	vsel vm0, $0x1, v1;
	v18 =	vsel vm5, $0x1, v1  }
0x3c6: {  	vm6 =	vlt.f32 v12, v0;
	v15 =	vadd.s32 v11, v8;
	v11 =	vadd.s32 v18, v24  }
0x3c7: {  	v22 =	vld [tilespmem:s31+$0x1A110];
	vm3 =	vlt.f32 v14, v0;
	vm4 =	vlt.f32 v20, v0;
	v17 =	vnsel vm5, $0x0, v21  }
0x3c8: {  	v23 =	vld [tilespmem:s31+$0x1A120];
	vm7 =	vlt.f32 v16, v0;
	v8 =	vsel vm6, $0x1, v1;
	vm2 =	vlt.f32 v13, v0  }
0x3c9: {  	v18 =	vld [tilespmem:s31+$0x1A130];
	v63 =	vsel vm4, $0x1, v1;
	v8 =	vadd.s32 v8, v57;
	v12 =	vsel vm7, $0x1, v1  }
0x3ca: {  	v19 =	vld [tilespmem:s31+$0x1A140];
	v14 =	vsel vm2, $0x1, v1;
	v12 =	vadd.s32 v12, v9;
	v9 =	vsel vm1, $0x1, v1  }
0x3cb: {  	v20 =	vld [tilespmem:s31+$0x1A150];
	v13 =	vadd.s32 v9, v58;
	v9 =	vadd.s32 v14, v59;
	v14 =	vsel vm3, $0x1, v1  }
0x3cc: {  	v21 =	vld [tilespmem:s31+$0x1A160];
	v16 =	vadd.s32 v14, v60;
	v14 =	vadd.f32 v17, v61;
	v17 =	vnsel vm6, $0x0, v22  }
0x3cd: {  	s3 =	simm.s32 $0x80;
	s4 =	simm.s32 $0x400;
	v2 =	vadd.s32 v63, v2;
	v23 =	vnsel vm7, $0x0, v23;
	v22 =	vld [tilespmem:s31+$0x1A170];
	v17 =	vadd.f32 v17, v62  }
.LBB2_65:
0x3ce: {  	p0 =	sne.s32 s4, $0xFE00;
	v24 =	vld [tilespmem:s3+$0x4070];
	v4 =	vadd.f32 v23, v4;
	v18 =	vnsel vm1, $0x0, v18  }
0x3cf: {  	v23 =	vld [tilespmem:s3+$0x4000];
	v3 =	vadd.f32 v18, v3;
	v18 =	vnsel vm2, $0x0, v19  }
0x3d0: {  	v19 =	vld [tilespmem:s3+$0x4010];
	v5 =	vadd.f32 v18, v5;
	v18 =	vnsel vm3, $0x0, v20  }
0x3d1: {  	v20 =	vld [tilespmem:s3+$0x4020];
	v6 =	vadd.f32 v18, v6;
	v18 =	vnsel vm4, $0x0, v21  }
0x3d2: {  	v21 =	vld [tilespmem:s3+$0x4030];
	v10 =	vadd.f32 v18, v10;
	v18 =	vnsel vm0, $0x0, v22  }
0x3d3: {  	v22 =	vld [tilespmem:s3+$0x4040];
	vm0 =	vlt.f32 v24, v0;
	v7 =	vadd.f32 v18, v7  }
0x3d4: {  	vm6 =	vlt.f32 v23, v0;
	v23 =	vld [tilespmem:s3+$0x4050];
	v18 =	vsel vm0, $0x1, v1  }
0x3d5: {  	v24 =	vsel vm6, $0x1, v1;
	vm5 =	vlt.f32 v19, v0;
	v25 =	vld [tilespmem:s3+$0x4060];
	v15 =	vadd.s32 v18, v15  }
0x3d6: {  	v26 =	vld [tilespmem:s3+$0x1A100];
	v11 =	vadd.s32 v24, v11;
	v18 =	vsel vm5, $0x1, v1;
	vm7 =	vlt.f32 v20, v0  }
0x3d7: {  	v24 =	vld [tilespmem:s3+$0x1A110];
	v8 =	vadd.s32 v18, v8;
	v18 =	vsel vm7, $0x1, v1;
	vm1 =	vlt.f32 v21, v0  }
0x3d8: {  	v27 =	vld [tilespmem:s3+$0x1A120];
	v12 =	vadd.s32 v18, v12;
	v19 =	vsel vm1, $0x1, v1;
	vm2 =	vlt.f32 v22, v0  }
.Ltmp32:
0x3d9: {  	v18 =	vld [tilespmem:s3+$0x1A130];
	v13 =	vadd.s32 v19, v13;
	v20 =	vsel vm2, $0x1, v1;
	vm3 =	vlt.f32 v23, v0;
	(pc) =	sbr.rel @p0 .LBB2_65-.Ltmp32, $4  }
0x3da: {  	v19 =	vld [tilespmem:s3+$0x1A140];
	v9 =	vadd.s32 v20, v9;
	v21 =	vsel vm3, $0x1, v1;
	vm4 =	vlt.f32 v25, v0  }
0x3db: {  	v22 =	vnsel vm6, $0x0, v26;
	v20 =	vld [tilespmem:s3+$0x1A150];
	v16 =	vadd.s32 v21, v16;
	v23 =	vsel vm4, $0x1, v1  }
0x3dc: {  	v14 =	vadd.f32 v22, v14;
	v22 =	vnsel vm5, $0x0, v24;
	v21 =	vld [tilespmem:s3+$0x1A160];
	v2 =	vadd.s32 v23, v2  }
0x3dd: {  	v17 =	vadd.f32 v22, v17;
	v23 =	vnsel vm7, $0x0, v27;
	v22 =	vld [tilespmem:s3+$0x1A170];
	s3 =	sshra.s32 s4, $0x2;
	s4 =	sadd.s32 $0x200, s4  }
0x3de: {  	v24 =	vld [tilespmem:s3+$0x4070]  }
0x3df: {  	v25 =	vld [tilespmem:s3+$0x4000]  }
0x3e0: {  	v26 =	vld [tilespmem:s3+$0x4010]  }
0x3e1: {  	v27 =	vld [tilespmem:s3+$0x4020]  }
0x3e2: {  	v28 =	vld [tilespmem:s3+$0x4030]  }
0x3e3: {  	v29 =	vld [tilespmem:s3+$0x4040]  }
0x3e4: {  	v30 =	vld [tilespmem:s3+$0x4050]  }
0x3e5: {  	v31 =	vld [tilespmem:s3+$0x4060]  }
0x3e6: {  	v32 =	vld [tilespmem:s3+$0x1A100]  }
0x3e7: {  	v33 =	vld [tilespmem:s3+$0x1A110];
	v4 =	vadd.f32 v23, v4;
	v18 =	vnsel vm1, $0x0, v18;
	v19 =	vnsel vm2, $0x0, v19  }
0x3e8: {  	v23 =	vld [tilespmem:s3+$0x1A120];
	v3 =	vadd.f32 v18, v3;
	v5 =	vadd.f32 v19, v5;
	v18 =	vnsel vm3, $0x0, v20  }
0x3e9: {  	v19 =	vld [tilespmem:s3+$0x1A130];
	v6 =	vadd.f32 v18, v6;
	v18 =	vnsel vm4, $0x0, v21;
	v20 =	vnsel vm0, $0x0, v22  }
0x3ea: {  	v21 =	vld [tilespmem:s3+$0x1A140];
	v10 =	vadd.f32 v18, v10;
	vm0 =	vlt.f32 v24, v0;
	v7 =	vadd.f32 v20, v7  }
0x3eb: {  	v18 =	vld [tilespmem:s3+$0x1A150];
	vm1 =	vlt.f32 v25, v0;
	vm2 =	vlt.f32 v26, v0;
	vm3 =	vlt.f32 v27, v0  }
0x3ec: {  	s29 =	simm.s32 $0x0;
	s4 =	simm.s32 $0x1A100;
	s30 =	simm.s32 $0x1;
	v22 =	vld [tilespmem:s3+$0x1A160];
	vm4 =	vlt.f32 v28, v0;
	vm5 =	vlt.f32 v29, v0;
	v20 =	vsel vm0, $0x1, v1  }
0x3ed: {  	vm6 =	vlt.f32 v30, v0;
	v52 =	vsel vm1, $0x1, v1;
	v15 =	vadd.s32 v20, v15;
	v20 =	vld [tilespmem:s3+$0x1A170];
	[tilespmem:s4], [sflag:$0x1] =	stream.linear.gather [hbm4b:s7+s29], $0x4000, $0x38  }
0x3ee: {  	v53 =	vsel vm2, $0x1, v1;
	v54 =	vsel vm3, $0x1, v1;
	v55 =	vsel vm4, $0x1, v1;
	_ =	swait.ge [sflag:s30], $0x4000  }
0x3ef: {  	v56 =	vsel vm5, $0x1, v1;
	v57 =	vsel vm6, $0x1, v1;
	v58 =	vnsel vm1, $0x0, v32;
	[sflag:s30] =	ssyncset.done $0x0  }
0x3f0: {  	s31 =	simm.s32 $0x0;
	vm1 =	vlt.f32 v31, v0;
	v59 =	vnsel vm2, $0x0, v33;
	v23 =	vnsel vm3, $0x0, v23;
	[sflag:s30] =	ssyncadd.s32 $0xFFFFC000  }
0x3f1: {  	v11 =	vadd.s32 v52, v11;
	v8 =	vadd.s32 v53, v8;
	v12 =	vadd.s32 v54, v12;
	v60 =	vld [tilespmem:s31+$0x8070]  }
0x3f2: {  	v13 =	vadd.s32 v55, v13;
	v9 =	vadd.s32 v56, v9;
	v19 =	vnsel vm4, $0x0, v19;
	v61 =	vld [tilespmem:s31+$0x8000]  }
0x3f3: {  	v16 =	vadd.s32 v57, v16;
	v3 =	vadd.f32 v19, v3;
	v19 =	vnsel vm5, $0x0, v21;
	v21 =	vld [tilespmem:s31+$0x8010]  }
0x3f4: {  	v14 =	vadd.f32 v58, v14;
	v5 =	vadd.f32 v19, v5;
	v18 =	vnsel vm6, $0x0, v18;
	v19 =	vld [tilespmem:s31+$0x8020]  }
0x3f5: {  	v17 =	vadd.f32 v59, v17;
	v6 =	vadd.f32 v18, v6;
	v18 =	vnsel vm1, $0x0, v22;
	v22 =	vld [tilespmem:s31+$0x8030]  }
0x3f6: {  	v1 =	vsel vm1, $0x1, v1;
	v10 =	vadd.f32 v18, v10;
	v18 =	vld [tilespmem:s31+$0x8040];
	v20 =	vnsel vm0, $0x0, v20  }
0x3f7: {  	v4 =	vadd.f32 v23, v4;
	v2 =	vadd.s32 v1, v2;
	v7 =	vadd.f32 v20, v7;
	v20 =	vld [tilespmem:s31+$0x8050]  }
0x3f8: {  	v1 =	vimm.s32 $0x0;
	v62 =	vld [tilespmem:s31+$0x1A110];
	vm0 =	vlt.f32 v60, v0;
	vm5 =	vlt.f32 v61, v0  }
0x3f9: {  	vm6 =	vlt.f32 v21, v0;
	v21 =	vld [tilespmem:s31+$0x8060];
	vm7 =	vlt.f32 v19, v0;
	v23 =	vsel vm0, $0x1, v1  }
0x3fa: {  	vm1 =	vlt.f32 v22, v0;
	v24 =	vsel vm5, $0x1, v1;
	v15 =	vadd.s32 v23, v15;
	v23 =	vld [tilespmem:s31+$0x1A100]  }
0x3fb: {  	vm2 =	vlt.f32 v18, v0;
	v19 =	vsel vm6, $0x1, v1;
	v11 =	vadd.s32 v24, v11  }
0x3fc: {  	v22 =	vld [tilespmem:s31+$0x1A120];
	v8 =	vadd.s32 v19, v8;
	v19 =	vsel vm7, $0x1, v1;
	vm3 =	vlt.f32 v20, v0  }
0x3fd: {  	v18 =	vld [tilespmem:s31+$0x1A130];
	v20 =	vsel vm2, $0x1, v1;
	v12 =	vadd.s32 v19, v12;
	v19 =	vsel vm1, $0x1, v1  }
0x3fe: {  	v24 =	vnsel vm6, $0x0, v62;
	v9 =	vadd.s32 v20, v9;
	v13 =	vadd.s32 v19, v13;
	v19 =	vld [tilespmem:s31+$0x1A140]  }
0x3ff: {  	v63 =	vsel vm3, $0x1, v1;
	v20 =	vld [tilespmem:s31+$0x1A150];
	vm4 =	vlt.f32 v21, v0;
	v21 =	vnsel vm5, $0x0, v23  }
0x400: {  	v17 =	vadd.f32 v24, v17;
	v23 =	vsel vm4, $0x1, v1;
	v14 =	vadd.f32 v21, v14;
	v21 =	vld [tilespmem:s31+$0x1A160]  }
0x401: {  	s3 =	simm.s32 $0x80;
	s4 =	simm.s32 $0x400;
	v16 =	vadd.s32 v63, v16;
	v2 =	vadd.s32 v23, v2;
	v23 =	vnsel vm7, $0x0, v22;
	v22 =	vld [tilespmem:s31+$0x1A170]  }
.LBB2_67:
0x402: {  	p0 =	sne.s32 s4, $0xFE00;
	v24 =	vld [tilespmem:s3+$0x8070];
	v4 =	vadd.f32 v23, v4;
	v18 =	vnsel vm1, $0x0, v18  }
0x403: {  	v23 =	vld [tilespmem:s3+$0x8000];
	v3 =	vadd.f32 v18, v3;
	v18 =	vnsel vm2, $0x0, v19  }
0x404: {  	v19 =	vld [tilespmem:s3+$0x8010];
	v5 =	vadd.f32 v18, v5;
	v18 =	vnsel vm3, $0x0, v20  }
0x405: {  	v20 =	vld [tilespmem:s3+$0x8020];
	v6 =	vadd.f32 v18, v6;
	v18 =	vnsel vm4, $0x0, v21  }
0x406: {  	v21 =	vld [tilespmem:s3+$0x8030];
	v10 =	vadd.f32 v18, v10;
	v18 =	vnsel vm0, $0x0, v22  }
0x407: {  	v22 =	vld [tilespmem:s3+$0x8040];
	vm0 =	vlt.f32 v24, v0;
	v7 =	vadd.f32 v18, v7  }
0x408: {  	vm6 =	vlt.f32 v23, v0;
	v23 =	vld [tilespmem:s3+$0x8050];
	v18 =	vsel vm0, $0x1, v1  }
0x409: {  	v24 =	vsel vm6, $0x1, v1;
	vm5 =	vlt.f32 v19, v0;
	v25 =	vld [tilespmem:s3+$0x8060];
	v15 =	vadd.s32 v18, v15  }
0x40a: {  	v26 =	vld [tilespmem:s3+$0x1A100];
	v11 =	vadd.s32 v24, v11;
	v18 =	vsel vm5, $0x1, v1;
	vm7 =	vlt.f32 v20, v0  }
0x40b: {  	v24 =	vld [tilespmem:s3+$0x1A110];
	v8 =	vadd.s32 v18, v8;
	v18 =	vsel vm7, $0x1, v1;
	vm1 =	vlt.f32 v21, v0  }
0x40c: {  	v27 =	vld [tilespmem:s3+$0x1A120];
	v12 =	vadd.s32 v18, v12;
	v19 =	vsel vm1, $0x1, v1;
	vm2 =	vlt.f32 v22, v0  }
.Ltmp33:
0x40d: {  	v18 =	vld [tilespmem:s3+$0x1A130];
	v13 =	vadd.s32 v19, v13;
	v20 =	vsel vm2, $0x1, v1;
	vm3 =	vlt.f32 v23, v0;
	(pc) =	sbr.rel @p0 .LBB2_67-.Ltmp33, $4  }
0x40e: {  	v19 =	vld [tilespmem:s3+$0x1A140];
	v9 =	vadd.s32 v20, v9;
	v21 =	vsel vm3, $0x1, v1;
	vm4 =	vlt.f32 v25, v0  }
0x40f: {  	v22 =	vnsel vm6, $0x0, v26;
	v20 =	vld [tilespmem:s3+$0x1A150];
	v16 =	vadd.s32 v21, v16;
	v23 =	vsel vm4, $0x1, v1  }
0x410: {  	v14 =	vadd.f32 v22, v14;
	v22 =	vnsel vm5, $0x0, v24;
	v21 =	vld [tilespmem:s3+$0x1A160];
	v2 =	vadd.s32 v23, v2  }
0x411: {  	v17 =	vadd.f32 v22, v17;
	v23 =	vnsel vm7, $0x0, v27;
	v22 =	vld [tilespmem:s3+$0x1A170];
	s3 =	sshra.s32 s4, $0x2;
	s4 =	sadd.s32 $0x200, s4  }
0x412: {  	v24 =	vld [tilespmem:s3+$0x8070]  }
0x413: {  	v25 =	vld [tilespmem:s3+$0x8000]  }
0x414: {  	v26 =	vld [tilespmem:s3+$0x8010]  }
0x415: {  	v27 =	vld [tilespmem:s3+$0x8020]  }
0x416: {  	v28 =	vld [tilespmem:s3+$0x8030]  }
0x417: {  	v29 =	vld [tilespmem:s3+$0x8040]  }
0x418: {  	v30 =	vld [tilespmem:s3+$0x8050]  }
0x419: {  	v31 =	vld [tilespmem:s3+$0x8060]  }
0x41a: {  	v32 =	vld [tilespmem:s3+$0x1A100]  }
0x41b: {  	v33 =	vld [tilespmem:s3+$0x1A110];
	v4 =	vadd.f32 v23, v4;
	v18 =	vnsel vm1, $0x0, v18  }
0x41c: {  	v23 =	vld [tilespmem:s3+$0x1A120];
	v19 =	vnsel vm2, $0x0, v19;
	v3 =	vadd.f32 v18, v3;
	v18 =	vnsel vm3, $0x0, v20  }
0x41d: {  	v58 =	vld [tilespmem:s3+$0x1A170];
	v5 =	vadd.f32 v19, v5;
	v6 =	vadd.f32 v18, v6;
	v18 =	vnsel vm4, $0x0, v21  }
0x41e: {  	v19 =	vld [tilespmem:s3+$0x1A130];
	v20 =	vnsel vm0, $0x0, v22;
	v10 =	vadd.f32 v18, v10;
	vm0 =	vlt.f32 v24, v0  }
0x41f: {  	v21 =	vld [tilespmem:s3+$0x1A140];
	v18 =	vadd.f32 v20, v7;
	vm1 =	vlt.f32 v25, v0;
	vm2 =	vlt.f32 v26, v0  }
0x420: {  	s29 =	simm.s32 $0x0;
	s4 =	simm.s32 $0x1A100;
	s30 =	simm.s32 $0x1;
	v22 =	vld [tilespmem:s3+$0x1A160];
	vm3 =	vlt.f32 v27, v0;
	vm4 =	vlt.f32 v28, v0;
	vm5 =	vlt.f32 v29, v0  }
0x421: {  	v20 =	vld [tilespmem:s3+$0x1A150];
	[tilespmem:s4], [sflag:$0x1] =	stream.linear.gather [hbm4b:s6+s29], $0x4000, $0x38;
	vm6 =	vlt.f32 v30, v0;
	v7 =	vsel vm0, $0x1, v1;
	v57 =	vsel vm1, $0x1, v1  }
0x422: {  	_ =	swait.ge [sflag:s30], $0x4000;
	v15 =	vadd.s32 v7, v15;
	v24 =	vadd.s32 v57, v11;
	v7 =	vsel vm2, $0x1, v1  }
0x423: {  	v11 =	vsel vm3, $0x1, v1;
	[sflag:s30] =	ssyncset.done $0x0;
	v59 =	vadd.s32 v7, v8;
	v7 =	vsel vm4, $0x1, v1  }
0x424: {  	s31 =	simm.s32 $0x0;
	v8 =	vsel vm6, $0x1, v1;
	[sflag:s30] =	ssyncadd.s32 $0xFFFFC000;
	v60 =	vadd.s32 v7, v13;
	v7 =	vsel vm5, $0x1, v1  }
0x425: {  	v16 =	vadd.s32 v8, v16;
	v8 =	vnsel vm4, $0x0, v19;
	v19 =	vld [tilespmem:s31+$0xC000];
	v61 =	vadd.s32 v7, v9  }
0x426: {  	v7 =	vnsel vm1, $0x0, v32;
	v8 =	vadd.f32 v8, v3;
	v3 =	vnsel vm5, $0x0, v21;
	v21 =	vld [tilespmem:s31+$0x1A100]  }
0x427: {  	v12 =	vadd.s32 v11, v12;
	v62 =	vadd.f32 v7, v14;
	v14 =	vld [tilespmem:s31+$0xC070]  }
0x428: {  	vm1 =	vlt.f32 v31, v0;
	v7 =	vnsel vm2, $0x0, v33;
	v11 =	vadd.f32 v3, v5;
	v5 =	vld [tilespmem:s31+$0xC020]  }
0x429: {  	v3 =	vnsel vm6, $0x0, v20;
	v20 =	vld [tilespmem:s31+$0xC030];
	v17 =	vadd.f32 v7, v17;
	v7 =	vnsel vm3, $0x0, v23  }
0x42a: {  	v9 =	vadd.f32 v3, v6;
	v3 =	vnsel vm1, $0x0, v22;
	v7 =	vadd.f32 v7, v4;
	v4 =	vld [tilespmem:s31+$0xC010]  }
0x42b: {  	v1 =	vsel vm1, $0x1, v1;
	v13 =	vadd.f32 v3, v10;
	v3 =	vld [tilespmem:s31+$0xC040]  }
0x42c: {  	v6 =	vnsel vm0, $0x0, v58;
	v22 =	vadd.s32 v1, v2;
	v10 =	vld [tilespmem:s31+$0xC050];
	vm5 =	vlt.f32 v19, v0  }
0x42d: {  	v2 =	vimm.s32 $0x0;
	v23 =	vld [tilespmem:s31+$0x1A110];
	v6 =	vadd.f32 v6, v18;
	v21 =	vnsel vm5, $0x0, v21  }
0x42e: {  	vm0 =	vlt.f32 v14, v0;
	v14 =	vsel vm5, $0x1, v2;
	vm7 =	vlt.f32 v5, v0  }
0x42f: {  	vm1 =	vlt.f32 v20, v0;
	v1 =	vsel vm0, $0x1, v2;
	vm6 =	vlt.f32 v4, v0;
	v4 =	vld [tilespmem:s31+$0xC060]  }
0x430: {  	v14 =	vadd.s32 v14, v24;
	v1 =	vadd.s32 v1, v15;
	vm2 =	vlt.f32 v3, v0  }
0x431: {  	v63 =	vld [tilespmem:s31+$0x1A120];
	v3 =	vsel vm1, $0x1, v2;
	vm3 =	vlt.f32 v10, v0;
	v5 =	vsel vm6, $0x1, v2  }
0x432: {  	v18 =	vld [tilespmem:s31+$0x1A130];
	v10 =	vadd.s32 v3, v60;
	v3 =	vsel vm3, $0x1, v2;
	v23 =	vnsel vm6, $0x0, v23  }
0x433: {  	v19 =	vld [tilespmem:s31+$0x1A140];
	v15 =	vadd.s32 v5, v59;
	v5 =	vsel vm7, $0x1, v2;
	v17 =	vadd.f32 v23, v17  }
0x434: {  	v20 =	vld [tilespmem:s31+$0x1A150];
	v12 =	vadd.s32 v5, v12;
	v5 =	vsel vm2, $0x1, v2;
	vm4 =	vlt.f32 v4, v0  }
0x435: {  	v4 =	vadd.s32 v3, v16;
	v16 =	vadd.f32 v21, v62;
	v21 =	vld [tilespmem:s31+$0x1A160];
	v3 =	vsel vm4, $0x1, v2  }
0x436: {  	s3 =	simm.s32 $0x80;
	s4 =	simm.s32 $0x400;
	v23 =	vnsel vm7, $0x0, v63;
	v5 =	vadd.s32 v5, v61;
	v3 =	vadd.s32 v3, v22;
	v22 =	vld [tilespmem:s31+$0x1A170]  }
.LBB2_69:
0x437: {  	p0 =	sne.s32 s4, $0xFE00;
	v24 =	vld [tilespmem:s3+$0xC070];
	v7 =	vadd.f32 v23, v7;
	v18 =	vnsel vm1, $0x0, v18  }
0x438: {  	v23 =	vld [tilespmem:s3+$0xC000];
	v8 =	vadd.f32 v18, v8;
	v18 =	vnsel vm2, $0x0, v19  }
0x439: {  	v19 =	vld [tilespmem:s3+$0xC010];
	v11 =	vadd.f32 v18, v11;
	v18 =	vnsel vm3, $0x0, v20  }
0x43a: {  	v20 =	vld [tilespmem:s3+$0xC020];
	v9 =	vadd.f32 v18, v9;
	v18 =	vnsel vm4, $0x0, v21  }
0x43b: {  	v21 =	vld [tilespmem:s3+$0xC030];
	v13 =	vadd.f32 v18, v13;
	v18 =	vnsel vm0, $0x0, v22  }
0x43c: {  	v22 =	vld [tilespmem:s3+$0xC040];
	vm0 =	vlt.f32 v24, v0;
	v6 =	vadd.f32 v18, v6  }
0x43d: {  	vm6 =	vlt.f32 v23, v0;
	v23 =	vld [tilespmem:s3+$0xC050];
	v18 =	vsel vm0, $0x1, v2  }
0x43e: {  	v24 =	vsel vm6, $0x1, v2;
	vm5 =	vlt.f32 v19, v0;
	v25 =	vld [tilespmem:s3+$0xC060];
	v1 =	vadd.s32 v18, v1  }
0x43f: {  	v26 =	vld [tilespmem:s3+$0x1A100];
	v14 =	vadd.s32 v24, v14;
	v18 =	vsel vm5, $0x1, v2;
	vm7 =	vlt.f32 v20, v0  }
0x440: {  	v24 =	vld [tilespmem:s3+$0x1A110];
	v15 =	vadd.s32 v18, v15;
	v18 =	vsel vm7, $0x1, v2;
	vm1 =	vlt.f32 v21, v0  }
0x441: {  	v27 =	vld [tilespmem:s3+$0x1A120];
	v12 =	vadd.s32 v18, v12;
	v19 =	vsel vm1, $0x1, v2;
	vm2 =	vlt.f32 v22, v0  }
.Ltmp34:
0x442: {  	v18 =	vld [tilespmem:s3+$0x1A130];
	v10 =	vadd.s32 v19, v10;
	v20 =	vsel vm2, $0x1, v2;
	vm3 =	vlt.f32 v23, v0;
	(pc) =	sbr.rel @p0 .LBB2_69-.Ltmp34, $4  }
0x443: {  	v19 =	vld [tilespmem:s3+$0x1A140];
	v5 =	vadd.s32 v20, v5;
	v21 =	vsel vm3, $0x1, v2;
	vm4 =	vlt.f32 v25, v0  }
0x444: {  	v22 =	vnsel vm6, $0x0, v26;
	v20 =	vld [tilespmem:s3+$0x1A150];
	v4 =	vadd.s32 v21, v4;
	v23 =	vsel vm4, $0x1, v2  }
0x445: {  	v16 =	vadd.f32 v22, v16;
	v22 =	vnsel vm5, $0x0, v24;
	v21 =	vld [tilespmem:s3+$0x1A160];
	v3 =	vadd.s32 v23, v3  }
0x446: {  	v17 =	vadd.f32 v22, v17;
	v23 =	vnsel vm7, $0x0, v27;
	v22 =	vld [tilespmem:s3+$0x1A170];
	s3 =	sshra.s32 s4, $0x2;
	s4 =	sadd.s32 $0x200, s4  }
0x447: {  	v24 =	vld [tilespmem:s3+$0xC070]  }
0x448: {  	v25 =	vld [tilespmem:s3+$0xC000]  }
0x449: {  	v26 =	vld [tilespmem:s3+$0xC010]  }
0x44a: {  	v27 =	vld [tilespmem:s3+$0xC020]  }
0x44b: {  	v28 =	vld [tilespmem:s3+$0xC030]  }
0x44c: {  	v34 =	vld [tilespmem:s3+$0x1A100]  }
0x44d: {  	v40 =	vld [tilespmem:s3+$0xC040]  }
0x44e: {  	v18 =	vnsel vm1, $0x0, v18;
	v44 =	vld [tilespmem:s3+$0xC050]  }
0x44f: {  	v7 =	vadd.f32 v23, v7;
	v48 =	vld [tilespmem:s3+$0xC060];
	v8 =	vadd.f32 v18, v8;
	v33 =	vnsel vm2, $0x0, v19  }
0x450: {  	v37 =	vld [tilespmem:s3+$0x1A110];
	v11 =	vadd.f32 v33, v11;
	v35 =	vnsel vm3, $0x0, v20;
	v36 =	vnsel vm4, $0x0, v21  }
0x451: {  	v39 =	vld [tilespmem:s3+$0x1A120];
	v9 =	vadd.f32 v35, v9;
	v13 =	vadd.f32 v36, v13;
	v38 =	vnsel vm0, $0x0, v22  }
0x452: {  	v43 =	vld [tilespmem:s3+$0x1A130];
	vm8 =	vlt.f32 v24, v0;
	vm9 =	vlt.f32 v25, v0;
	vm10 =	vlt.f32 v26, v0  }
0x453: {  	v46 =	vld [tilespmem:s3+$0x1A140];
	v6 =	vadd.f32 v38, v6;
	vm11 =	vlt.f32 v27, v0;
	vm12 =	vlt.f32 v28, v0  }
0x454: {  	v50 =	vld [tilespmem:s3+$0x1A150];
	vm13 =	vlt.f32 v40, v0;
	vm14 =	vlt.f32 v44, v0;
	vm15 =	vlt.f32 v48, v0  }
0x455: {  	v52 =	vld [tilespmem:s3+$0x1A160];
	v41 =	vsel vm9, $0x1, v2;
	v42 =	vsel vm10, $0x1, v2;
	v19 =	vnsel vm9, $0x0, v34  }
0x456: {  	v21 =	vnsel vm10, $0x0, v37;
	v45 =	vsel vm11, $0x1, v2;
	v47 =	vsel vm8, $0x1, v2  }
0x457: {  	v20 =	vnsel vm11, $0x0, v39;
	v16 =	vadd.f32 v19, v16;
	v17 =	vadd.f32 v21, v17  }
0x458: {  	v49 =	vsel vm12, $0x1, v2;
	v18 =	vnsel vm12, $0x0, v43;
	v51 =	vsel vm13, $0x1, v2  }
0x459: {  	v53 =	vnsel vm13, $0x0, v46;
	v7 =	vadd.f32 v20, v7;
	v16 =	vadd.f32 v17, v16  }
0x45a: {  	v54 =	vsel vm14, $0x1, v2;
	v57 =	vnsel vm14, $0x0, v50;
	v60 =	vnsel vm15, $0x0, v52  }
0x45b: {  	v14 =	vadd.s32 v41, v14;
	v8 =	vadd.f32 v18, v8;
	v7 =	vadd.f32 v7, v16  }
0x45c: {  	v15 =	vadd.s32 v42, v15;
	v12 =	vadd.s32 v45, v12;
	v10 =	vadd.s32 v49, v10  }
0x45d: {  	v55 =	vld [tilespmem:s3+$0x1A170];
	v11 =	vadd.f32 v53, v11;
	v58 =	vadd.s32 v14, v15;
	v7 =	vadd.f32 v8, v7  }
0x45e: {  	v5 =	vadd.s32 v51, v5;
	v56 =	vadd.s32 v54, v4;
	v8 =	vadd.s32 v12, v58  }
0x45f: {  	v4 =	vadd.f32 v57, v9;
	v61 =	vadd.s32 v10, v8;
	v7 =	vadd.f32 v11, v7  }
0x460: {  	v59 =	vsel vm15, $0x1, v2;
	v9 =	vadd.f32 v60, v13;
	v5 =	vadd.s32 v5, v61  }
0x461: {  	v2 =	vadd.s32 v59, v3;
	v0 =	vadd.s32 v56, v5;
	v4 =	vadd.f32 v4, v7  }
0x462: {  	v62 =	vnsel vm8, $0x0, v55;
	v1 =	vadd.s32 v47, v1;
	v0 =	vadd.s32 v2, v0  }
0x463: {  	v3 =	vadd.f32 v62, v6;
	v0 =	vadd.s32 v1, v0;
	v4 =	vadd.f32 v9, v4  }
0x464: {  	v0 =	vcvt.s32.f32 v0  }
0x465: {  	v63 =	vadd.f32 v3, v4  }
0x466: {  	[tilespmem:$0x1E180] =	vst v0  }
0x467: {  	s29 =	simm.s32 $0x0;
	s4 =	simm.s32 $0x1E100;
	s30 =	simm.s32 $0x1;
	[tilespmem:$0x1E100] =	vst v63  }
0x468: {  	[hbm4b:s5+s29] =	stream.linear.scatter [tilespmem:s4], [sflag:$0x1], $0x80, $0x38;
	[tilespmem:$0x1EA00] =	vst v63  }
0x469: {  	_ =	swait.ge [sflag:s30], $0x80  }
0x46a: {  	[sflag:s30] =	ssyncset.done $0x0  }
0x46b: {  	s31 =	simm.s32 $0x1E180;
	[sflag:s30] =	ssyncadd.s32 $0xFFFFFF80  }
0x46c: {  	[hbm4b:s2+s29] =	stream.linear.scatter [tilespmem:s31], [sflag:$0x1], $0x80, $0x38;
	[tilespmem:$0x1EA00] =	vst v63  }
0x46d: {  	_ =	swait.ge [sflag:s30], $0x80  }
0x46e: {  	[sflag:s30] =	ssyncset.done $0x0  }
0x46f: {  	[sflag:s30] =	ssyncadd.s32 $0xFFFFFF80  }
0x470: {  	_ =	sfence.sel $0x180000  }
0x471: {  	[bflag:$0x0] =	sbarrier.arrive $0xFFFF  }
0x472: {  	p0 =	sne.s32 s1, $0x0;
	_ =	strace $0x90000047  }
0x473: {  	s0 =	sadd.s32 @!p0 $0x100000, s0;
	[bflag:$0x2] =	sbarrier.arrive $0xFFFF  }
0x474: {  	[sflag:s0] =	ssyncadd.tile.s32 @!p0 $0x1;
	_ =	shalt  }
.LBB2_12:
0x475: {  	p0 =	por $0x0, $0x0  }
0x476: {  	s10 =	simm.s32 @!p0 $0x0  }
0x477: {  	s10 =	simm.s32 @p0 $0x1;
	p0 =	por $0x0, $0x0  }
0x478: {  	[smem:$0x7F8] =	sst s10;
	s10 =	simm.s32 @!p0 $0x0  }
0x479: {  	p1 =	por $0x0, $0x0;
	s10 =	simm.s32 @p0 $0x1  }
0x47a: {  	[smem:$0x7F9] =	sst s10;
	s10 =	simm.s32 @!p1 $0x0  }
0x47b: {  	p2 =	por $0x0, $0x0;
	s10 =	simm.s32 @p1 $0x1  }
0x47c: {  	[smem:$0x7FA] =	sst s10;
	s10 =	simm.s32 @!p2 $0x0  }
0x47d: {  	p3 =	por $0x0, $0x0;
	s10 =	simm.s32 @p2 $0x1  }
.Ltmp35:
0x47e: {  	[smem:$0x7FB] =	sst s10;
	s10 =	simm.s32 @!p3 $0x0;
	(pc) =	sbr.rel .LBB2_27-.Ltmp35, $4  }
0x47f: {  	p4 =	por $0x0, $0x0;
	s10 =	simm.s32 @p3 $0x1  }
0x480: {  	[smem:$0x7FC] =	sst s10;
	s10 =	simm.s32 @!p4 $0x0  }
0x481: {  	s13 =	simm.s32 $0xFFFFFFFF;
	s10 =	simm.s32 @p4 $0x1  }
0x482: {  	s14 =	simm.s32 $0x0;
	v4 =	vmov v2;
	[smem:$0x7FD] =	sst s10;
	s10 =	simm.s32 $0x0  }
.LBB2_36:
0x483: {  	p0 =	por $0x0, $0x0  }
0x484: {  	s13 =	simm.s32 @!p0 $0x0  }
0x485: {  	s13 =	simm.s32 @p0 $0x1;
	p0 =	por $0x0, $0x0  }
0x486: {  	[smem:$0x7F2] =	sst s13;
	s13 =	simm.s32 @!p0 $0x0  }
0x487: {  	p1 =	por $0x0, $0x0;
	s13 =	simm.s32 @p0 $0x1  }
0x488: {  	[smem:$0x7F3] =	sst s13;
	s13 =	simm.s32 @!p1 $0x0  }
0x489: {  	p2 =	por $0x0, $0x0;
	s13 =	simm.s32 @p1 $0x1  }
0x48a: {  	[smem:$0x7F4] =	sst s13;
	s13 =	simm.s32 @!p2 $0x0  }
0x48b: {  	p3 =	por $0x0, $0x0;
	s13 =	simm.s32 @p2 $0x1  }
.Ltmp36:
0x48c: {  	[smem:$0x7F5] =	sst s13;
	s13 =	simm.s32 @!p3 $0x0;
	(pc) =	sbr.rel .LBB2_51-.Ltmp36, $4  }
0x48d: {  	p4 =	por $0x0, $0x0;
	s13 =	simm.s32 @p3 $0x1  }
0x48e: {  	[smem:$0x7F6] =	sst s13;
	s13 =	simm.s32 @!p4 $0x0  }
0x48f: {  	s14 =	simm.s32 $0xFFFFFFFF;
	s13 =	simm.s32 @p4 $0x1  }
0x490: {  	s15 =	simm.s32 $0x0;
	v4 =	vmov v2;
	[smem:$0x7F7] =	sst s13;
	s13 =	simm.s32 $0x0  }
.LBB2_14:
0x491: {  	p0 =	por $0x1, $0x1  }
0x492: {  	s10 =	simm.s32 @!p0 $0x0  }
0x493: {  	s10 =	simm.s32 @p0 $0x1;
	p0 =	por $0x0, $0x0  }
0x494: {  	[smem:$0x7F8] =	sst s10;
	s10 =	simm.s32 @!p0 $0x0  }
0x495: {  	p1 =	por $0x0, $0x0;
	s10 =	simm.s32 @p0 $0x1  }
0x496: {  	[smem:$0x7F9] =	sst s10;
	s10 =	simm.s32 @!p1 $0x0  }
0x497: {  	p2 =	por $0x0, $0x0;
	s10 =	simm.s32 @p1 $0x1  }
0x498: {  	[smem:$0x7FA] =	sst s10;
	s10 =	simm.s32 @!p2 $0x0  }
0x499: {  	p3 =	por $0x0, $0x0;
	s10 =	simm.s32 @p2 $0x1  }
.Ltmp37:
0x49a: {  	[smem:$0x7FB] =	sst s10;
	s10 =	simm.s32 @!p3 $0x0;
	(pc) =	sbr.rel .LBB2_27-.Ltmp37, $4  }
0x49b: {  	p4 =	por $0x0, $0x0;
	s10 =	simm.s32 @p3 $0x1  }
0x49c: {  	[smem:$0x7FC] =	sst s10;
	s10 =	simm.s32 @!p4 $0x0  }
0x49d: {  	s13 =	simm.s32 $0xFFFFFFFF;
	s10 =	simm.s32 @p4 $0x1  }
0x49e: {  	v14 =	vmov v1;
	v1 =	vmov v3;
	s14 =	simm.s32 $0x0;
	v4 =	vmov v8;
	[smem:$0x7FD] =	sst s10;
	s10 =	simm.s32 $0x0  }
.LBB2_38:
0x49f: {  	p0 =	por $0x1, $0x1  }
0x4a0: {  	s13 =	simm.s32 @!p0 $0x0  }
0x4a1: {  	s13 =	simm.s32 @p0 $0x1;
	p0 =	por $0x0, $0x0  }
0x4a2: {  	[smem:$0x7F2] =	sst s13;
	s13 =	simm.s32 @!p0 $0x0  }
0x4a3: {  	p1 =	por $0x0, $0x0;
	s13 =	simm.s32 @p0 $0x1  }
0x4a4: {  	[smem:$0x7F3] =	sst s13;
	s13 =	simm.s32 @!p1 $0x0  }
0x4a5: {  	p2 =	por $0x0, $0x0;
	s13 =	simm.s32 @p1 $0x1  }
0x4a6: {  	[smem:$0x7F4] =	sst s13;
	s13 =	simm.s32 @!p2 $0x0  }
0x4a7: {  	p3 =	por $0x0, $0x0;
	s13 =	simm.s32 @p2 $0x1  }
.Ltmp38:
0x4a8: {  	[smem:$0x7F5] =	sst s13;
	s13 =	simm.s32 @!p3 $0x0;
	(pc) =	sbr.rel .LBB2_51-.Ltmp38, $4  }
0x4a9: {  	p4 =	por $0x0, $0x0;
	s13 =	simm.s32 @p3 $0x1  }
0x4aa: {  	[smem:$0x7F6] =	sst s13;
	s13 =	simm.s32 @!p4 $0x0  }
0x4ab: {  	s14 =	simm.s32 $0xFFFFFFFF;
	s13 =	simm.s32 @p4 $0x1  }
0x4ac: {  	v14 =	vmov v1;
	v1 =	vmov v3;
	s15 =	simm.s32 $0x0;
	v4 =	vmov v8;
	[smem:$0x7F7] =	sst s13;
	s13 =	simm.s32 $0x0  }
.LBB2_16:
0x4ad: {  	s10 =	simm.s32 @!p0 $0x0  }
0x4ae: {  	s10 =	simm.s32 @p0 $0x1;
	p0 =	por $0x1, $0x1  }
0x4af: {  	[smem:$0x7F8] =	sst s10;
	s10 =	simm.s32 @!p0 $0x0  }
0x4b0: {  	p1 =	por $0x0, $0x0;
	s10 =	simm.s32 @p0 $0x1  }
0x4b1: {  	[smem:$0x7F9] =	sst s10;
	s10 =	simm.s32 @!p1 $0x0  }
0x4b2: {  	p2 =	por $0x0, $0x0;
	s10 =	simm.s32 @p1 $0x1  }
0x4b3: {  	[smem:$0x7FA] =	sst s10;
	s10 =	simm.s32 @!p2 $0x0  }
0x4b4: {  	p3 =	por $0x0, $0x0;
	s10 =	simm.s32 @p2 $0x1  }
.Ltmp39:
0x4b5: {  	[smem:$0x7FB] =	sst s10;
	s10 =	simm.s32 @!p3 $0x0;
	(pc) =	sbr.rel .LBB2_27-.Ltmp39, $4  }
0x4b6: {  	p4 =	por $0x0, $0x0;
	s10 =	simm.s32 @p3 $0x1  }
0x4b7: {  	[smem:$0x7FC] =	sst s10;
	s10 =	simm.s32 @!p4 $0x0  }
0x4b8: {  	v19 =	vmov v1;
	v14 =	vmov v3;
	v1 =	vmov v5;
	s13 =	simm.s32 $0xFFFFFFFF;
	s10 =	simm.s32 @p4 $0x1  }
0x4b9: {  	v20 =	vmovc v6;
	v22 =	vmovc v2;
	s14 =	simm.s32 $0x0;
	v6 =	vmov v9;
	v2 =	vmov v8;
	v4 =	vmov v12;
	[smem:$0x7FD] =	sst s10;
	s10 =	simm.s32 $0x0  }
.LBB2_40:
0x4ba: {  	s13 =	simm.s32 @!p0 $0x0  }
0x4bb: {  	s13 =	simm.s32 @p0 $0x1;
	p0 =	por $0x1, $0x1  }
0x4bc: {  	[smem:$0x7F2] =	sst s13;
	s13 =	simm.s32 @!p0 $0x0  }
0x4bd: {  	p1 =	por $0x0, $0x0;
	s13 =	simm.s32 @p0 $0x1  }
0x4be: {  	[smem:$0x7F3] =	sst s13;
	s13 =	simm.s32 @!p1 $0x0  }
0x4bf: {  	p2 =	por $0x0, $0x0;
	s13 =	simm.s32 @p1 $0x1  }
0x4c0: {  	[smem:$0x7F4] =	sst s13;
	s13 =	simm.s32 @!p2 $0x0  }
0x4c1: {  	p3 =	por $0x0, $0x0;
	s13 =	simm.s32 @p2 $0x1  }
.Ltmp40:
0x4c2: {  	[smem:$0x7F5] =	sst s13;
	s13 =	simm.s32 @!p3 $0x0;
	(pc) =	sbr.rel .LBB2_51-.Ltmp40, $4  }
0x4c3: {  	p4 =	por $0x0, $0x0;
	s13 =	simm.s32 @p3 $0x1  }
0x4c4: {  	[smem:$0x7F6] =	sst s13;
	s13 =	simm.s32 @!p4 $0x0  }
0x4c5: {  	v19 =	vmov v1;
	v14 =	vmov v3;
	v1 =	vmov v5;
	s14 =	simm.s32 $0xFFFFFFFF;
	s13 =	simm.s32 @p4 $0x1  }
0x4c6: {  	v20 =	vmovc v6;
	v22 =	vmovc v2;
	s15 =	simm.s32 $0x0;
	v6 =	vmov v9;
	v2 =	vmov v8;
	v4 =	vmov v12;
	[smem:$0x7F7] =	sst s13;
	s13 =	simm.s32 $0x0  }
.LBB2_18:
0x4c7: {  	s10 =	simm.s32 @!p0 $0x0  }
0x4c8: {  	p1 =	por $0x1, $0x1;
	s10 =	simm.s32 @p0 $0x1  }
0x4c9: {  	[smem:$0x7F8] =	sst s10;
	s10 =	simm.s32 @!p1 $0x0  }
0x4ca: {  	p2 =	por $0x0, $0x0;
	s10 =	simm.s32 @p1 $0x1  }
0x4cb: {  	[smem:$0x7FA] =	sst s10;
	s10 =	simm.s32 @!p2 $0x0  }
0x4cc: {  	p3 =	por $0x0, $0x0;
	s10 =	simm.s32 @p2 $0x1  }
.Ltmp41:
0x4cd: {  	[smem:$0x7FB] =	sst s10;
	s10 =	simm.s32 @!p3 $0x0;
	(pc) =	sbr.rel .LBB2_27-.Ltmp41, $4  }
0x4ce: {  	p4 =	por $0x0, $0x0;
	s10 =	simm.s32 @p3 $0x1  }
0x4cf: {  	[smem:$0x7FC] =	sst s10;
	s10 =	simm.s32 @!p4 $0x0  }
0x4d0: {  	v15 =	vmovc v1;
	v19 =	vmov v3;
	v14 =	vmov v5;
	v1 =	vmov v7;
	s13 =	simm.s32 $0xFFFFFFFF;
	s10 =	simm.s32 @p4 $0x1  }
0x4d1: {  	s14 =	simm.s32 $0x0;
	v20 =	vmovc v9;
	v6 =	vmovc v13;
	v22 =	vmov v8;
	v2 =	vmov v12;
	v4 =	vmov v10;
	[smem:$0x7FD] =	sst s10;
	s10 =	simm.s32 $0x0  }
.LBB2_42:
0x4d2: {  	s13 =	simm.s32 @!p0 $0x0  }
0x4d3: {  	p1 =	por $0x1, $0x1;
	s13 =	simm.s32 @p0 $0x1  }
0x4d4: {  	[smem:$0x7F2] =	sst s13;
	s13 =	simm.s32 @!p1 $0x0  }
0x4d5: {  	p2 =	por $0x0, $0x0;
	s13 =	simm.s32 @p1 $0x1  }
0x4d6: {  	[smem:$0x7F4] =	sst s13;
	s13 =	simm.s32 @!p2 $0x0  }
0x4d7: {  	p3 =	por $0x0, $0x0;
	s13 =	simm.s32 @p2 $0x1  }
.Ltmp42:
0x4d8: {  	[smem:$0x7F5] =	sst s13;
	s13 =	simm.s32 @!p3 $0x0;
	(pc) =	sbr.rel .LBB2_51-.Ltmp42, $4  }
0x4d9: {  	p4 =	por $0x0, $0x0;
	s13 =	simm.s32 @p3 $0x1  }
0x4da: {  	[smem:$0x7F6] =	sst s13;
	s13 =	simm.s32 @!p4 $0x0  }
0x4db: {  	v15 =	vmovc v1;
	v19 =	vmov v3;
	v14 =	vmov v5;
	v1 =	vmov v7;
	s14 =	simm.s32 $0xFFFFFFFF;
	s13 =	simm.s32 @p4 $0x1  }
0x4dc: {  	s15 =	simm.s32 $0x0;
	v20 =	vmovc v9;
	v6 =	vmovc v13;
	v22 =	vmov v8;
	v2 =	vmov v12;
	v4 =	vmov v10;
	[smem:$0x7F7] =	sst s13;
	s13 =	simm.s32 $0x0  }
.LBB2_20:
0x4dd: {  	s13 =	simm.s32 @!p2 $0x0  }
0x4de: {  	p3 =	por $0x0, $0x0;
	s13 =	simm.s32 @p2 $0x1  }
.Ltmp43:
0x4df: {  	[smem:$0x7FB] =	sst s13;
	s13 =	simm.s32 @!p3 $0x0;
	(pc) =	sbr.rel .LBB2_27-.Ltmp43, $4  }
0x4e0: {  	p4 =	por $0x0, $0x0;
	s13 =	simm.s32 @p3 $0x1  }
0x4e1: {  	v19 =	vmov v5;
	v14 =	vmov v7;
	v6 =	vmov v11;
	[smem:$0x7FC] =	sst s13;
	s13 =	simm.s32 @!p4 $0x0  }
0x4e2: {  	vm4 =	vmmov vm0;
	vm5 =	vmmov vm1;
	v17 =	vmovc v8;
	v15 =	vmovc v3;
	v16 =	vmov v9;
	s13 =	simm.s32 @p4 $0x1;
	_ =	sdelay $0x1  }
0x4e3: {  	s14 =	simm.s32 $0x0;
	v1 =	vmovc v18;
	v20 =	vmovc v13;
	v22 =	vmov v12;
	v4 =	vmov v2;
	v2 =	vmov v10;
	[smem:$0x7FD] =	sst s13;
	s13 =	simm.s32 $0xFFFFFFFF  }
.LBB2_44:
0x4e4: {  	s14 =	simm.s32 @!p2 $0x0  }
0x4e5: {  	p3 =	por $0x0, $0x0;
	s14 =	simm.s32 @p2 $0x1  }
.Ltmp44:
0x4e6: {  	[smem:$0x7F5] =	sst s14;
	s14 =	simm.s32 @!p3 $0x0;
	(pc) =	sbr.rel .LBB2_51-.Ltmp44, $4  }
0x4e7: {  	p4 =	por $0x0, $0x0;
	s14 =	simm.s32 @p3 $0x1  }
0x4e8: {  	v19 =	vmov v5;
	v14 =	vmov v7;
	v6 =	vmov v11;
	[smem:$0x7F6] =	sst s14;
	s14 =	simm.s32 @!p4 $0x0  }
0x4e9: {  	vm4 =	vmmov vm0;
	vm5 =	vmmov vm1;
	v17 =	vmovc v8;
	v15 =	vmovc v3;
	v16 =	vmov v9;
	s14 =	simm.s32 @p4 $0x1;
	_ =	sdelay $0x1  }
0x4ea: {  	s15 =	simm.s32 $0x0;
	v1 =	vmovc v18;
	v20 =	vmovc v13;
	v22 =	vmov v12;
	v4 =	vmov v2;
	v2 =	vmov v10;
	[smem:$0x7F7] =	sst s14;
	s14 =	simm.s32 $0xFFFFFFFF  }
.LBB2_22:
.Ltmp45:
0x4eb: {  	_ = 	snop;
	(pc) =	sbr.rel .LBB2_27-.Ltmp45, $4  }
0x4ec: {  	p4 =	por $0x0, $0x0  }
0x4ed: {  	s13 =	simm.s32 @!p4 $0x0  }
0x4ee: {  	vm4 =	vmmov vm2;
	vm5 =	vmmov vm3;
	v17 =	vmovc v12;
	v15 =	vmovc v5;
	v16 =	vmov v13;
	s13 =	simm.s32 @p4 $0x1  }
0x4ef: {  	s14 =	simm.s32 $0x0;
	v19 =	vmovc v7;
	v14 =	vmovc v18;
	v20 =	vmov v11;
	v22 =	vmov v10;
	[smem:$0x7FD] =	sst s13;
	s13 =	simm.s32 $0xFFFFFFFF;
	v4 =	vmov v21  }
.LBB2_46:
.Ltmp46:
0x4f0: {  	_ = 	snop;
	(pc) =	sbr.rel .LBB2_51-.Ltmp46, $4  }
0x4f1: {  	p4 =	por $0x0, $0x0  }
0x4f2: {  	s14 =	simm.s32 @!p4 $0x0  }
0x4f3: {  	vm4 =	vmmov vm2;
	vm5 =	vmmov vm3;
	v17 =	vmovc v12;
	v15 =	vmovc v5;
	v16 =	vmov v13;
	s14 =	simm.s32 @p4 $0x1  }
0x4f4: {  	s15 =	simm.s32 $0x0;
	v19 =	vmovc v7;
	v14 =	vmovc v18;
	v20 =	vmov v11;
	v22 =	vmov v10;
	[smem:$0x7F7] =	sst s14;
	s14 =	simm.s32 $0xFFFFFFFF;
	v4 =	vmov v21  }
.LBB2_71:
.Ltmp47:
0x4f5: {  	(pc) =	sbr.rel .LBB2_27-.Ltmp47, $3  }
0x4f6: {  	_ =	sdelay $0x1  }
0x4f7: {  	v14 =	vmov v1;
	v20 =	vmov v6;
	v22 =	vmov v2  }
0x4f8: {  	s13 =	simm.s32 $0xFFFFFFFF;
	s14 =	simm.s32 $0x0;
	v15 =	vmovc v7;
	v19 =	vmovc v18;
	v1 =	vmov v23;
	v6 =	vmov v24;
	v2 =	vmov v21  }
.LBB2_72:
.Ltmp48:
0x4f9: {  	(pc) =	sbr.rel .LBB2_51-.Ltmp48, $3  }
0x4fa: {  	_ =	sdelay $0x1  }
0x4fb: {  	v14 =	vmov v1;
	v20 =	vmov v6;
	v22 =	vmov v2  }
0x4fc: {  	s14 =	simm.s32 $0xFFFFFFFF;
	s15 =	simm.s32 $0x0;
	v15 =	vmovc v7;
	v19 =	vmovc v18;
	v1 =	vmov v23;
	v6 =	vmov v24;
	v2 =	vmov v21  }
.Lfunc_end2:
_tile_overlayer_lowered:
.L_overlay_start_2:
0x4fd: {  	(tag) =	ssettag $0x2  }
0x4fe: {  	s0 =	rddreg [dreg:$0x0];
	s2 =	stileid.u32  }
0x4ff: {  	s1 =	rddreg [dreg:$0x1];
	p0 =	sne.s32 s2, $0x0  }
0x500: {  	s3 =	rddreg [dreg:$0x2];
	[bflag:$0x3] =	sbarrier.arrive $0xFFFF;
	s2 =	simm.s32 @!p0 $0x1C01  }
0x501: {  	[timem:s3], [sflag:s2] =	dma.local @!p0 [hbm:s0], s1  }
0x502: {  	s0 =	simm.s32 @!p0 $0x1  }
0x503: {  	_ =	swait.ge @!p0 [sflag:s0], s1  }
0x504: {  	s1 =	ssub.s32 @!p0 $0x0, s1;
	[sflag:s0] =	ssyncset.done @!p0 $0x0  }
0x505: {  	[sflag:s0] =	ssyncadd.s32 @!p0 s1  }
0x506: {  	[bflag:$0x3] =	sbarrier.arrive $0xFFFF  }
0x507: {  	_ =	shalt  }

</sc_bundles>
